<compile_context>
chip_gen: v7x
topology: tpu7x:2x2x1
jax: 0.10.2.dev20260603
libtpu: 0.0.44.dev20260713+nightly
codegen_flags: <defaults>
</compile_context>

<pallas_src>
import dataclasses
import functools

import jax
import jax.numpy as jnp
from jax import lax
from jax.experimental import pallas as pl
from jax.experimental.pallas import tpu as pltpu
from jax.experimental.pallas import tpu_sc as plsc

N = 10000
E = 320000
D = 128
H = 4
F = 64
G = 16
HF = H * F

NC = 2
NS = 16
NW = NC * NS
EPT = E // NS
K = 80
NCHUNK = EPT // K
ACC_W = 128
DEN_W = 16
NPAD = 10240
ZROWS = 64
RPT = NPAD // NS

BLK = 1000


def _proj_body(x_ref, w_ref, ps_ref, pd_ref, h_ref, as_ref, ad_ref):
    hb = jnp.dot(x_ref[...], w_ref[...], preferred_element_type=jnp.float32)
    h_ref[0] = hb[:, :128].astype(jnp.bfloat16)
    h_ref[1] = hb[:, 128:].astype(jnp.bfloat16)
    asv = jnp.dot(hb, ps_ref[...], preferred_element_type=jnp.float32)
    as_ref[0] = asv
    as_ref[1] = asv
    ad_ref[...] = jnp.dot(hb, pd_ref[...], preferred_element_type=jnp.float32)


def _proj(x, w, ps, pd):
    nblk = N // BLK
    return pl.pallas_call(
        _proj_body,
        grid=(nblk,),
        in_specs=[
            pl.BlockSpec((BLK, D), lambda i: (i, 0)),
            pl.BlockSpec((D, HF), lambda i: (0, 0)),
            pl.BlockSpec((HF, 16), lambda i: (0, 0)),
            pl.BlockSpec((HF, 16), lambda i: (0, 0)),
        ],
        out_specs=[
            pl.BlockSpec((2, BLK, 128), lambda i: (0, i, 0)),
            pl.BlockSpec((2, BLK, 16), lambda i: (0, i, 0)),
            pl.BlockSpec((BLK, 16), lambda i: (i, 0)),
        ],
        out_shape=[
            jax.ShapeDtypeStruct((2, N, 128), jnp.bfloat16),
            jax.ShapeDtypeStruct((2, N, 16), jnp.float32),
            jax.ShapeDtypeStruct((N, 16), jnp.float32),
        ],
    )(x, w, ps, pd)


def _sc_body(ha_hbm, asa_hbm, ada_hbm, sa_hbm, da_hbm,
             hb2_hbm, asb_hbm, adb_hbm, sb2_hbm, db2_hbm,
             outa_hbm, outda_hbm, outb_hbm, outdb_hbm,
             sidx0, sidx1, didx0, didx1, dsc0, dsc1,
             sb0, sb1, db0, db1, hb0, hb1, mb, wb, acc_sh, den_sh,
             isem0, isem1, gsem0, gsem1, ssem):
    c = lax.axis_index("c")
    s = lax.axis_index("s")
    coff = c * N
    cpad = c * NPAD
    two_c = 2 * c
    col0 = jnp.full((16,), 2 * c, jnp.int32)
    col1 = col0 + 1

    def offset_idx(idx):
        @pl.loop(0, K, step=16)
        def _(j):
            idx[pl.ds(j, 16)] = idx[pl.ds(j, 16)] + coff

    def copy_idx(dst_b, src_b):
        @pl.loop(0, K, step=16)
        def _(j):
            dst_b[pl.ds(j, 16)] = src_b[pl.ds(j, 16)]

    def tower(h_hbm, as_hbm, ad_hbm, src_hbm, dst_hbm, out_hbm, outd_hbm):
        @pl.loop(0, K)
        def _(r):
            @pl.loop(0, ACC_W, step=16)
            def _(j):
                mb[r, pl.ds(j, 16)] = jnp.zeros((16,), jnp.float32)
            wb[r, :] = jnp.zeros((16,), jnp.float32)

        @pl.loop(0, RPT // K)
        def _(p):
            pltpu.sync_copy(mb, acc_sh.at[pl.ds(s * RPT + p * K, K)])
            pltpu.sync_copy(wb, den_sh.at[pl.ds(s * RPT + p * K, K)])

        plsc.subcore_barrier()

        def issue_idx(ci, s_b, d_b, isem):
            base = s * EPT + ci * K
            pltpu.async_copy(src_hbm.at[pl.ds(base, K)], s_b, isem)
            pltpu.async_copy(dst_hbm.at[pl.ds(base, K)], d_b, isem)

        def wait_idx(ci, s_b, d_b, isem):
            base = s * EPT + ci * K
            pltpu.make_async_copy(src_hbm.at[pl.ds(base, K)], s_b, isem).wait()
            pltpu.make_async_copy(dst_hbm.at[pl.ds(base, K)], d_b, isem).wait()

        def issue_gathers(s_b, d_b, h_b, a_b, ad_b, gsem):
            pltpu.async_copy(h_hbm.at[s_b], h_b, gsem)
            pltpu.async_copy(as_hbm.at[s_b], a_b, gsem)
            pltpu.async_copy(ad_hbm.at[d_b], ad_b, gsem)

        def wait_gathers(s_b, d_b, h_b, a_b, ad_b, gsem):
            pltpu.make_async_copy(h_hbm.at[s_b], h_b, gsem).wait()
            pltpu.make_async_copy(as_hbm.at[s_b], a_b, gsem).wait()
            pltpu.make_async_copy(ad_hbm.at[d_b], ad_b, gsem).wait()

        def compute_and_scatter(s_bv, d_b, ds_b, h_b, a_b, ad_b, first):
            @pl.when(jnp.logical_not(first))
            def _():
                pltpu.make_async_copy(mb, acc_sh.at[ds_b], ssem).wait()
                pltpu.make_async_copy(wb, den_sh.at[ds_b], ssem).wait()

            copy_idx(ds_b, d_b)

            @plsc.parallel_loop(0, K, unroll=4)
            def _(k):
                e = a_b[k, :] + ad_b[k, :]
                wb[k, :] = jnp.exp(jnp.maximum(e, 0.2 * e))

            @plsc.parallel_loop(0, K, unroll=4)
            def _(k):
                row = jnp.full((16,), k, jnp.int32)
                w0 = plsc.load_gather(wb, [row, col0])
                w1 = plsc.load_gather(wb, [row, col1])
                for j in range(4):
                    hv = h_b[k, pl.ds(j * 32, 32)]
                    lo, hi = plsc.unpack(
                        hv, format=plsc.PackFormat.INTERLEAVED)
                    w = w0 if j < 2 else w1
                    mb[k, pl.ds(j * 32, 16)] = lo * w
                    mb[k, pl.ds(j * 32 + 16, 16)] = hi * w

            pltpu.async_copy(mb, acc_sh.at[ds_b], ssem, add=True)
            pltpu.async_copy(wb, den_sh.at[ds_b], ssem, add=True)

        issue_idx(0, sidx0, didx0, isem0)
        issue_idx(1, sidx1, didx1, isem1)
        wait_idx(0, sidx0, didx0, isem0)
        offset_idx(sidx0)
        issue_gathers(sidx0, didx0, hb0, sb0, db0, gsem0)

        @pl.loop(0, NCHUNK, step=2)
        def _(i):
            wait_idx(i + 1, sidx1, didx1, isem1)
            offset_idx(sidx1)
            issue_gathers(sidx1, didx1, hb1, sb1, db1, gsem1)

            wait_gathers(sidx0, didx0, hb0, sb0, db0, gsem0)
            compute_and_scatter(sidx0, didx0, dsc0, hb0, sb0, db0, i == 0)

            @pl.when(i < NCHUNK - 2)
            def _():
                issue_idx(i + 2, sidx0, didx0, isem0)

            wait_gathers(sidx1, didx1, hb1, sb1, db1, gsem1)
            compute_and_scatter(sidx1, didx1, dsc1, hb1, sb1, db1, False)

            @pl.when(i < NCHUNK - 2)
            def _():
                issue_idx(i + 3, sidx1, didx1, isem1)
                wait_idx(i + 2, sidx0, didx0, isem0)
                offset_idx(sidx0)
                issue_gathers(sidx0, didx0, hb0, sb0, db0, gsem0)

        pltpu.make_async_copy(mb, acc_sh.at[dsc1], ssem).wait()
        pltpu.make_async_copy(wb, den_sh.at[dsc1], ssem).wait()

        plsc.subcore_barrier()

        @pl.loop(0, RPT // K)
        def _(p):
            r0 = s * RPT + p * K
            pltpu.sync_copy(acc_sh.at[pl.ds(r0, K)], mb)
            pltpu.sync_copy(mb, out_hbm.at[pl.ds(cpad + r0, K)])
            pltpu.sync_copy(den_sh.at[pl.ds(r0, K)], wb)
            pltpu.sync_copy(wb, outd_hbm.at[pl.ds(cpad + r0, K)])

        plsc.subcore_barrier()

    tower(ha_hbm, asa_hbm, ada_hbm, sa_hbm, da_hbm, outa_hbm, outda_hbm)
    tower(hb2_hbm, asb_hbm, adb_hbm, sb2_hbm, db2_hbm, outb_hbm, outdb_hbm)


def _sc_towers(args_a, args_b):
    mesh = plsc.VectorSubcoreMesh(core_axis_name="c", subcore_axis_name="s")
    cp = pltpu.CompilerParams(
        needs_layout_passes=False, use_tc_tiling_on_sc=False)
    fn = pl.kernel(
        _sc_body,
        out_type=[jax.ShapeDtypeStruct((2 * NPAD, ACC_W), jnp.float32),
                  jax.ShapeDtypeStruct((2 * NPAD, DEN_W), jnp.float32),
                  jax.ShapeDtypeStruct((2 * NPAD, ACC_W), jnp.float32),
                  jax.ShapeDtypeStruct((2 * NPAD, DEN_W), jnp.float32)],
        mesh=mesh,
        compiler_params=cp,
        scratch_types=[
            pltpu.VMEM((K,), jnp.int32),
            pltpu.VMEM((K,), jnp.int32),
            pltpu.VMEM((K,), jnp.int32),
            pltpu.VMEM((K,), jnp.int32),
            pltpu.VMEM((K,), jnp.int32),
            pltpu.VMEM((K,), jnp.int32),
            pltpu.VMEM((K, 16), jnp.float32),
            pltpu.VMEM((K, 16), jnp.float32),
            pltpu.VMEM((K, 16), jnp.float32),
            pltpu.VMEM((K, 16), jnp.float32),
            pltpu.VMEM((K, 128), jnp.bfloat16),
            pltpu.VMEM((K, 128), jnp.bfloat16),
            pltpu.VMEM((K, ACC_W), jnp.float32),
            pltpu.VMEM((K, DEN_W), jnp.float32),
            pltpu.VMEM_SHARED((NPAD, ACC_W), jnp.float32),
            pltpu.VMEM_SHARED((NPAD, DEN_W), jnp.float32),
            pltpu.SemaphoreType.DMA,
            pltpu.SemaphoreType.DMA,
            pltpu.SemaphoreType.DMA,
            pltpu.SemaphoreType.DMA,
            pltpu.SemaphoreType.DMA,
        ],
    )
    return fn(*args_a, *args_b)


def _fin_body(acc1_ref, den1_ref, acc2_ref, den2_ref, b1_ref, b2_ref,
              out_ref, p1_ref, p2_ref):
    i = pl.program_id(0)
    nblk = pl.num_programs(0)

    @pl.when(i == 0)
    def _():
        p1_ref[...] = jnp.full((G, HF), -jnp.inf, jnp.float32)
        p2_ref[...] = jnp.full((G, HF), -jnp.inf, jnp.float32)

    def tower(acc_ref, den_ref, b_ref, p_ref):
        u = jnp.concatenate([acc_ref[0], acc_ref[1]], axis=1)
        dens = []
        for cc in range(2):
            for hh in range(2):
                dcol = den_ref[cc, :, 2 * cc + hh:2 * cc + hh + 1]
                dens.append(jnp.broadcast_to(dcol, (BLK, F)))
        den = jnp.concatenate(dens, axis=1)
        o = u / (den + 1e-16)
        o = jnp.where(o > 0, o, jnp.exp(jnp.minimum(o, 0.0)) - 1.0)
        b = b_ref[...]
        for g in range(G):
            m = b == g
            cur = jnp.max(jnp.where(m, o, -jnp.inf), axis=0, keepdims=True)
            p_ref[pl.ds(g, 1), :] = jnp.maximum(p_ref[pl.ds(g, 1), :], cur)

    tower(acc1_ref, den1_ref, b1_ref, p1_ref)
    tower(acc2_ref, den2_ref, b2_ref, p2_ref)

    @pl.when(i == nblk - 1)
    def _():
        p1 = p1_ref[...]
        p2 = p2_ref[...]
        p1 = jnp.where(jnp.isfinite(p1), p1, 0.0)
        p2 = jnp.where(jnp.isfinite(p2), p2, 0.0)
        dist = jnp.sqrt(jnp.sum((p1 - p2) ** 2, axis=1) + 1e-12)
        out_ref[...] = jnp.broadcast_to(dist[None, :], (8, G))


def _finalize(acc1, den1, acc2, den2, b1, b2):
    nblk = N // BLK
    return pl.pallas_call(
        _fin_body,
        grid=(nblk,),
        in_specs=[
            pl.BlockSpec((2, BLK, ACC_W), lambda i: (0, i, 0)),
            pl.BlockSpec((2, BLK, DEN_W), lambda i: (0, i, 0)),
            pl.BlockSpec((2, BLK, ACC_W), lambda i: (0, i, 0)),
            pl.BlockSpec((2, BLK, DEN_W), lambda i: (0, i, 0)),
            pl.BlockSpec((BLK, 1), lambda i: (i, 0)),
            pl.BlockSpec((BLK, 1), lambda i: (i, 0)),
        ],
        out_specs=pl.BlockSpec((8, G), lambda i: (0, 0)),
        out_shape=jax.ShapeDtypeStruct((8, G), jnp.float32),
        scratch_shapes=[
            pltpu.VMEM((G, HF), jnp.float32),
            pltpu.VMEM((G, HF), jnp.float32),
        ],
    )(acc1, den1, acc2, den2, b1, b2)


def kernel(x1, x2, edge_index1, edge_index2, batch1, batch2, W, a_src, a_dst):
    eye = jnp.eye(H, 16, dtype=jnp.float32)
    ps = (a_src[:, :, None] * eye[:, None, :]).reshape(HF, 16)
    pd = (a_dst[:, :, None] * eye[:, None, :]).reshape(HF, 16)

    h1, as1, ad1 = _proj(x1, W, ps, pd)
    h2, as2, ad2 = _proj(x2, W, ps, pd)

    acc1, den1, acc2, den2 = _sc_towers(
        (h1.reshape(2 * N, 128), as1.reshape(2 * N, 16), ad1,
         edge_index1[0], edge_index1[1]),
        (h2.reshape(2 * N, 128), as2.reshape(2 * N, 16), ad2,
         edge_index2[0], edge_index2[1]))

    out8 = _finalize(acc1.reshape(2, NPAD, ACC_W), den1.reshape(2, NPAD, DEN_W),
                     acc2.reshape(2, NPAD, ACC_W), den2.reshape(2, NPAD, DEN_W),
                     batch1.reshape(N, 1), batch2.reshape(N, 1))
    return out8[0]

# --- scband reference (transcript-rebuilt; emitter-appended) ---
"""Pipeline reference for scband-siamese-gat-55697135894686 (READ-ONLY COPY).

The authoritative reference and input builder live on the scoring server;
editing this copy changes nothing except your own understanding.
"""

import jax, jax.numpy as jnp
import numpy as np

N = 10000   # nodes per graph batch
E = 320000  # edges
D = 128     # input_dim
H = 4       # heads
F = 64      # emb_dim per head
G = 16      # number of graphs in the batch


def setup_inputs(seed: int = 0) -> dict:
    key = jax.random.key(seed)
    ks = jax.random.split(key, 10)
    x1 = jax.random.normal(ks[0], (N, D), dtype=jnp.float32)
    x2 = jax.random.normal(ks[1], (N, D), dtype=jnp.float32)
    edge_index1 = jax.random.randint(ks[2], (2, E), 0, N, dtype=jnp.int32)
    edge_index2 = jax.random.randint(ks[3], (2, E), 0, N, dtype=jnp.int32)
    batch1 = jnp.sort(jax.random.randint(ks[4], (N,), 0, G, dtype=jnp.int32))
    batch2 = jnp.sort(jax.random.randint(ks[5], (N,), 0, G, dtype=jnp.int32))
    # shared (siamese) GAT encoder params
    W = jax.random.normal(ks[6], (D, H * F), dtype=jnp.float32) * 0.1
    a_src = jax.random.normal(ks[7], (H, F), dtype=jnp.float32) * 0.1
    a_dst = jax.random.normal(ks[8], (H, F), dtype=jnp.float32) * 0.1
    return {"x1": x1, "x2": x2, "edge_index1": edge_index1, "edge_index2": edge_index2,
            "batch1": batch1, "batch2": batch2, "W": W, "a_src": a_src, "a_dst": a_dst}


def _gat_encode(x, edge_index, batch, W, a_src, a_dst):
    src = edge_index[0]
    dst = edge_index[1]
    h = (x @ W).reshape(-1, H, F)                      # [N, H, F]
    alpha_src = jnp.einsum('nhf,hf->nh', h, a_src)     # [N, H]
    alpha_dst = jnp.einsum('nhf,hf->nh', h, a_dst)     # [N, H]
    e = alpha_src[src] + alpha_dst[dst]                # [E, H] gather
    e = jax.nn.leaky_relu(e, 0.2)
    # segment softmax over destination nodes
    e_max = jax.ops.segment_max(e, dst, num_segments=N)
    e_max = jnp.where(jnp.isfinite(e_max), e_max, 0.0)
    e_exp = jnp.exp(e - e_max[dst])
    denom = jax.ops.segment_sum(e_exp, dst, num_segments=N)
    alpha = e_exp / (denom[dst] + 1e-16)               # [E, H]
    msg = h[src] * alpha[:, :, None]                   # [E, H, F]
    out = jax.ops.segment_sum(msg.reshape(-1, H * F), dst, num_segments=N)  # [N, H*F]
    out = jax.nn.elu(out)
    # global max pooling over graphs in the batch
    pooled = jax.ops.segment_max(out, batch, num_segments=G)
    pooled = jnp.where(jnp.isfinite(pooled), pooled, 0.0)
    return pooled                                      # [G, H*F]


def reference(x1, x2, edge_index1, edge_index2, batch1, batch2, W, a_src, a_dst):
    e1 = _gat_encode(x1, edge_index1, batch1, W, a_src, a_dst)
    e2 = _gat_encode(x2, edge_index2, batch2, W, a_src, a_dst)
    # similarity == 'l2': per-graph L2 distance between embeddings
    return jnp.sqrt(jnp.sum((e1 - e2) ** 2, axis=-1) + 1e-12)

if __name__ == "__main__":
    import jax
    _d = setup_inputs()
    print(jax.jit(kernel)(*tuple(_d.values())))

</pallas_src>

<mosaic_0001>
#map = affine_map<(d0, d1) -> (0, 0)>
#map1 = affine_map<(d0, d1) -> (0)>
module attributes {stable_mosaic.version = 14 : i64} {
  func.func @_sc_body(%arg0: i32, %arg1: i32, %arg2: memref<20000x128xbf16, #tpu.memory_space<hbm>>, %arg3: memref<20000x16xf32, #tpu.memory_space<hbm>>, %arg4: memref<10000x16xf32, #tpu.memory_space<hbm>>, %arg5: memref<320000xi32, #tpu.memory_space<hbm>>, %arg6: memref<320000xi32, #tpu.memory_space<hbm>>, %arg7: memref<20000x128xbf16, #tpu.memory_space<hbm>>, %arg8: memref<20000x16xf32, #tpu.memory_space<hbm>>, %arg9: memref<10000x16xf32, #tpu.memory_space<hbm>>, %arg10: memref<320000xi32, #tpu.memory_space<hbm>>, %arg11: memref<320000xi32, #tpu.memory_space<hbm>>, %arg12: memref<20480x128xf32, #tpu.memory_space<hbm>>, %arg13: memref<20480x16xf32, #tpu.memory_space<hbm>>, %arg14: memref<20480x128xf32, #tpu.memory_space<hbm>>, %arg15: memref<20480x16xf32, #tpu.memory_space<hbm>>, %arg16: memref<80xi32, #tpu.memory_space<vmem>>, %arg17: memref<80xi32, #tpu.memory_space<vmem>>, %arg18: memref<80xi32, #tpu.memory_space<vmem>>, %arg19: memref<80xi32, #tpu.memory_space<vmem>>, %arg20: memref<80xi32, #tpu.memory_space<vmem>>, %arg21: memref<80xi32, #tpu.memory_space<vmem>>, %arg22: memref<80x16xf32, #tpu.memory_space<vmem>>, %arg23: memref<80x16xf32, #tpu.memory_space<vmem>>, %arg24: memref<80x16xf32, #tpu.memory_space<vmem>>, %arg25: memref<80x16xf32, #tpu.memory_space<vmem>>, %arg26: memref<80x128xbf16, #tpu.memory_space<vmem>>, %arg27: memref<80x128xbf16, #tpu.memory_space<vmem>>, %arg28: memref<80x128xf32, #tpu.memory_space<vmem>>, %arg29: memref<80x16xf32, #tpu.memory_space<vmem>>, %arg30: memref<10240x128xf32, #tpu.memory_space<vmem_shared>>, %arg31: memref<10240x16xf32, #tpu.memory_space<vmem_shared>>, %arg32: memref<!tpu.dma_semaphore, #tpu.memory_space<semaphore_mem>>, %arg33: memref<!tpu.dma_semaphore, #tpu.memory_space<semaphore_mem>>, %arg34: memref<!tpu.dma_semaphore, #tpu.memory_space<semaphore_mem>>, %arg35: memref<!tpu.dma_semaphore, #tpu.memory_space<semaphore_mem>>, %arg36: memref<!tpu.dma_semaphore, #tpu.memory_space<semaphore_mem>>) attributes {dimension_semantics = [#tpu.dimension_semantics<core_parallel>, #tpu.dimension_semantics<subcore_parallel>], iteration_bounds = array<i64: 2, 16>, scalar_prefetch = 0 : i64, scratch_operands = 21 : i64, tpu.core_type = #tpu.core_type<sc_vector_subcore>, window_params = [{transform_indices = #map}, {transform_indices = #map}, {transform_indices = #map}, {transform_indices = #map1}, {transform_indices = #map1}, {transform_indices = #map}, {transform_indices = #map}, {transform_indices = #map}, {transform_indices = #map1}, {transform_indices = #map1}, {transform_indices = #map}, {transform_indices = #map}, {transform_indices = #map}, {transform_indices = #map}]} {
    %mul3A = arith.constant 10000 : i32
    %mul3A_0 = arith.muli %arg0, %mul3A : i32
    %mul3A_1 = arith.constant 10240 : i32
    %mul3A_2 = arith.muli %arg0, %mul3A_1 : i32
    %mul3A_3 = arith.constant 2 : i32
    %mul3A_4 = arith.muli %mul3A_3, %arg0 : i32
    %mul3A_5 = arith.constant 2 : i32
    %mul3A_6 = arith.muli %mul3A_5, %arg0 : i32
    %broadcast_in_dim3A = vector.broadcast %mul3A_6 : i32 to vector<16xi32>
    %add3A = arith.constant 1 : i32
    %add3A_7 = vector.broadcast %add3A : i32 to vector<16xi32>
    %add3A_8 = arith.addi %broadcast_in_dim3A, %add3A_7 : vector<16xi32>
    %scan3A = arith.constant 0 : i32
    %scan3A_9 = arith.constant 80 : i32
    %scan3A_10 = arith.addi %scan3A, %scan3A_9 : i32
    %scan3A_11 = arith.constant 1 : i32
    scf.for %scan3A_139 = %scan3A to %scan3A_10 step %scan3A_11  : i32 {
      %mul3A_140 = arith.constant 1 : i32
      %mul3A_141 = arith.muli %scan3A_139, %mul3A_140 : i32
      %add3A_142 = arith.constant 0 : i32
      %add3A_143 = arith.addi %add3A_142, %mul3A_141 : i32
      %scan3A_144 = arith.constant 0 : i32
      %scan3A_145 = arith.constant 8 : i32
      %scan3A_146 = arith.addi %scan3A_144, %scan3A_145 : i32
      %scan3A_147 = arith.constant 1 : i32
      scf.for %scan3A_153 = %scan3A_144 to %scan3A_146 step %scan3A_147  : i32 {
        %mul3A_154 = arith.constant 16 : i32
        %mul3A_155 = arith.muli %scan3A_153, %mul3A_154 : i32
        %add3A_156 = arith.constant 0 : i32
        %add3A_157 = arith.addi %add3A_156, %mul3A_155 : i32
        %broadcast_in_dim3A_158 = arith.constant 0.000000e+00 : f32
        %broadcast_in_dim3A_159 = vector.broadcast %broadcast_in_dim3A_158 : f32 to vector<16xf32>
        %swap3A_160 = arith.index_cast %add3A_143 : i32 to index
        %swap3A_161 = arith.index_cast %add3A_157 : i32 to index
        %swap3A_162 = tpu.vector_load %arg28[%swap3A_160, %swap3A_161] {strides = array<i32>} : memref<80x128xf32, #tpu.memory_space<vmem>>, vector<16xf32>,
        tpu.vector_store %arg28[%swap3A_160, %swap3A_161], %broadcast_in_dim3A_159 {strides = array<i32>} : memref<80x128xf32, #tpu.memory_space<vmem>>, vector<16xf32>,
      }
      %scan3A_148 = arith.constant 8 : i32
      %broadcast_in_dim3A_149 = arith.constant 0.000000e+00 : f32
      %broadcast_in_dim3A_150 = vector.broadcast %broadcast_in_dim3A_149 : f32 to vector<16xf32>
      %swap3A = arith.index_cast %add3A_143 : i32 to index
      %swap3A_151 = arith.constant 0 : index
      %swap3A_152 = tpu.vector_load %arg29[%swap3A, %swap3A_151] {strides = array<i32>} : memref<80x16xf32, #tpu.memory_space<vmem>>, vector<16xf32>,
      tpu.vector_store %arg29[%swap3A, %swap3A_151], %broadcast_in_dim3A_150 {strides = array<i32>} : memref<80x16xf32, #tpu.memory_space<vmem>>, vector<16xf32>,
    }
    %scan3A_12 = arith.constant 80 : i32
    %scan3A_13 = arith.constant 0 : i32
    %scan3A_14 = arith.constant 8 : i32
    %scan3A_15 = arith.addi %scan3A_13, %scan3A_14 : i32
    %scan3A_16 = arith.constant 1 : i32
    scf.for %scan3A_139 = %scan3A_13 to %scan3A_15 step %scan3A_16  : i32 {
      %mul3A_140 = arith.constant 1 : i32
      %mul3A_141 = arith.muli %scan3A_139, %mul3A_140 : i32
      %add3A_142 = arith.constant 0 : i32
      %add3A_143 = arith.addi %add3A_142, %mul3A_141 : i32
      %mul3A_144 = arith.constant 640 : i32
      %mul3A_145 = arith.muli %arg1, %mul3A_144 : i32
      %mul3A_146 = arith.constant 80 : i32
      %mul3A_147 = arith.muli %add3A_143, %mul3A_146 : i32
      %add3A_148 = arith.addi %mul3A_145, %mul3A_147 : i32
      "tpu.region"() ({
        %run_scoped3A = tpu.sem_alloc : memref<!tpu.dma_semaphore, #tpu.memory_space<semaphore_mem>>
        %dma_start3A_154 = arith.constant 0 : i32
        %dma_start3A_155 = tpu.memref_slice %arg30[%add3A_148, %dma_start3A_154] : memref<10240x128xf32, #tpu.memory_space<vmem_shared>> -> memref<80x128xf32, #tpu.memory_space<vmem_shared>>
        %dma_start3A_156 = arith.constant 0 : i32
        %dma_start3A_157 = tpu.memref_slice %arg30[%add3A_148, %dma_start3A_156] : memref<10240x128xf32, #tpu.memory_space<vmem_shared>> -> memref<80x128xf32, #tpu.memory_space<vmem_shared>>
        tpu.enqueue_dma source(%arg28 : memref<80x128xf32, #tpu.memory_space<vmem>>) target(%dma_start3A_157 : memref<80x128xf32, #tpu.memory_space<vmem_shared>>) target_semaphore(%run_scoped3A : memref<!tpu.dma_semaphore, #tpu.memory_space<semaphore_mem>>)
        %dma_wait3A_158 = arith.constant 0 : i32
        %dma_wait3A_159 = tpu.memref_slice %arg30[%add3A_148, %dma_wait3A_158] : memref<10240x128xf32, #tpu.memory_space<vmem_shared>> -> memref<80x128xf32, #tpu.memory_space<vmem_shared>>
        %dma_wait3A_160 = arith.constant 0 : i32
        %dma_wait3A_161 = tpu.memref_slice %arg30[%add3A_148, %dma_wait3A_160] : memref<10240x128xf32, #tpu.memory_space<vmem_shared>> -> memref<80x128xf32, #tpu.memory_space<vmem_shared>>
        tpu.wait_dma2 semaphore(%run_scoped3A : memref<!tpu.dma_semaphore, #tpu.memory_space<semaphore_mem>>) src(%arg28 : memref<80x128xf32, #tpu.memory_space<vmem>>) dst(%dma_wait3A_161 : memref<80x128xf32, #tpu.memory_space<vmem_shared>>)
        tpu.yield
      }) : () -> ()
      %mul3A_149 = arith.constant 640 : i32
      %mul3A_150 = arith.muli %arg1, %mul3A_149 : i32
      %mul3A_151 = arith.constant 80 : i32
      %mul3A_152 = arith.muli %add3A_143, %mul3A_151 : i32
      %add3A_153 = arith.addi %mul3A_150, %mul3A_152 : i32
      "tpu.region"() ({
        %run_scoped3A = tpu.sem_alloc : memref<!tpu.dma_semaphore, #tpu.memory_space<semaphore_mem>>
        %dma_start3A_154 = arith.constant 0 : i32
        %dma_start3A_155 = tpu.memref_slice %arg31[%add3A_153, %dma_start3A_154] : memref<10240x16xf32, #tpu.memory_space<vmem_shared>> -> memref<80x16xf32, #tpu.memory_space<vmem_shared>>
        %dma_start3A_156 = arith.constant 0 : i32
        %dma_start3A_157 = tpu.memref_slice %arg31[%add3A_153, %dma_start3A_156] : memref<10240x16xf32, #tpu.memory_space<vmem_shared>> -> memref<80x16xf32, #tpu.memory_space<vmem_shared>>
        tpu.enqueue_dma source(%arg29 : memref<80x16xf32, #tpu.memory_space<vmem>>) target(%dma_start3A_157 : memref<80x16xf32, #tpu.memory_space<vmem_shared>>) target_semaphore(%run_scoped3A : memref<!tpu.dma_semaphore, #tpu.memory_space<semaphore_mem>>)
        %dma_wait3A_158 = arith.constant 0 : i32
        %dma_wait3A_159 = tpu.memref_slice %arg31[%add3A_153, %dma_wait3A_158] : memref<10240x16xf32, #tpu.memory_space<vmem_shared>> -> memref<80x16xf32, #tpu.memory_space<vmem_shared>>
        %dma_wait3A_160 = arith.constant 0 : i32
        %dma_wait3A_161 = tpu.memref_slice %arg31[%add3A_153, %dma_wait3A_160] : memref<10240x16xf32, #tpu.memory_space<vmem_shared>> -> memref<80x16xf32, #tpu.memory_space<vmem_shared>>
        tpu.wait_dma2 semaphore(%run_scoped3A : memref<!tpu.dma_semaphore, #tpu.memory_space<semaphore_mem>>) src(%arg29 : memref<80x16xf32, #tpu.memory_space<vmem>>) dst(%dma_wait3A_161 : memref<80x16xf32, #tpu.memory_space<vmem_shared>>)
        tpu.yield
      }) : () -> ()
    }
    %scan3A_17 = arith.constant 8 : i32
    %barrier3A = arith.constant 0 : index
    tpu.barrier barrier_id(%barrier3A)
    %mul3A_18 = arith.constant 20000 : i32
    %mul3A_19 = arith.muli %arg1, %mul3A_18 : i32
    %add3A_20 = arith.constant 0 : i32
    %add3A_21 = arith.addi %mul3A_19, %add3A_20 : i32
    %dma_start3A = tpu.memref_slice %arg5[%add3A_21] : memref<320000xi32, #tpu.memory_space<hbm>> -> memref<80xi32, #tpu.memory_space<hbm>>
    %dma_start3A_22 = tpu.memref_slice %arg5[%add3A_21] : memref<320000xi32, #tpu.memory_space<hbm>> -> memref<80xi32, #tpu.memory_space<hbm>>
    tpu.enqueue_dma source(%dma_start3A_22 : memref<80xi32, #tpu.memory_space<hbm>>) target(%arg16 : memref<80xi32, #tpu.memory_space<vmem>>) target_semaphore(%arg32 : memref<!tpu.dma_semaphore, #tpu.memory_space<semaphore_mem>>)
    %dma_start3A_23 = tpu.memref_slice %arg6[%add3A_21] : memref<320000xi32, #tpu.memory_space<hbm>> -> memref<80xi32, #tpu.memory_space<hbm>>
    %dma_start3A_24 = tpu.memref_slice %arg6[%add3A_21] : memref<320000xi32, #tpu.memory_space<hbm>> -> memref<80xi32, #tpu.memory_space<hbm>>
    tpu.enqueue_dma source(%dma_start3A_24 : memref<80xi32, #tpu.memory_space<hbm>>) target(%arg18 : memref<80xi32, #tpu.memory_space<vmem>>) target_semaphore(%arg32 : memref<!tpu.dma_semaphore, #tpu.memory_space<semaphore_mem>>)
    %mul3A_25 = arith.constant 20000 : i32
    %mul3A_26 = arith.muli %arg1, %mul3A_25 : i32
    %add3A_27 = arith.constant 80 : i32
    %add3A_28 = arith.addi %mul3A_26, %add3A_27 : i32
    %dma_start3A_29 = tpu.memref_slice %arg5[%add3A_28] : memref<320000xi32, #tpu.memory_space<hbm>> -> memref<80xi32, #tpu.memory_space<hbm>>
    %dma_start3A_30 = tpu.memref_slice %arg5[%add3A_28] : memref<320000xi32, #tpu.memory_space<hbm>> -> memref<80xi32, #tpu.memory_space<hbm>>
    tpu.enqueue_dma source(%dma_start3A_30 : memref<80xi32, #tpu.memory_space<hbm>>) target(%arg17 : memref<80xi32, #tpu.memory_space<vmem>>) target_semaphore(%arg33 : memref<!tpu.dma_semaphore, #tpu.memory_space<semaphore_mem>>)
    %dma_start3A_31 = tpu.memref_slice %arg6[%add3A_28] : memref<320000xi32, #tpu.memory_space<hbm>> -> memref<80xi32, #tpu.memory_space<hbm>>
    %dma_start3A_32 = tpu.memref_slice %arg6[%add3A_28] : memref<320000xi32, #tpu.memory_space<hbm>> -> memref<80xi32, #tpu.memory_space<hbm>>
    tpu.enqueue_dma source(%dma_start3A_32 : memref<80xi32, #tpu.memory_space<hbm>>) target(%arg19 : memref<80xi32, #tpu.memory_space<vmem>>) target_semaphore(%arg33 : memref<!tpu.dma_semaphore, #tpu.memory_space<semaphore_mem>>)
    %mul3A_33 = arith.constant 20000 : i32
    %mul3A_34 = arith.muli %arg1, %mul3A_33 : i32
    %add3A_35 = arith.constant 0 : i32
    %add3A_36 = arith.addi %mul3A_34, %add3A_35 : i32
    %dma_wait3A = tpu.memref_slice %arg5[%add3A_36] : memref<320000xi32, #tpu.memory_space<hbm>> -> memref<80xi32, #tpu.memory_space<hbm>>
    %dma_wait3A_37 = tpu.memref_slice %arg5[%add3A_36] : memref<320000xi32, #tpu.memory_space<hbm>> -> memref<80xi32, #tpu.memory_space<hbm>>
    tpu.wait_dma2 semaphore(%arg32 : memref<!tpu.dma_semaphore, #tpu.memory_space<semaphore_mem>>) src(%dma_wait3A_37 : memref<80xi32, #tpu.memory_space<hbm>>) dst(%arg16 : memref<80xi32, #tpu.memory_space<vmem>>)
    %dma_wait3A_38 = tpu.memref_slice %arg6[%add3A_36] : memref<320000xi32, #tpu.memory_space<hbm>> -> memref<80xi32, #tpu.memory_space<hbm>>
    %dma_wait3A_39 = tpu.memref_slice %arg6[%add3A_36] : memref<320000xi32, #tpu.memory_space<hbm>> -> memref<80xi32, #tpu.memory_space<hbm>>
    tpu.wait_dma2 semaphore(%arg32 : memref<!tpu.dma_semaphore, #tpu.memory_space<semaphore_mem>>) src(%dma_wait3A_39 : memref<80xi32, #tpu.memory_space<hbm>>) dst(%arg18 : memref<80xi32, #tpu.memory_space<vmem>>)
    %scan3A_40 = arith.constant 0 : i32
    %scan3A_41 = arith.constant 5 : i32
    %scan3A_42 = arith.addi %scan3A_40, %scan3A_41 : i32
    %scan3A_43 = arith.constant 1 : i32
    scf.for %scan3A_139 = %scan3A_40 to %scan3A_42 step %scan3A_43  : i32 {
      %mul3A_140 = arith.constant 16 : i32
      %mul3A_141 = arith.muli %scan3A_139, %mul3A_140 : i32
      %add3A_142 = arith.constant 0 : i32
      %add3A_143 = arith.addi %add3A_142, %mul3A_141 : i32
      %get3A = arith.index_cast %add3A_143 : i32 to index
      %get3A_144 = tpu.vector_load %arg16[%get3A] {strides = array<i32>} : memref<80xi32, #tpu.memory_space<vmem>>, vector<16xi32>,
      %add3A_145 = vector.broadcast %mul3A_0 : i32 to vector<16xi32>
      %add3A_146 = arith.addi %get3A_144, %add3A_145 : vector<16xi32>
      %swap3A = arith.index_cast %add3A_143 : i32 to index
      %swap3A_147 = tpu.vector_load %arg16[%swap3A] {strides = array<i32>} : memref<80xi32, #tpu.memory_space<vmem>>, vector<16xi32>,
      tpu.vector_store %arg16[%swap3A], %add3A_146 {strides = array<i32>} : memref<80xi32, #tpu.memory_space<vmem>>, vector<16xi32>,
    }
    %scan3A_44 = arith.constant 5 : i32
    %dma_start3A_45 = arith.constant 0 : i32
    %dma_start3A_46 = arith.constant 0 : i32
    %dma_start3A_47 = tpu.memref_slice %arg2[%dma_start3A_45, %dma_start3A_46] : memref<20000x128xbf16, #tpu.memory_space<hbm>> -> memref<20000x128xbf16, #tpu.memory_space<hbm>>
    tpu.enqueue_indirect_dma source(%dma_start3A_47 : memref<20000x128xbf16, #tpu.memory_space<hbm>>) target(%arg26 : memref<80x128xbf16, #tpu.memory_space<vmem>>) offsets(%arg16 : memref<80xi32, #tpu.memory_space<vmem>>) semaphore(%arg34 : memref<!tpu.dma_semaphore, #tpu.memory_space<semaphore_mem>>)
    %dma_start3A_48 = arith.constant 0 : i32
    %dma_start3A_49 = arith.constant 0 : i32
    %dma_start3A_50 = tpu.memref_slice %arg3[%dma_start3A_48, %dma_start3A_49] : memref<20000x16xf32, #tpu.memory_space<hbm>> -> memref<20000x16xf32, #tpu.memory_space<hbm>>
    tpu.enqueue_indirect_dma source(%dma_start3A_50 : memref<20000x16xf32, #tpu.memory_space<hbm>>) target(%arg22 : memref<80x16xf32, #tpu.memory_space<vmem>>) offsets(%arg16 : memref<80xi32, #tpu.memory_space<vmem>>) semaphore(%arg34 : memref<!tpu.dma_semaphore, #tpu.memory_space<semaphore_mem>>)
    %dma_start3A_51 = arith.constant 0 : i32
    %dma_start3A_52 = arith.constant 0 : i32
    %dma_start3A_53 = tpu.memref_slice %arg4[%dma_start3A_51, %dma_start3A_52] : memref<10000x16xf32, #tpu.memory_space<hbm>> -> memref<10000x16xf32, #tpu.memory_space<hbm>>
    tpu.enqueue_indirect_dma source(%dma_start3A_53 : memref<10000x16xf32, #tpu.memory_space<hbm>>) target(%arg24 : memref<80x16xf32, #tpu.memory_space<vmem>>) offsets(%arg18 : memref<80xi32, #tpu.memory_space<vmem>>) semaphore(%arg34 : memref<!tpu.dma_semaphore, #tpu.memory_space<semaphore_mem>>)
    %scan3A_54 = arith.constant 0 : i32
    %scan3A_55 = arith.constant 125 : i32
    %scan3A_56 = arith.addi %scan3A_54, %scan3A_55 : i32
    %scan3A_57 = arith.constant 1 : i32
    scf.for %scan3A_139 = %scan3A_54 to %scan3A_56 step %scan3A_57  : i32 {
      %mul3A_140 = arith.constant 2 : i32
      %mul3A_141 = arith.muli %scan3A_139, %mul3A_140 : i32
      %add3A_142 = arith.constant 0 : i32
      %add3A_143 = arith.addi %add3A_142, %mul3A_141 : i32
      %add3A_144 = arith.constant 1 : i32
      %add3A_145 = arith.addi %add3A_143, %add3A_144 : i32
      %mul3A_146 = arith.constant 20000 : i32
      %mul3A_147 = arith.muli %arg1, %mul3A_146 : i32
      %mul3A_148 = arith.constant 80 : i32
      %mul3A_149 = arith.muli %add3A_145, %mul3A_148 : i32
      %add3A_150 = arith.addi %mul3A_147, %mul3A_149 : i32
      %dma_wait3A_151 = tpu.memref_slice %arg5[%add3A_150] : memref<320000xi32, #tpu.memory_space<hbm>> -> memref<80xi32, #tpu.memory_space<hbm>>
      %dma_wait3A_152 = tpu.memref_slice %arg5[%add3A_150] : memref<320000xi32, #tpu.memory_space<hbm>> -> memref<80xi32, #tpu.memory_space<hbm>>
      tpu.wait_dma2 semaphore(%arg33 : memref<!tpu.dma_semaphore, #tpu.memory_space<semaphore_mem>>) src(%dma_wait3A_152 : memref<80xi32, #tpu.memory_space<hbm>>) dst(%arg17 : memref<80xi32, #tpu.memory_space<vmem>>)
      %dma_wait3A_153 = tpu.memref_slice %arg6[%add3A_150] : memref<320000xi32, #tpu.memory_space<hbm>> -> memref<80xi32, #tpu.memory_space<hbm>>
      %dma_wait3A_154 = tpu.memref_slice %arg6[%add3A_150] : memref<320000xi32, #tpu.memory_space<hbm>> -> memref<80xi32, #tpu.memory_space<hbm>>
      tpu.wait_dma2 semaphore(%arg33 : memref<!tpu.dma_semaphore, #tpu.memory_space<semaphore_mem>>) src(%dma_wait3A_154 : memref<80xi32, #tpu.memory_space<hbm>>) dst(%arg19 : memref<80xi32, #tpu.memory_space<vmem>>)
      %scan3A_155 = arith.constant 0 : i32
      %scan3A_156 = arith.constant 5 : i32
      %scan3A_157 = arith.addi %scan3A_155, %scan3A_156 : i32
      %scan3A_158 = arith.constant 1 : i32
      scf.for %scan3A_238 = %scan3A_155 to %scan3A_157 step %scan3A_158  : i32 {
        %mul3A_239 = arith.constant 16 : i32
        %mul3A_240 = arith.muli %scan3A_238, %mul3A_239 : i32
        %add3A_241 = arith.constant 0 : i32
        %add3A_242 = arith.addi %add3A_241, %mul3A_240 : i32
        %get3A = arith.index_cast %add3A_242 : i32 to index
        %get3A_243 = tpu.vector_load %arg17[%get3A] {strides = array<i32>} : memref<80xi32, #tpu.memory_space<vmem>>, vector<16xi32>,
        %add3A_244 = vector.broadcast %mul3A_0 : i32 to vector<16xi32>
        %add3A_245 = arith.addi %get3A_243, %add3A_244 : vector<16xi32>
        %swap3A = arith.index_cast %add3A_242 : i32 to index
        %swap3A_246 = tpu.vector_load %arg17[%swap3A] {strides = array<i32>} : memref<80xi32, #tpu.memory_space<vmem>>, vector<16xi32>,
        tpu.vector_store %arg17[%swap3A], %add3A_245 {strides = array<i32>} : memref<80xi32, #tpu.memory_space<vmem>>, vector<16xi32>,
      }
      %scan3A_159 = arith.constant 5 : i32
      %dma_start3A_160 = arith.constant 0 : i32
      %dma_start3A_161 = arith.constant 0 : i32
      %dma_start3A_162 = tpu.memref_slice %arg2[%dma_start3A_160, %dma_start3A_161] : memref<20000x128xbf16, #tpu.memory_space<hbm>> -> memref<20000x128xbf16, #tpu.memory_space<hbm>>
      tpu.enqueue_indirect_dma source(%dma_start3A_162 : memref<20000x128xbf16, #tpu.memory_space<hbm>>) target(%arg27 : memref<80x128xbf16, #tpu.memory_space<vmem>>) offsets(%arg17 : memref<80xi32, #tpu.memory_space<vmem>>) semaphore(%arg35 : memref<!tpu.dma_semaphore, #tpu.memory_space<semaphore_mem>>)
      %dma_start3A_163 = arith.constant 0 : i32
      %dma_start3A_164 = arith.constant 0 : i32
      %dma_start3A_165 = tpu.memref_slice %arg3[%dma_start3A_163, %dma_start3A_164] : memref<20000x16xf32, #tpu.memory_space<hbm>> -> memref<20000x16xf32, #tpu.memory_space<hbm>>
      tpu.enqueue_indirect_dma source(%dma_start3A_165 : memref<20000x16xf32, #tpu.memory_space<hbm>>) target(%arg23 : memref<80x16xf32, #tpu.memory_space<vmem>>) offsets(%arg17 : memref<80xi32, #tpu.memory_space<vmem>>) semaphore(%arg35 : memref<!tpu.dma_semaphore, #tpu.memory_space<semaphore_mem>>)
      %dma_start3A_166 = arith.constant 0 : i32
      %dma_start3A_167 = arith.constant 0 : i32
      %dma_start3A_168 = tpu.memref_slice %arg4[%dma_start3A_166, %dma_start3A_167] : memref<10000x16xf32, #tpu.memory_space<hbm>> -> memref<10000x16xf32, #tpu.memory_space<hbm>>
      tpu.enqueue_indirect_dma source(%dma_start3A_168 : memref<10000x16xf32, #tpu.memory_space<hbm>>) target(%arg25 : memref<80x16xf32, #tpu.memory_space<vmem>>) offsets(%arg19 : memref<80xi32, #tpu.memory_space<vmem>>) semaphore(%arg35 : memref<!tpu.dma_semaphore, #tpu.memory_space<semaphore_mem>>)
      %dma_wait3A_169 = arith.constant 0 : i32
      %dma_wait3A_170 = arith.constant 0 : i32
      %dma_wait3A_171 = tpu.memref_slice %arg2[%dma_wait3A_169, %dma_wait3A_170] : memref<20000x128xbf16, #tpu.memory_space<hbm>> -> memref<20000x128xbf16, #tpu.memory_space<hbm>>
      tpu.wait_indirect_dma semaphore(%arg34 : memref<!tpu.dma_semaphore, #tpu.memory_space<semaphore_mem>>) src(%dma_wait3A_171 : memref<20000x128xbf16, #tpu.memory_space<hbm>>) dst(%arg26 : memref<80x128xbf16, #tpu.memory_space<vmem>>)
      %dma_wait3A_172 = arith.constant 0 : i32
      %dma_wait3A_173 = arith.constant 0 : i32
      %dma_wait3A_174 = tpu.memref_slice %arg3[%dma_wait3A_172, %dma_wait3A_173] : memref<20000x16xf32, #tpu.memory_space<hbm>> -> memref<20000x16xf32, #tpu.memory_space<hbm>>
      tpu.wait_indirect_dma semaphore(%arg34 : memref<!tpu.dma_semaphore, #tpu.memory_space<semaphore_mem>>) src(%dma_wait3A_174 : memref<20000x16xf32, #tpu.memory_space<hbm>>) dst(%arg22 : memref<80x16xf32, #tpu.memory_space<vmem>>)
      %dma_wait3A_175 = arith.constant 0 : i32
      %dma_wait3A_176 = arith.constant 0 : i32
      %dma_wait3A_177 = tpu.memref_slice %arg4[%dma_wait3A_175, %dma_wait3A_176] : memref<10000x16xf32, #tpu.memory_space<hbm>> -> memref<10000x16xf32, #tpu.memory_space<hbm>>
      tpu.wait_indirect_dma semaphore(%arg34 : memref<!tpu.dma_semaphore, #tpu.memory_space<semaphore_mem>>) src(%dma_wait3A_177 : memref<10000x16xf32, #tpu.memory_space<hbm>>) dst(%arg24 : memref<80x16xf32, #tpu.memory_space<vmem>>)
      %eq3A = arith.constant 0 : i32
      %eq3A_178 = arith.cmpi eq, %add3A_143, %eq3A : i32
      %not3A = arith.constant true
      %not3A_179 = arith.xori %eq3A_178, %not3A : i1
      %convert_element_type3A = arith.extui %not3A_179 : i1 to i32
      %cond3A = arith.constant 0 : i32
      %cond3A_180 = arith.cmpi ne, %convert_element_type3A, %cond3A : i32
      scf.if %cond3A_180 {
        %dma_wait3A_238 = arith.constant 0 : i32
        %dma_wait3A_239 = arith.constant 0 : i32
        %dma_wait3A_240 = tpu.memref_slice %arg30[%dma_wait3A_238, %dma_wait3A_239] : memref<10240x128xf32, #tpu.memory_space<vmem_shared>> -> memref<10240x128xf32, #tpu.memory_space<vmem_shared>>
        tpu.wait_indirect_dma semaphore(%arg36 : memref<!tpu.dma_semaphore, #tpu.memory_space<semaphore_mem>>) src(%arg28 : memref<80x128xf32, #tpu.memory_space<vmem>>) dst(%dma_wait3A_240 : memref<10240x128xf32, #tpu.memory_space<vmem_shared>>)
        %dma_wait3A_241 = arith.constant 0 : i32
        %dma_wait3A_242 = arith.constant 0 : i32
        %dma_wait3A_243 = tpu.memref_slice %arg31[%dma_wait3A_241, %dma_wait3A_242] : memref<10240x16xf32, #tpu.memory_space<vmem_shared>> -> memref<10240x16xf32, #tpu.memory_space<vmem_shared>>
        tpu.wait_indirect_dma semaphore(%arg36 : memref<!tpu.dma_semaphore, #tpu.memory_space<semaphore_mem>>) src(%arg29 : memref<80x16xf32, #tpu.memory_space<vmem>>) dst(%dma_wait3A_243 : memref<10240x16xf32, #tpu.memory_space<vmem_shared>>)
      } else {
      }
      %scan3A_181 = arith.constant 0 : i32
      %scan3A_182 = arith.constant 5 : i32
      %scan3A_183 = arith.addi %scan3A_181, %scan3A_182 : i32
      %scan3A_184 = arith.constant 1 : i32
      scf.for %scan3A_238 = %scan3A_181 to %scan3A_183 step %scan3A_184  : i32 {
        %mul3A_239 = arith.constant 16 : i32
        %mul3A_240 = arith.muli %scan3A_238, %mul3A_239 : i32
        %add3A_241 = arith.constant 0 : i32
        %add3A_242 = arith.addi %add3A_241, %mul3A_240 : i32
        %get3A = arith.index_cast %add3A_242 : i32 to index
        %get3A_243 = tpu.vector_load %arg18[%get3A] {strides = array<i32>} : memref<80xi32, #tpu.memory_space<vmem>>, vector<16xi32>,
        %swap3A = arith.index_cast %add3A_242 : i32 to index
        %swap3A_244 = tpu.vector_load %arg20[%swap3A] {strides = array<i32>} : memref<80xi32, #tpu.memory_space<vmem>>, vector<16xi32>,
        tpu.vector_store %arg20[%swap3A], %get3A_243 {strides = array<i32>} : memref<80xi32, #tpu.memory_space<vmem>>, vector<16xi32>,
      }
      %scan3A_185 = arith.constant 5 : i32
      %parallel_loop3A = arith.constant 0 : i32
      %parallel_loop3A_186 = arith.constant 80 : i32
      %parallel_loop3A_187 = arith.constant 1 : i32
      scf.for %parallel_loop3A_238 = %parallel_loop3A to %parallel_loop3A_186 step %parallel_loop3A_187  : i32 {
        %parallel_loop3A_239 = arith.index_cast %parallel_loop3A_238 : i32 to index
        %parallel_loop3A_240 = arith.constant 0 : index
        %parallel_loop3A_241 = tpu.vector_load %arg22[%parallel_loop3A_239, %parallel_loop3A_240] {strides = array<i32>} : memref<80x16xf32, #tpu.memory_space<vmem>>, vector<16xf32>,
        %parallel_loop3A_242 = arith.index_cast %parallel_loop3A_238 : i32 to index
        %parallel_loop3A_243 = arith.constant 0 : index
        %parallel_loop3A_244 = tpu.vector_load %arg24[%parallel_loop3A_242, %parallel_loop3A_243] {strides = array<i32>} : memref<80x16xf32, #tpu.memory_space<vmem>>, vector<16xf32>,
        %parallel_loop3A_245 = arith.addf %parallel_loop3A_241, %parallel_loop3A_244 : vector<16xf32>
        %parallel_loop3A_246 = arith.constant 2.000000e-01 : f32
        %parallel_loop3A_247 = vector.broadcast %parallel_loop3A_246 : f32 to vector<16xf32>
        %parallel_loop3A_248 = arith.mulf %parallel_loop3A_247, %parallel_loop3A_245 : vector<16xf32>
        %parallel_loop3A_249 = arith.maximumf %parallel_loop3A_245, %parallel_loop3A_248 : vector<16xf32>
        %parallel_loop3A_250 = math.exp %parallel_loop3A_249 : vector<16xf32>
        %parallel_loop3A_251 = arith.index_cast %parallel_loop3A_238 : i32 to index
        %parallel_loop3A_252 = arith.constant 0 : index
        %parallel_loop3A_253 = tpu.vector_load %arg29[%parallel_loop3A_251, %parallel_loop3A_252] {strides = array<i32>} : memref<80x16xf32, #tpu.memory_space<vmem>>, vector<16xf32>,
        tpu.vector_store %arg29[%parallel_loop3A_251, %parallel_loop3A_252], %parallel_loop3A_250 {strides = array<i32>} : memref<80x16xf32, #tpu.memory_space<vmem>>, vector<16xf32>,
      } {sc.loop_unroll_factor = 4 : i64, sc.parallel_access}
      %parallel_loop3A_188 = arith.constant 0 : i32
      %parallel_loop3A_189 = arith.constant 80 : i32
      %parallel_loop3A_190 = arith.constant 1 : i32
      scf.for %parallel_loop3A_238 = %parallel_loop3A_188 to %parallel_loop3A_189 step %parallel_loop3A_190  : i32 {
        %parallel_loop3A_239 = vector.broadcast %parallel_loop3A_238 : i32 to vector<16xi32>
        %parallel_loop3A_240 = tpu.vector_load_idx %arg29[%parallel_loop3A_239, %broadcast_in_dim3A] : memref<80x16xf32, #tpu.memory_space<vmem>>[vector<16xi32>, vector<16xi32>], vector<16xf32>,
        %parallel_loop3A_241 = tpu.vector_load_idx %arg29[%parallel_loop3A_239, %add3A_8] : memref<80x16xf32, #tpu.memory_space<vmem>>[vector<16xi32>, vector<16xi32>], vector<16xf32>,
        %parallel_loop3A_242 = arith.index_cast %parallel_loop3A_238 : i32 to index
        %parallel_loop3A_243 = arith.constant 0 : index
        %parallel_loop3A_244 = tpu.vector_load %arg26[%parallel_loop3A_242, %parallel_loop3A_243] {strides = array<i32>} : memref<80x128xbf16, #tpu.memory_space<vmem>>, vector<32xbf16>,
        %parallel_loop3A_245 = tpu.unpack_subelements %parallel_loop3A_244, 0 {pack_format = #tpu.pack_format<interleaved>} : vector<32xbf16> -> vector<16xf32>
        %parallel_loop3A_246 = tpu.unpack_subelements %parallel_loop3A_244, 1 {pack_format = #tpu.pack_format<interleaved>} : vector<32xbf16> -> vector<16xf32>
        %parallel_loop3A_247 = arith.mulf %parallel_loop3A_245, %parallel_loop3A_240 : vector<16xf32>
        %parallel_loop3A_248 = arith.index_cast %parallel_loop3A_238 : i32 to index
        %parallel_loop3A_249 = arith.constant 0 : index
        %parallel_loop3A_250 = tpu.vector_load %arg28[%parallel_loop3A_248, %parallel_loop3A_249] {strides = array<i32>} : memref<80x128xf32, #tpu.memory_space<vmem>>, vector<16xf32>,
        tpu.vector_store %arg28[%parallel_loop3A_248, %parallel_loop3A_249], %parallel_loop3A_247 {strides = array<i32>} : memref<80x128xf32, #tpu.memory_space<vmem>>, vector<16xf32>,
        %parallel_loop3A_251 = arith.mulf %parallel_loop3A_246, %parallel_loop3A_240 : vector<16xf32>
        %parallel_loop3A_252 = arith.index_cast %parallel_loop3A_238 : i32 to index
        %parallel_loop3A_253 = arith.constant 16 : index
        %parallel_loop3A_254 = tpu.vector_load %arg28[%parallel_loop3A_252, %parallel_loop3A_253] {strides = array<i32>} : memref<80x128xf32, #tpu.memory_space<vmem>>, vector<16xf32>,
        tpu.vector_store %arg28[%parallel_loop3A_252, %parallel_loop3A_253], %parallel_loop3A_251 {strides = array<i32>} : memref<80x128xf32, #tpu.memory_space<vmem>>, vector<16xf32>,
        %parallel_loop3A_255 = arith.index_cast %parallel_loop3A_238 : i32 to index
        %parallel_loop3A_256 = arith.constant 32 : index
        %parallel_loop3A_257 = tpu.vector_load %arg26[%parallel_loop3A_255, %parallel_loop3A_256] {strides = array<i32>} : memref<80x128xbf16, #tpu.memory_space<vmem>>, vector<32xbf16>,
        %parallel_loop3A_258 = tpu.unpack_subelements %parallel_loop3A_257, 0 {pack_format = #tpu.pack_format<interleaved>} : vector<32xbf16> -> vector<16xf32>
        %parallel_loop3A_259 = tpu.unpack_subelements %parallel_loop3A_257, 1 {pack_format = #tpu.pack_format<interleaved>} : vector<32xbf16> -> vector<16xf32>
        %parallel_loop3A_260 = arith.mulf %parallel_loop3A_258, %parallel_loop3A_240 : vector<16xf32>
        %parallel_loop3A_261 = arith.index_cast %parallel_loop3A_238 : i32 to index
        %parallel_loop3A_262 = arith.constant 32 : index
        %parallel_loop3A_263 = tpu.vector_load %arg28[%parallel_loop3A_261, %parallel_loop3A_262] {strides = array<i32>} : memref<80x128xf32, #tpu.memory_space<vmem>>, vector<16xf32>,
        tpu.vector_store %arg28[%parallel_loop3A_261, %parallel_loop3A_262], %parallel_loop3A_260 {strides = array<i32>} : memref<80x128xf32, #tpu.memory_space<vmem>>, vector<16xf32>,
        %parallel_loop3A_264 = arith.mulf %parallel_loop3A_259, %parallel_loop3A_240 : vector<16xf32>
        %parallel_loop3A_265 = arith.index_cast %parallel_loop3A_238 : i32 to index
        %parallel_loop3A_266 = arith.constant 48 : index
        %parallel_loop3A_267 = tpu.vector_load %arg28[%parallel_loop3A_265, %parallel_loop3A_266] {strides = array<i32>} : memref<80x128xf32, #tpu.memory_space<vmem>>, vector<16xf32>,
        tpu.vector_store %arg28[%parallel_loop3A_265, %parallel_loop3A_266], %parallel_loop3A_264 {strides = array<i32>} : memref<80x128xf32, #tpu.memory_space<vmem>>, vector<16xf32>,
        %parallel_loop3A_268 = arith.index_cast %parallel_loop3A_238 : i32 to index
        %parallel_loop3A_269 = arith.constant 64 : index
        %parallel_loop3A_270 = tpu.vector_load %arg26[%parallel_loop3A_268, %parallel_loop3A_269] {strides = array<i32>} : memref<80x128xbf16, #tpu.memory_space<vmem>>, vector<32xbf16>,
        %parallel_loop3A_271 = tpu.unpack_subelements %parallel_loop3A_270, 0 {pack_format = #tpu.pack_format<interleaved>} : vector<32xbf16> -> vector<16xf32>
        %parallel_loop3A_272 = tpu.unpack_subelements %parallel_loop3A_270, 1 {pack_format = #tpu.pack_format<interleaved>} : vector<32xbf16> -> vector<16xf32>
        %parallel_loop3A_273 = arith.mulf %parallel_loop3A_271, %parallel_loop3A_241 : vector<16xf32>
        %parallel_loop3A_274 = arith.index_cast %parallel_loop3A_238 : i32 to index
        %parallel_loop3A_275 = arith.constant 64 : index
        %parallel_loop3A_276 = tpu.vector_load %arg28[%parallel_loop3A_274, %parallel_loop3A_275] {strides = array<i32>} : memref<80x128xf32, #tpu.memory_space<vmem>>, vector<16xf32>,
        tpu.vector_store %arg28[%parallel_loop3A_274, %parallel_loop3A_275], %parallel_loop3A_273 {strides = array<i32>} : memref<80x128xf32, #tpu.memory_space<vmem>>, vector<16xf32>,
        %parallel_loop3A_277 = arith.mulf %parallel_loop3A_272, %parallel_loop3A_241 : vector<16xf32>
        %parallel_loop3A_278 = arith.index_cast %parallel_loop3A_238 : i32 to index
        %parallel_loop3A_279 = arith.constant 80 : index
        %parallel_loop3A_280 = tpu.vector_load %arg28[%parallel_loop3A_278, %parallel_loop3A_279] {strides = array<i32>} : memref<80x128xf32, #tpu.memory_space<vmem>>, vector<16xf32>,
        tpu.vector_store %arg28[%parallel_loop3A_278, %parallel_loop3A_279], %parallel_loop3A_277 {strides = array<i32>} : memref<80x128xf32, #tpu.memory_space<vmem>>, vector<16xf32>,
        %parallel_loop3A_281 = arith.index_cast %parallel_loop3A_238 : i32 to index
        %parallel_loop3A_282 = arith.constant 96 : index
        %parallel_loop3A_283 = tpu.vector_load %arg26[%parallel_loop3A_281, %parallel_loop3A_282] {strides = array<i32>} : memref<80x128xbf16, #tpu.memory_space<vmem>>, vector<32xbf16>,
        %parallel_loop3A_284 = tpu.unpack_subelements %parallel_loop3A_283, 0 {pack_format = #tpu.pack_format<interleaved>} : vector<32xbf16> -> vector<16xf32>
        %parallel_loop3A_285 = tpu.unpack_subelements %parallel_loop3A_283, 1 {pack_format = #tpu.pack_format<interleaved>} : vector<32xbf16> -> vector<16xf32>
        %parallel_loop3A_286 = arith.mulf %parallel_loop3A_284, %parallel_loop3A_241 : vector<16xf32>
        %parallel_loop3A_287 = arith.index_cast %parallel_loop3A_238 : i32 to index
        %parallel_loop3A_288 = arith.constant 96 : index
        %parallel_loop3A_289 = tpu.vector_load %arg28[%parallel_loop3A_287, %parallel_loop3A_288] {strides = array<i32>} : memref<80x128xf32, #tpu.memory_space<vmem>>, vector<16xf32>,
        tpu.vector_store %arg28[%parallel_loop3A_287, %parallel_loop3A_288], %parallel_loop3A_286 {strides = array<i32>} : memref<80x128xf32, #tpu.memory_space<vmem>>, vector<16xf32>,
        %parallel_loop3A_290 = arith.mulf %parallel_loop3A_285, %parallel_loop3A_241 : vector<16xf32>
        %parallel_loop3A_291 = arith.index_cast %parallel_loop3A_238 : i32 to index
        %parallel_loop3A_292 = arith.constant 112 : index
        %parallel_loop3A_293 = tpu.vector_load %arg28[%parallel_loop3A_291, %parallel_loop3A_292] {strides = array<i32>} : memref<80x128xf32, #tpu.memory_space<vmem>>, vector<16xf32>,
        tpu.vector_store %arg28[%parallel_loop3A_291, %parallel_loop3A_292], %parallel_loop3A_290 {strides = array<i32>} : memref<80x128xf32, #tpu.memory_space<vmem>>, vector<16xf32>,
      } {sc.loop_unroll_factor = 4 : i64, sc.parallel_access}
      %dma_start3A_191 = arith.constant 0 : i32
      %dma_start3A_192 = arith.constant 0 : i32
      %dma_start3A_193 = tpu.memref_slice %arg30[%dma_start3A_191, %dma_start3A_192] : memref<10240x128xf32, #tpu.memory_space<vmem_shared>> -> memref<10240x128xf32, #tpu.memory_space<vmem_shared>>
      tpu.enqueue_indirect_dma source(%arg28 : memref<80x128xf32, #tpu.memory_space<vmem>>) target(%dma_start3A_193 : memref<10240x128xf32, #tpu.memory_space<vmem_shared>>) offsets(%arg20 : memref<80xi32, #tpu.memory_space<vmem>>) semaphore(%arg36 : memref<!tpu.dma_semaphore, #tpu.memory_space<semaphore_mem>>) {add = true}
      %dma_start3A_194 = arith.constant 0 : i32
      %dma_start3A_195 = arith.constant 0 : i32
      %dma_start3A_196 = tpu.memref_slice %arg31[%dma_start3A_194, %dma_start3A_195] : memref<10240x16xf32, #tpu.memory_space<vmem_shared>> -> memref<10240x16xf32, #tpu.memory_space<vmem_shared>>
      tpu.enqueue_indirect_dma source(%arg29 : memref<80x16xf32, #tpu.memory_space<vmem>>) target(%dma_start3A_196 : memref<10240x16xf32, #tpu.memory_space<vmem_shared>>) offsets(%arg20 : memref<80xi32, #tpu.memory_space<vmem>>) semaphore(%arg36 : memref<!tpu.dma_semaphore, #tpu.memory_space<semaphore_mem>>) {add = true}
      %lt3A = arith.constant 248 : i32
      %lt3A_197 = arith.cmpi slt, %add3A_143, %lt3A : i32
      %convert_element_type3A_198 = arith.extui %lt3A_197 : i1 to i32
      %cond3A_199 = arith.constant 0 : i32
      %cond3A_200 = arith.cmpi ne, %convert_element_type3A_198, %cond3A_199 : i32
      scf.if %cond3A_200 {
        %add3A_238 = arith.constant 2 : i32
        %add3A_239 = arith.addi %add3A_143, %add3A_238 : i32
        %mul3A_240 = arith.constant 20000 : i32
        %mul3A_241 = arith.muli %arg1, %mul3A_240 : i32
        %mul3A_242 = arith.constant 80 : i32
        %mul3A_243 = arith.muli %add3A_239, %mul3A_242 : i32
        %add3A_244 = arith.addi %mul3A_241, %mul3A_243 : i32
        %dma_start3A_245 = tpu.memref_slice %arg5[%add3A_244] : memref<320000xi32, #tpu.memory_space<hbm>> -> memref<80xi32, #tpu.memory_space<hbm>>
        %dma_start3A_246 = tpu.memref_slice %arg5[%add3A_244] : memref<320000xi32, #tpu.memory_space<hbm>> -> memref<80xi32, #tpu.memory_space<hbm>>
        tpu.enqueue_dma source(%dma_start3A_246 : memref<80xi32, #tpu.memory_space<hbm>>) target(%arg16 : memref<80xi32, #tpu.memory_space<vmem>>) target_semaphore(%arg32 : memref<!tpu.dma_semaphore, #tpu.memory_space<semaphore_mem>>)
        %dma_start3A_247 = tpu.memref_slice %arg6[%add3A_244] : memref<320000xi32, #tpu.memory_space<hbm>> -> memref<80xi32, #tpu.memory_space<hbm>>
        %dma_start3A_248 = tpu.memref_slice %arg6[%add3A_244] : memref<320000xi32, #tpu.memory_space<hbm>> -> memref<80xi32, #tpu.memory_space<hbm>>
        tpu.enqueue_dma source(%dma_start3A_248 : memref<80xi32, #tpu.memory_space<hbm>>) target(%arg18 : memref<80xi32, #tpu.memory_space<vmem>>) target_semaphore(%arg32 : memref<!tpu.dma_semaphore, #tpu.memory_space<semaphore_mem>>)
      } else {
      }
      %dma_wait3A_201 = arith.constant 0 : i32
      %dma_wait3A_202 = arith.constant 0 : i32
      %dma_wait3A_203 = tpu.memref_slice %arg2[%dma_wait3A_201, %dma_wait3A_202] : memref<20000x128xbf16, #tpu.memory_space<hbm>> -> memref<20000x128xbf16, #tpu.memory_space<hbm>>
      tpu.wait_indirect_dma semaphore(%arg35 : memref<!tpu.dma_semaphore, #tpu.memory_space<semaphore_mem>>) src(%dma_wait3A_203 : memref<20000x128xbf16, #tpu.memory_space<hbm>>) dst(%arg27 : memref<80x128xbf16, #tpu.memory_space<vmem>>)
      %dma_wait3A_204 = arith.constant 0 : i32
      %dma_wait3A_205 = arith.constant 0 : i32
      %dma_wait3A_206 = tpu.memref_slice %arg3[%dma_wait3A_204, %dma_wait3A_205] : memref<20000x16xf32, #tpu.memory_space<hbm>> -> memref<20000x16xf32, #tpu.memory_space<hbm>>
      tpu.wait_indirect_dma semaphore(%arg35 : memref<!tpu.dma_semaphore, #tpu.memory_space<semaphore_mem>>) src(%dma_wait3A_206 : memref<20000x16xf32, #tpu.memory_space<hbm>>) dst(%arg23 : memref<80x16xf32, #tpu.memory_space<vmem>>)
      %dma_wait3A_207 = arith.constant 0 : i32
      %dma_wait3A_208 = arith.constant 0 : i32
      %dma_wait3A_209 = tpu.memref_slice %arg4[%dma_wait3A_207, %dma_wait3A_208] : memref<10000x16xf32, #tpu.memory_space<hbm>> -> memref<10000x16xf32, #tpu.memory_space<hbm>>
      tpu.wait_indirect_dma semaphore(%arg35 : memref<!tpu.dma_semaphore, #tpu.memory_space<semaphore_mem>>) src(%dma_wait3A_209 : memref<10000x16xf32, #tpu.memory_space<hbm>>) dst(%arg25 : memref<80x16xf32, #tpu.memory_space<vmem>>)
      %not3A_210 = arith.constant false
      %not3A_211 = arith.constant true
      %not3A_212 = arith.xori %not3A_210, %not3A_211 : i1
      %convert_element_type3A_213 = arith.extui %not3A_212 : i1 to i32
      %cond3A_214 = arith.constant 0 : i32
      %cond3A_215 = arith.cmpi ne, %convert_element_type3A_213, %cond3A_214 : i32
      scf.if %cond3A_215 {
        %dma_wait3A_238 = arith.constant 0 : i32
        %dma_wait3A_239 = arith.constant 0 : i32
        %dma_wait3A_240 = tpu.memref_slice %arg30[%dma_wait3A_238, %dma_wait3A_239] : memref<10240x128xf32, #tpu.memory_space<vmem_shared>> -> memref<10240x128xf32, #tpu.memory_space<vmem_shared>>
        tpu.wait_indirect_dma semaphore(%arg36 : memref<!tpu.dma_semaphore, #tpu.memory_space<semaphore_mem>>) src(%arg28 : memref<80x128xf32, #tpu.memory_space<vmem>>) dst(%dma_wait3A_240 : memref<10240x128xf32, #tpu.memory_space<vmem_shared>>)
        %dma_wait3A_241 = arith.constant 0 : i32
        %dma_wait3A_242 = arith.constant 0 : i32
        %dma_wait3A_243 = tpu.memref_slice %arg31[%dma_wait3A_241, %dma_wait3A_242] : memref<10240x16xf32, #tpu.memory_space<vmem_shared>> -> memref<10240x16xf32, #tpu.memory_space<vmem_shared>>
        tpu.wait_indirect_dma semaphore(%arg36 : memref<!tpu.dma_semaphore, #tpu.memory_space<semaphore_mem>>) src(%arg29 : memref<80x16xf32, #tpu.memory_space<vmem>>) dst(%dma_wait3A_243 : memref<10240x16xf32, #tpu.memory_space<vmem_shared>>)
      } else {
      }
      %scan3A_216 = arith.constant 0 : i32
      %scan3A_217 = arith.constant 5 : i32
      %scan3A_218 = arith.addi %scan3A_216, %scan3A_217 : i32
      %scan3A_219 = arith.constant 1 : i32
      scf.for %scan3A_238 = %scan3A_216 to %scan3A_218 step %scan3A_219  : i32 {
        %mul3A_239 = arith.constant 16 : i32
        %mul3A_240 = arith.muli %scan3A_238, %mul3A_239 : i32
        %add3A_241 = arith.constant 0 : i32
        %add3A_242 = arith.addi %add3A_241, %mul3A_240 : i32
        %get3A = arith.index_cast %add3A_242 : i32 to index
        %get3A_243 = tpu.vector_load %arg19[%get3A] {strides = array<i32>} : memref<80xi32, #tpu.memory_space<vmem>>, vector<16xi32>,
        %swap3A = arith.index_cast %add3A_242 : i32 to index
        %swap3A_244 = tpu.vector_load %arg21[%swap3A] {strides = array<i32>} : memref<80xi32, #tpu.memory_space<vmem>>, vector<16xi32>,
        tpu.vector_store %arg21[%swap3A], %get3A_243 {strides = array<i32>} : memref<80xi32, #tpu.memory_space<vmem>>, vector<16xi32>,
      }
      %scan3A_220 = arith.constant 5 : i32
      %parallel_loop3A_221 = arith.constant 0 : i32
      %parallel_loop3A_222 = arith.constant 80 : i32
      %parallel_loop3A_223 = arith.constant 1 : i32
      scf.for %parallel_loop3A_238 = %parallel_loop3A_221 to %parallel_loop3A_222 step %parallel_loop3A_223  : i32 {
        %parallel_loop3A_239 = arith.index_cast %parallel_loop3A_238 : i32 to index
        %parallel_loop3A_240 = arith.constant 0 : index
        %parallel_loop3A_241 = tpu.vector_load %arg23[%parallel_loop3A_239, %parallel_loop3A_240] {strides = array<i32>} : memref<80x16xf32, #tpu.memory_space<vmem>>, vector<16xf32>,
        %parallel_loop3A_242 = arith.index_cast %parallel_loop3A_238 : i32 to index
        %parallel_loop3A_243 = arith.constant 0 : index
        %parallel_loop3A_244 = tpu.vector_load %arg25[%parallel_loop3A_242, %parallel_loop3A_243] {strides = array<i32>} : memref<80x16xf32, #tpu.memory_space<vmem>>, vector<16xf32>,
        %parallel_loop3A_245 = arith.addf %parallel_loop3A_241, %parallel_loop3A_244 : vector<16xf32>
        %parallel_loop3A_246 = arith.constant 2.000000e-01 : f32
        %parallel_loop3A_247 = vector.broadcast %parallel_loop3A_246 : f32 to vector<16xf32>
        %parallel_loop3A_248 = arith.mulf %parallel_loop3A_247, %parallel_loop3A_245 : vector<16xf32>
        %parallel_loop3A_249 = arith.maximumf %parallel_loop3A_245, %parallel_loop3A_248 : vector<16xf32>
        %parallel_loop3A_250 = math.exp %parallel_loop3A_249 : vector<16xf32>
        %parallel_loop3A_251 = arith.index_cast %parallel_loop3A_238 : i32 to index
        %parallel_loop3A_252 = arith.constant 0 : index
        %parallel_loop3A_253 = tpu.vector_load %arg29[%parallel_loop3A_251, %parallel_loop3A_252] {strides = array<i32>} : memref<80x16xf32, #tpu.memory_space<vmem>>, vector<16xf32>,
        tpu.vector_store %arg29[%parallel_loop3A_251, %parallel_loop3A_252], %parallel_loop3A_250 {strides = array<i32>} : memref<80x16xf32, #tpu.memory_space<vmem>>, vector<16xf32>,
      } {sc.loop_unroll_factor = 4 : i64, sc.parallel_access}
      %parallel_loop3A_224 = arith.constant 0 : i32
      %parallel_loop3A_225 = arith.constant 80 : i32
      %parallel_loop3A_226 = arith.constant 1 : i32
      scf.for %parallel_loop3A_238 = %parallel_loop3A_224 to %parallel_loop3A_225 step %parallel_loop3A_226  : i32 {
        %parallel_loop3A_239 = vector.broadcast %parallel_loop3A_238 : i32 to vector<16xi32>
        %parallel_loop3A_240 = tpu.vector_load_idx %arg29[%parallel_loop3A_239, %broadcast_in_dim3A] : memref<80x16xf32, #tpu.memory_space<vmem>>[vector<16xi32>, vector<16xi32>], vector<16xf32>,
        %parallel_loop3A_241 = tpu.vector_load_idx %arg29[%parallel_loop3A_239, %add3A_8] : memref<80x16xf32, #tpu.memory_space<vmem>>[vector<16xi32>, vector<16xi32>], vector<16xf32>,
        %parallel_loop3A_242 = arith.index_cast %parallel_loop3A_238 : i32 to index
        %parallel_loop3A_243 = arith.constant 0 : index
        %parallel_loop3A_244 = tpu.vector_load %arg27[%parallel_loop3A_242, %parallel_loop3A_243] {strides = array<i32>} : memref<80x128xbf16, #tpu.memory_space<vmem>>, vector<32xbf16>,
        %parallel_loop3A_245 = tpu.unpack_subelements %parallel_loop3A_244, 0 {pack_format = #tpu.pack_format<interleaved>} : vector<32xbf16> -> vector<16xf32>
        %parallel_loop3A_246 = tpu.unpack_subelements %parallel_loop3A_244, 1 {pack_format = #tpu.pack_format<interleaved>} : vector<32xbf16> -> vector<16xf32>
        %parallel_loop3A_247 = arith.mulf %parallel_loop3A_245, %parallel_loop3A_240 : vector<16xf32>
        %parallel_loop3A_248 = arith.index_cast %parallel_loop3A_238 : i32 to index
        %parallel_loop3A_249 = arith.constant 0 : index
        %parallel_loop3A_250 = tpu.vector_load %arg28[%parallel_loop3A_248, %parallel_loop3A_249] {strides = array<i32>} : memref<80x128xf32, #tpu.memory_space<vmem>>, vector<16xf32>,
        tpu.vector_store %arg28[%parallel_loop3A_248, %parallel_loop3A_249], %parallel_loop3A_247 {strides = array<i32>} : memref<80x128xf32, #tpu.memory_space<vmem>>, vector<16xf32>,
        %parallel_loop3A_251 = arith.mulf %parallel_loop3A_246, %parallel_loop3A_240 : vector<16xf32>
        %parallel_loop3A_252 = arith.index_cast %parallel_loop3A_238 : i32 to index
        %parallel_loop3A_253 = arith.constant 16 : index
        %parallel_loop3A_254 = tpu.vector_load %arg28[%parallel_loop3A_252, %parallel_loop3A_253] {strides = array<i32>} : memref<80x128xf32, #tpu.memory_space<vmem>>, vector<16xf32>,
        tpu.vector_store %arg28[%parallel_loop3A_252, %parallel_loop3A_253], %parallel_loop3A_251 {strides = array<i32>} : memref<80x128xf32, #tpu.memory_space<vmem>>, vector<16xf32>,
        %parallel_loop3A_255 = arith.index_cast %parallel_loop3A_238 : i32 to index
        %parallel_loop3A_256 = arith.constant 32 : index
        %parallel_loop3A_257 = tpu.vector_load %arg27[%parallel_loop3A_255, %parallel_loop3A_256] {strides = array<i32>} : memref<80x128xbf16, #tpu.memory_space<vmem>>, vector<32xbf16>,
        %parallel_loop3A_258 = tpu.unpack_subelements %parallel_loop3A_257, 0 {pack_format = #tpu.pack_format<interleaved>} : vector<32xbf16> -> vector<16xf32>
        %parallel_loop3A_259 = tpu.unpack_subelements %parallel_loop3A_257, 1 {pack_format = #tpu.pack_format<interleaved>} : vector<32xbf16> -> vector<16xf32>
        %parallel_loop3A_260 = arith.mulf %parallel_loop3A_258, %parallel_loop3A_240 : vector<16xf32>
        %parallel_loop3A_261 = arith.index_cast %parallel_loop3A_238 : i32 to index
        %parallel_loop3A_262 = arith.constant 32 : index
        %parallel_loop3A_263 = tpu.vector_load %arg28[%parallel_loop3A_261, %parallel_loop3A_262] {strides = array<i32>} : memref<80x128xf32, #tpu.memory_space<vmem>>, vector<16xf32>,
        tpu.vector_store %arg28[%parallel_loop3A_261, %parallel_loop3A_262], %parallel_loop3A_260 {strides = array<i32>} : memref<80x128xf32, #tpu.memory_space<vmem>>, vector<16xf32>,
        %parallel_loop3A_264 = arith.mulf %parallel_loop3A_259, %parallel_loop3A_240 : vector<16xf32>
        %parallel_loop3A_265 = arith.index_cast %parallel_loop3A_238 : i32 to index
        %parallel_loop3A_266 = arith.constant 48 : index
        %parallel_loop3A_267 = tpu.vector_load %arg28[%parallel_loop3A_265, %parallel_loop3A_266] {strides = array<i32>} : memref<80x128xf32, #tpu.memory_space<vmem>>, vector<16xf32>,
        tpu.vector_store %arg28[%parallel_loop3A_265, %parallel_loop3A_266], %parallel_loop3A_264 {strides = array<i32>} : memref<80x128xf32, #tpu.memory_space<vmem>>, vector<16xf32>,
        %parallel_loop3A_268 = arith.index_cast %parallel_loop3A_238 : i32 to index
        %parallel_loop3A_269 = arith.constant 64 : index
        %parallel_loop3A_270 = tpu.vector_load %arg27[%parallel_loop3A_268, %parallel_loop3A_269] {strides = array<i32>} : memref<80x128xbf16, #tpu.memory_space<vmem>>, vector<32xbf16>,
        %parallel_loop3A_271 = tpu.unpack_subelements %parallel_loop3A_270, 0 {pack_format = #tpu.pack_format<interleaved>} : vector<32xbf16> -> vector<16xf32>
        %parallel_loop3A_272 = tpu.unpack_subelements %parallel_loop3A_270, 1 {pack_format = #tpu.pack_format<interleaved>} : vector<32xbf16> -> vector<16xf32>
        %parallel_loop3A_273 = arith.mulf %parallel_loop3A_271, %parallel_loop3A_241 : vector<16xf32>
        %parallel_loop3A_274 = arith.index_cast %parallel_loop3A_238 : i32 to index
        %parallel_loop3A_275 = arith.constant 64 : index
        %parallel_loop3A_276 = tpu.vector_load %arg28[%parallel_loop3A_274, %parallel_loop3A_275] {strides = array<i32>} : memref<80x128xf32, #tpu.memory_space<vmem>>, vector<16xf32>,
        tpu.vector_store %arg28[%parallel_loop3A_274, %parallel_loop3A_275], %parallel_loop3A_273 {strides = array<i32>} : memref<80x128xf32, #tpu.memory_space<vmem>>, vector<16xf32>,
        %parallel_loop3A_277 = arith.mulf %parallel_loop3A_272, %parallel_loop3A_241 : vector<16xf32>
        %parallel_loop3A_278 = arith.index_cast %parallel_loop3A_238 : i32 to index
        %parallel_loop3A_279 = arith.constant 80 : index
        %parallel_loop3A_280 = tpu.vector_load %arg28[%parallel_loop3A_278, %parallel_loop3A_279] {strides = array<i32>} : memref<80x128xf32, #tpu.memory_space<vmem>>, vector<16xf32>,
        tpu.vector_store %arg28[%parallel_loop3A_278, %parallel_loop3A_279], %parallel_loop3A_277 {strides = array<i32>} : memref<80x128xf32, #tpu.memory_space<vmem>>, vector<16xf32>,
        %parallel_loop3A_281 = arith.index_cast %parallel_loop3A_238 : i32 to index
        %parallel_loop3A_282 = arith.constant 96 : index
        %parallel_loop3A_283 = tpu.vector_load %arg27[%parallel_loop3A_281, %parallel_loop3A_282] {strides = array<i32>} : memref<80x128xbf16, #tpu.memory_space<vmem>>, vector<32xbf16>,
        %parallel_loop3A_284 = tpu.unpack_subelements %parallel_loop3A_283, 0 {pack_format = #tpu.pack_format<interleaved>} : vector<32xbf16> -> vector<16xf32>
        %parallel_loop3A_285 = tpu.unpack_subelements %parallel_loop3A_283, 1 {pack_format = #tpu.pack_format<interleaved>} : vector<32xbf16> -> vector<16xf32>
        %parallel_loop3A_286 = arith.mulf %parallel_loop3A_284, %parallel_loop3A_241 : vector<16xf32>
        %parallel_loop3A_287 = arith.index_cast %parallel_loop3A_238 : i32 to index
        %parallel_loop3A_288 = arith.constant 96 : index
        %parallel_loop3A_289 = tpu.vector_load %arg28[%parallel_loop3A_287, %parallel_loop3A_288] {strides = array<i32>} : memref<80x128xf32, #tpu.memory_space<vmem>>, vector<16xf32>,
        tpu.vector_store %arg28[%parallel_loop3A_287, %parallel_loop3A_288], %parallel_loop3A_286 {strides = array<i32>} : memref<80x128xf32, #tpu.memory_space<vmem>>, vector<16xf32>,
        %parallel_loop3A_290 = arith.mulf %parallel_loop3A_285, %parallel_loop3A_241 : vector<16xf32>
        %parallel_loop3A_291 = arith.index_cast %parallel_loop3A_238 : i32 to index
        %parallel_loop3A_292 = arith.constant 112 : index
        %parallel_loop3A_293 = tpu.vector_load %arg28[%parallel_loop3A_291, %parallel_loop3A_292] {strides = array<i32>} : memref<80x128xf32, #tpu.memory_space<vmem>>, vector<16xf32>,
        tpu.vector_store %arg28[%parallel_loop3A_291, %parallel_loop3A_292], %parallel_loop3A_290 {strides = array<i32>} : memref<80x128xf32, #tpu.memory_space<vmem>>, vector<16xf32>,
      } {sc.loop_unroll_factor = 4 : i64, sc.parallel_access}
      %dma_start3A_227 = arith.constant 0 : i32
      %dma_start3A_228 = arith.constant 0 : i32
      %dma_start3A_229 = tpu.memref_slice %arg30[%dma_start3A_227, %dma_start3A_228] : memref<10240x128xf32, #tpu.memory_space<vmem_shared>> -> memref<10240x128xf32, #tpu.memory_space<vmem_shared>>
      tpu.enqueue_indirect_dma source(%arg28 : memref<80x128xf32, #tpu.memory_space<vmem>>) target(%dma_start3A_229 : memref<10240x128xf32, #tpu.memory_space<vmem_shared>>) offsets(%arg21 : memref<80xi32, #tpu.memory_space<vmem>>) semaphore(%arg36 : memref<!tpu.dma_semaphore, #tpu.memory_space<semaphore_mem>>) {add = true}
      %dma_start3A_230 = arith.constant 0 : i32
      %dma_start3A_231 = arith.constant 0 : i32
      %dma_start3A_232 = tpu.memref_slice %arg31[%dma_start3A_230, %dma_start3A_231] : memref<10240x16xf32, #tpu.memory_space<vmem_shared>> -> memref<10240x16xf32, #tpu.memory_space<vmem_shared>>
      tpu.enqueue_indirect_dma source(%arg29 : memref<80x16xf32, #tpu.memory_space<vmem>>) target(%dma_start3A_232 : memref<10240x16xf32, #tpu.memory_space<vmem_shared>>) offsets(%arg21 : memref<80xi32, #tpu.memory_space<vmem>>) semaphore(%arg36 : memref<!tpu.dma_semaphore, #tpu.memory_space<semaphore_mem>>) {add = true}
      %lt3A_233 = arith.constant 248 : i32
      %lt3A_234 = arith.cmpi slt, %add3A_143, %lt3A_233 : i32
      %convert_element_type3A_235 = arith.extui %lt3A_234 : i1 to i32
      %cond3A_236 = arith.constant 0 : i32
      %cond3A_237 = arith.cmpi ne, %convert_element_type3A_235, %cond3A_236 : i32
      scf.if %cond3A_237 {
        %add3A_238 = arith.constant 3 : i32
        %add3A_239 = arith.addi %add3A_143, %add3A_238 : i32
        %mul3A_240 = arith.constant 20000 : i32
        %mul3A_241 = arith.muli %arg1, %mul3A_240 : i32
        %mul3A_242 = arith.constant 80 : i32
        %mul3A_243 = arith.muli %add3A_239, %mul3A_242 : i32
        %add3A_244 = arith.addi %mul3A_241, %mul3A_243 : i32
        %dma_start3A_245 = tpu.memref_slice %arg5[%add3A_244] : memref<320000xi32, #tpu.memory_space<hbm>> -> memref<80xi32, #tpu.memory_space<hbm>>
        %dma_start3A_246 = tpu.memref_slice %arg5[%add3A_244] : memref<320000xi32, #tpu.memory_space<hbm>> -> memref<80xi32, #tpu.memory_space<hbm>>
        tpu.enqueue_dma source(%dma_start3A_246 : memref<80xi32, #tpu.memory_space<hbm>>) target(%arg17 : memref<80xi32, #tpu.memory_space<vmem>>) target_semaphore(%arg33 : memref<!tpu.dma_semaphore, #tpu.memory_space<semaphore_mem>>)
        %dma_start3A_247 = tpu.memref_slice %arg6[%add3A_244] : memref<320000xi32, #tpu.memory_space<hbm>> -> memref<80xi32, #tpu.memory_space<hbm>>
        %dma_start3A_248 = tpu.memref_slice %arg6[%add3A_244] : memref<320000xi32, #tpu.memory_space<hbm>> -> memref<80xi32, #tpu.memory_space<hbm>>
        tpu.enqueue_dma source(%dma_start3A_248 : memref<80xi32, #tpu.memory_space<hbm>>) target(%arg19 : memref<80xi32, #tpu.memory_space<vmem>>) target_semaphore(%arg33 : memref<!tpu.dma_semaphore, #tpu.memory_space<semaphore_mem>>)
        %add3A_249 = arith.constant 2 : i32
        %add3A_250 = arith.addi %add3A_143, %add3A_249 : i32
        %mul3A_251 = arith.constant 20000 : i32
        %mul3A_252 = arith.muli %arg1, %mul3A_251 : i32
        %mul3A_253 = arith.constant 80 : i32
        %mul3A_254 = arith.muli %add3A_250, %mul3A_253 : i32
        %add3A_255 = arith.addi %mul3A_252, %mul3A_254 : i32
        %dma_wait3A_256 = tpu.memref_slice %arg5[%add3A_255] : memref<320000xi32, #tpu.memory_space<hbm>> -> memref<80xi32, #tpu.memory_space<hbm>>
        %dma_wait3A_257 = tpu.memref_slice %arg5[%add3A_255] : memref<320000xi32, #tpu.memory_space<hbm>> -> memref<80xi32, #tpu.memory_space<hbm>>
        tpu.wait_dma2 semaphore(%arg32 : memref<!tpu.dma_semaphore, #tpu.memory_space<semaphore_mem>>) src(%dma_wait3A_257 : memref<80xi32, #tpu.memory_space<hbm>>) dst(%arg16 : memref<80xi32, #tpu.memory_space<vmem>>)
        %dma_wait3A_258 = tpu.memref_slice %arg6[%add3A_255] : memref<320000xi32, #tpu.memory_space<hbm>> -> memref<80xi32, #tpu.memory_space<hbm>>
        %dma_wait3A_259 = tpu.memref_slice %arg6[%add3A_255] : memref<320000xi32, #tpu.memory_space<hbm>> -> memref<80xi32, #tpu.memory_space<hbm>>
        tpu.wait_dma2 semaphore(%arg32 : memref<!tpu.dma_semaphore, #tpu.memory_space<semaphore_mem>>) src(%dma_wait3A_259 : memref<80xi32, #tpu.memory_space<hbm>>) dst(%arg18 : memref<80xi32, #tpu.memory_space<vmem>>)
        %scan3A_260 = arith.constant 0 : i32
        %scan3A_261 = arith.constant 5 : i32
        %scan3A_262 = arith.addi %scan3A_260, %scan3A_261 : i32
        %scan3A_263 = arith.constant 1 : i32
        scf.for %scan3A_274 = %scan3A_260 to %scan3A_262 step %scan3A_263  : i32 {
          %mul3A_275 = arith.constant 16 : i32
          %mul3A_276 = arith.muli %scan3A_274, %mul3A_275 : i32
          %add3A_277 = arith.constant 0 : i32
          %add3A_278 = arith.addi %add3A_277, %mul3A_276 : i32
          %get3A = arith.index_cast %add3A_278 : i32 to index
          %get3A_279 = tpu.vector_load %arg16[%get3A] {strides = array<i32>} : memref<80xi32, #tpu.memory_space<vmem>>, vector<16xi32>,
          %add3A_280 = vector.broadcast %mul3A_0 : i32 to vector<16xi32>
          %add3A_281 = arith.addi %get3A_279, %add3A_280 : vector<16xi32>
          %swap3A = arith.index_cast %add3A_278 : i32 to index
          %swap3A_282 = tpu.vector_load %arg16[%swap3A] {strides = array<i32>} : memref<80xi32, #tpu.memory_space<vmem>>, vector<16xi32>,
          tpu.vector_store %arg16[%swap3A], %add3A_281 {strides = array<i32>} : memref<80xi32, #tpu.memory_space<vmem>>, vector<16xi32>,
        }
        %scan3A_264 = arith.constant 5 : i32
        %dma_start3A_265 = arith.constant 0 : i32
        %dma_start3A_266 = arith.constant 0 : i32
        %dma_start3A_267 = tpu.memref_slice %arg2[%dma_start3A_265, %dma_start3A_266] : memref<20000x128xbf16, #tpu.memory_space<hbm>> -> memref<20000x128xbf16, #tpu.memory_space<hbm>>
        tpu.enqueue_indirect_dma source(%dma_start3A_267 : memref<20000x128xbf16, #tpu.memory_space<hbm>>) target(%arg26 : memref<80x128xbf16, #tpu.memory_space<vmem>>) offsets(%arg16 : memref<80xi32, #tpu.memory_space<vmem>>) semaphore(%arg34 : memref<!tpu.dma_semaphore, #tpu.memory_space<semaphore_mem>>)
        %dma_start3A_268 = arith.constant 0 : i32
        %dma_start3A_269 = arith.constant 0 : i32
        %dma_start3A_270 = tpu.memref_slice %arg3[%dma_start3A_268, %dma_start3A_269] : memref<20000x16xf32, #tpu.memory_space<hbm>> -> memref<20000x16xf32, #tpu.memory_space<hbm>>
        tpu.enqueue_indirect_dma source(%dma_start3A_270 : memref<20000x16xf32, #tpu.memory_space<hbm>>) target(%arg22 : memref<80x16xf32, #tpu.memory_space<vmem>>) offsets(%arg16 : memref<80xi32, #tpu.memory_space<vmem>>) semaphore(%arg34 : memref<!tpu.dma_semaphore, #tpu.memory_space<semaphore_mem>>)
        %dma_start3A_271 = arith.constant 0 : i32
        %dma_start3A_272 = arith.constant 0 : i32
        %dma_start3A_273 = tpu.memref_slice %arg4[%dma_start3A_271, %dma_start3A_272] : memref<10000x16xf32, #tpu.memory_space<hbm>> -> memref<10000x16xf32, #tpu.memory_space<hbm>>
        tpu.enqueue_indirect_dma source(%dma_start3A_273 : memref<10000x16xf32, #tpu.memory_space<hbm>>) target(%arg24 : memref<80x16xf32, #tpu.memory_space<vmem>>) offsets(%arg18 : memref<80xi32, #tpu.memory_space<vmem>>) semaphore(%arg34 : memref<!tpu.dma_semaphore, #tpu.memory_space<semaphore_mem>>)
      } else {
      }
    }
    %scan3A_58 = arith.constant 125 : i32
    %dma_wait3A_59 = arith.constant 0 : i32
    %dma_wait3A_60 = arith.constant 0 : i32
    %dma_wait3A_61 = tpu.memref_slice %arg30[%dma_wait3A_59, %dma_wait3A_60] : memref<10240x128xf32, #tpu.memory_space<vmem_shared>> -> memref<10240x128xf32, #tpu.memory_space<vmem_shared>>
    tpu.wait_indirect_dma semaphore(%arg36 : memref<!tpu.dma_semaphore, #tpu.memory_space<semaphore_mem>>) src(%arg28 : memref<80x128xf32, #tpu.memory_space<vmem>>) dst(%dma_wait3A_61 : memref<10240x128xf32, #tpu.memory_space<vmem_shared>>)
    %dma_wait3A_62 = arith.constant 0 : i32
    %dma_wait3A_63 = arith.constant 0 : i32
    %dma_wait3A_64 = tpu.memref_slice %arg31[%dma_wait3A_62, %dma_wait3A_63] : memref<10240x16xf32, #tpu.memory_space<vmem_shared>> -> memref<10240x16xf32, #tpu.memory_space<vmem_shared>>
    tpu.wait_indirect_dma semaphore(%arg36 : memref<!tpu.dma_semaphore, #tpu.memory_space<semaphore_mem>>) src(%arg29 : memref<80x16xf32, #tpu.memory_space<vmem>>) dst(%dma_wait3A_64 : memref<10240x16xf32, #tpu.memory_space<vmem_shared>>)
    %barrier3A_65 = arith.constant 0 : index
    tpu.barrier barrier_id(%barrier3A_65)
    %scan3A_66 = arith.constant 0 : i32
    %scan3A_67 = arith.constant 8 : i32
    %scan3A_68 = arith.addi %scan3A_66, %scan3A_67 : i32
    %scan3A_69 = arith.constant 1 : i32
    scf.for %scan3A_139 = %scan3A_66 to %scan3A_68 step %scan3A_69  : i32 {
      %mul3A_140 = arith.constant 1 : i32
      %mul3A_141 = arith.muli %scan3A_139, %mul3A_140 : i32
      %add3A_142 = arith.constant 0 : i32
      %add3A_143 = arith.addi %add3A_142, %mul3A_141 : i32
      %mul3A_144 = arith.constant 640 : i32
      %mul3A_145 = arith.muli %arg1, %mul3A_144 : i32
      %mul3A_146 = arith.constant 80 : i32
      %mul3A_147 = arith.muli %add3A_143, %mul3A_146 : i32
      %add3A_148 = arith.addi %mul3A_145, %mul3A_147 : i32
      "tpu.region"() ({
        %run_scoped3A = tpu.sem_alloc : memref<!tpu.dma_semaphore, #tpu.memory_space<semaphore_mem>>
        %dma_start3A_151 = arith.constant 0 : i32
        %dma_start3A_152 = tpu.memref_slice %arg30[%add3A_148, %dma_start3A_151] : memref<10240x128xf32, #tpu.memory_space<vmem_shared>> -> memref<80x128xf32, #tpu.memory_space<vmem_shared>>
        %dma_start3A_153 = arith.constant 0 : i32
        %dma_start3A_154 = tpu.memref_slice %arg30[%add3A_148, %dma_start3A_153] : memref<10240x128xf32, #tpu.memory_space<vmem_shared>> -> memref<80x128xf32, #tpu.memory_space<vmem_shared>>
        tpu.enqueue_dma source(%dma_start3A_154 : memref<80x128xf32, #tpu.memory_space<vmem_shared>>) target(%arg28 : memref<80x128xf32, #tpu.memory_space<vmem>>) target_semaphore(%run_scoped3A : memref<!tpu.dma_semaphore, #tpu.memory_space<semaphore_mem>>)
        %dma_wait3A_155 = arith.constant 0 : i32
        %dma_wait3A_156 = tpu.memref_slice %arg30[%add3A_148, %dma_wait3A_155] : memref<10240x128xf32, #tpu.memory_space<vmem_shared>> -> memref<80x128xf32, #tpu.memory_space<vmem_shared>>
        %dma_wait3A_157 = arith.constant 0 : i32
        %dma_wait3A_158 = tpu.memref_slice %arg30[%add3A_148, %dma_wait3A_157] : memref<10240x128xf32, #tpu.memory_space<vmem_shared>> -> memref<80x128xf32, #tpu.memory_space<vmem_shared>>
        tpu.wait_dma2 semaphore(%run_scoped3A : memref<!tpu.dma_semaphore, #tpu.memory_space<semaphore_mem>>) src(%dma_wait3A_158 : memref<80x128xf32, #tpu.memory_space<vmem_shared>>) dst(%arg28 : memref<80x128xf32, #tpu.memory_space<vmem>>)
        tpu.yield
      }) : () -> ()
      %add3A_149 = arith.addi %mul3A_2, %add3A_148 : i32
      "tpu.region"() ({
        %run_scoped3A = tpu.sem_alloc : memref<!tpu.dma_semaphore, #tpu.memory_space<semaphore_mem>>
        %dma_start3A_151 = arith.constant 0 : i32
        %dma_start3A_152 = tpu.memref_slice %arg12[%add3A_149, %dma_start3A_151] : memref<20480x128xf32, #tpu.memory_space<hbm>> -> memref<80x128xf32, #tpu.memory_space<hbm>>
        %dma_start3A_153 = arith.constant 0 : i32
        %dma_start3A_154 = tpu.memref_slice %arg12[%add3A_149, %dma_start3A_153] : memref<20480x128xf32, #tpu.memory_space<hbm>> -> memref<80x128xf32, #tpu.memory_space<hbm>>
        tpu.enqueue_dma source(%arg28 : memref<80x128xf32, #tpu.memory_space<vmem>>) target(%dma_start3A_154 : memref<80x128xf32, #tpu.memory_space<hbm>>) target_semaphore(%run_scoped3A : memref<!tpu.dma_semaphore, #tpu.memory_space<semaphore_mem>>)
        %dma_wait3A_155 = arith.constant 0 : i32
        %dma_wait3A_156 = tpu.memref_slice %arg12[%add3A_149, %dma_wait3A_155] : memref<20480x128xf32, #tpu.memory_space<hbm>> -> memref<80x128xf32, #tpu.memory_space<hbm>>
        %dma_wait3A_157 = arith.constant 0 : i32
        %dma_wait3A_158 = tpu.memref_slice %arg12[%add3A_149, %dma_wait3A_157] : memref<20480x128xf32, #tpu.memory_space<hbm>> -> memref<80x128xf32, #tpu.memory_space<hbm>>
        tpu.wait_dma2 semaphore(%run_scoped3A : memref<!tpu.dma_semaphore, #tpu.memory_space<semaphore_mem>>) src(%arg28 : memref<80x128xf32, #tpu.memory_space<vmem>>) dst(%dma_wait3A_158 : memref<80x128xf32, #tpu.memory_space<hbm>>)
        tpu.yield
      }) : () -> ()
      "tpu.region"() ({
        %run_scoped3A = tpu.sem_alloc : memref<!tpu.dma_semaphore, #tpu.memory_space<semaphore_mem>>
        %dma_start3A_151 = arith.constant 0 : i32
        %dma_start3A_152 = tpu.memref_slice %arg31[%add3A_148, %dma_start3A_151] : memref<10240x16xf32, #tpu.memory_space<vmem_shared>> -> memref<80x16xf32, #tpu.memory_space<vmem_shared>>
        %dma_start3A_153 = arith.constant 0 : i32
        %dma_start3A_154 = tpu.memref_slice %arg31[%add3A_148, %dma_start3A_153] : memref<10240x16xf32, #tpu.memory_space<vmem_shared>> -> memref<80x16xf32, #tpu.memory_space<vmem_shared>>
        tpu.enqueue_dma source(%dma_start3A_154 : memref<80x16xf32, #tpu.memory_space<vmem_shared>>) target(%arg29 : memref<80x16xf32, #tpu.memory_space<vmem>>) target_semaphore(%run_scoped3A : memref<!tpu.dma_semaphore, #tpu.memory_space<semaphore_mem>>)
        %dma_wait3A_155 = arith.constant 0 : i32
        %dma_wait3A_156 = tpu.memref_slice %arg31[%add3A_148, %dma_wait3A_155] : memref<10240x16xf32, #tpu.memory_space<vmem_shared>> -> memref<80x16xf32, #tpu.memory_space<vmem_shared>>
        %dma_wait3A_157 = arith.constant 0 : i32
        %dma_wait3A_158 = tpu.memref_slice %arg31[%add3A_148, %dma_wait3A_157] : memref<10240x16xf32, #tpu.memory_space<vmem_shared>> -> memref<80x16xf32, #tpu.memory_space<vmem_shared>>
        tpu.wait_dma2 semaphore(%run_scoped3A : memref<!tpu.dma_semaphore, #tpu.memory_space<semaphore_mem>>) src(%dma_wait3A_158 : memref<80x16xf32, #tpu.memory_space<vmem_shared>>) dst(%arg29 : memref<80x16xf32, #tpu.memory_space<vmem>>)
        tpu.yield
      }) : () -> ()
      %add3A_150 = arith.addi %mul3A_2, %add3A_148 : i32
      "tpu.region"() ({
        %run_scoped3A = tpu.sem_alloc : memref<!tpu.dma_semaphore, #tpu.memory_space<semaphore_mem>>
        %dma_start3A_151 = arith.constant 0 : i32
        %dma_start3A_152 = tpu.memref_slice %arg13[%add3A_150, %dma_start3A_151] : memref<20480x16xf32, #tpu.memory_space<hbm>> -> memref<80x16xf32, #tpu.memory_space<hbm>>
        %dma_start3A_153 = arith.constant 0 : i32
        %dma_start3A_154 = tpu.memref_slice %arg13[%add3A_150, %dma_start3A_153] : memref<20480x16xf32, #tpu.memory_space<hbm>> -> memref<80x16xf32, #tpu.memory_space<hbm>>
        tpu.enqueue_dma source(%arg29 : memref<80x16xf32, #tpu.memory_space<vmem>>) target(%dma_start3A_154 : memref<80x16xf32, #tpu.memory_space<hbm>>) target_semaphore(%run_scoped3A : memref<!tpu.dma_semaphore, #tpu.memory_space<semaphore_mem>>)
        %dma_wait3A_155 = arith.constant 0 : i32
        %dma_wait3A_156 = tpu.memref_slice %arg13[%add3A_150, %dma_wait3A_155] : memref<20480x16xf32, #tpu.memory_space<hbm>> -> memref<80x16xf32, #tpu.memory_space<hbm>>
        %dma_wait3A_157 = arith.constant 0 : i32
        %dma_wait3A_158 = tpu.memref_slice %arg13[%add3A_150, %dma_wait3A_157] : memref<20480x16xf32, #tpu.memory_space<hbm>> -> memref<80x16xf32, #tpu.memory_space<hbm>>
        tpu.wait_dma2 semaphore(%run_scoped3A : memref<!tpu.dma_semaphore, #tpu.memory_space<semaphore_mem>>) src(%arg29 : memref<80x16xf32, #tpu.memory_space<vmem>>) dst(%dma_wait3A_158 : memref<80x16xf32, #tpu.memory_space<hbm>>)
        tpu.yield
      }) : () -> ()
    }
    %scan3A_70 = arith.constant 8 : i32
    %barrier3A_71 = arith.constant 0 : index
    tpu.barrier barrier_id(%barrier3A_71)
    %scan3A_72 = arith.constant 0 : i32
    %scan3A_73 = arith.constant 80 : i32
    %scan3A_74 = arith.addi %scan3A_72, %scan3A_73 : i32
    %scan3A_75 = arith.constant 1 : i32
    scf.for %scan3A_139 = %scan3A_72 to %scan3A_74 step %scan3A_75  : i32 {
      %mul3A_140 = arith.constant 1 : i32
      %mul3A_141 = arith.muli %scan3A_139, %mul3A_140 : i32
      %add3A_142 = arith.constant 0 : i32
      %add3A_143 = arith.addi %add3A_142, %mul3A_141 : i32
      %scan3A_144 = arith.constant 0 : i32
      %scan3A_145 = arith.constant 8 : i32
      %scan3A_146 = arith.addi %scan3A_144, %scan3A_145 : i32
      %scan3A_147 = arith.constant 1 : i32
      scf.for %scan3A_153 = %scan3A_144 to %scan3A_146 step %scan3A_147  : i32 {
        %mul3A_154 = arith.constant 16 : i32
        %mul3A_155 = arith.muli %scan3A_153, %mul3A_154 : i32
        %add3A_156 = arith.constant 0 : i32
        %add3A_157 = arith.addi %add3A_156, %mul3A_155 : i32
        %broadcast_in_dim3A_158 = arith.constant 0.000000e+00 : f32
        %broadcast_in_dim3A_159 = vector.broadcast %broadcast_in_dim3A_158 : f32 to vector<16xf32>
        %swap3A_160 = arith.index_cast %add3A_143 : i32 to index
        %swap3A_161 = arith.index_cast %add3A_157 : i32 to index
        %swap3A_162 = tpu.vector_load %arg28[%swap3A_160, %swap3A_161] {strides = array<i32>} : memref<80x128xf32, #tpu.memory_space<vmem>>, vector<16xf32>,
        tpu.vector_store %arg28[%swap3A_160, %swap3A_161], %broadcast_in_dim3A_159 {strides = array<i32>} : memref<80x128xf32, #tpu.memory_space<vmem>>, vector<16xf32>,
      }
      %scan3A_148 = arith.constant 8 : i32
      %broadcast_in_dim3A_149 = arith.constant 0.000000e+00 : f32
      %broadcast_in_dim3A_150 = vector.broadcast %broadcast_in_dim3A_149 : f32 to vector<16xf32>
      %swap3A = arith.index_cast %add3A_143 : i32 to index
      %swap3A_151 = arith.constant 0 : index
      %swap3A_152 = tpu.vector_load %arg29[%swap3A, %swap3A_151] {strides = array<i32>} : memref<80x16xf32, #tpu.memory_space<vmem>>, vector<16xf32>,
      tpu.vector_store %arg29[%swap3A, %swap3A_151], %broadcast_in_dim3A_150 {strides = array<i32>} : memref<80x16xf32, #tpu.memory_space<vmem>>, vector<16xf32>,
    }
    %scan3A_76 = arith.constant 80 : i32
    %scan3A_77 = arith.constant 0 : i32
    %scan3A_78 = arith.constant 8 : i32
    %scan3A_79 = arith.addi %scan3A_77, %scan3A_78 : i32
    %scan3A_80 = arith.constant 1 : i32
    scf.for %scan3A_139 = %scan3A_77 to %scan3A_79 step %scan3A_80  : i32 {
      %mul3A_140 = arith.constant 1 : i32
      %mul3A_141 = arith.muli %scan3A_139, %mul3A_140 : i32
      %add3A_142 = arith.constant 0 : i32
      %add3A_143 = arith.addi %add3A_142, %mul3A_141 : i32
      %mul3A_144 = arith.constant 640 : i32
      %mul3A_145 = arith.muli %arg1, %mul3A_144 : i32
      %mul3A_146 = arith.constant 80 : i32
      %mul3A_147 = arith.muli %add3A_143, %mul3A_146 : i32
      %add3A_148 = arith.addi %mul3A_145, %mul3A_147 : i32
      "tpu.region"() ({
        %run_scoped3A = tpu.sem_alloc : memref<!tpu.dma_semaphore, #tpu.memory_space<semaphore_mem>>
        %dma_start3A_154 = arith.constant 0 : i32
        %dma_start3A_155 = tpu.memref_slice %arg30[%add3A_148, %dma_start3A_154] : memref<10240x128xf32, #tpu.memory_space<vmem_shared>> -> memref<80x128xf32, #tpu.memory_space<vmem_shared>>
        %dma_start3A_156 = arith.constant 0 : i32
        %dma_start3A_157 = tpu.memref_slice %arg30[%add3A_148, %dma_start3A_156] : memref<10240x128xf32, #tpu.memory_space<vmem_shared>> -> memref<80x128xf32, #tpu.memory_space<vmem_shared>>
        tpu.enqueue_dma source(%arg28 : memref<80x128xf32, #tpu.memory_space<vmem>>) target(%dma_start3A_157 : memref<80x128xf32, #tpu.memory_space<vmem_shared>>) target_semaphore(%run_scoped3A : memref<!tpu.dma_semaphore, #tpu.memory_space<semaphore_mem>>)
        %dma_wait3A_158 = arith.constant 0 : i32
        %dma_wait3A_159 = tpu.memref_slice %arg30[%add3A_148, %dma_wait3A_158] : memref<10240x128xf32, #tpu.memory_space<vmem_shared>> -> memref<80x128xf32, #tpu.memory_space<vmem_shared>>
        %dma_wait3A_160 = arith.constant 0 : i32
        %dma_wait3A_161 = tpu.memref_slice %arg30[%add3A_148, %dma_wait3A_160] : memref<10240x128xf32, #tpu.memory_space<vmem_shared>> -> memref<80x128xf32, #tpu.memory_space<vmem_shared>>
        tpu.wait_dma2 semaphore(%run_scoped3A : memref<!tpu.dma_semaphore, #tpu.memory_space<semaphore_mem>>) src(%arg28 : memref<80x128xf32, #tpu.memory_space<vmem>>) dst(%dma_wait3A_161 : memref<80x128xf32, #tpu.memory_space<vmem_shared>>)
        tpu.yield
      }) : () -> ()
      %mul3A_149 = arith.constant 640 : i32
      %mul3A_150 = arith.muli %arg1, %mul3A_149 : i32
      %mul3A_151 = arith.constant 80 : i32
      %mul3A_152 = arith.muli %add3A_143, %mul3A_151 : i32
      %add3A_153 = arith.addi %mul3A_150, %mul3A_152 : i32
      "tpu.region"() ({
        %run_scoped3A = tpu.sem_alloc : memref<!tpu.dma_semaphore, #tpu.memory_space<semaphore_mem>>
        %dma_start3A_154 = arith.constant 0 : i32
        %dma_start3A_155 = tpu.memref_slice %arg31[%add3A_153, %dma_start3A_154] : memref<10240x16xf32, #tpu.memory_space<vmem_shared>> -> memref<80x16xf32, #tpu.memory_space<vmem_shared>>
        %dma_start3A_156 = arith.constant 0 : i32
        %dma_start3A_157 = tpu.memref_slice %arg31[%add3A_153, %dma_start3A_156] : memref<10240x16xf32, #tpu.memory_space<vmem_shared>> -> memref<80x16xf32, #tpu.memory_space<vmem_shared>>
        tpu.enqueue_dma source(%arg29 : memref<80x16xf32, #tpu.memory_space<vmem>>) target(%dma_start3A_157 : memref<80x16xf32, #tpu.memory_space<vmem_shared>>) target_semaphore(%run_scoped3A : memref<!tpu.dma_semaphore, #tpu.memory_space<semaphore_mem>>)
        %dma_wait3A_158 = arith.constant 0 : i32
        %dma_wait3A_159 = tpu.memref_slice %arg31[%add3A_153, %dma_wait3A_158] : memref<10240x16xf32, #tpu.memory_space<vmem_shared>> -> memref<80x16xf32, #tpu.memory_space<vmem_shared>>
        %dma_wait3A_160 = arith.constant 0 : i32
        %dma_wait3A_161 = tpu.memref_slice %arg31[%add3A_153, %dma_wait3A_160] : memref<10240x16xf32, #tpu.memory_space<vmem_shared>> -> memref<80x16xf32, #tpu.memory_space<vmem_shared>>
        tpu.wait_dma2 semaphore(%run_scoped3A : memref<!tpu.dma_semaphore, #tpu.memory_space<semaphore_mem>>) src(%arg29 : memref<80x16xf32, #tpu.memory_space<vmem>>) dst(%dma_wait3A_161 : memref<80x16xf32, #tpu.memory_space<vmem_shared>>)
        tpu.yield
      }) : () -> ()
    }
    %scan3A_81 = arith.constant 8 : i32
    %barrier3A_82 = arith.constant 0 : index
    tpu.barrier barrier_id(%barrier3A_82)
    %mul3A_83 = arith.constant 20000 : i32
    %mul3A_84 = arith.muli %arg1, %mul3A_83 : i32
    %add3A_85 = arith.constant 0 : i32
    %add3A_86 = arith.addi %mul3A_84, %add3A_85 : i32
    %dma_start3A_87 = tpu.memref_slice %arg10[%add3A_86] : memref<320000xi32, #tpu.memory_space<hbm>> -> memref<80xi32, #tpu.memory_space<hbm>>
    %dma_start3A_88 = tpu.memref_slice %arg10[%add3A_86] : memref<320000xi32, #tpu.memory_space<hbm>> -> memref<80xi32, #tpu.memory_space<hbm>>
    tpu.enqueue_dma source(%dma_start3A_88 : memref<80xi32, #tpu.memory_space<hbm>>) target(%arg16 : memref<80xi32, #tpu.memory_space<vmem>>) target_semaphore(%arg32 : memref<!tpu.dma_semaphore, #tpu.memory_space<semaphore_mem>>)
    %dma_start3A_89 = tpu.memref_slice %arg11[%add3A_86] : memref<320000xi32, #tpu.memory_space<hbm>> -> memref<80xi32, #tpu.memory_space<hbm>>
    %dma_start3A_90 = tpu.memref_slice %arg11[%add3A_86] : memref<320000xi32, #tpu.memory_space<hbm>> -> memref<80xi32, #tpu.memory_space<hbm>>
    tpu.enqueue_dma source(%dma_start3A_90 : memref<80xi32, #tpu.memory_space<hbm>>) target(%arg18 : memref<80xi32, #tpu.memory_space<vmem>>) target_semaphore(%arg32 : memref<!tpu.dma_semaphore, #tpu.memory_space<semaphore_mem>>)
    %mul3A_91 = arith.constant 20000 : i32
    %mul3A_92 = arith.muli %arg1, %mul3A_91 : i32
    %add3A_93 = arith.constant 80 : i32
    %add3A_94 = arith.addi %mul3A_92, %add3A_93 : i32
    %dma_start3A_95 = tpu.memref_slice %arg10[%add3A_94] : memref<320000xi32, #tpu.memory_space<hbm>> -> memref<80xi32, #tpu.memory_space<hbm>>
    %dma_start3A_96 = tpu.memref_slice %arg10[%add3A_94] : memref<320000xi32, #tpu.memory_space<hbm>> -> memref<80xi32, #tpu.memory_space<hbm>>
    tpu.enqueue_dma source(%dma_start3A_96 : memref<80xi32, #tpu.memory_space<hbm>>) target(%arg17 : memref<80xi32, #tpu.memory_space<vmem>>) target_semaphore(%arg33 : memref<!tpu.dma_semaphore, #tpu.memory_space<semaphore_mem>>)
    %dma_start3A_97 = tpu.memref_slice %arg11[%add3A_94] : memref<320000xi32, #tpu.memory_space<hbm>> -> memref<80xi32, #tpu.memory_space<hbm>>
    %dma_start3A_98 = tpu.memref_slice %arg11[%add3A_94] : memref<320000xi32, #tpu.memory_space<hbm>> -> memref<80xi32, #tpu.memory_space<hbm>>
    tpu.enqueue_dma source(%dma_start3A_98 : memref<80xi32, #tpu.memory_space<hbm>>) target(%arg19 : memref<80xi32, #tpu.memory_space<vmem>>) target_semaphore(%arg33 : memref<!tpu.dma_semaphore, #tpu.memory_space<semaphore_mem>>)
    %mul3A_99 = arith.constant 20000 : i32
    %mul3A_100 = arith.muli %arg1, %mul3A_99 : i32
    %add3A_101 = arith.constant 0 : i32
    %add3A_102 = arith.addi %mul3A_100, %add3A_101 : i32
    %dma_wait3A_103 = tpu.memref_slice %arg10[%add3A_102] : memref<320000xi32, #tpu.memory_space<hbm>> -> memref<80xi32, #tpu.memory_space<hbm>>
    %dma_wait3A_104 = tpu.memref_slice %arg10[%add3A_102] : memref<320000xi32, #tpu.memory_space<hbm>> -> memref<80xi32, #tpu.memory_space<hbm>>
    tpu.wait_dma2 semaphore(%arg32 : memref<!tpu.dma_semaphore, #tpu.memory_space<semaphore_mem>>) src(%dma_wait3A_104 : memref<80xi32, #tpu.memory_space<hbm>>) dst(%arg16 : memref<80xi32, #tpu.memory_space<vmem>>)
    %dma_wait3A_105 = tpu.memref_slice %arg11[%add3A_102] : memref<320000xi32, #tpu.memory_space<hbm>> -> memref<80xi32, #tpu.memory_space<hbm>>
    %dma_wait3A_106 = tpu.memref_slice %arg11[%add3A_102] : memref<320000xi32, #tpu.memory_space<hbm>> -> memref<80xi32, #tpu.memory_space<hbm>>
    tpu.wait_dma2 semaphore(%arg32 : memref<!tpu.dma_semaphore, #tpu.memory_space<semaphore_mem>>) src(%dma_wait3A_106 : memref<80xi32, #tpu.memory_space<hbm>>) dst(%arg18 : memref<80xi32, #tpu.memory_space<vmem>>)
    %scan3A_107 = arith.constant 0 : i32
    %scan3A_108 = arith.constant 5 : i32
    %scan3A_109 = arith.addi %scan3A_107, %scan3A_108 : i32
    %scan3A_110 = arith.constant 1 : i32
    scf.for %scan3A_139 = %scan3A_107 to %scan3A_109 step %scan3A_110  : i32 {
      %mul3A_140 = arith.constant 16 : i32
      %mul3A_141 = arith.muli %scan3A_139, %mul3A_140 : i32
      %add3A_142 = arith.constant 0 : i32
      %add3A_143 = arith.addi %add3A_142, %mul3A_141 : i32
      %get3A = arith.index_cast %add3A_143 : i32 to index
      %get3A_144 = tpu.vector_load %arg16[%get3A] {strides = array<i32>} : memref<80xi32, #tpu.memory_space<vmem>>, vector<16xi32>,
      %add3A_145 = vector.broadcast %mul3A_0 : i32 to vector<16xi32>
      %add3A_146 = arith.addi %get3A_144, %add3A_145 : vector<16xi32>
      %swap3A = arith.index_cast %add3A_143 : i32 to index
      %swap3A_147 = tpu.vector_load %arg16[%swap3A] {strides = array<i32>} : memref<80xi32, #tpu.memory_space<vmem>>, vector<16xi32>,
      tpu.vector_store %arg16[%swap3A], %add3A_146 {strides = array<i32>} : memref<80xi32, #tpu.memory_space<vmem>>, vector<16xi32>,
    }
    %scan3A_111 = arith.constant 5 : i32
    %dma_start3A_112 = arith.constant 0 : i32
    %dma_start3A_113 = arith.constant 0 : i32
    %dma_start3A_114 = tpu.memref_slice %arg7[%dma_start3A_112, %dma_start3A_113] : memref<20000x128xbf16, #tpu.memory_space<hbm>> -> memref<20000x128xbf16, #tpu.memory_space<hbm>>
    tpu.enqueue_indirect_dma source(%dma_start3A_114 : memref<20000x128xbf16, #tpu.memory_space<hbm>>) target(%arg26 : memref<80x128xbf16, #tpu.memory_space<vmem>>) offsets(%arg16 : memref<80xi32, #tpu.memory_space<vmem>>) semaphore(%arg34 : memref<!tpu.dma_semaphore, #tpu.memory_space<semaphore_mem>>)
    %dma_start3A_115 = arith.constant 0 : i32
    %dma_start3A_116 = arith.constant 0 : i32
    %dma_start3A_117 = tpu.memref_slice %arg8[%dma_start3A_115, %dma_start3A_116] : memref<20000x16xf32, #tpu.memory_space<hbm>> -> memref<20000x16xf32, #tpu.memory_space<hbm>>
    tpu.enqueue_indirect_dma source(%dma_start3A_117 : memref<20000x16xf32, #tpu.memory_space<hbm>>) target(%arg22 : memref<80x16xf32, #tpu.memory_space<vmem>>) offsets(%arg16 : memref<80xi32, #tpu.memory_space<vmem>>) semaphore(%arg34 : memref<!tpu.dma_semaphore, #tpu.memory_space<semaphore_mem>>)
    %dma_start3A_118 = arith.constant 0 : i32
    %dma_start3A_119 = arith.constant 0 : i32
    %dma_start3A_120 = tpu.memref_slice %arg9[%dma_start3A_118, %dma_start3A_119] : memref<10000x16xf32, #tpu.memory_space<hbm>> -> memref<10000x16xf32, #tpu.memory_space<hbm>>
    tpu.enqueue_indirect_dma source(%dma_start3A_120 : memref<10000x16xf32, #tpu.memory_space<hbm>>) target(%arg24 : memref<80x16xf32, #tpu.memory_space<vmem>>) offsets(%arg18 : memref<80xi32, #tpu.memory_space<vmem>>) semaphore(%arg34 : memref<!tpu.dma_semaphore, #tpu.memory_space<semaphore_mem>>)
    %scan3A_121 = arith.constant 0 : i32
    %scan3A_122 = arith.constant 125 : i32
    %scan3A_123 = arith.addi %scan3A_121, %scan3A_122 : i32
    %scan3A_124 = arith.constant 1 : i32
    scf.for %scan3A_139 = %scan3A_121 to %scan3A_123 step %scan3A_124  : i32 {
      %mul3A_140 = arith.constant 2 : i32
      %mul3A_141 = arith.muli %scan3A_139, %mul3A_140 : i32
      %add3A_142 = arith.constant 0 : i32
      %add3A_143 = arith.addi %add3A_142, %mul3A_141 : i32
      %add3A_144 = arith.constant 1 : i32
      %add3A_145 = arith.addi %add3A_143, %add3A_144 : i32
      %mul3A_146 = arith.constant 20000 : i32
      %mul3A_147 = arith.muli %arg1, %mul3A_146 : i32
      %mul3A_148 = arith.constant 80 : i32
      %mul3A_149 = arith.muli %add3A_145, %mul3A_148 : i32
      %add3A_150 = arith.addi %mul3A_147, %mul3A_149 : i32
      %dma_wait3A_151 = tpu.memref_slice %arg10[%add3A_150] : memref<320000xi32, #tpu.memory_space<hbm>> -> memref<80xi32, #tpu.memory_space<hbm>>
      %dma_wait3A_152 = tpu.memref_slice %arg10[%add3A_150] : memref<320000xi32, #tpu.memory_space<hbm>> -> memref<80xi32, #tpu.memory_space<hbm>>
      tpu.wait_dma2 semaphore(%arg33 : memref<!tpu.dma_semaphore, #tpu.memory_space<semaphore_mem>>) src(%dma_wait3A_152 : memref<80xi32, #tpu.memory_space<hbm>>) dst(%arg17 : memref<80xi32, #tpu.memory_space<vmem>>)
      %dma_wait3A_153 = tpu.memref_slice %arg11[%add3A_150] : memref<320000xi32, #tpu.memory_space<hbm>> -> memref<80xi32, #tpu.memory_space<hbm>>
      %dma_wait3A_154 = tpu.memref_slice %arg11[%add3A_150] : memref<320000xi32, #tpu.memory_space<hbm>> -> memref<80xi32, #tpu.memory_space<hbm>>
      tpu.wait_dma2 semaphore(%arg33 : memref<!tpu.dma_semaphore, #tpu.memory_space<semaphore_mem>>) src(%dma_wait3A_154 : memref<80xi32, #tpu.memory_space<hbm>>) dst(%arg19 : memref<80xi32, #tpu.memory_space<vmem>>)
      %scan3A_155 = arith.constant 0 : i32
      %scan3A_156 = arith.constant 5 : i32
      %scan3A_157 = arith.addi %scan3A_155, %scan3A_156 : i32
      %scan3A_158 = arith.constant 1 : i32
      scf.for %scan3A_238 = %scan3A_155 to %scan3A_157 step %scan3A_158  : i32 {
        %mul3A_239 = arith.constant 16 : i32
        %mul3A_240 = arith.muli %scan3A_238, %mul3A_239 : i32
        %add3A_241 = arith.constant 0 : i32
        %add3A_242 = arith.addi %add3A_241, %mul3A_240 : i32
        %get3A = arith.index_cast %add3A_242 : i32 to index
        %get3A_243 = tpu.vector_load %arg17[%get3A] {strides = array<i32>} : memref<80xi32, #tpu.memory_space<vmem>>, vector<16xi32>,
        %add3A_244 = vector.broadcast %mul3A_0 : i32 to vector<16xi32>
        %add3A_245 = arith.addi %get3A_243, %add3A_244 : vector<16xi32>
        %swap3A = arith.index_cast %add3A_242 : i32 to index
        %swap3A_246 = tpu.vector_load %arg17[%swap3A] {strides = array<i32>} : memref<80xi32, #tpu.memory_space<vmem>>, vector<16xi32>,
        tpu.vector_store %arg17[%swap3A], %add3A_245 {strides = array<i32>} : memref<80xi32, #tpu.memory_space<vmem>>, vector<16xi32>,
      }
      %scan3A_159 = arith.constant 5 : i32
      %dma_start3A_160 = arith.constant 0 : i32
      %dma_start3A_161 = arith.constant 0 : i32
      %dma_start3A_162 = tpu.memref_slice %arg7[%dma_start3A_160, %dma_start3A_161] : memref<20000x128xbf16, #tpu.memory_space<hbm>> -> memref<20000x128xbf16, #tpu.memory_space<hbm>>
      tpu.enqueue_indirect_dma source(%dma_start3A_162 : memref<20000x128xbf16, #tpu.memory_space<hbm>>) target(%arg27 : memref<80x128xbf16, #tpu.memory_space<vmem>>) offsets(%arg17 : memref<80xi32, #tpu.memory_space<vmem>>) semaphore(%arg35 : memref<!tpu.dma_semaphore, #tpu.memory_space<semaphore_mem>>)
      %dma_start3A_163 = arith.constant 0 : i32
      %dma_start3A_164 = arith.constant 0 : i32
      %dma_start3A_165 = tpu.memref_slice %arg8[%dma_start3A_163, %dma_start3A_164] : memref<20000x16xf32, #tpu.memory_space<hbm>> -> memref<20000x16xf32, #tpu.memory_space<hbm>>
      tpu.enqueue_indirect_dma source(%dma_start3A_165 : memref<20000x16xf32, #tpu.memory_space<hbm>>) target(%arg23 : memref<80x16xf32, #tpu.memory_space<vmem>>) offsets(%arg17 : memref<80xi32, #tpu.memory_space<vmem>>) semaphore(%arg35 : memref<!tpu.dma_semaphore, #tpu.memory_space<semaphore_mem>>)
      %dma_start3A_166 = arith.constant 0 : i32
      %dma_start3A_167 = arith.constant 0 : i32
      %dma_start3A_168 = tpu.memref_slice %arg9[%dma_start3A_166, %dma_start3A_167] : memref<10000x16xf32, #tpu.memory_space<hbm>> -> memref<10000x16xf32, #tpu.memory_space<hbm>>
      tpu.enqueue_indirect_dma source(%dma_start3A_168 : memref<10000x16xf32, #tpu.memory_space<hbm>>) target(%arg25 : memref<80x16xf32, #tpu.memory_space<vmem>>) offsets(%arg19 : memref<80xi32, #tpu.memory_space<vmem>>) semaphore(%arg35 : memref<!tpu.dma_semaphore, #tpu.memory_space<semaphore_mem>>)
      %dma_wait3A_169 = arith.constant 0 : i32
      %dma_wait3A_170 = arith.constant 0 : i32
      %dma_wait3A_171 = tpu.memref_slice %arg7[%dma_wait3A_169, %dma_wait3A_170] : memref<20000x128xbf16, #tpu.memory_space<hbm>> -> memref<20000x128xbf16, #tpu.memory_space<hbm>>
      tpu.wait_indirect_dma semaphore(%arg34 : memref<!tpu.dma_semaphore, #tpu.memory_space<semaphore_mem>>) src(%dma_wait3A_171 : memref<20000x128xbf16, #tpu.memory_space<hbm>>) dst(%arg26 : memref<80x128xbf16, #tpu.memory_space<vmem>>)
      %dma_wait3A_172 = arith.constant 0 : i32
      %dma_wait3A_173 = arith.constant 0 : i32
      %dma_wait3A_174 = tpu.memref_slice %arg8[%dma_wait3A_172, %dma_wait3A_173] : memref<20000x16xf32, #tpu.memory_space<hbm>> -> memref<20000x16xf32, #tpu.memory_space<hbm>>
      tpu.wait_indirect_dma semaphore(%arg34 : memref<!tpu.dma_semaphore, #tpu.memory_space<semaphore_mem>>) src(%dma_wait3A_174 : memref<20000x16xf32, #tpu.memory_space<hbm>>) dst(%arg22 : memref<80x16xf32, #tpu.memory_space<vmem>>)
      %dma_wait3A_175 = arith.constant 0 : i32
      %dma_wait3A_176 = arith.constant 0 : i32
      %dma_wait3A_177 = tpu.memref_slice %arg9[%dma_wait3A_175, %dma_wait3A_176] : memref<10000x16xf32, #tpu.memory_space<hbm>> -> memref<10000x16xf32, #tpu.memory_space<hbm>>
      tpu.wait_indirect_dma semaphore(%arg34 : memref<!tpu.dma_semaphore, #tpu.memory_space<semaphore_mem>>) src(%dma_wait3A_177 : memref<10000x16xf32, #tpu.memory_space<hbm>>) dst(%arg24 : memref<80x16xf32, #tpu.memory_space<vmem>>)
      %eq3A = arith.constant 0 : i32
      %eq3A_178 = arith.cmpi eq, %add3A_143, %eq3A : i32
      %not3A = arith.constant true
      %not3A_179 = arith.xori %eq3A_178, %not3A : i1
      %convert_element_type3A = arith.extui %not3A_179 : i1 to i32
      %cond3A = arith.constant 0 : i32
      %cond3A_180 = arith.cmpi ne, %convert_element_type3A, %cond3A : i32
      scf.if %cond3A_180 {
        %dma_wait3A_238 = arith.constant 0 : i32
        %dma_wait3A_239 = arith.constant 0 : i32
        %dma_wait3A_240 = tpu.memref_slice %arg30[%dma_wait3A_238, %dma_wait3A_239] : memref<10240x128xf32, #tpu.memory_space<vmem_shared>> -> memref<10240x128xf32, #tpu.memory_space<vmem_shared>>
        tpu.wait_indirect_dma semaphore(%arg36 : memref<!tpu.dma_semaphore, #tpu.memory_space<semaphore_mem>>) src(%arg28 : memref<80x128xf32, #tpu.memory_space<vmem>>) dst(%dma_wait3A_240 : memref<10240x128xf32, #tpu.memory_space<vmem_shared>>)
        %dma_wait3A_241 = arith.constant 0 : i32
        %dma_wait3A_242 = arith.constant 0 : i32
        %dma_wait3A_243 = tpu.memref_slice %arg31[%dma_wait3A_241, %dma_wait3A_242] : memref<10240x16xf32, #tpu.memory_space<vmem_shared>> -> memref<10240x16xf32, #tpu.memory_space<vmem_shared>>
        tpu.wait_indirect_dma semaphore(%arg36 : memref<!tpu.dma_semaphore, #tpu.memory_space<semaphore_mem>>) src(%arg29 : memref<80x16xf32, #tpu.memory_space<vmem>>) dst(%dma_wait3A_243 : memref<10240x16xf32, #tpu.memory_space<vmem_shared>>)
      } else {
      }
      %scan3A_181 = arith.constant 0 : i32
      %scan3A_182 = arith.constant 5 : i32
      %scan3A_183 = arith.addi %scan3A_181, %scan3A_182 : i32
      %scan3A_184 = arith.constant 1 : i32
      scf.for %scan3A_238 = %scan3A_181 to %scan3A_183 step %scan3A_184  : i32 {
        %mul3A_239 = arith.constant 16 : i32
        %mul3A_240 = arith.muli %scan3A_238, %mul3A_239 : i32
        %add3A_241 = arith.constant 0 : i32
        %add3A_242 = arith.addi %add3A_241, %mul3A_240 : i32
        %get3A = arith.index_cast %add3A_242 : i32 to index
        %get3A_243 = tpu.vector_load %arg18[%get3A] {strides = array<i32>} : memref<80xi32, #tpu.memory_space<vmem>>, vector<16xi32>,
        %swap3A = arith.index_cast %add3A_242 : i32 to index
        %swap3A_244 = tpu.vector_load %arg20[%swap3A] {strides = array<i32>} : memref<80xi32, #tpu.memory_space<vmem>>, vector<16xi32>,
        tpu.vector_store %arg20[%swap3A], %get3A_243 {strides = array<i32>} : memref<80xi32, #tpu.memory_space<vmem>>, vector<16xi32>,
      }
      %scan3A_185 = arith.constant 5 : i32
      %parallel_loop3A = arith.constant 0 : i32
      %parallel_loop3A_186 = arith.constant 80 : i32
      %parallel_loop3A_187 = arith.constant 1 : i32
      scf.for %parallel_loop3A_238 = %parallel_loop3A to %parallel_loop3A_186 step %parallel_loop3A_187  : i32 {
        %parallel_loop3A_239 = arith.index_cast %parallel_loop3A_238 : i32 to index
        %parallel_loop3A_240 = arith.constant 0 : index
        %parallel_loop3A_241 = tpu.vector_load %arg22[%parallel_loop3A_239, %parallel_loop3A_240] {strides = array<i32>} : memref<80x16xf32, #tpu.memory_space<vmem>>, vector<16xf32>,
        %parallel_loop3A_242 = arith.index_cast %parallel_loop3A_238 : i32 to index
        %parallel_loop3A_243 = arith.constant 0 : index
        %parallel_loop3A_244 = tpu.vector_load %arg24[%parallel_loop3A_242, %parallel_loop3A_243] {strides = array<i32>} : memref<80x16xf32, #tpu.memory_space<vmem>>, vector<16xf32>,
        %parallel_loop3A_245 = arith.addf %parallel_loop3A_241, %parallel_loop3A_244 : vector<16xf32>
        %parallel_loop3A_246 = arith.constant 2.000000e-01 : f32
        %parallel_loop3A_247 = vector.broadcast %parallel_loop3A_246 : f32 to vector<16xf32>
        %parallel_loop3A_248 = arith.mulf %parallel_loop3A_247, %parallel_loop3A_245 : vector<16xf32>
        %parallel_loop3A_249 = arith.maximumf %parallel_loop3A_245, %parallel_loop3A_248 : vector<16xf32>
        %parallel_loop3A_250 = math.exp %parallel_loop3A_249 : vector<16xf32>
        %parallel_loop3A_251 = arith.index_cast %parallel_loop3A_238 : i32 to index
        %parallel_loop3A_252 = arith.constant 0 : index
        %parallel_loop3A_253 = tpu.vector_load %arg29[%parallel_loop3A_251, %parallel_loop3A_252] {strides = array<i32>} : memref<80x16xf32, #tpu.memory_space<vmem>>, vector<16xf32>,
        tpu.vector_store %arg29[%parallel_loop3A_251, %parallel_loop3A_252], %parallel_loop3A_250 {strides = array<i32>} : memref<80x16xf32, #tpu.memory_space<vmem>>, vector<16xf32>,
      } {sc.loop_unroll_factor = 4 : i64, sc.parallel_access}
      %parallel_loop3A_188 = arith.constant 0 : i32
      %parallel_loop3A_189 = arith.constant 80 : i32
      %parallel_loop3A_190 = arith.constant 1 : i32
      scf.for %parallel_loop3A_238 = %parallel_loop3A_188 to %parallel_loop3A_189 step %parallel_loop3A_190  : i32 {
        %parallel_loop3A_239 = vector.broadcast %parallel_loop3A_238 : i32 to vector<16xi32>
        %parallel_loop3A_240 = tpu.vector_load_idx %arg29[%parallel_loop3A_239, %broadcast_in_dim3A] : memref<80x16xf32, #tpu.memory_space<vmem>>[vector<16xi32>, vector<16xi32>], vector<16xf32>,
        %parallel_loop3A_241 = tpu.vector_load_idx %arg29[%parallel_loop3A_239, %add3A_8] : memref<80x16xf32, #tpu.memory_space<vmem>>[vector<16xi32>, vector<16xi32>], vector<16xf32>,
        %parallel_loop3A_242 = arith.index_cast %parallel_loop3A_238 : i32 to index
        %parallel_loop3A_243 = arith.constant 0 : index
        %parallel_loop3A_244 = tpu.vector_load %arg26[%parallel_loop3A_242, %parallel_loop3A_243] {strides = array<i32>} : memref<80x128xbf16, #tpu.memory_space<vmem>>, vector<32xbf16>,
        %parallel_loop3A_245 = tpu.unpack_subelements %parallel_loop3A_244, 0 {pack_format = #tpu.pack_format<interleaved>} : vector<32xbf16> -> vector<16xf32>
        %parallel_loop3A_246 = tpu.unpack_subelements %parallel_loop3A_244, 1 {pack_format = #tpu.pack_format<interleaved>} : vector<32xbf16> -> vector<16xf32>
        %parallel_loop3A_247 = arith.mulf %parallel_loop3A_245, %parallel_loop3A_240 : vector<16xf32>
        %parallel_loop3A_248 = arith.index_cast %parallel_loop3A_238 : i32 to index
        %parallel_loop3A_249 = arith.constant 0 : index
        %parallel_loop3A_250 = tpu.vector_load %arg28[%parallel_loop3A_248, %parallel_loop3A_249] {strides = array<i32>} : memref<80x128xf32, #tpu.memory_space<vmem>>, vector<16xf32>,
        tpu.vector_store %arg28[%parallel_loop3A_248, %parallel_loop3A_249], %parallel_loop3A_247 {strides = array<i32>} : memref<80x128xf32, #tpu.memory_space<vmem>>, vector<16xf32>,
        %parallel_loop3A_251 = arith.mulf %parallel_loop3A_246, %parallel_loop3A_240 : vector<16xf32>
        %parallel_loop3A_252 = arith.index_cast %parallel_loop3A_238 : i32 to index
        %parallel_loop3A_253 = arith.constant 16 : index
        %parallel_loop3A_254 = tpu.vector_load %arg28[%parallel_loop3A_252, %parallel_loop3A_253] {strides = array<i32>} : memref<80x128xf32, #tpu.memory_space<vmem>>, vector<16xf32>,
        tpu.vector_store %arg28[%parallel_loop3A_252, %parallel_loop3A_253], %parallel_loop3A_251 {strides = array<i32>} : memref<80x128xf32, #tpu.memory_space<vmem>>, vector<16xf32>,
        %parallel_loop3A_255 = arith.index_cast %parallel_loop3A_238 : i32 to index
        %parallel_loop3A_256 = arith.constant 32 : index
        %parallel_loop3A_257 = tpu.vector_load %arg26[%parallel_loop3A_255, %parallel_loop3A_256] {strides = array<i32>} : memref<80x128xbf16, #tpu.memory_space<vmem>>, vector<32xbf16>,
        %parallel_loop3A_258 = tpu.unpack_subelements %parallel_loop3A_257, 0 {pack_format = #tpu.pack_format<interleaved>} : vector<32xbf16> -> vector<16xf32>
        %parallel_loop3A_259 = tpu.unpack_subelements %parallel_loop3A_257, 1 {pack_format = #tpu.pack_format<interleaved>} : vector<32xbf16> -> vector<16xf32>
        %parallel_loop3A_260 = arith.mulf %parallel_loop3A_258, %parallel_loop3A_240 : vector<16xf32>
        %parallel_loop3A_261 = arith.index_cast %parallel_loop3A_238 : i32 to index
        %parallel_loop3A_262 = arith.constant 32 : index
        %parallel_loop3A_263 = tpu.vector_load %arg28[%parallel_loop3A_261, %parallel_loop3A_262] {strides = array<i32>} : memref<80x128xf32, #tpu.memory_space<vmem>>, vector<16xf32>,
        tpu.vector_store %arg28[%parallel_loop3A_261, %parallel_loop3A_262], %parallel_loop3A_260 {strides = array<i32>} : memref<80x128xf32, #tpu.memory_space<vmem>>, vector<16xf32>,
        %parallel_loop3A_264 = arith.mulf %parallel_loop3A_259, %parallel_loop3A_240 : vector<16xf32>
        %parallel_loop3A_265 = arith.index_cast %parallel_loop3A_238 : i32 to index
        %parallel_loop3A_266 = arith.constant 48 : index
        %parallel_loop3A_267 = tpu.vector_load %arg28[%parallel_loop3A_265, %parallel_loop3A_266] {strides = array<i32>} : memref<80x128xf32, #tpu.memory_space<vmem>>, vector<16xf32>,
        tpu.vector_store %arg28[%parallel_loop3A_265, %parallel_loop3A_266], %parallel_loop3A_264 {strides = array<i32>} : memref<80x128xf32, #tpu.memory_space<vmem>>, vector<16xf32>,
        %parallel_loop3A_268 = arith.index_cast %parallel_loop3A_238 : i32 to index
        %parallel_loop3A_269 = arith.constant 64 : index
        %parallel_loop3A_270 = tpu.vector_load %arg26[%parallel_loop3A_268, %parallel_loop3A_269] {strides = array<i32>} : memref<80x128xbf16, #tpu.memory_space<vmem>>, vector<32xbf16>,
        %parallel_loop3A_271 = tpu.unpack_subelements %parallel_loop3A_270, 0 {pack_format = #tpu.pack_format<interleaved>} : vector<32xbf16> -> vector<16xf32>
        %parallel_loop3A_272 = tpu.unpack_subelements %parallel_loop3A_270, 1 {pack_format = #tpu.pack_format<interleaved>} : vector<32xbf16> -> vector<16xf32>
        %parallel_loop3A_273 = arith.mulf %parallel_loop3A_271, %parallel_loop3A_241 : vector<16xf32>
        %parallel_loop3A_274 = arith.index_cast %parallel_loop3A_238 : i32 to index
        %parallel_loop3A_275 = arith.constant 64 : index
        %parallel_loop3A_276 = tpu.vector_load %arg28[%parallel_loop3A_274, %parallel_loop3A_275] {strides = array<i32>} : memref<80x128xf32, #tpu.memory_space<vmem>>, vector<16xf32>,
        tpu.vector_store %arg28[%parallel_loop3A_274, %parallel_loop3A_275], %parallel_loop3A_273 {strides = array<i32>} : memref<80x128xf32, #tpu.memory_space<vmem>>, vector<16xf32>,
        %parallel_loop3A_277 = arith.mulf %parallel_loop3A_272, %parallel_loop3A_241 : vector<16xf32>
        %parallel_loop3A_278 = arith.index_cast %parallel_loop3A_238 : i32 to index
        %parallel_loop3A_279 = arith.constant 80 : index
        %parallel_loop3A_280 = tpu.vector_load %arg28[%parallel_loop3A_278, %parallel_loop3A_279] {strides = array<i32>} : memref<80x128xf32, #tpu.memory_space<vmem>>, vector<16xf32>,
        tpu.vector_store %arg28[%parallel_loop3A_278, %parallel_loop3A_279], %parallel_loop3A_277 {strides = array<i32>} : memref<80x128xf32, #tpu.memory_space<vmem>>, vector<16xf32>,
        %parallel_loop3A_281 = arith.index_cast %parallel_loop3A_238 : i32 to index
        %parallel_loop3A_282 = arith.constant 96 : index
        %parallel_loop3A_283 = tpu.vector_load %arg26[%parallel_loop3A_281, %parallel_loop3A_282] {strides = array<i32>} : memref<80x128xbf16, #tpu.memory_space<vmem>>, vector<32xbf16>,
        %parallel_loop3A_284 = tpu.unpack_subelements %parallel_loop3A_283, 0 {pack_format = #tpu.pack_format<interleaved>} : vector<32xbf16> -> vector<16xf32>
        %parallel_loop3A_285 = tpu.unpack_subelements %parallel_loop3A_283, 1 {pack_format = #tpu.pack_format<interleaved>} : vector<32xbf16> -> vector<16xf32>
        %parallel_loop3A_286 = arith.mulf %parallel_loop3A_284, %parallel_loop3A_241 : vector<16xf32>
        %parallel_loop3A_287 = arith.index_cast %parallel_loop3A_238 : i32 to index
        %parallel_loop3A_288 = arith.constant 96 : index
        %parallel_loop3A_289 = tpu.vector_load %arg28[%parallel_loop3A_287, %parallel_loop3A_288] {strides = array<i32>} : memref<80x128xf32, #tpu.memory_space<vmem>>, vector<16xf32>,
        tpu.vector_store %arg28[%parallel_loop3A_287, %parallel_loop3A_288], %parallel_loop3A_286 {strides = array<i32>} : memref<80x128xf32, #tpu.memory_space<vmem>>, vector<16xf32>,
        %parallel_loop3A_290 = arith.mulf %parallel_loop3A_285, %parallel_loop3A_241 : vector<16xf32>
        %parallel_loop3A_291 = arith.index_cast %parallel_loop3A_238 : i32 to index
        %parallel_loop3A_292 = arith.constant 112 : index
        %parallel_loop3A_293 = tpu.vector_load %arg28[%parallel_loop3A_291, %parallel_loop3A_292] {strides = array<i32>} : memref<80x128xf32, #tpu.memory_space<vmem>>, vector<16xf32>,
        tpu.vector_store %arg28[%parallel_loop3A_291, %parallel_loop3A_292], %parallel_loop3A_290 {strides = array<i32>} : memref<80x128xf32, #tpu.memory_space<vmem>>, vector<16xf32>,
      } {sc.loop_unroll_factor = 4 : i64, sc.parallel_access}
      %dma_start3A_191 = arith.constant 0 : i32
      %dma_start3A_192 = arith.constant 0 : i32
      %dma_start3A_193 = tpu.memref_slice %arg30[%dma_start3A_191, %dma_start3A_192] : memref<10240x128xf32, #tpu.memory_space<vmem_shared>> -> memref<10240x128xf32, #tpu.memory_space<vmem_shared>>
      tpu.enqueue_indirect_dma source(%arg28 : memref<80x128xf32, #tpu.memory_space<vmem>>) target(%dma_start3A_193 : memref<10240x128xf32, #tpu.memory_space<vmem_shared>>) offsets(%arg20 : memref<80xi32, #tpu.memory_space<vmem>>) semaphore(%arg36 : memref<!tpu.dma_semaphore, #tpu.memory_space<semaphore_mem>>) {add = true}
      %dma_start3A_194 = arith.constant 0 : i32
      %dma_start3A_195 = arith.constant 0 : i32
      %dma_start3A_196 = tpu.memref_slice %arg31[%dma_start3A_194, %dma_start3A_195] : memref<10240x16xf32, #tpu.memory_space<vmem_shared>> -> memref<10240x16xf32, #tpu.memory_space<vmem_shared>>
      tpu.enqueue_indirect_dma source(%arg29 : memref<80x16xf32, #tpu.memory_space<vmem>>) target(%dma_start3A_196 : memref<10240x16xf32, #tpu.memory_space<vmem_shared>>) offsets(%arg20 : memref<80xi32, #tpu.memory_space<vmem>>) semaphore(%arg36 : memref<!tpu.dma_semaphore, #tpu.memory_space<semaphore_mem>>) {add = true}
      %lt3A = arith.constant 248 : i32
      %lt3A_197 = arith.cmpi slt, %add3A_143, %lt3A : i32
      %convert_element_type3A_198 = arith.extui %lt3A_197 : i1 to i32
      %cond3A_199 = arith.constant 0 : i32
      %cond3A_200 = arith.cmpi ne, %convert_element_type3A_198, %cond3A_199 : i32
      scf.if %cond3A_200 {
        %add3A_238 = arith.constant 2 : i32
        %add3A_239 = arith.addi %add3A_143, %add3A_238 : i32
        %mul3A_240 = arith.constant 20000 : i32
        %mul3A_241 = arith.muli %arg1, %mul3A_240 : i32
        %mul3A_242 = arith.constant 80 : i32
        %mul3A_243 = arith.muli %add3A_239, %mul3A_242 : i32
        %add3A_244 = arith.addi %mul3A_241, %mul3A_243 : i32
        %dma_start3A_245 = tpu.memref_slice %arg10[%add3A_244] : memref<320000xi32, #tpu.memory_space<hbm>> -> memref<80xi32, #tpu.memory_space<hbm>>
        %dma_start3A_246 = tpu.memref_slice %arg10[%add3A_244] : memref<320000xi32, #tpu.memory_space<hbm>> -> memref<80xi32, #tpu.memory_space<hbm>>
        tpu.enqueue_dma source(%dma_start3A_246 : memref<80xi32, #tpu.memory_space<hbm>>) target(%arg16 : memref<80xi32, #tpu.memory_space<vmem>>) target_semaphore(%arg32 : memref<!tpu.dma_semaphore, #tpu.memory_space<semaphore_mem>>)
        %dma_start3A_247 = tpu.memref_slice %arg11[%add3A_244] : memref<320000xi32, #tpu.memory_space<hbm>> -> memref<80xi32, #tpu.memory_space<hbm>>
        %dma_start3A_248 = tpu.memref_slice %arg11[%add3A_244] : memref<320000xi32, #tpu.memory_space<hbm>> -> memref<80xi32, #tpu.memory_space<hbm>>
        tpu.enqueue_dma source(%dma_start3A_248 : memref<80xi32, #tpu.memory_space<hbm>>) target(%arg18 : memref<80xi32, #tpu.memory_space<vmem>>) target_semaphore(%arg32 : memref<!tpu.dma_semaphore, #tpu.memory_space<semaphore_mem>>)
      } else {
      }
      %dma_wait3A_201 = arith.constant 0 : i32
      %dma_wait3A_202 = arith.constant 0 : i32
      %dma_wait3A_203 = tpu.memref_slice %arg7[%dma_wait3A_201, %dma_wait3A_202] : memref<20000x128xbf16, #tpu.memory_space<hbm>> -> memref<20000x128xbf16, #tpu.memory_space<hbm>>
      tpu.wait_indirect_dma semaphore(%arg35 : memref<!tpu.dma_semaphore, #tpu.memory_space<semaphore_mem>>) src(%dma_wait3A_203 : memref<20000x128xbf16, #tpu.memory_space<hbm>>) dst(%arg27 : memref<80x128xbf16, #tpu.memory_space<vmem>>)
      %dma_wait3A_204 = arith.constant 0 : i32
      %dma_wait3A_205 = arith.constant 0 : i32
      %dma_wait3A_206 = tpu.memref_slice %arg8[%dma_wait3A_204, %dma_wait3A_205] : memref<20000x16xf32, #tpu.memory_space<hbm>> -> memref<20000x16xf32, #tpu.memory_space<hbm>>
      tpu.wait_indirect_dma semaphore(%arg35 : memref<!tpu.dma_semaphore, #tpu.memory_space<semaphore_mem>>) src(%dma_wait3A_206 : memref<20000x16xf32, #tpu.memory_space<hbm>>) dst(%arg23 : memref<80x16xf32, #tpu.memory_space<vmem>>)
      %dma_wait3A_207 = arith.constant 0 : i32
      %dma_wait3A_208 = arith.constant 0 : i32
      %dma_wait3A_209 = tpu.memref_slice %arg9[%dma_wait3A_207, %dma_wait3A_208] : memref<10000x16xf32, #tpu.memory_space<hbm>> -> memref<10000x16xf32, #tpu.memory_space<hbm>>
      tpu.wait_indirect_dma semaphore(%arg35 : memref<!tpu.dma_semaphore, #tpu.memory_space<semaphore_mem>>) src(%dma_wait3A_209 : memref<10000x16xf32, #tpu.memory_space<hbm>>) dst(%arg25 : memref<80x16xf32, #tpu.memory_space<vmem>>)
      %not3A_210 = arith.constant false
      %not3A_211 = arith.constant true
      %not3A_212 = arith.xori %not3A_210, %not3A_211 : i1
      %convert_element_type3A_213 = arith.extui %not3A_212 : i1 to i32
      %cond3A_214 = arith.constant 0 : i32
      %cond3A_215 = arith.cmpi ne, %convert_element_type3A_213, %cond3A_214 : i32
      scf.if %cond3A_215 {
        %dma_wait3A_238 = arith.constant 0 : i32
        %dma_wait3A_239 = arith.constant 0 : i32
        %dma_wait3A_240 = tpu.memref_slice %arg30[%dma_wait3A_238, %dma_wait3A_239] : memref<10240x128xf32, #tpu.memory_space<vmem_shared>> -> memref<10240x128xf32, #tpu.memory_space<vmem_shared>>
        tpu.wait_indirect_dma semaphore(%arg36 : memref<!tpu.dma_semaphore, #tpu.memory_space<semaphore_mem>>) src(%arg28 : memref<80x128xf32, #tpu.memory_space<vmem>>) dst(%dma_wait3A_240 : memref<10240x128xf32, #tpu.memory_space<vmem_shared>>)
        %dma_wait3A_241 = arith.constant 0 : i32
        %dma_wait3A_242 = arith.constant 0 : i32
        %dma_wait3A_243 = tpu.memref_slice %arg31[%dma_wait3A_241, %dma_wait3A_242] : memref<10240x16xf32, #tpu.memory_space<vmem_shared>> -> memref<10240x16xf32, #tpu.memory_space<vmem_shared>>
        tpu.wait_indirect_dma semaphore(%arg36 : memref<!tpu.dma_semaphore, #tpu.memory_space<semaphore_mem>>) src(%arg29 : memref<80x16xf32, #tpu.memory_space<vmem>>) dst(%dma_wait3A_243 : memref<10240x16xf32, #tpu.memory_space<vmem_shared>>)
      } else {
      }
      %scan3A_216 = arith.constant 0 : i32
      %scan3A_217 = arith.constant 5 : i32
      %scan3A_218 = arith.addi %scan3A_216, %scan3A_217 : i32
      %scan3A_219 = arith.constant 1 : i32
      scf.for %scan3A_238 = %scan3A_216 to %scan3A_218 step %scan3A_219  : i32 {
        %mul3A_239 = arith.constant 16 : i32
        %mul3A_240 = arith.muli %scan3A_238, %mul3A_239 : i32
        %add3A_241 = arith.constant 0 : i32
        %add3A_242 = arith.addi %add3A_241, %mul3A_240 : i32
        %get3A = arith.index_cast %add3A_242 : i32 to index
        %get3A_243 = tpu.vector_load %arg19[%get3A] {strides = array<i32>} : memref<80xi32, #tpu.memory_space<vmem>>, vector<16xi32>,
        %swap3A = arith.index_cast %add3A_242 : i32 to index
        %swap3A_244 = tpu.vector_load %arg21[%swap3A] {strides = array<i32>} : memref<80xi32, #tpu.memory_space<vmem>>, vector<16xi32>,
        tpu.vector_store %arg21[%swap3A], %get3A_243 {strides = array<i32>} : memref<80xi32, #tpu.memory_space<vmem>>, vector<16xi32>,
      }
      %scan3A_220 = arith.constant 5 : i32
      %parallel_loop3A_221 = arith.constant 0 : i32
      %parallel_loop3A_222 = arith.constant 80 : i32
      %parallel_loop3A_223 = arith.constant 1 : i32
      scf.for %parallel_loop3A_238 = %parallel_loop3A_221 to %parallel_loop3A_222 step %parallel_loop3A_223  : i32 {
        %parallel_loop3A_239 = arith.index_cast %parallel_loop3A_238 : i32 to index
        %parallel_loop3A_240 = arith.constant 0 : index
        %parallel_loop3A_241 = tpu.vector_load %arg23[%parallel_loop3A_239, %parallel_loop3A_240] {strides = array<i32>} : memref<80x16xf32, #tpu.memory_space<vmem>>, vector<16xf32>,
        %parallel_loop3A_242 = arith.index_cast %parallel_loop3A_238 : i32 to index
        %parallel_loop3A_243 = arith.constant 0 : index
        %parallel_loop3A_244 = tpu.vector_load %arg25[%parallel_loop3A_242, %parallel_loop3A_243] {strides = array<i32>} : memref<80x16xf32, #tpu.memory_space<vmem>>, vector<16xf32>,
        %parallel_loop3A_245 = arith.addf %parallel_loop3A_241, %parallel_loop3A_244 : vector<16xf32>
        %parallel_loop3A_246 = arith.constant 2.000000e-01 : f32
        %parallel_loop3A_247 = vector.broadcast %parallel_loop3A_246 : f32 to vector<16xf32>
        %parallel_loop3A_248 = arith.mulf %parallel_loop3A_247, %parallel_loop3A_245 : vector<16xf32>
        %parallel_loop3A_249 = arith.maximumf %parallel_loop3A_245, %parallel_loop3A_248 : vector<16xf32>
        %parallel_loop3A_250 = math.exp %parallel_loop3A_249 : vector<16xf32>
        %parallel_loop3A_251 = arith.index_cast %parallel_loop3A_238 : i32 to index
        %parallel_loop3A_252 = arith.constant 0 : index
        %parallel_loop3A_253 = tpu.vector_load %arg29[%parallel_loop3A_251, %parallel_loop3A_252] {strides = array<i32>} : memref<80x16xf32, #tpu.memory_space<vmem>>, vector<16xf32>,
        tpu.vector_store %arg29[%parallel_loop3A_251, %parallel_loop3A_252], %parallel_loop3A_250 {strides = array<i32>} : memref<80x16xf32, #tpu.memory_space<vmem>>, vector<16xf32>,
      } {sc.loop_unroll_factor = 4 : i64, sc.parallel_access}
      %parallel_loop3A_224 = arith.constant 0 : i32
      %parallel_loop3A_225 = arith.constant 80 : i32
      %parallel_loop3A_226 = arith.constant 1 : i32
      scf.for %parallel_loop3A_238 = %parallel_loop3A_224 to %parallel_loop3A_225 step %parallel_loop3A_226  : i32 {
        %parallel_loop3A_239 = vector.broadcast %parallel_loop3A_238 : i32 to vector<16xi32>
        %parallel_loop3A_240 = tpu.vector_load_idx %arg29[%parallel_loop3A_239, %broadcast_in_dim3A] : memref<80x16xf32, #tpu.memory_space<vmem>>[vector<16xi32>, vector<16xi32>], vector<16xf32>,
        %parallel_loop3A_241 = tpu.vector_load_idx %arg29[%parallel_loop3A_239, %add3A_8] : memref<80x16xf32, #tpu.memory_space<vmem>>[vector<16xi32>, vector<16xi32>], vector<16xf32>,
        %parallel_loop3A_242 = arith.index_cast %parallel_loop3A_238 : i32 to index
        %parallel_loop3A_243 = arith.constant 0 : index
        %parallel_loop3A_244 = tpu.vector_load %arg27[%parallel_loop3A_242, %parallel_loop3A_243] {strides = array<i32>} : memref<80x128xbf16, #tpu.memory_space<vmem>>, vector<32xbf16>,
        %parallel_loop3A_245 = tpu.unpack_subelements %parallel_loop3A_244, 0 {pack_format = #tpu.pack_format<interleaved>} : vector<32xbf16> -> vector<16xf32>
        %parallel_loop3A_246 = tpu.unpack_subelements %parallel_loop3A_244, 1 {pack_format = #tpu.pack_format<interleaved>} : vector<32xbf16> -> vector<16xf32>
        %parallel_loop3A_247 = arith.mulf %parallel_loop3A_245, %parallel_loop3A_240 : vector<16xf32>
        %parallel_loop3A_248 = arith.index_cast %parallel_loop3A_238 : i32 to index
        %parallel_loop3A_249 = arith.constant 0 : index
        %parallel_loop3A_250 = tpu.vector_load %arg28[%parallel_loop3A_248, %parallel_loop3A_249] {strides = array<i32>} : memref<80x128xf32, #tpu.memory_space<vmem>>, vector<16xf32>,
        tpu.vector_store %arg28[%parallel_loop3A_248, %parallel_loop3A_249], %parallel_loop3A_247 {strides = array<i32>} : memref<80x128xf32, #tpu.memory_space<vmem>>, vector<16xf32>,
        %parallel_loop3A_251 = arith.mulf %parallel_loop3A_246, %parallel_loop3A_240 : vector<16xf32>
        %parallel_loop3A_252 = arith.index_cast %parallel_loop3A_238 : i32 to index
        %parallel_loop3A_253 = arith.constant 16 : index
        %parallel_loop3A_254 = tpu.vector_load %arg28[%parallel_loop3A_252, %parallel_loop3A_253] {strides = array<i32>} : memref<80x128xf32, #tpu.memory_space<vmem>>, vector<16xf32>,
        tpu.vector_store %arg28[%parallel_loop3A_252, %parallel_loop3A_253], %parallel_loop3A_251 {strides = array<i32>} : memref<80x128xf32, #tpu.memory_space<vmem>>, vector<16xf32>,
        %parallel_loop3A_255 = arith.index_cast %parallel_loop3A_238 : i32 to index
        %parallel_loop3A_256 = arith.constant 32 : index
        %parallel_loop3A_257 = tpu.vector_load %arg27[%parallel_loop3A_255, %parallel_loop3A_256] {strides = array<i32>} : memref<80x128xbf16, #tpu.memory_space<vmem>>, vector<32xbf16>,
        %parallel_loop3A_258 = tpu.unpack_subelements %parallel_loop3A_257, 0 {pack_format = #tpu.pack_format<interleaved>} : vector<32xbf16> -> vector<16xf32>
        %parallel_loop3A_259 = tpu.unpack_subelements %parallel_loop3A_257, 1 {pack_format = #tpu.pack_format<interleaved>} : vector<32xbf16> -> vector<16xf32>
        %parallel_loop3A_260 = arith.mulf %parallel_loop3A_258, %parallel_loop3A_240 : vector<16xf32>
        %parallel_loop3A_261 = arith.index_cast %parallel_loop3A_238 : i32 to index
        %parallel_loop3A_262 = arith.constant 32 : index
        %parallel_loop3A_263 = tpu.vector_load %arg28[%parallel_loop3A_261, %parallel_loop3A_262] {strides = array<i32>} : memref<80x128xf32, #tpu.memory_space<vmem>>, vector<16xf32>,
        tpu.vector_store %arg28[%parallel_loop3A_261, %parallel_loop3A_262], %parallel_loop3A_260 {strides = array<i32>} : memref<80x128xf32, #tpu.memory_space<vmem>>, vector<16xf32>,
        %parallel_loop3A_264 = arith.mulf %parallel_loop3A_259, %parallel_loop3A_240 : vector<16xf32>
        %parallel_loop3A_265 = arith.index_cast %parallel_loop3A_238 : i32 to index
        %parallel_loop3A_266 = arith.constant 48 : index
        %parallel_loop3A_267 = tpu.vector_load %arg28[%parallel_loop3A_265, %parallel_loop3A_266] {strides = array<i32>} : memref<80x128xf32, #tpu.memory_space<vmem>>, vector<16xf32>,
        tpu.vector_store %arg28[%parallel_loop3A_265, %parallel_loop3A_266], %parallel_loop3A_264 {strides = array<i32>} : memref<80x128xf32, #tpu.memory_space<vmem>>, vector<16xf32>,
        %parallel_loop3A_268 = arith.index_cast %parallel_loop3A_238 : i32 to index
        %parallel_loop3A_269 = arith.constant 64 : index
        %parallel_loop3A_270 = tpu.vector_load %arg27[%parallel_loop3A_268, %parallel_loop3A_269] {strides = array<i32>} : memref<80x128xbf16, #tpu.memory_space<vmem>>, vector<32xbf16>,
        %parallel_loop3A_271 = tpu.unpack_subelements %parallel_loop3A_270, 0 {pack_format = #tpu.pack_format<interleaved>} : vector<32xbf16> -> vector<16xf32>
        %parallel_loop3A_272 = tpu.unpack_subelements %parallel_loop3A_270, 1 {pack_format = #tpu.pack_format<interleaved>} : vector<32xbf16> -> vector<16xf32>
        %parallel_loop3A_273 = arith.mulf %parallel_loop3A_271, %parallel_loop3A_241 : vector<16xf32>
        %parallel_loop3A_274 = arith.index_cast %parallel_loop3A_238 : i32 to index
        %parallel_loop3A_275 = arith.constant 64 : index
        %parallel_loop3A_276 = tpu.vector_load %arg28[%parallel_loop3A_274, %parallel_loop3A_275] {strides = array<i32>} : memref<80x128xf32, #tpu.memory_space<vmem>>, vector<16xf32>,
        tpu.vector_store %arg28[%parallel_loop3A_274, %parallel_loop3A_275], %parallel_loop3A_273 {strides = array<i32>} : memref<80x128xf32, #tpu.memory_space<vmem>>, vector<16xf32>,
        %parallel_loop3A_277 = arith.mulf %parallel_loop3A_272, %parallel_loop3A_241 : vector<16xf32>
        %parallel_loop3A_278 = arith.index_cast %parallel_loop3A_238 : i32 to index
        %parallel_loop3A_279 = arith.constant 80 : index
        %parallel_loop3A_280 = tpu.vector_load %arg28[%parallel_loop3A_278, %parallel_loop3A_279] {strides = array<i32>} : memref<80x128xf32, #tpu.memory_space<vmem>>, vector<16xf32>,
        tpu.vector_store %arg28[%parallel_loop3A_278, %parallel_loop3A_279], %parallel_loop3A_277 {strides = array<i32>} : memref<80x128xf32, #tpu.memory_space<vmem>>, vector<16xf32>,
        %parallel_loop3A_281 = arith.index_cast %parallel_loop3A_238 : i32 to index
        %parallel_loop3A_282 = arith.constant 96 : index
        %parallel_loop3A_283 = tpu.vector_load %arg27[%parallel_loop3A_281, %parallel_loop3A_282] {strides = array<i32>} : memref<80x128xbf16, #tpu.memory_space<vmem>>, vector<32xbf16>,
        %parallel_loop3A_284 = tpu.unpack_subelements %parallel_loop3A_283, 0 {pack_format = #tpu.pack_format<interleaved>} : vector<32xbf16> -> vector<16xf32>
        %parallel_loop3A_285 = tpu.unpack_subelements %parallel_loop3A_283, 1 {pack_format = #tpu.pack_format<interleaved>} : vector<32xbf16> -> vector<16xf32>
        %parallel_loop3A_286 = arith.mulf %parallel_loop3A_284, %parallel_loop3A_241 : vector<16xf32>
        %parallel_loop3A_287 = arith.index_cast %parallel_loop3A_238 : i32 to index
        %parallel_loop3A_288 = arith.constant 96 : index
        %parallel_loop3A_289 = tpu.vector_load %arg28[%parallel_loop3A_287, %parallel_loop3A_288] {strides = array<i32>} : memref<80x128xf32, #tpu.memory_space<vmem>>, vector<16xf32>,
        tpu.vector_store %arg28[%parallel_loop3A_287, %parallel_loop3A_288], %parallel_loop3A_286 {strides = array<i32>} : memref<80x128xf32, #tpu.memory_space<vmem>>, vector<16xf32>,
        %parallel_loop3A_290 = arith.mulf %parallel_loop3A_285, %parallel_loop3A_241 : vector<16xf32>
        %parallel_loop3A_291 = arith.index_cast %parallel_loop3A_238 : i32 to index
        %parallel_loop3A_292 = arith.constant 112 : index
        %parallel_loop3A_293 = tpu.vector_load %arg28[%parallel_loop3A_291, %parallel_loop3A_292] {strides = array<i32>} : memref<80x128xf32, #tpu.memory_space<vmem>>, vector<16xf32>,
        tpu.vector_store %arg28[%parallel_loop3A_291, %parallel_loop3A_292], %parallel_loop3A_290 {strides = array<i32>} : memref<80x128xf32, #tpu.memory_space<vmem>>, vector<16xf32>,
      } {sc.loop_unroll_factor = 4 : i64, sc.parallel_access}
      %dma_start3A_227 = arith.constant 0 : i32
      %dma_start3A_228 = arith.constant 0 : i32
      %dma_start3A_229 = tpu.memref_slice %arg30[%dma_start3A_227, %dma_start3A_228] : memref<10240x128xf32, #tpu.memory_space<vmem_shared>> -> memref<10240x128xf32, #tpu.memory_space<vmem_shared>>
      tpu.enqueue_indirect_dma source(%arg28 : memref<80x128xf32, #tpu.memory_space<vmem>>) target(%dma_start3A_229 : memref<10240x128xf32, #tpu.memory_space<vmem_shared>>) offsets(%arg21 : memref<80xi32, #tpu.memory_space<vmem>>) semaphore(%arg36 : memref<!tpu.dma_semaphore, #tpu.memory_space<semaphore_mem>>) {add = true}
      %dma_start3A_230 = arith.constant 0 : i32
      %dma_start3A_231 = arith.constant 0 : i32
      %dma_start3A_232 = tpu.memref_slice %arg31[%dma_start3A_230, %dma_start3A_231] : memref<10240x16xf32, #tpu.memory_space<vmem_shared>> -> memref<10240x16xf32, #tpu.memory_space<vmem_shared>>
      tpu.enqueue_indirect_dma source(%arg29 : memref<80x16xf32, #tpu.memory_space<vmem>>) target(%dma_start3A_232 : memref<10240x16xf32, #tpu.memory_space<vmem_shared>>) offsets(%arg21 : memref<80xi32, #tpu.memory_space<vmem>>) semaphore(%arg36 : memref<!tpu.dma_semaphore, #tpu.memory_space<semaphore_mem>>) {add = true}
      %lt3A_233 = arith.constant 248 : i32
      %lt3A_234 = arith.cmpi slt, %add3A_143, %lt3A_233 : i32
      %convert_element_type3A_235 = arith.extui %lt3A_234 : i1 to i32
      %cond3A_236 = arith.constant 0 : i32
      %cond3A_237 = arith.cmpi ne, %convert_element_type3A_235, %cond3A_236 : i32
      scf.if %cond3A_237 {
        %add3A_238 = arith.constant 3 : i32
        %add3A_239 = arith.addi %add3A_143, %add3A_238 : i32
        %mul3A_240 = arith.constant 20000 : i32
        %mul3A_241 = arith.muli %arg1, %mul3A_240 : i32
        %mul3A_242 = arith.constant 80 : i32
        %mul3A_243 = arith.muli %add3A_239, %mul3A_242 : i32
        %add3A_244 = arith.addi %mul3A_241, %mul3A_243 : i32
        %dma_start3A_245 = tpu.memref_slice %arg10[%add3A_244] : memref<320000xi32, #tpu.memory_space<hbm>> -> memref<80xi32, #tpu.memory_space<hbm>>
        %dma_start3A_246 = tpu.memref_slice %arg10[%add3A_244] : memref<320000xi32, #tpu.memory_space<hbm>> -> memref<80xi32, #tpu.memory_space<hbm>>
        tpu.enqueue_dma source(%dma_start3A_246 : memref<80xi32, #tpu.memory_space<hbm>>) target(%arg17 : memref<80xi32, #tpu.memory_space<vmem>>) target_semaphore(%arg33 : memref<!tpu.dma_semaphore, #tpu.memory_space<semaphore_mem>>)
        %dma_start3A_247 = tpu.memref_slice %arg11[%add3A_244] : memref<320000xi32, #tpu.memory_space<hbm>> -> memref<80xi32, #tpu.memory_space<hbm>>
        %dma_start3A_248 = tpu.memref_slice %arg11[%add3A_244] : memref<320000xi32, #tpu.memory_space<hbm>> -> memref<80xi32, #tpu.memory_space<hbm>>
        tpu.enqueue_dma source(%dma_start3A_248 : memref<80xi32, #tpu.memory_space<hbm>>) target(%arg19 : memref<80xi32, #tpu.memory_space<vmem>>) target_semaphore(%arg33 : memref<!tpu.dma_semaphore, #tpu.memory_space<semaphore_mem>>)
        %add3A_249 = arith.constant 2 : i32
        %add3A_250 = arith.addi %add3A_143, %add3A_249 : i32
        %mul3A_251 = arith.constant 20000 : i32
        %mul3A_252 = arith.muli %arg1, %mul3A_251 : i32
        %mul3A_253 = arith.constant 80 : i32
        %mul3A_254 = arith.muli %add3A_250, %mul3A_253 : i32
        %add3A_255 = arith.addi %mul3A_252, %mul3A_254 : i32
        %dma_wait3A_256 = tpu.memref_slice %arg10[%add3A_255] : memref<320000xi32, #tpu.memory_space<hbm>> -> memref<80xi32, #tpu.memory_space<hbm>>
        %dma_wait3A_257 = tpu.memref_slice %arg10[%add3A_255] : memref<320000xi32, #tpu.memory_space<hbm>> -> memref<80xi32, #tpu.memory_space<hbm>>
        tpu.wait_dma2 semaphore(%arg32 : memref<!tpu.dma_semaphore, #tpu.memory_space<semaphore_mem>>) src(%dma_wait3A_257 : memref<80xi32, #tpu.memory_space<hbm>>) dst(%arg16 : memref<80xi32, #tpu.memory_space<vmem>>)
        %dma_wait3A_258 = tpu.memref_slice %arg11[%add3A_255] : memref<320000xi32, #tpu.memory_space<hbm>> -> memref<80xi32, #tpu.memory_space<hbm>>
        %dma_wait3A_259 = tpu.memref_slice %arg11[%add3A_255] : memref<320000xi32, #tpu.memory_space<hbm>> -> memref<80xi32, #tpu.memory_space<hbm>>
        tpu.wait_dma2 semaphore(%arg32 : memref<!tpu.dma_semaphore, #tpu.memory_space<semaphore_mem>>) src(%dma_wait3A_259 : memref<80xi32, #tpu.memory_space<hbm>>) dst(%arg18 : memref<80xi32, #tpu.memory_space<vmem>>)
        %scan3A_260 = arith.constant 0 : i32
        %scan3A_261 = arith.constant 5 : i32
        %scan3A_262 = arith.addi %scan3A_260, %scan3A_261 : i32
        %scan3A_263 = arith.constant 1 : i32
        scf.for %scan3A_274 = %scan3A_260 to %scan3A_262 step %scan3A_263  : i32 {
          %mul3A_275 = arith.constant 16 : i32
          %mul3A_276 = arith.muli %scan3A_274, %mul3A_275 : i32
          %add3A_277 = arith.constant 0 : i32
          %add3A_278 = arith.addi %add3A_277, %mul3A_276 : i32
          %get3A = arith.index_cast %add3A_278 : i32 to index
          %get3A_279 = tpu.vector_load %arg16[%get3A] {strides = array<i32>} : memref<80xi32, #tpu.memory_space<vmem>>, vector<16xi32>,
          %add3A_280 = vector.broadcast %mul3A_0 : i32 to vector<16xi32>
          %add3A_281 = arith.addi %get3A_279, %add3A_280 : vector<16xi32>
          %swap3A = arith.index_cast %add3A_278 : i32 to index
          %swap3A_282 = tpu.vector_load %arg16[%swap3A] {strides = array<i32>} : memref<80xi32, #tpu.memory_space<vmem>>, vector<16xi32>,
          tpu.vector_store %arg16[%swap3A], %add3A_281 {strides = array<i32>} : memref<80xi32, #tpu.memory_space<vmem>>, vector<16xi32>,
        }
        %scan3A_264 = arith.constant 5 : i32
        %dma_start3A_265 = arith.constant 0 : i32
        %dma_start3A_266 = arith.constant 0 : i32
        %dma_start3A_267 = tpu.memref_slice %arg7[%dma_start3A_265, %dma_start3A_266] : memref<20000x128xbf16, #tpu.memory_space<hbm>> -> memref<20000x128xbf16, #tpu.memory_space<hbm>>
        tpu.enqueue_indirect_dma source(%dma_start3A_267 : memref<20000x128xbf16, #tpu.memory_space<hbm>>) target(%arg26 : memref<80x128xbf16, #tpu.memory_space<vmem>>) offsets(%arg16 : memref<80xi32, #tpu.memory_space<vmem>>) semaphore(%arg34 : memref<!tpu.dma_semaphore, #tpu.memory_space<semaphore_mem>>)
        %dma_start3A_268 = arith.constant 0 : i32
        %dma_start3A_269 = arith.constant 0 : i32
        %dma_start3A_270 = tpu.memref_slice %arg8[%dma_start3A_268, %dma_start3A_269] : memref<20000x16xf32, #tpu.memory_space<hbm>> -> memref<20000x16xf32, #tpu.memory_space<hbm>>
        tpu.enqueue_indirect_dma source(%dma_start3A_270 : memref<20000x16xf32, #tpu.memory_space<hbm>>) target(%arg22 : memref<80x16xf32, #tpu.memory_space<vmem>>) offsets(%arg16 : memref<80xi32, #tpu.memory_space<vmem>>) semaphore(%arg34 : memref<!tpu.dma_semaphore, #tpu.memory_space<semaphore_mem>>)
        %dma_start3A_271 = arith.constant 0 : i32
        %dma_start3A_272 = arith.constant 0 : i32
        %dma_start3A_273 = tpu.memref_slice %arg9[%dma_start3A_271, %dma_start3A_272] : memref<10000x16xf32, #tpu.memory_space<hbm>> -> memref<10000x16xf32, #tpu.memory_space<hbm>>
        tpu.enqueue_indirect_dma source(%dma_start3A_273 : memref<10000x16xf32, #tpu.memory_space<hbm>>) target(%arg24 : memref<80x16xf32, #tpu.memory_space<vmem>>) offsets(%arg18 : memref<80xi32, #tpu.memory_space<vmem>>) semaphore(%arg34 : memref<!tpu.dma_semaphore, #tpu.memory_space<semaphore_mem>>)
      } else {
      }
    }
    %scan3A_125 = arith.constant 125 : i32
    %dma_wait3A_126 = arith.constant 0 : i32
    %dma_wait3A_127 = arith.constant 0 : i32
    %dma_wait3A_128 = tpu.memref_slice %arg30[%dma_wait3A_126, %dma_wait3A_127] : memref<10240x128xf32, #tpu.memory_space<vmem_shared>> -> memref<10240x128xf32, #tpu.memory_space<vmem_shared>>
    tpu.wait_indirect_dma semaphore(%arg36 : memref<!tpu.dma_semaphore, #tpu.memory_space<semaphore_mem>>) src(%arg28 : memref<80x128xf32, #tpu.memory_space<vmem>>) dst(%dma_wait3A_128 : memref<10240x128xf32, #tpu.memory_space<vmem_shared>>)
    %dma_wait3A_129 = arith.constant 0 : i32
    %dma_wait3A_130 = arith.constant 0 : i32
    %dma_wait3A_131 = tpu.memref_slice %arg31[%dma_wait3A_129, %dma_wait3A_130] : memref<10240x16xf32, #tpu.memory_space<vmem_shared>> -> memref<10240x16xf32, #tpu.memory_space<vmem_shared>>
    tpu.wait_indirect_dma semaphore(%arg36 : memref<!tpu.dma_semaphore, #tpu.memory_space<semaphore_mem>>) src(%arg29 : memref<80x16xf32, #tpu.memory_space<vmem>>) dst(%dma_wait3A_131 : memref<10240x16xf32, #tpu.memory_space<vmem_shared>>)
    %barrier3A_132 = arith.constant 0 : index
    tpu.barrier barrier_id(%barrier3A_132)
    %scan3A_133 = arith.constant 0 : i32
    %scan3A_134 = arith.constant 8 : i32
    %scan3A_135 = arith.addi %scan3A_133, %scan3A_134 : i32
    %scan3A_136 = arith.constant 1 : i32
    scf.for %scan3A_139 = %scan3A_133 to %scan3A_135 step %scan3A_136  : i32 {
      %mul3A_140 = arith.constant 1 : i32
      %mul3A_141 = arith.muli %scan3A_139, %mul3A_140 : i32
      %add3A_142 = arith.constant 0 : i32
      %add3A_143 = arith.addi %add3A_142, %mul3A_141 : i32
      %mul3A_144 = arith.constant 640 : i32
      %mul3A_145 = arith.muli %arg1, %mul3A_144 : i32
      %mul3A_146 = arith.constant 80 : i32
      %mul3A_147 = arith.muli %add3A_143, %mul3A_146 : i32
      %add3A_148 = arith.addi %mul3A_145, %mul3A_147 : i32
      "tpu.region"() ({
        %run_scoped3A = tpu.sem_alloc : memref<!tpu.dma_semaphore, #tpu.memory_space<semaphore_mem>>
        %dma_start3A_151 = arith.constant 0 : i32
        %dma_start3A_152 = tpu.memref_slice %arg30[%add3A_148, %dma_start3A_151] : memref<10240x128xf32, #tpu.memory_space<vmem_shared>> -> memref<80x128xf32, #tpu.memory_space<vmem_shared>>
        %dma_start3A_153 = arith.constant 0 : i32
        %dma_start3A_154 = tpu.memref_slice %arg30[%add3A_148, %dma_start3A_153] : memref<10240x128xf32, #tpu.memory_space<vmem_shared>> -> memref<80x128xf32, #tpu.memory_space<vmem_shared>>
        tpu.enqueue_dma source(%dma_start3A_154 : memref<80x128xf32, #tpu.memory_space<vmem_shared>>) target(%arg28 : memref<80x128xf32, #tpu.memory_space<vmem>>) target_semaphore(%run_scoped3A : memref<!tpu.dma_semaphore, #tpu.memory_space<semaphore_mem>>)
        %dma_wait3A_155 = arith.constant 0 : i32
        %dma_wait3A_156 = tpu.memref_slice %arg30[%add3A_148, %dma_wait3A_155] : memref<10240x128xf32, #tpu.memory_space<vmem_shared>> -> memref<80x128xf32, #tpu.memory_space<vmem_shared>>
        %dma_wait3A_157 = arith.constant 0 : i32
        %dma_wait3A_158 = tpu.memref_slice %arg30[%add3A_148, %dma_wait3A_157] : memref<10240x128xf32, #tpu.memory_space<vmem_shared>> -> memref<80x128xf32, #tpu.memory_space<vmem_shared>>
        tpu.wait_dma2 semaphore(%run_scoped3A : memref<!tpu.dma_semaphore, #tpu.memory_space<semaphore_mem>>) src(%dma_wait3A_158 : memref<80x128xf32, #tpu.memory_space<vmem_shared>>) dst(%arg28 : memref<80x128xf32, #tpu.memory_space<vmem>>)
        tpu.yield
      }) : () -> ()
      %add3A_149 = arith.addi %mul3A_2, %add3A_148 : i32
      "tpu.region"() ({
        %run_scoped3A = tpu.sem_alloc : memref<!tpu.dma_semaphore, #tpu.memory_space<semaphore_mem>>
        %dma_start3A_151 = arith.constant 0 : i32
        %dma_start3A_152 = tpu.memref_slice %arg14[%add3A_149, %dma_start3A_151] : memref<20480x128xf32, #tpu.memory_space<hbm>> -> memref<80x128xf32, #tpu.memory_space<hbm>>
        %dma_start3A_153 = arith.constant 0 : i32
        %dma_start3A_154 = tpu.memref_slice %arg14[%add3A_149, %dma_start3A_153] : memref<20480x128xf32, #tpu.memory_space<hbm>> -> memref<80x128xf32, #tpu.memory_space<hbm>>
        tpu.enqueue_dma source(%arg28 : memref<80x128xf32, #tpu.memory_space<vmem>>) target(%dma_start3A_154 : memref<80x128xf32, #tpu.memory_space<hbm>>) target_semaphore(%run_scoped3A : memref<!tpu.dma_semaphore, #tpu.memory_space<semaphore_mem>>)
        %dma_wait3A_155 = arith.constant 0 : i32
        %dma_wait3A_156 = tpu.memref_slice %arg14[%add3A_149, %dma_wait3A_155] : memref<20480x128xf32, #tpu.memory_space<hbm>> -> memref<80x128xf32, #tpu.memory_space<hbm>>
        %dma_wait3A_157 = arith.constant 0 : i32
        %dma_wait3A_158 = tpu.memref_slice %arg14[%add3A_149, %dma_wait3A_157] : memref<20480x128xf32, #tpu.memory_space<hbm>> -> memref<80x128xf32, #tpu.memory_space<hbm>>
        tpu.wait_dma2 semaphore(%run_scoped3A : memref<!tpu.dma_semaphore, #tpu.memory_space<semaphore_mem>>) src(%arg28 : memref<80x128xf32, #tpu.memory_space<vmem>>) dst(%dma_wait3A_158 : memref<80x128xf32, #tpu.memory_space<hbm>>)
        tpu.yield
      }) : () -> ()
      "tpu.region"() ({
        %run_scoped3A = tpu.sem_alloc : memref<!tpu.dma_semaphore, #tpu.memory_space<semaphore_mem>>
        %dma_start3A_151 = arith.constant 0 : i32
        %dma_start3A_152 = tpu.memref_slice %arg31[%add3A_148, %dma_start3A_151] : memref<10240x16xf32, #tpu.memory_space<vmem_shared>> -> memref<80x16xf32, #tpu.memory_space<vmem_shared>>
        %dma_start3A_153 = arith.constant 0 : i32
        %dma_start3A_154 = tpu.memref_slice %arg31[%add3A_148, %dma_start3A_153] : memref<10240x16xf32, #tpu.memory_space<vmem_shared>> -> memref<80x16xf32, #tpu.memory_space<vmem_shared>>
        tpu.enqueue_dma source(%dma_start3A_154 : memref<80x16xf32, #tpu.memory_space<vmem_shared>>) target(%arg29 : memref<80x16xf32, #tpu.memory_space<vmem>>) target_semaphore(%run_scoped3A : memref<!tpu.dma_semaphore, #tpu.memory_space<semaphore_mem>>)
        %dma_wait3A_155 = arith.constant 0 : i32
        %dma_wait3A_156 = tpu.memref_slice %arg31[%add3A_148, %dma_wait3A_155] : memref<10240x16xf32, #tpu.memory_space<vmem_shared>> -> memref<80x16xf32, #tpu.memory_space<vmem_shared>>
        %dma_wait3A_157 = arith.constant 0 : i32
        %dma_wait3A_158 = tpu.memref_slice %arg31[%add3A_148, %dma_wait3A_157] : memref<10240x16xf32, #tpu.memory_space<vmem_shared>> -> memref<80x16xf32, #tpu.memory_space<vmem_shared>>
        tpu.wait_dma2 semaphore(%run_scoped3A : memref<!tpu.dma_semaphore, #tpu.memory_space<semaphore_mem>>) src(%dma_wait3A_158 : memref<80x16xf32, #tpu.memory_space<vmem_shared>>) dst(%arg29 : memref<80x16xf32, #tpu.memory_space<vmem>>)
        tpu.yield
      }) : () -> ()
      %add3A_150 = arith.addi %mul3A_2, %add3A_148 : i32
      "tpu.region"() ({
        %run_scoped3A = tpu.sem_alloc : memref<!tpu.dma_semaphore, #tpu.memory_space<semaphore_mem>>
        %dma_start3A_151 = arith.constant 0 : i32
        %dma_start3A_152 = tpu.memref_slice %arg15[%add3A_150, %dma_start3A_151] : memref<20480x16xf32, #tpu.memory_space<hbm>> -> memref<80x16xf32, #tpu.memory_space<hbm>>
        %dma_start3A_153 = arith.constant 0 : i32
        %dma_start3A_154 = tpu.memref_slice %arg15[%add3A_150, %dma_start3A_153] : memref<20480x16xf32, #tpu.memory_space<hbm>> -> memref<80x16xf32, #tpu.memory_space<hbm>>
        tpu.enqueue_dma source(%arg29 : memref<80x16xf32, #tpu.memory_space<vmem>>) target(%dma_start3A_154 : memref<80x16xf32, #tpu.memory_space<hbm>>) target_semaphore(%run_scoped3A : memref<!tpu.dma_semaphore, #tpu.memory_space<semaphore_mem>>)
        %dma_wait3A_155 = arith.constant 0 : i32
        %dma_wait3A_156 = tpu.memref_slice %arg15[%add3A_150, %dma_wait3A_155] : memref<20480x16xf32, #tpu.memory_space<hbm>> -> memref<80x16xf32, #tpu.memory_space<hbm>>
        %dma_wait3A_157 = arith.constant 0 : i32
        %dma_wait3A_158 = tpu.memref_slice %arg15[%add3A_150, %dma_wait3A_157] : memref<20480x16xf32, #tpu.memory_space<hbm>> -> memref<80x16xf32, #tpu.memory_space<hbm>>
        tpu.wait_dma2 semaphore(%run_scoped3A : memref<!tpu.dma_semaphore, #tpu.memory_space<semaphore_mem>>) src(%arg29 : memref<80x16xf32, #tpu.memory_space<vmem>>) dst(%dma_wait3A_158 : memref<80x16xf32, #tpu.memory_space<hbm>>)
        tpu.yield
      }) : () -> ()
    }
    %scan3A_137 = arith.constant 8 : i32
    %barrier3A_138 = arith.constant 0 : index
    tpu.barrier barrier_id(%barrier3A_138)
    return
  }
}

module attributes {stable_mosaic.version = 14 : i64} {
  func.func @_proj_body(%arg0: i32, %arg1: memref<1000x128xf32, #tpu.memory_space<vmem>>, %arg2: memref<128x256xf32, #tpu.memory_space<vmem>>, %arg3: memref<256x16xf32, #tpu.memory_space<vmem>>, %arg4: memref<256x16xf32, #tpu.memory_space<vmem>>, %arg5: memref<2x1000x128xbf16, #tpu.memory_space<vmem>>, %arg6: memref<2x1000x16xf32, #tpu.memory_space<vmem>>, %arg7: memref<1000x16xf32, #tpu.memory_space<vmem>>) attributes {dimension_semantics = [#tpu.dimension_semantics<arbitrary>], iteration_bounds = array<i64: 10>, scalar_prefetch = 0 : i64, scratch_operands = 0 : i64, tpu.core_type = #tpu.core_type<tc>, window_params = [{transform_indices = @transform_0, window_bounds = array<i64: 1000, 128>}, {pipeline_mode = #tpu.pipeline_mode<synchronous>, transform_indices = @transform_1, window_bounds = array<i64: 128, 256>}, {pipeline_mode = #tpu.pipeline_mode<synchronous>, transform_indices = @transform_2, window_bounds = array<i64: 256, 16>}, {pipeline_mode = #tpu.pipeline_mode<synchronous>, transform_indices = @transform_3, window_bounds = array<i64: 256, 16>}, {transform_indices = @transform_4, window_bounds = array<i64: 2, 1000, 128>}, {transform_indices = @transform_5, window_bounds = array<i64: 2, 1000, 16>}, {transform_indices = @transform_6, window_bounds = array<i64: 1000, 16>}]} {
    %get3A = arith.constant 0 : index
    %get3A_0 = arith.constant 0 : index
    %get3A_1 = vector.load %arg1[%get3A, %get3A_0] : memref<1000x128xf32, #tpu.memory_space<vmem>>, vector<1000x128xf32>
    %get3A_2 = arith.constant 0 : index
    %get3A_3 = arith.constant 0 : index
    %get3A_4 = vector.load %arg2[%get3A_2, %get3A_3] : memref<128x256xf32, #tpu.memory_space<vmem>>, vector<128x256xf32>
    %dot_general3A = arith.constant dense<0.000000e+00> : vector<1000x256xf32>
    %dot_general3A_5 = tpu.matmul %get3A_1, %get3A_4, %dot_general3A {dimension_numbers = #tpu.dot_dimension_numbers<[1], [0], [0], [1], [0, 0, 1, 1], [], []>, transpose_lhs_hint = false} : vector<1000x128xf32>, vector<128x256xf32>, vector<1000x256xf32> -> vector<1000x256xf32>
    %slice3A = vector.extract_strided_slice %dot_general3A_5 {offsets = [0, 0], sizes = [1000, 128], strides = [1, 1]} : vector<1000x256xf32> to vector<1000x128xf32>
    %convert_element_type3A = arith.truncf %slice3A : vector<1000x128xf32> to vector<1000x128xbf16>
    %swap3A = arith.constant 0 : index
    %swap3A_6 = arith.constant 0 : index
    %swap3A_7 = arith.constant 0 : index
    %swap3A_8 = vector.load %arg5[%swap3A, %swap3A_6, %swap3A_7] : memref<2x1000x128xbf16, #tpu.memory_space<vmem>>, vector<1x1000x128xbf16>
    %swap3A_9 = vector.shape_cast %swap3A_8 : vector<1x1000x128xbf16> to vector<1000x128xbf16>
    %swap3A_10 = vector.shape_cast %convert_element_type3A : vector<1000x128xbf16> to vector<1x1000x128xbf16>
    tpu.vector_store %arg5[%swap3A, %swap3A_6, %swap3A_7], %swap3A_10 {strides = array<i32>} : memref<2x1000x128xbf16, #tpu.memory_space<vmem>>, vector<1x1000x128xbf16>,
    %slice3A_11 = vector.extract_strided_slice %dot_general3A_5 {offsets = [0, 128], sizes = [1000, 128], strides = [1, 1]} : vector<1000x256xf32> to vector<1000x128xf32>
    %convert_element_type3A_12 = arith.truncf %slice3A_11 : vector<1000x128xf32> to vector<1000x128xbf16>
    %swap3A_13 = arith.constant 1 : index
    %swap3A_14 = arith.constant 0 : index
    %swap3A_15 = arith.constant 0 : index
    %swap3A_16 = vector.load %arg5[%swap3A_13, %swap3A_14, %swap3A_15] : memref<2x1000x128xbf16, #tpu.memory_space<vmem>>, vector<1x1000x128xbf16>
    %swap3A_17 = vector.shape_cast %swap3A_16 : vector<1x1000x128xbf16> to vector<1000x128xbf16>
    %swap3A_18 = vector.shape_cast %convert_element_type3A_12 : vector<1000x128xbf16> to vector<1x1000x128xbf16>
    tpu.vector_store %arg5[%swap3A_13, %swap3A_14, %swap3A_15], %swap3A_18 {strides = array<i32>} : memref<2x1000x128xbf16, #tpu.memory_space<vmem>>, vector<1x1000x128xbf16>,
    %get3A_19 = arith.constant 0 : index
    %get3A_20 = arith.constant 0 : index
    %get3A_21 = vector.load %arg3[%get3A_19, %get3A_20] : memref<256x16xf32, #tpu.memory_space<vmem>>, vector<256x16xf32>
    %dot_general3A_22 = arith.constant dense<0.000000e+00> : vector<1000x16xf32>
    %dot_general3A_23 = tpu.matmul %dot_general3A_5, %get3A_21, %dot_general3A_22 {dimension_numbers = #tpu.dot_dimension_numbers<[1], [0], [0], [1], [0, 0, 1, 1], [], []>, transpose_lhs_hint = false} : vector<1000x256xf32>, vector<256x16xf32>, vector<1000x16xf32> -> vector<1000x16xf32>
    %swap3A_24 = arith.constant 0 : index
    %swap3A_25 = arith.constant 0 : index
    %swap3A_26 = arith.constant 0 : index
    %swap3A_27 = vector.load %arg6[%swap3A_24, %swap3A_25, %swap3A_26] : memref<2x1000x16xf32, #tpu.memory_space<vmem>>, vector<1x1000x16xf32>
    %swap3A_28 = vector.shape_cast %swap3A_27 : vector<1x1000x16xf32> to vector<1000x16xf32>
    %swap3A_29 = vector.shape_cast %dot_general3A_23 : vector<1000x16xf32> to vector<1x1000x16xf32>
    tpu.vector_store %arg6[%swap3A_24, %swap3A_25, %swap3A_26], %swap3A_29 {strides = array<i32>} : memref<2x1000x16xf32, #tpu.memory_space<vmem>>, vector<1x1000x16xf32>,
    %swap3A_30 = arith.constant 1 : index
    %swap3A_31 = arith.constant 0 : index
    %swap3A_32 = arith.constant 0 : index
    %swap3A_33 = vector.load %arg6[%swap3A_30, %swap3A_31, %swap3A_32] : memref<2x1000x16xf32, #tpu.memory_space<vmem>>, vector<1x1000x16xf32>
    %swap3A_34 = vector.shape_cast %swap3A_33 : vector<1x1000x16xf32> to vector<1000x16xf32>
    %swap3A_35 = vector.shape_cast %dot_general3A_23 : vector<1000x16xf32> to vector<1x1000x16xf32>
    tpu.vector_store %arg6[%swap3A_30, %swap3A_31, %swap3A_32], %swap3A_35 {strides = array<i32>} : memref<2x1000x16xf32, #tpu.memory_space<vmem>>, vector<1x1000x16xf32>,
    %get3A_36 = arith.constant 0 : index
    %get3A_37 = arith.constant 0 : index
    %get3A_38 = vector.load %arg4[%get3A_36, %get3A_37] : memref<256x16xf32, #tpu.memory_space<vmem>>, vector<256x16xf32>
    %dot_general3A_39 = arith.constant dense<0.000000e+00> : vector<1000x16xf32>
    %dot_general3A_40 = tpu.matmul %dot_general3A_5, %get3A_38, %dot_general3A_39 {dimension_numbers = #tpu.dot_dimension_numbers<[1], [0], [0], [1], [0, 0, 1, 1], [], []>, transpose_lhs_hint = false} : vector<1000x256xf32>, vector<256x16xf32>, vector<1000x16xf32> -> vector<1000x16xf32>
    %swap3A_41 = arith.constant 0 : index
    %swap3A_42 = arith.constant 0 : index
    %swap3A_43 = vector.load %arg7[%swap3A_41, %swap3A_42] : memref<1000x16xf32, #tpu.memory_space<vmem>>, vector<1000x16xf32>
    tpu.vector_store %arg7[%swap3A_41, %swap3A_42], %dot_general3A_40 {strides = array<i32>} : memref<1000x16xf32, #tpu.memory_space<vmem>>, vector<1000x16xf32>,
    return
  }
  func.func @transform_0(%arg0: i32) -> (i32, i32) {
    %c0_i32 = arith.constant 0 : i32
    %c0_i32_0 = arith.constant 0 : i32
    return %arg0, %c0_i32 : i32, i32
  }
  func.func @transform_1(%arg0: i32) -> (i32, i32) {
    %c0_i32 = arith.constant 0 : i32
    %c0_i32_0 = arith.constant 0 : i32
    %c0_i32_1 = arith.constant 0 : i32
    return %c0_i32, %c0_i32_0 : i32, i32
  }
  func.func @transform_2(%arg0: i32) -> (i32, i32) {
    %c0_i32 = arith.constant 0 : i32
    %c0_i32_0 = arith.constant 0 : i32
    %c0_i32_1 = arith.constant 0 : i32
    return %c0_i32, %c0_i32_0 : i32, i32
  }
  func.func @transform_3(%arg0: i32) -> (i32, i32) {
    %c0_i32 = arith.constant 0 : i32
    %c0_i32_0 = arith.constant 0 : i32
    %c0_i32_1 = arith.constant 0 : i32
    return %c0_i32, %c0_i32_0 : i32, i32
  }
  func.func @transform_4(%arg0: i32) -> (i32, i32, i32) {
    %c0_i32 = arith.constant 0 : i32
    %c0_i32_0 = arith.constant 0 : i32
    %c0_i32_1 = arith.constant 0 : i32
    return %c0_i32, %arg0, %c0_i32_0 : i32, i32, i32
  }
  func.func @transform_5(%arg0: i32) -> (i32, i32, i32) {
    %c0_i32 = arith.constant 0 : i32
    %c0_i32_0 = arith.constant 0 : i32
    %c0_i32_1 = arith.constant 0 : i32
    return %c0_i32, %arg0, %c0_i32_0 : i32, i32, i32
  }
  func.func @transform_6(%arg0: i32) -> (i32, i32) {
    %c0_i32 = arith.constant 0 : i32
    %c0_i32_0 = arith.constant 0 : i32
    return %arg0, %c0_i32 : i32, i32
  }
}

module attributes {stable_mosaic.version = 14 : i64} {
  func.func @_fin_body(%arg0: i32, %arg1: memref<2x1000x128xf32, #tpu.memory_space<vmem>>, %arg2: memref<2x1000x16xf32, #tpu.memory_space<vmem>>, %arg3: memref<2x1000x128xf32, #tpu.memory_space<vmem>>, %arg4: memref<2x1000x16xf32, #tpu.memory_space<vmem>>, %arg5: memref<1000x1xi32, #tpu.memory_space<vmem>>, %arg6: memref<1000x1xi32, #tpu.memory_space<vmem>>, %arg7: memref<8x16xf32, #tpu.memory_space<vmem>>, %arg8: memref<16x256xf32, #tpu.memory_space<vmem>>, %arg9: memref<16x256xf32, #tpu.memory_space<vmem>>) attributes {dimension_semantics = [#tpu.dimension_semantics<arbitrary>], iteration_bounds = array<i64: 10>, scalar_prefetch = 0 : i64, scratch_operands = 2 : i64, tpu.core_type = #tpu.core_type<tc>, window_params = [{transform_indices = @transform_0, window_bounds = array<i64: 2, 1000, 128>}, {transform_indices = @transform_1, window_bounds = array<i64: 2, 1000, 16>}, {transform_indices = @transform_2, window_bounds = array<i64: 2, 1000, 128>}, {transform_indices = @transform_3, window_bounds = array<i64: 2, 1000, 16>}, {transform_indices = @transform_4, window_bounds = array<i64: 1000, 1>}, {transform_indices = @transform_5, window_bounds = array<i64: 1000, 1>}, {pipeline_mode = #tpu.pipeline_mode<synchronous>, transform_indices = @transform_6, window_bounds = array<i64: 8, 16>}]} {
    %eq3A = arith.constant 0 : i32
    %eq3A_0 = arith.cmpi eq, %arg0, %eq3A : i32
    %convert_element_type3A = arith.extui %eq3A_0 : i1 to i32
    %cond3A = arith.constant 0 : i32
    %cond3A_1 = arith.cmpi ne, %convert_element_type3A, %cond3A : i32
    scf.if %cond3A_1 {
      %broadcast_in_dim3A_685 = arith.constant 0xFF800000 : f32
      %broadcast_in_dim3A_686 = vector.broadcast %broadcast_in_dim3A_685 : f32 to vector<16x256xf32>
      %swap3A_687 = arith.constant 0 : index
      %swap3A_688 = arith.constant 0 : index
      %swap3A_689 = vector.load %arg8[%swap3A_687, %swap3A_688] : memref<16x256xf32, #tpu.memory_space<vmem>>, vector<16x256xf32>
      tpu.vector_store %arg8[%swap3A_687, %swap3A_688], %broadcast_in_dim3A_686 {strides = array<i32>} : memref<16x256xf32, #tpu.memory_space<vmem>>, vector<16x256xf32>,
      %broadcast_in_dim3A_690 = arith.constant 0xFF800000 : f32
      %broadcast_in_dim3A_691 = vector.broadcast %broadcast_in_dim3A_690 : f32 to vector<16x256xf32>
      %swap3A_692 = arith.constant 0 : index
      %swap3A_693 = arith.constant 0 : index
      %swap3A_694 = vector.load %arg9[%swap3A_692, %swap3A_693] : memref<16x256xf32, #tpu.memory_space<vmem>>, vector<16x256xf32>
      tpu.vector_store %arg9[%swap3A_692, %swap3A_693], %broadcast_in_dim3A_691 {strides = array<i32>} : memref<16x256xf32, #tpu.memory_space<vmem>>, vector<16x256xf32>,
    } else {
    }
    %get3A = arith.constant 0 : index
    %get3A_2 = arith.constant 0 : index
    %get3A_3 = arith.constant 0 : index
    %get3A_4 = vector.load %arg1[%get3A, %get3A_2, %get3A_3] : memref<2x1000x128xf32, #tpu.memory_space<vmem>>, vector<1x1000x128xf32>
    %get3A_5 = vector.shape_cast %get3A_4 : vector<1x1000x128xf32> to vector<1000x128xf32>
    %get3A_6 = arith.constant 1 : index
    %get3A_7 = arith.constant 0 : index
    %get3A_8 = arith.constant 0 : index
    %get3A_9 = vector.load %arg1[%get3A_6, %get3A_7, %get3A_8] : memref<2x1000x128xf32, #tpu.memory_space<vmem>>, vector<1x1000x128xf32>
    %get3A_10 = vector.shape_cast %get3A_9 : vector<1x1000x128xf32> to vector<1000x128xf32>
    %concatenate3A = tpu.concatenate %get3A_5, %get3A_10 in 1 : vector<1000x128xf32>, vector<1000x128xf32> -> vector<1000x256xf32>
    %get3A_11 = arith.constant 0 : index
    %get3A_12 = arith.constant 0 : index
    %get3A_13 = arith.constant 0 : index
    %get3A_14 = vector.load %arg2[%get3A_11, %get3A_12, %get3A_13] : memref<2x1000x16xf32, #tpu.memory_space<vmem>>, vector<1x1000x1xf32>
    %get3A_15 = vector.shape_cast %get3A_14 : vector<1x1000x1xf32> to vector<1000x1xf32>
    %broadcast_in_dim3A = vector.shape_cast %get3A_15 : vector<1000x1xf32> to vector<1000x1xf32>
    %broadcast_in_dim3A_16 = vector.broadcast %broadcast_in_dim3A : vector<1000x1xf32> to vector<1000x64xf32>
    %get3A_17 = arith.constant 0 : index
    %get3A_18 = arith.constant 0 : index
    %get3A_19 = arith.constant 1 : index
    %get3A_20 = vector.load %arg2[%get3A_17, %get3A_18, %get3A_19] : memref<2x1000x16xf32, #tpu.memory_space<vmem>>, vector<1x1000x1xf32>
    %get3A_21 = vector.shape_cast %get3A_20 : vector<1x1000x1xf32> to vector<1000x1xf32>
    %broadcast_in_dim3A_22 = vector.shape_cast %get3A_21 : vector<1000x1xf32> to vector<1000x1xf32>
    %broadcast_in_dim3A_23 = vector.broadcast %broadcast_in_dim3A_22 : vector<1000x1xf32> to vector<1000x64xf32>
    %get3A_24 = arith.constant 1 : index
    %get3A_25 = arith.constant 0 : index
    %get3A_26 = arith.constant 2 : index
    %get3A_27 = vector.load %arg2[%get3A_24, %get3A_25, %get3A_26] : memref<2x1000x16xf32, #tpu.memory_space<vmem>>, vector<1x1000x1xf32>
    %get3A_28 = vector.shape_cast %get3A_27 : vector<1x1000x1xf32> to vector<1000x1xf32>
    %broadcast_in_dim3A_29 = vector.shape_cast %get3A_28 : vector<1000x1xf32> to vector<1000x1xf32>
    %broadcast_in_dim3A_30 = vector.broadcast %broadcast_in_dim3A_29 : vector<1000x1xf32> to vector<1000x64xf32>
    %get3A_31 = arith.constant 1 : index
    %get3A_32 = arith.constant 0 : index
    %get3A_33 = arith.constant 3 : index
    %get3A_34 = vector.load %arg2[%get3A_31, %get3A_32, %get3A_33] : memref<2x1000x16xf32, #tpu.memory_space<vmem>>, vector<1x1000x1xf32>
    %get3A_35 = vector.shape_cast %get3A_34 : vector<1x1000x1xf32> to vector<1000x1xf32>
    %broadcast_in_dim3A_36 = vector.shape_cast %get3A_35 : vector<1000x1xf32> to vector<1000x1xf32>
    %broadcast_in_dim3A_37 = vector.broadcast %broadcast_in_dim3A_36 : vector<1000x1xf32> to vector<1000x64xf32>
    %concatenate3A_38 = tpu.concatenate %broadcast_in_dim3A_16, %broadcast_in_dim3A_23, %broadcast_in_dim3A_30, %broadcast_in_dim3A_37 in 1 : vector<1000x64xf32>, vector<1000x64xf32>, vector<1000x64xf32>, vector<1000x64xf32> -> vector<1000x256xf32>
    %add3A = arith.constant 1.000000e-16 : f32
    %add3A_39 = vector.broadcast %add3A : f32 to vector<1000x256xf32>
    %add3A_40 = arith.addf %concatenate3A_38, %add3A_39 : vector<1000x256xf32>
    %div3A = arith.divf %concatenate3A, %add3A_40 : vector<1000x256xf32>
    %gt3A = arith.constant 0.000000e+00 : f32
    %gt3A_41 = vector.broadcast %gt3A : f32 to vector<1000x256xf32>
    %gt3A_42 = arith.cmpf ogt, %div3A, %gt3A_41 : vector<1000x256xf32>
    %min3A = arith.constant 0.000000e+00 : f32
    %min3A_43 = vector.broadcast %min3A : f32 to vector<1000x256xf32>
    %min3A_44 = arith.minimumf %div3A, %min3A_43 : vector<1000x256xf32>
    %exp3A = math.exp %min3A_44 : vector<1000x256xf32>
    %sub3A = arith.constant 1.000000e+00 : f32
    %sub3A_45 = vector.broadcast %sub3A : f32 to vector<1000x256xf32>
    %sub3A_46 = arith.subf %exp3A, %sub3A_45 : vector<1000x256xf32>
    %select_n3A = arith.select %gt3A_42, %div3A, %sub3A_46 : vector<1000x256xi1>, vector<1000x256xf32>
    %get3A_47 = arith.constant 0 : index
    %get3A_48 = arith.constant 0 : index
    %get3A_49 = vector.load %arg5[%get3A_47, %get3A_48] : memref<1000x1xi32, #tpu.memory_space<vmem>>, vector<1000x1xi32>
    %eq3A_50 = arith.constant 0 : i32
    %eq3A_51 = vector.broadcast %eq3A_50 : i32 to vector<1000x1xi32>
    %eq3A_52 = arith.cmpi eq, %get3A_49, %eq3A_51 : vector<1000x1xi32>
    %jit3A = arith.constant 0xFF800000 : f32
    %broadcast_in_dim3A_53 = vector.shape_cast %eq3A_52 : vector<1000x1xi1> to vector<1000x1xi1>
    %broadcast_in_dim3A_54 = vector.broadcast %broadcast_in_dim3A_53 : vector<1000x1xi1> to vector<1000x256xi1>
    %broadcast_in_dim3A_55 = vector.broadcast %jit3A : f32 to vector<1000x256xf32>
    %select_n3A_56 = arith.select %broadcast_in_dim3A_54, %select_n3A, %broadcast_in_dim3A_55 : vector<1000x256xi1>, vector<1000x256xf32>
    %reduce_max3A = arith.constant dense<0xFF800000> : vector<256xf32>
    %reduce_max3A_57 = vector.multi_reduction <maximumf>, %select_n3A_56, %reduce_max3A [0] : vector<1000x256xf32> to vector<256xf32>
    %broadcast_in_dim3A_58 = vector.shape_cast %reduce_max3A_57 : vector<256xf32> to vector<1x256xf32>
    %get3A_59 = arith.constant 0 : index
    %get3A_60 = arith.constant 0 : index
    %get3A_61 = vector.load %arg8[%get3A_59, %get3A_60] : memref<16x256xf32, #tpu.memory_space<vmem>>, vector<1x256xf32>
    %max3A = arith.maximumf %get3A_61, %broadcast_in_dim3A_58 : vector<1x256xf32>
    %swap3A = arith.constant 0 : index
    %swap3A_62 = arith.constant 0 : index
    %swap3A_63 = vector.load %arg8[%swap3A, %swap3A_62] : memref<16x256xf32, #tpu.memory_space<vmem>>, vector<1x256xf32>
    tpu.vector_store %arg8[%swap3A, %swap3A_62], %max3A {strides = array<i32>} : memref<16x256xf32, #tpu.memory_space<vmem>>, vector<1x256xf32>,
    %eq3A_64 = arith.constant 1 : i32
    %eq3A_65 = vector.broadcast %eq3A_64 : i32 to vector<1000x1xi32>
    %eq3A_66 = arith.cmpi eq, %get3A_49, %eq3A_65 : vector<1000x1xi32>
    %jit3A_67 = arith.constant 0xFF800000 : f32
    %broadcast_in_dim3A_68 = vector.shape_cast %eq3A_66 : vector<1000x1xi1> to vector<1000x1xi1>
    %broadcast_in_dim3A_69 = vector.broadcast %broadcast_in_dim3A_68 : vector<1000x1xi1> to vector<1000x256xi1>
    %broadcast_in_dim3A_70 = vector.broadcast %jit3A_67 : f32 to vector<1000x256xf32>
    %select_n3A_71 = arith.select %broadcast_in_dim3A_69, %select_n3A, %broadcast_in_dim3A_70 : vector<1000x256xi1>, vector<1000x256xf32>
    %reduce_max3A_72 = arith.constant dense<0xFF800000> : vector<256xf32>
    %reduce_max3A_73 = vector.multi_reduction <maximumf>, %select_n3A_71, %reduce_max3A_72 [0] : vector<1000x256xf32> to vector<256xf32>
    %broadcast_in_dim3A_74 = vector.shape_cast %reduce_max3A_73 : vector<256xf32> to vector<1x256xf32>
    %get3A_75 = arith.constant 1 : index
    %get3A_76 = arith.constant 0 : index
    %get3A_77 = vector.load %arg8[%get3A_75, %get3A_76] : memref<16x256xf32, #tpu.memory_space<vmem>>, vector<1x256xf32>
    %max3A_78 = arith.maximumf %get3A_77, %broadcast_in_dim3A_74 : vector<1x256xf32>
    %swap3A_79 = arith.constant 1 : index
    %swap3A_80 = arith.constant 0 : index
    %swap3A_81 = vector.load %arg8[%swap3A_79, %swap3A_80] : memref<16x256xf32, #tpu.memory_space<vmem>>, vector<1x256xf32>
    tpu.vector_store %arg8[%swap3A_79, %swap3A_80], %max3A_78 {strides = array<i32>} : memref<16x256xf32, #tpu.memory_space<vmem>>, vector<1x256xf32>,
    %eq3A_82 = arith.constant 2 : i32
    %eq3A_83 = vector.broadcast %eq3A_82 : i32 to vector<1000x1xi32>
    %eq3A_84 = arith.cmpi eq, %get3A_49, %eq3A_83 : vector<1000x1xi32>
    %jit3A_85 = arith.constant 0xFF800000 : f32
    %broadcast_in_dim3A_86 = vector.shape_cast %eq3A_84 : vector<1000x1xi1> to vector<1000x1xi1>
    %broadcast_in_dim3A_87 = vector.broadcast %broadcast_in_dim3A_86 : vector<1000x1xi1> to vector<1000x256xi1>
    %broadcast_in_dim3A_88 = vector.broadcast %jit3A_85 : f32 to vector<1000x256xf32>
    %select_n3A_89 = arith.select %broadcast_in_dim3A_87, %select_n3A, %broadcast_in_dim3A_88 : vector<1000x256xi1>, vector<1000x256xf32>
    %reduce_max3A_90 = arith.constant dense<0xFF800000> : vector<256xf32>
    %reduce_max3A_91 = vector.multi_reduction <maximumf>, %select_n3A_89, %reduce_max3A_90 [0] : vector<1000x256xf32> to vector<256xf32>
    %broadcast_in_dim3A_92 = vector.shape_cast %reduce_max3A_91 : vector<256xf32> to vector<1x256xf32>
    %get3A_93 = arith.constant 2 : index
    %get3A_94 = arith.constant 0 : index
    %get3A_95 = vector.load %arg8[%get3A_93, %get3A_94] : memref<16x256xf32, #tpu.memory_space<vmem>>, vector<1x256xf32>
    %max3A_96 = arith.maximumf %get3A_95, %broadcast_in_dim3A_92 : vector<1x256xf32>
    %swap3A_97 = arith.constant 2 : index
    %swap3A_98 = arith.constant 0 : index
    %swap3A_99 = vector.load %arg8[%swap3A_97, %swap3A_98] : memref<16x256xf32, #tpu.memory_space<vmem>>, vector<1x256xf32>
    tpu.vector_store %arg8[%swap3A_97, %swap3A_98], %max3A_96 {strides = array<i32>} : memref<16x256xf32, #tpu.memory_space<vmem>>, vector<1x256xf32>,
    %eq3A_100 = arith.constant 3 : i32
    %eq3A_101 = vector.broadcast %eq3A_100 : i32 to vector<1000x1xi32>
    %eq3A_102 = arith.cmpi eq, %get3A_49, %eq3A_101 : vector<1000x1xi32>
    %jit3A_103 = arith.constant 0xFF800000 : f32
    %broadcast_in_dim3A_104 = vector.shape_cast %eq3A_102 : vector<1000x1xi1> to vector<1000x1xi1>
    %broadcast_in_dim3A_105 = vector.broadcast %broadcast_in_dim3A_104 : vector<1000x1xi1> to vector<1000x256xi1>
    %broadcast_in_dim3A_106 = vector.broadcast %jit3A_103 : f32 to vector<1000x256xf32>
    %select_n3A_107 = arith.select %broadcast_in_dim3A_105, %select_n3A, %broadcast_in_dim3A_106 : vector<1000x256xi1>, vector<1000x256xf32>
    %reduce_max3A_108 = arith.constant dense<0xFF800000> : vector<256xf32>
    %reduce_max3A_109 = vector.multi_reduction <maximumf>, %select_n3A_107, %reduce_max3A_108 [0] : vector<1000x256xf32> to vector<256xf32>
    %broadcast_in_dim3A_110 = vector.shape_cast %reduce_max3A_109 : vector<256xf32> to vector<1x256xf32>
    %get3A_111 = arith.constant 3 : index
    %get3A_112 = arith.constant 0 : index
    %get3A_113 = vector.load %arg8[%get3A_111, %get3A_112] : memref<16x256xf32, #tpu.memory_space<vmem>>, vector<1x256xf32>
    %max3A_114 = arith.maximumf %get3A_113, %broadcast_in_dim3A_110 : vector<1x256xf32>
    %swap3A_115 = arith.constant 3 : index
    %swap3A_116 = arith.constant 0 : index
    %swap3A_117 = vector.load %arg8[%swap3A_115, %swap3A_116] : memref<16x256xf32, #tpu.memory_space<vmem>>, vector<1x256xf32>
    tpu.vector_store %arg8[%swap3A_115, %swap3A_116], %max3A_114 {strides = array<i32>} : memref<16x256xf32, #tpu.memory_space<vmem>>, vector<1x256xf32>,
    %eq3A_118 = arith.constant 4 : i32
    %eq3A_119 = vector.broadcast %eq3A_118 : i32 to vector<1000x1xi32>
    %eq3A_120 = arith.cmpi eq, %get3A_49, %eq3A_119 : vector<1000x1xi32>
    %jit3A_121 = arith.constant 0xFF800000 : f32
    %broadcast_in_dim3A_122 = vector.shape_cast %eq3A_120 : vector<1000x1xi1> to vector<1000x1xi1>
    %broadcast_in_dim3A_123 = vector.broadcast %broadcast_in_dim3A_122 : vector<1000x1xi1> to vector<1000x256xi1>
    %broadcast_in_dim3A_124 = vector.broadcast %jit3A_121 : f32 to vector<1000x256xf32>
    %select_n3A_125 = arith.select %broadcast_in_dim3A_123, %select_n3A, %broadcast_in_dim3A_124 : vector<1000x256xi1>, vector<1000x256xf32>
    %reduce_max3A_126 = arith.constant dense<0xFF800000> : vector<256xf32>
    %reduce_max3A_127 = vector.multi_reduction <maximumf>, %select_n3A_125, %reduce_max3A_126 [0] : vector<1000x256xf32> to vector<256xf32>
    %broadcast_in_dim3A_128 = vector.shape_cast %reduce_max3A_127 : vector<256xf32> to vector<1x256xf32>
    %get3A_129 = arith.constant 4 : index
    %get3A_130 = arith.constant 0 : index
    %get3A_131 = vector.load %arg8[%get3A_129, %get3A_130] : memref<16x256xf32, #tpu.memory_space<vmem>>, vector<1x256xf32>
    %max3A_132 = arith.maximumf %get3A_131, %broadcast_in_dim3A_128 : vector<1x256xf32>
    %swap3A_133 = arith.constant 4 : index
    %swap3A_134 = arith.constant 0 : index
    %swap3A_135 = vector.load %arg8[%swap3A_133, %swap3A_134] : memref<16x256xf32, #tpu.memory_space<vmem>>, vector<1x256xf32>
    tpu.vector_store %arg8[%swap3A_133, %swap3A_134], %max3A_132 {strides = array<i32>} : memref<16x256xf32, #tpu.memory_space<vmem>>, vector<1x256xf32>,
    %eq3A_136 = arith.constant 5 : i32
    %eq3A_137 = vector.broadcast %eq3A_136 : i32 to vector<1000x1xi32>
    %eq3A_138 = arith.cmpi eq, %get3A_49, %eq3A_137 : vector<1000x1xi32>
    %jit3A_139 = arith.constant 0xFF800000 : f32
    %broadcast_in_dim3A_140 = vector.shape_cast %eq3A_138 : vector<1000x1xi1> to vector<1000x1xi1>
    %broadcast_in_dim3A_141 = vector.broadcast %broadcast_in_dim3A_140 : vector<1000x1xi1> to vector<1000x256xi1>
    %broadcast_in_dim3A_142 = vector.broadcast %jit3A_139 : f32 to vector<1000x256xf32>
    %select_n3A_143 = arith.select %broadcast_in_dim3A_141, %select_n3A, %broadcast_in_dim3A_142 : vector<1000x256xi1>, vector<1000x256xf32>
    %reduce_max3A_144 = arith.constant dense<0xFF800000> : vector<256xf32>
    %reduce_max3A_145 = vector.multi_reduction <maximumf>, %select_n3A_143, %reduce_max3A_144 [0] : vector<1000x256xf32> to vector<256xf32>
    %broadcast_in_dim3A_146 = vector.shape_cast %reduce_max3A_145 : vector<256xf32> to vector<1x256xf32>
    %get3A_147 = arith.constant 5 : index
    %get3A_148 = arith.constant 0 : index
    %get3A_149 = vector.load %arg8[%get3A_147, %get3A_148] : memref<16x256xf32, #tpu.memory_space<vmem>>, vector<1x256xf32>
    %max3A_150 = arith.maximumf %get3A_149, %broadcast_in_dim3A_146 : vector<1x256xf32>
    %swap3A_151 = arith.constant 5 : index
    %swap3A_152 = arith.constant 0 : index
    %swap3A_153 = vector.load %arg8[%swap3A_151, %swap3A_152] : memref<16x256xf32, #tpu.memory_space<vmem>>, vector<1x256xf32>
    tpu.vector_store %arg8[%swap3A_151, %swap3A_152], %max3A_150 {strides = array<i32>} : memref<16x256xf32, #tpu.memory_space<vmem>>, vector<1x256xf32>,
    %eq3A_154 = arith.constant 6 : i32
    %eq3A_155 = vector.broadcast %eq3A_154 : i32 to vector<1000x1xi32>
    %eq3A_156 = arith.cmpi eq, %get3A_49, %eq3A_155 : vector<1000x1xi32>
    %jit3A_157 = arith.constant 0xFF800000 : f32
    %broadcast_in_dim3A_158 = vector.shape_cast %eq3A_156 : vector<1000x1xi1> to vector<1000x1xi1>
    %broadcast_in_dim3A_159 = vector.broadcast %broadcast_in_dim3A_158 : vector<1000x1xi1> to vector<1000x256xi1>
    %broadcast_in_dim3A_160 = vector.broadcast %jit3A_157 : f32 to vector<1000x256xf32>
    %select_n3A_161 = arith.select %broadcast_in_dim3A_159, %select_n3A, %broadcast_in_dim3A_160 : vector<1000x256xi1>, vector<1000x256xf32>
    %reduce_max3A_162 = arith.constant dense<0xFF800000> : vector<256xf32>
    %reduce_max3A_163 = vector.multi_reduction <maximumf>, %select_n3A_161, %reduce_max3A_162 [0] : vector<1000x256xf32> to vector<256xf32>
    %broadcast_in_dim3A_164 = vector.shape_cast %reduce_max3A_163 : vector<256xf32> to vector<1x256xf32>
    %get3A_165 = arith.constant 6 : index
    %get3A_166 = arith.constant 0 : index
    %get3A_167 = vector.load %arg8[%get3A_165, %get3A_166] : memref<16x256xf32, #tpu.memory_space<vmem>>, vector<1x256xf32>
    %max3A_168 = arith.maximumf %get3A_167, %broadcast_in_dim3A_164 : vector<1x256xf32>
    %swap3A_169 = arith.constant 6 : index
    %swap3A_170 = arith.constant 0 : index
    %swap3A_171 = vector.load %arg8[%swap3A_169, %swap3A_170] : memref<16x256xf32, #tpu.memory_space<vmem>>, vector<1x256xf32>
    tpu.vector_store %arg8[%swap3A_169, %swap3A_170], %max3A_168 {strides = array<i32>} : memref<16x256xf32, #tpu.memory_space<vmem>>, vector<1x256xf32>,
    %eq3A_172 = arith.constant 7 : i32
    %eq3A_173 = vector.broadcast %eq3A_172 : i32 to vector<1000x1xi32>
    %eq3A_174 = arith.cmpi eq, %get3A_49, %eq3A_173 : vector<1000x1xi32>
    %jit3A_175 = arith.constant 0xFF800000 : f32
    %broadcast_in_dim3A_176 = vector.shape_cast %eq3A_174 : vector<1000x1xi1> to vector<1000x1xi1>
    %broadcast_in_dim3A_177 = vector.broadcast %broadcast_in_dim3A_176 : vector<1000x1xi1> to vector<1000x256xi1>
    %broadcast_in_dim3A_178 = vector.broadcast %jit3A_175 : f32 to vector<1000x256xf32>
    %select_n3A_179 = arith.select %broadcast_in_dim3A_177, %select_n3A, %broadcast_in_dim3A_178 : vector<1000x256xi1>, vector<1000x256xf32>
    %reduce_max3A_180 = arith.constant dense<0xFF800000> : vector<256xf32>
    %reduce_max3A_181 = vector.multi_reduction <maximumf>, %select_n3A_179, %reduce_max3A_180 [0] : vector<1000x256xf32> to vector<256xf32>
    %broadcast_in_dim3A_182 = vector.shape_cast %reduce_max3A_181 : vector<256xf32> to vector<1x256xf32>
    %get3A_183 = arith.constant 7 : index
    %get3A_184 = arith.constant 0 : index
    %get3A_185 = vector.load %arg8[%get3A_183, %get3A_184] : memref<16x256xf32, #tpu.memory_space<vmem>>, vector<1x256xf32>
    %max3A_186 = arith.maximumf %get3A_185, %broadcast_in_dim3A_182 : vector<1x256xf32>
    %swap3A_187 = arith.constant 7 : index
    %swap3A_188 = arith.constant 0 : index
    %swap3A_189 = vector.load %arg8[%swap3A_187, %swap3A_188] : memref<16x256xf32, #tpu.memory_space<vmem>>, vector<1x256xf32>
    tpu.vector_store %arg8[%swap3A_187, %swap3A_188], %max3A_186 {strides = array<i32>} : memref<16x256xf32, #tpu.memory_space<vmem>>, vector<1x256xf32>,
    %eq3A_190 = arith.constant 8 : i32
    %eq3A_191 = vector.broadcast %eq3A_190 : i32 to vector<1000x1xi32>
    %eq3A_192 = arith.cmpi eq, %get3A_49, %eq3A_191 : vector<1000x1xi32>
    %jit3A_193 = arith.constant 0xFF800000 : f32
    %broadcast_in_dim3A_194 = vector.shape_cast %eq3A_192 : vector<1000x1xi1> to vector<1000x1xi1>
    %broadcast_in_dim3A_195 = vector.broadcast %broadcast_in_dim3A_194 : vector<1000x1xi1> to vector<1000x256xi1>
    %broadcast_in_dim3A_196 = vector.broadcast %jit3A_193 : f32 to vector<1000x256xf32>
    %select_n3A_197 = arith.select %broadcast_in_dim3A_195, %select_n3A, %broadcast_in_dim3A_196 : vector<1000x256xi1>, vector<1000x256xf32>
    %reduce_max3A_198 = arith.constant dense<0xFF800000> : vector<256xf32>
    %reduce_max3A_199 = vector.multi_reduction <maximumf>, %select_n3A_197, %reduce_max3A_198 [0] : vector<1000x256xf32> to vector<256xf32>
    %broadcast_in_dim3A_200 = vector.shape_cast %reduce_max3A_199 : vector<256xf32> to vector<1x256xf32>
    %get3A_201 = arith.constant 8 : index
    %get3A_202 = arith.constant 0 : index
    %get3A_203 = vector.load %arg8[%get3A_201, %get3A_202] : memref<16x256xf32, #tpu.memory_space<vmem>>, vector<1x256xf32>
    %max3A_204 = arith.maximumf %get3A_203, %broadcast_in_dim3A_200 : vector<1x256xf32>
    %swap3A_205 = arith.constant 8 : index
    %swap3A_206 = arith.constant 0 : index
    %swap3A_207 = vector.load %arg8[%swap3A_205, %swap3A_206] : memref<16x256xf32, #tpu.memory_space<vmem>>, vector<1x256xf32>
    tpu.vector_store %arg8[%swap3A_205, %swap3A_206], %max3A_204 {strides = array<i32>} : memref<16x256xf32, #tpu.memory_space<vmem>>, vector<1x256xf32>,
    %eq3A_208 = arith.constant 9 : i32
    %eq3A_209 = vector.broadcast %eq3A_208 : i32 to vector<1000x1xi32>
    %eq3A_210 = arith.cmpi eq, %get3A_49, %eq3A_209 : vector<1000x1xi32>
    %jit3A_211 = arith.constant 0xFF800000 : f32
    %broadcast_in_dim3A_212 = vector.shape_cast %eq3A_210 : vector<1000x1xi1> to vector<1000x1xi1>
    %broadcast_in_dim3A_213 = vector.broadcast %broadcast_in_dim3A_212 : vector<1000x1xi1> to vector<1000x256xi1>
    %broadcast_in_dim3A_214 = vector.broadcast %jit3A_211 : f32 to vector<1000x256xf32>
    %select_n3A_215 = arith.select %broadcast_in_dim3A_213, %select_n3A, %broadcast_in_dim3A_214 : vector<1000x256xi1>, vector<1000x256xf32>
    %reduce_max3A_216 = arith.constant dense<0xFF800000> : vector<256xf32>
    %reduce_max3A_217 = vector.multi_reduction <maximumf>, %select_n3A_215, %reduce_max3A_216 [0] : vector<1000x256xf32> to vector<256xf32>
    %broadcast_in_dim3A_218 = vector.shape_cast %reduce_max3A_217 : vector<256xf32> to vector<1x256xf32>
    %get3A_219 = arith.constant 9 : index
    %get3A_220 = arith.constant 0 : index
    %get3A_221 = vector.load %arg8[%get3A_219, %get3A_220] : memref<16x256xf32, #tpu.memory_space<vmem>>, vector<1x256xf32>
    %max3A_222 = arith.maximumf %get3A_221, %broadcast_in_dim3A_218 : vector<1x256xf32>
    %swap3A_223 = arith.constant 9 : index
    %swap3A_224 = arith.constant 0 : index
    %swap3A_225 = vector.load %arg8[%swap3A_223, %swap3A_224] : memref<16x256xf32, #tpu.memory_space<vmem>>, vector<1x256xf32>
    tpu.vector_store %arg8[%swap3A_223, %swap3A_224], %max3A_222 {strides = array<i32>} : memref<16x256xf32, #tpu.memory_space<vmem>>, vector<1x256xf32>,
    %eq3A_226 = arith.constant 10 : i32
    %eq3A_227 = vector.broadcast %eq3A_226 : i32 to vector<1000x1xi32>
    %eq3A_228 = arith.cmpi eq, %get3A_49, %eq3A_227 : vector<1000x1xi32>
    %jit3A_229 = arith.constant 0xFF800000 : f32
    %broadcast_in_dim3A_230 = vector.shape_cast %eq3A_228 : vector<1000x1xi1> to vector<1000x1xi1>
    %broadcast_in_dim3A_231 = vector.broadcast %broadcast_in_dim3A_230 : vector<1000x1xi1> to vector<1000x256xi1>
    %broadcast_in_dim3A_232 = vector.broadcast %jit3A_229 : f32 to vector<1000x256xf32>
    %select_n3A_233 = arith.select %broadcast_in_dim3A_231, %select_n3A, %broadcast_in_dim3A_232 : vector<1000x256xi1>, vector<1000x256xf32>
    %reduce_max3A_234 = arith.constant dense<0xFF800000> : vector<256xf32>
    %reduce_max3A_235 = vector.multi_reduction <maximumf>, %select_n3A_233, %reduce_max3A_234 [0] : vector<1000x256xf32> to vector<256xf32>
    %broadcast_in_dim3A_236 = vector.shape_cast %reduce_max3A_235 : vector<256xf32> to vector<1x256xf32>
    %get3A_237 = arith.constant 10 : index
    %get3A_238 = arith.constant 0 : index
    %get3A_239 = vector.load %arg8[%get3A_237, %get3A_238] : memref<16x256xf32, #tpu.memory_space<vmem>>, vector<1x256xf32>
    %max3A_240 = arith.maximumf %get3A_239, %broadcast_in_dim3A_236 : vector<1x256xf32>
    %swap3A_241 = arith.constant 10 : index
    %swap3A_242 = arith.constant 0 : index
    %swap3A_243 = vector.load %arg8[%swap3A_241, %swap3A_242] : memref<16x256xf32, #tpu.memory_space<vmem>>, vector<1x256xf32>
    tpu.vector_store %arg8[%swap3A_241, %swap3A_242], %max3A_240 {strides = array<i32>} : memref<16x256xf32, #tpu.memory_space<vmem>>, vector<1x256xf32>,
    %eq3A_244 = arith.constant 11 : i32
    %eq3A_245 = vector.broadcast %eq3A_244 : i32 to vector<1000x1xi32>
    %eq3A_246 = arith.cmpi eq, %get3A_49, %eq3A_245 : vector<1000x1xi32>
    %jit3A_247 = arith.constant 0xFF800000 : f32
    %broadcast_in_dim3A_248 = vector.shape_cast %eq3A_246 : vector<1000x1xi1> to vector<1000x1xi1>
    %broadcast_in_dim3A_249 = vector.broadcast %broadcast_in_dim3A_248 : vector<1000x1xi1> to vector<1000x256xi1>
    %broadcast_in_dim3A_250 = vector.broadcast %jit3A_247 : f32 to vector<1000x256xf32>
    %select_n3A_251 = arith.select %broadcast_in_dim3A_249, %select_n3A, %broadcast_in_dim3A_250 : vector<1000x256xi1>, vector<1000x256xf32>
    %reduce_max3A_252 = arith.constant dense<0xFF800000> : vector<256xf32>
    %reduce_max3A_253 = vector.multi_reduction <maximumf>, %select_n3A_251, %reduce_max3A_252 [0] : vector<1000x256xf32> to vector<256xf32>
    %broadcast_in_dim3A_254 = vector.shape_cast %reduce_max3A_253 : vector<256xf32> to vector<1x256xf32>
    %get3A_255 = arith.constant 11 : index
    %get3A_256 = arith.constant 0 : index
    %get3A_257 = vector.load %arg8[%get3A_255, %get3A_256] : memref<16x256xf32, #tpu.memory_space<vmem>>, vector<1x256xf32>
    %max3A_258 = arith.maximumf %get3A_257, %broadcast_in_dim3A_254 : vector<1x256xf32>
    %swap3A_259 = arith.constant 11 : index
    %swap3A_260 = arith.constant 0 : index
    %swap3A_261 = vector.load %arg8[%swap3A_259, %swap3A_260] : memref<16x256xf32, #tpu.memory_space<vmem>>, vector<1x256xf32>
    tpu.vector_store %arg8[%swap3A_259, %swap3A_260], %max3A_258 {strides = array<i32>} : memref<16x256xf32, #tpu.memory_space<vmem>>, vector<1x256xf32>,
    %eq3A_262 = arith.constant 12 : i32
    %eq3A_263 = vector.broadcast %eq3A_262 : i32 to vector<1000x1xi32>
    %eq3A_264 = arith.cmpi eq, %get3A_49, %eq3A_263 : vector<1000x1xi32>
    %jit3A_265 = arith.constant 0xFF800000 : f32
    %broadcast_in_dim3A_266 = vector.shape_cast %eq3A_264 : vector<1000x1xi1> to vector<1000x1xi1>
    %broadcast_in_dim3A_267 = vector.broadcast %broadcast_in_dim3A_266 : vector<1000x1xi1> to vector<1000x256xi1>
    %broadcast_in_dim3A_268 = vector.broadcast %jit3A_265 : f32 to vector<1000x256xf32>
    %select_n3A_269 = arith.select %broadcast_in_dim3A_267, %select_n3A, %broadcast_in_dim3A_268 : vector<1000x256xi1>, vector<1000x256xf32>
    %reduce_max3A_270 = arith.constant dense<0xFF800000> : vector<256xf32>
    %reduce_max3A_271 = vector.multi_reduction <maximumf>, %select_n3A_269, %reduce_max3A_270 [0] : vector<1000x256xf32> to vector<256xf32>
    %broadcast_in_dim3A_272 = vector.shape_cast %reduce_max3A_271 : vector<256xf32> to vector<1x256xf32>
    %get3A_273 = arith.constant 12 : index
    %get3A_274 = arith.constant 0 : index
    %get3A_275 = vector.load %arg8[%get3A_273, %get3A_274] : memref<16x256xf32, #tpu.memory_space<vmem>>, vector<1x256xf32>
    %max3A_276 = arith.maximumf %get3A_275, %broadcast_in_dim3A_272 : vector<1x256xf32>
    %swap3A_277 = arith.constant 12 : index
    %swap3A_278 = arith.constant 0 : index
    %swap3A_279 = vector.load %arg8[%swap3A_277, %swap3A_278] : memref<16x256xf32, #tpu.memory_space<vmem>>, vector<1x256xf32>
    tpu.vector_store %arg8[%swap3A_277, %swap3A_278], %max3A_276 {strides = array<i32>} : memref<16x256xf32, #tpu.memory_space<vmem>>, vector<1x256xf32>,
    %eq3A_280 = arith.constant 13 : i32
    %eq3A_281 = vector.broadcast %eq3A_280 : i32 to vector<1000x1xi32>
    %eq3A_282 = arith.cmpi eq, %get3A_49, %eq3A_281 : vector<1000x1xi32>
    %jit3A_283 = arith.constant 0xFF800000 : f32
    %broadcast_in_dim3A_284 = vector.shape_cast %eq3A_282 : vector<1000x1xi1> to vector<1000x1xi1>
    %broadcast_in_dim3A_285 = vector.broadcast %broadcast_in_dim3A_284 : vector<1000x1xi1> to vector<1000x256xi1>
    %broadcast_in_dim3A_286 = vector.broadcast %jit3A_283 : f32 to vector<1000x256xf32>
    %select_n3A_287 = arith.select %broadcast_in_dim3A_285, %select_n3A, %broadcast_in_dim3A_286 : vector<1000x256xi1>, vector<1000x256xf32>
    %reduce_max3A_288 = arith.constant dense<0xFF800000> : vector<256xf32>
    %reduce_max3A_289 = vector.multi_reduction <maximumf>, %select_n3A_287, %reduce_max3A_288 [0] : vector<1000x256xf32> to vector<256xf32>
    %broadcast_in_dim3A_290 = vector.shape_cast %reduce_max3A_289 : vector<256xf32> to vector<1x256xf32>
    %get3A_291 = arith.constant 13 : index
    %get3A_292 = arith.constant 0 : index
    %get3A_293 = vector.load %arg8[%get3A_291, %get3A_292] : memref<16x256xf32, #tpu.memory_space<vmem>>, vector<1x256xf32>
    %max3A_294 = arith.maximumf %get3A_293, %broadcast_in_dim3A_290 : vector<1x256xf32>
    %swap3A_295 = arith.constant 13 : index
    %swap3A_296 = arith.constant 0 : index
    %swap3A_297 = vector.load %arg8[%swap3A_295, %swap3A_296] : memref<16x256xf32, #tpu.memory_space<vmem>>, vector<1x256xf32>
    tpu.vector_store %arg8[%swap3A_295, %swap3A_296], %max3A_294 {strides = array<i32>} : memref<16x256xf32, #tpu.memory_space<vmem>>, vector<1x256xf32>,
    %eq3A_298 = arith.constant 14 : i32
    %eq3A_299 = vector.broadcast %eq3A_298 : i32 to vector<1000x1xi32>
    %eq3A_300 = arith.cmpi eq, %get3A_49, %eq3A_299 : vector<1000x1xi32>
    %jit3A_301 = arith.constant 0xFF800000 : f32
    %broadcast_in_dim3A_302 = vector.shape_cast %eq3A_300 : vector<1000x1xi1> to vector<1000x1xi1>
    %broadcast_in_dim3A_303 = vector.broadcast %broadcast_in_dim3A_302 : vector<1000x1xi1> to vector<1000x256xi1>
    %broadcast_in_dim3A_304 = vector.broadcast %jit3A_301 : f32 to vector<1000x256xf32>
    %select_n3A_305 = arith.select %broadcast_in_dim3A_303, %select_n3A, %broadcast_in_dim3A_304 : vector<1000x256xi1>, vector<1000x256xf32>
    %reduce_max3A_306 = arith.constant dense<0xFF800000> : vector<256xf32>
    %reduce_max3A_307 = vector.multi_reduction <maximumf>, %select_n3A_305, %reduce_max3A_306 [0] : vector<1000x256xf32> to vector<256xf32>
    %broadcast_in_dim3A_308 = vector.shape_cast %reduce_max3A_307 : vector<256xf32> to vector<1x256xf32>
    %get3A_309 = arith.constant 14 : index
    %get3A_310 = arith.constant 0 : index
    %get3A_311 = vector.load %arg8[%get3A_309, %get3A_310] : memref<16x256xf32, #tpu.memory_space<vmem>>, vector<1x256xf32>
    %max3A_312 = arith.maximumf %get3A_311, %broadcast_in_dim3A_308 : vector<1x256xf32>
    %swap3A_313 = arith.constant 14 : index
    %swap3A_314 = arith.constant 0 : index
    %swap3A_315 = vector.load %arg8[%swap3A_313, %swap3A_314] : memref<16x256xf32, #tpu.memory_space<vmem>>, vector<1x256xf32>
    tpu.vector_store %arg8[%swap3A_313, %swap3A_314], %max3A_312 {strides = array<i32>} : memref<16x256xf32, #tpu.memory_space<vmem>>, vector<1x256xf32>,
    %eq3A_316 = arith.constant 15 : i32
    %eq3A_317 = vector.broadcast %eq3A_316 : i32 to vector<1000x1xi32>
    %eq3A_318 = arith.cmpi eq, %get3A_49, %eq3A_317 : vector<1000x1xi32>
    %jit3A_319 = arith.constant 0xFF800000 : f32
    %broadcast_in_dim3A_320 = vector.shape_cast %eq3A_318 : vector<1000x1xi1> to vector<1000x1xi1>
    %broadcast_in_dim3A_321 = vector.broadcast %broadcast_in_dim3A_320 : vector<1000x1xi1> to vector<1000x256xi1>
    %broadcast_in_dim3A_322 = vector.broadcast %jit3A_319 : f32 to vector<1000x256xf32>
    %select_n3A_323 = arith.select %broadcast_in_dim3A_321, %select_n3A, %broadcast_in_dim3A_322 : vector<1000x256xi1>, vector<1000x256xf32>
    %reduce_max3A_324 = arith.constant dense<0xFF800000> : vector<256xf32>
    %reduce_max3A_325 = vector.multi_reduction <maximumf>, %select_n3A_323, %reduce_max3A_324 [0] : vector<1000x256xf32> to vector<256xf32>
    %broadcast_in_dim3A_326 = vector.shape_cast %reduce_max3A_325 : vector<256xf32> to vector<1x256xf32>
    %get3A_327 = arith.constant 15 : index
    %get3A_328 = arith.constant 0 : index
    %get3A_329 = vector.load %arg8[%get3A_327, %get3A_328] : memref<16x256xf32, #tpu.memory_space<vmem>>, vector<1x256xf32>
    %max3A_330 = arith.maximumf %get3A_329, %broadcast_in_dim3A_326 : vector<1x256xf32>
    %swap3A_331 = arith.constant 15 : index
    %swap3A_332 = arith.constant 0 : index
    %swap3A_333 = vector.load %arg8[%swap3A_331, %swap3A_332] : memref<16x256xf32, #tpu.memory_space<vmem>>, vector<1x256xf32>
    tpu.vector_store %arg8[%swap3A_331, %swap3A_332], %max3A_330 {strides = array<i32>} : memref<16x256xf32, #tpu.memory_space<vmem>>, vector<1x256xf32>,
    %get3A_334 = arith.constant 0 : index
    %get3A_335 = arith.constant 0 : index
    %get3A_336 = arith.constant 0 : index
    %get3A_337 = vector.load %arg3[%get3A_334, %get3A_335, %get3A_336] : memref<2x1000x128xf32, #tpu.memory_space<vmem>>, vector<1x1000x128xf32>
    %get3A_338 = vector.shape_cast %get3A_337 : vector<1x1000x128xf32> to vector<1000x128xf32>
    %get3A_339 = arith.constant 1 : index
    %get3A_340 = arith.constant 0 : index
    %get3A_341 = arith.constant 0 : index
    %get3A_342 = vector.load %arg3[%get3A_339, %get3A_340, %get3A_341] : memref<2x1000x128xf32, #tpu.memory_space<vmem>>, vector<1x1000x128xf32>
    %get3A_343 = vector.shape_cast %get3A_342 : vector<1x1000x128xf32> to vector<1000x128xf32>
    %concatenate3A_344 = tpu.concatenate %get3A_338, %get3A_343 in 1 : vector<1000x128xf32>, vector<1000x128xf32> -> vector<1000x256xf32>
    %get3A_345 = arith.constant 0 : index
    %get3A_346 = arith.constant 0 : index
    %get3A_347 = arith.constant 0 : index
    %get3A_348 = vector.load %arg4[%get3A_345, %get3A_346, %get3A_347] : memref<2x1000x16xf32, #tpu.memory_space<vmem>>, vector<1x1000x1xf32>
    %get3A_349 = vector.shape_cast %get3A_348 : vector<1x1000x1xf32> to vector<1000x1xf32>
    %broadcast_in_dim3A_350 = vector.shape_cast %get3A_349 : vector<1000x1xf32> to vector<1000x1xf32>
    %broadcast_in_dim3A_351 = vector.broadcast %broadcast_in_dim3A_350 : vector<1000x1xf32> to vector<1000x64xf32>
    %get3A_352 = arith.constant 0 : index
    %get3A_353 = arith.constant 0 : index
    %get3A_354 = arith.constant 1 : index
    %get3A_355 = vector.load %arg4[%get3A_352, %get3A_353, %get3A_354] : memref<2x1000x16xf32, #tpu.memory_space<vmem>>, vector<1x1000x1xf32>
    %get3A_356 = vector.shape_cast %get3A_355 : vector<1x1000x1xf32> to vector<1000x1xf32>
    %broadcast_in_dim3A_357 = vector.shape_cast %get3A_356 : vector<1000x1xf32> to vector<1000x1xf32>
    %broadcast_in_dim3A_358 = vector.broadcast %broadcast_in_dim3A_357 : vector<1000x1xf32> to vector<1000x64xf32>
    %get3A_359 = arith.constant 1 : index
    %get3A_360 = arith.constant 0 : index
    %get3A_361 = arith.constant 2 : index
    %get3A_362 = vector.load %arg4[%get3A_359, %get3A_360, %get3A_361] : memref<2x1000x16xf32, #tpu.memory_space<vmem>>, vector<1x1000x1xf32>
    %get3A_363 = vector.shape_cast %get3A_362 : vector<1x1000x1xf32> to vector<1000x1xf32>
    %broadcast_in_dim3A_364 = vector.shape_cast %get3A_363 : vector<1000x1xf32> to vector<1000x1xf32>
    %broadcast_in_dim3A_365 = vector.broadcast %broadcast_in_dim3A_364 : vector<1000x1xf32> to vector<1000x64xf32>
    %get3A_366 = arith.constant 1 : index
    %get3A_367 = arith.constant 0 : index
    %get3A_368 = arith.constant 3 : index
    %get3A_369 = vector.load %arg4[%get3A_366, %get3A_367, %get3A_368] : memref<2x1000x16xf32, #tpu.memory_space<vmem>>, vector<1x1000x1xf32>
    %get3A_370 = vector.shape_cast %get3A_369 : vector<1x1000x1xf32> to vector<1000x1xf32>
    %broadcast_in_dim3A_371 = vector.shape_cast %get3A_370 : vector<1000x1xf32> to vector<1000x1xf32>
    %broadcast_in_dim3A_372 = vector.broadcast %broadcast_in_dim3A_371 : vector<1000x1xf32> to vector<1000x64xf32>
    %concatenate3A_373 = tpu.concatenate %broadcast_in_dim3A_351, %broadcast_in_dim3A_358, %broadcast_in_dim3A_365, %broadcast_in_dim3A_372 in 1 : vector<1000x64xf32>, vector<1000x64xf32>, vector<1000x64xf32>, vector<1000x64xf32> -> vector<1000x256xf32>
    %add3A_374 = arith.constant 1.000000e-16 : f32
    %add3A_375 = vector.broadcast %add3A_374 : f32 to vector<1000x256xf32>
    %add3A_376 = arith.addf %concatenate3A_373, %add3A_375 : vector<1000x256xf32>
    %div3A_377 = arith.divf %concatenate3A_344, %add3A_376 : vector<1000x256xf32>
    %gt3A_378 = arith.constant 0.000000e+00 : f32
    %gt3A_379 = vector.broadcast %gt3A_378 : f32 to vector<1000x256xf32>
    %gt3A_380 = arith.cmpf ogt, %div3A_377, %gt3A_379 : vector<1000x256xf32>
    %min3A_381 = arith.constant 0.000000e+00 : f32
    %min3A_382 = vector.broadcast %min3A_381 : f32 to vector<1000x256xf32>
    %min3A_383 = arith.minimumf %div3A_377, %min3A_382 : vector<1000x256xf32>
    %exp3A_384 = math.exp %min3A_383 : vector<1000x256xf32>
    %sub3A_385 = arith.constant 1.000000e+00 : f32
    %sub3A_386 = vector.broadcast %sub3A_385 : f32 to vector<1000x256xf32>
    %sub3A_387 = arith.subf %exp3A_384, %sub3A_386 : vector<1000x256xf32>
    %select_n3A_388 = arith.select %gt3A_380, %div3A_377, %sub3A_387 : vector<1000x256xi1>, vector<1000x256xf32>
    %get3A_389 = arith.constant 0 : index
    %get3A_390 = arith.constant 0 : index
    %get3A_391 = vector.load %arg6[%get3A_389, %get3A_390] : memref<1000x1xi32, #tpu.memory_space<vmem>>, vector<1000x1xi32>
    %eq3A_392 = arith.constant 0 : i32
    %eq3A_393 = vector.broadcast %eq3A_392 : i32 to vector<1000x1xi32>
    %eq3A_394 = arith.cmpi eq, %get3A_391, %eq3A_393 : vector<1000x1xi32>
    %jit3A_395 = arith.constant 0xFF800000 : f32
    %broadcast_in_dim3A_396 = vector.shape_cast %eq3A_394 : vector<1000x1xi1> to vector<1000x1xi1>
    %broadcast_in_dim3A_397 = vector.broadcast %broadcast_in_dim3A_396 : vector<1000x1xi1> to vector<1000x256xi1>
    %broadcast_in_dim3A_398 = vector.broadcast %jit3A_395 : f32 to vector<1000x256xf32>
    %select_n3A_399 = arith.select %broadcast_in_dim3A_397, %select_n3A_388, %broadcast_in_dim3A_398 : vector<1000x256xi1>, vector<1000x256xf32>
    %reduce_max3A_400 = arith.constant dense<0xFF800000> : vector<256xf32>
    %reduce_max3A_401 = vector.multi_reduction <maximumf>, %select_n3A_399, %reduce_max3A_400 [0] : vector<1000x256xf32> to vector<256xf32>
    %broadcast_in_dim3A_402 = vector.shape_cast %reduce_max3A_401 : vector<256xf32> to vector<1x256xf32>
    %get3A_403 = arith.constant 0 : index
    %get3A_404 = arith.constant 0 : index
    %get3A_405 = vector.load %arg9[%get3A_403, %get3A_404] : memref<16x256xf32, #tpu.memory_space<vmem>>, vector<1x256xf32>
    %max3A_406 = arith.maximumf %get3A_405, %broadcast_in_dim3A_402 : vector<1x256xf32>
    %swap3A_407 = arith.constant 0 : index
    %swap3A_408 = arith.constant 0 : index
    %swap3A_409 = vector.load %arg9[%swap3A_407, %swap3A_408] : memref<16x256xf32, #tpu.memory_space<vmem>>, vector<1x256xf32>
    tpu.vector_store %arg9[%swap3A_407, %swap3A_408], %max3A_406 {strides = array<i32>} : memref<16x256xf32, #tpu.memory_space<vmem>>, vector<1x256xf32>,
    %eq3A_410 = arith.constant 1 : i32
    %eq3A_411 = vector.broadcast %eq3A_410 : i32 to vector<1000x1xi32>
    %eq3A_412 = arith.cmpi eq, %get3A_391, %eq3A_411 : vector<1000x1xi32>
    %jit3A_413 = arith.constant 0xFF800000 : f32
    %broadcast_in_dim3A_414 = vector.shape_cast %eq3A_412 : vector<1000x1xi1> to vector<1000x1xi1>
    %broadcast_in_dim3A_415 = vector.broadcast %broadcast_in_dim3A_414 : vector<1000x1xi1> to vector<1000x256xi1>
    %broadcast_in_dim3A_416 = vector.broadcast %jit3A_413 : f32 to vector<1000x256xf32>
    %select_n3A_417 = arith.select %broadcast_in_dim3A_415, %select_n3A_388, %broadcast_in_dim3A_416 : vector<1000x256xi1>, vector<1000x256xf32>
    %reduce_max3A_418 = arith.constant dense<0xFF800000> : vector<256xf32>
    %reduce_max3A_419 = vector.multi_reduction <maximumf>, %select_n3A_417, %reduce_max3A_418 [0] : vector<1000x256xf32> to vector<256xf32>
    %broadcast_in_dim3A_420 = vector.shape_cast %reduce_max3A_419 : vector<256xf32> to vector<1x256xf32>
    %get3A_421 = arith.constant 1 : index
    %get3A_422 = arith.constant 0 : index
    %get3A_423 = vector.load %arg9[%get3A_421, %get3A_422] : memref<16x256xf32, #tpu.memory_space<vmem>>, vector<1x256xf32>
    %max3A_424 = arith.maximumf %get3A_423, %broadcast_in_dim3A_420 : vector<1x256xf32>
    %swap3A_425 = arith.constant 1 : index
    %swap3A_426 = arith.constant 0 : index
    %swap3A_427 = vector.load %arg9[%swap3A_425, %swap3A_426] : memref<16x256xf32, #tpu.memory_space<vmem>>, vector<1x256xf32>
    tpu.vector_store %arg9[%swap3A_425, %swap3A_426], %max3A_424 {strides = array<i32>} : memref<16x256xf32, #tpu.memory_space<vmem>>, vector<1x256xf32>,
    %eq3A_428 = arith.constant 2 : i32
    %eq3A_429 = vector.broadcast %eq3A_428 : i32 to vector<1000x1xi32>
    %eq3A_430 = arith.cmpi eq, %get3A_391, %eq3A_429 : vector<1000x1xi32>
    %jit3A_431 = arith.constant 0xFF800000 : f32
    %broadcast_in_dim3A_432 = vector.shape_cast %eq3A_430 : vector<1000x1xi1> to vector<1000x1xi1>
    %broadcast_in_dim3A_433 = vector.broadcast %broadcast_in_dim3A_432 : vector<1000x1xi1> to vector<1000x256xi1>
    %broadcast_in_dim3A_434 = vector.broadcast %jit3A_431 : f32 to vector<1000x256xf32>
    %select_n3A_435 = arith.select %broadcast_in_dim3A_433, %select_n3A_388, %broadcast_in_dim3A_434 : vector<1000x256xi1>, vector<1000x256xf32>
    %reduce_max3A_436 = arith.constant dense<0xFF800000> : vector<256xf32>
    %reduce_max3A_437 = vector.multi_reduction <maximumf>, %select_n3A_435, %reduce_max3A_436 [0] : vector<1000x256xf32> to vector<256xf32>
    %broadcast_in_dim3A_438 = vector.shape_cast %reduce_max3A_437 : vector<256xf32> to vector<1x256xf32>
    %get3A_439 = arith.constant 2 : index
    %get3A_440 = arith.constant 0 : index
    %get3A_441 = vector.load %arg9[%get3A_439, %get3A_440] : memref<16x256xf32, #tpu.memory_space<vmem>>, vector<1x256xf32>
    %max3A_442 = arith.maximumf %get3A_441, %broadcast_in_dim3A_438 : vector<1x256xf32>
    %swap3A_443 = arith.constant 2 : index
    %swap3A_444 = arith.constant 0 : index
    %swap3A_445 = vector.load %arg9[%swap3A_443, %swap3A_444] : memref<16x256xf32, #tpu.memory_space<vmem>>, vector<1x256xf32>
    tpu.vector_store %arg9[%swap3A_443, %swap3A_444], %max3A_442 {strides = array<i32>} : memref<16x256xf32, #tpu.memory_space<vmem>>, vector<1x256xf32>,
    %eq3A_446 = arith.constant 3 : i32
    %eq3A_447 = vector.broadcast %eq3A_446 : i32 to vector<1000x1xi32>
    %eq3A_448 = arith.cmpi eq, %get3A_391, %eq3A_447 : vector<1000x1xi32>
    %jit3A_449 = arith.constant 0xFF800000 : f32
    %broadcast_in_dim3A_450 = vector.shape_cast %eq3A_448 : vector<1000x1xi1> to vector<1000x1xi1>
    %broadcast_in_dim3A_451 = vector.broadcast %broadcast_in_dim3A_450 : vector<1000x1xi1> to vector<1000x256xi1>
    %broadcast_in_dim3A_452 = vector.broadcast %jit3A_449 : f32 to vector<1000x256xf32>
    %select_n3A_453 = arith.select %broadcast_in_dim3A_451, %select_n3A_388, %broadcast_in_dim3A_452 : vector<1000x256xi1>, vector<1000x256xf32>
    %reduce_max3A_454 = arith.constant dense<0xFF800000> : vector<256xf32>
    %reduce_max3A_455 = vector.multi_reduction <maximumf>, %select_n3A_453, %reduce_max3A_454 [0] : vector<1000x256xf32> to vector<256xf32>
    %broadcast_in_dim3A_456 = vector.shape_cast %reduce_max3A_455 : vector<256xf32> to vector<1x256xf32>
    %get3A_457 = arith.constant 3 : index
    %get3A_458 = arith.constant 0 : index
    %get3A_459 = vector.load %arg9[%get3A_457, %get3A_458] : memref<16x256xf32, #tpu.memory_space<vmem>>, vector<1x256xf32>
    %max3A_460 = arith.maximumf %get3A_459, %broadcast_in_dim3A_456 : vector<1x256xf32>
    %swap3A_461 = arith.constant 3 : index
    %swap3A_462 = arith.constant 0 : index
    %swap3A_463 = vector.load %arg9[%swap3A_461, %swap3A_462] : memref<16x256xf32, #tpu.memory_space<vmem>>, vector<1x256xf32>
    tpu.vector_store %arg9[%swap3A_461, %swap3A_462], %max3A_460 {strides = array<i32>} : memref<16x256xf32, #tpu.memory_space<vmem>>, vector<1x256xf32>,
    %eq3A_464 = arith.constant 4 : i32
    %eq3A_465 = vector.broadcast %eq3A_464 : i32 to vector<1000x1xi32>
    %eq3A_466 = arith.cmpi eq, %get3A_391, %eq3A_465 : vector<1000x1xi32>
    %jit3A_467 = arith.constant 0xFF800000 : f32
    %broadcast_in_dim3A_468 = vector.shape_cast %eq3A_466 : vector<1000x1xi1> to vector<1000x1xi1>
    %broadcast_in_dim3A_469 = vector.broadcast %broadcast_in_dim3A_468 : vector<1000x1xi1> to vector<1000x256xi1>
    %broadcast_in_dim3A_470 = vector.broadcast %jit3A_467 : f32 to vector<1000x256xf32>
    %select_n3A_471 = arith.select %broadcast_in_dim3A_469, %select_n3A_388, %broadcast_in_dim3A_470 : vector<1000x256xi1>, vector<1000x256xf32>
    %reduce_max3A_472 = arith.constant dense<0xFF800000> : vector<256xf32>
    %reduce_max3A_473 = vector.multi_reduction <maximumf>, %select_n3A_471, %reduce_max3A_472 [0] : vector<1000x256xf32> to vector<256xf32>
    %broadcast_in_dim3A_474 = vector.shape_cast %reduce_max3A_473 : vector<256xf32> to vector<1x256xf32>
    %get3A_475 = arith.constant 4 : index
    %get3A_476 = arith.constant 0 : index
    %get3A_477 = vector.load %arg9[%get3A_475, %get3A_476] : memref<16x256xf32, #tpu.memory_space<vmem>>, vector<1x256xf32>
    %max3A_478 = arith.maximumf %get3A_477, %broadcast_in_dim3A_474 : vector<1x256xf32>
    %swap3A_479 = arith.constant 4 : index
    %swap3A_480 = arith.constant 0 : index
    %swap3A_481 = vector.load %arg9[%swap3A_479, %swap3A_480] : memref<16x256xf32, #tpu.memory_space<vmem>>, vector<1x256xf32>
    tpu.vector_store %arg9[%swap3A_479, %swap3A_480], %max3A_478 {strides = array<i32>} : memref<16x256xf32, #tpu.memory_space<vmem>>, vector<1x256xf32>,
    %eq3A_482 = arith.constant 5 : i32
    %eq3A_483 = vector.broadcast %eq3A_482 : i32 to vector<1000x1xi32>
    %eq3A_484 = arith.cmpi eq, %get3A_391, %eq3A_483 : vector<1000x1xi32>
    %jit3A_485 = arith.constant 0xFF800000 : f32
    %broadcast_in_dim3A_486 = vector.shape_cast %eq3A_484 : vector<1000x1xi1> to vector<1000x1xi1>
    %broadcast_in_dim3A_487 = vector.broadcast %broadcast_in_dim3A_486 : vector<1000x1xi1> to vector<1000x256xi1>
    %broadcast_in_dim3A_488 = vector.broadcast %jit3A_485 : f32 to vector<1000x256xf32>
    %select_n3A_489 = arith.select %broadcast_in_dim3A_487, %select_n3A_388, %broadcast_in_dim3A_488 : vector<1000x256xi1>, vector<1000x256xf32>
    %reduce_max3A_490 = arith.constant dense<0xFF800000> : vector<256xf32>
    %reduce_max3A_491 = vector.multi_reduction <maximumf>, %select_n3A_489, %reduce_max3A_490 [0] : vector<1000x256xf32> to vector<256xf32>
    %broadcast_in_dim3A_492 = vector.shape_cast %reduce_max3A_491 : vector<256xf32> to vector<1x256xf32>
    %get3A_493 = arith.constant 5 : index
    %get3A_494 = arith.constant 0 : index
    %get3A_495 = vector.load %arg9[%get3A_493, %get3A_494] : memref<16x256xf32, #tpu.memory_space<vmem>>, vector<1x256xf32>
    %max3A_496 = arith.maximumf %get3A_495, %broadcast_in_dim3A_492 : vector<1x256xf32>
    %swap3A_497 = arith.constant 5 : index
    %swap3A_498 = arith.constant 0 : index
    %swap3A_499 = vector.load %arg9[%swap3A_497, %swap3A_498] : memref<16x256xf32, #tpu.memory_space<vmem>>, vector<1x256xf32>
    tpu.vector_store %arg9[%swap3A_497, %swap3A_498], %max3A_496 {strides = array<i32>} : memref<16x256xf32, #tpu.memory_space<vmem>>, vector<1x256xf32>,
    %eq3A_500 = arith.constant 6 : i32
    %eq3A_501 = vector.broadcast %eq3A_500 : i32 to vector<1000x1xi32>
    %eq3A_502 = arith.cmpi eq, %get3A_391, %eq3A_501 : vector<1000x1xi32>
    %jit3A_503 = arith.constant 0xFF800000 : f32
    %broadcast_in_dim3A_504 = vector.shape_cast %eq3A_502 : vector<1000x1xi1> to vector<1000x1xi1>
    %broadcast_in_dim3A_505 = vector.broadcast %broadcast_in_dim3A_504 : vector<1000x1xi1> to vector<1000x256xi1>
    %broadcast_in_dim3A_506 = vector.broadcast %jit3A_503 : f32 to vector<1000x256xf32>
    %select_n3A_507 = arith.select %broadcast_in_dim3A_505, %select_n3A_388, %broadcast_in_dim3A_506 : vector<1000x256xi1>, vector<1000x256xf32>
    %reduce_max3A_508 = arith.constant dense<0xFF800000> : vector<256xf32>
    %reduce_max3A_509 = vector.multi_reduction <maximumf>, %select_n3A_507, %reduce_max3A_508 [0] : vector<1000x256xf32> to vector<256xf32>
    %broadcast_in_dim3A_510 = vector.shape_cast %reduce_max3A_509 : vector<256xf32> to vector<1x256xf32>
    %get3A_511 = arith.constant 6 : index
    %get3A_512 = arith.constant 0 : index
    %get3A_513 = vector.load %arg9[%get3A_511, %get3A_512] : memref<16x256xf32, #tpu.memory_space<vmem>>, vector<1x256xf32>
    %max3A_514 = arith.maximumf %get3A_513, %broadcast_in_dim3A_510 : vector<1x256xf32>
    %swap3A_515 = arith.constant 6 : index
    %swap3A_516 = arith.constant 0 : index
    %swap3A_517 = vector.load %arg9[%swap3A_515, %swap3A_516] : memref<16x256xf32, #tpu.memory_space<vmem>>, vector<1x256xf32>
    tpu.vector_store %arg9[%swap3A_515, %swap3A_516], %max3A_514 {strides = array<i32>} : memref<16x256xf32, #tpu.memory_space<vmem>>, vector<1x256xf32>,
    %eq3A_518 = arith.constant 7 : i32
    %eq3A_519 = vector.broadcast %eq3A_518 : i32 to vector<1000x1xi32>
    %eq3A_520 = arith.cmpi eq, %get3A_391, %eq3A_519 : vector<1000x1xi32>
    %jit3A_521 = arith.constant 0xFF800000 : f32
    %broadcast_in_dim3A_522 = vector.shape_cast %eq3A_520 : vector<1000x1xi1> to vector<1000x1xi1>
    %broadcast_in_dim3A_523 = vector.broadcast %broadcast_in_dim3A_522 : vector<1000x1xi1> to vector<1000x256xi1>
    %broadcast_in_dim3A_524 = vector.broadcast %jit3A_521 : f32 to vector<1000x256xf32>
    %select_n3A_525 = arith.select %broadcast_in_dim3A_523, %select_n3A_388, %broadcast_in_dim3A_524 : vector<1000x256xi1>, vector<1000x256xf32>
    %reduce_max3A_526 = arith.constant dense<0xFF800000> : vector<256xf32>
    %reduce_max3A_527 = vector.multi_reduction <maximumf>, %select_n3A_525, %reduce_max3A_526 [0] : vector<1000x256xf32> to vector<256xf32>
    %broadcast_in_dim3A_528 = vector.shape_cast %reduce_max3A_527 : vector<256xf32> to vector<1x256xf32>
    %get3A_529 = arith.constant 7 : index
    %get3A_530 = arith.constant 0 : index
    %get3A_531 = vector.load %arg9[%get3A_529, %get3A_530] : memref<16x256xf32, #tpu.memory_space<vmem>>, vector<1x256xf32>
    %max3A_532 = arith.maximumf %get3A_531, %broadcast_in_dim3A_528 : vector<1x256xf32>
    %swap3A_533 = arith.constant 7 : index
    %swap3A_534 = arith.constant 0 : index
    %swap3A_535 = vector.load %arg9[%swap3A_533, %swap3A_534] : memref<16x256xf32, #tpu.memory_space<vmem>>, vector<1x256xf32>
    tpu.vector_store %arg9[%swap3A_533, %swap3A_534], %max3A_532 {strides = array<i32>} : memref<16x256xf32, #tpu.memory_space<vmem>>, vector<1x256xf32>,
    %eq3A_536 = arith.constant 8 : i32
    %eq3A_537 = vector.broadcast %eq3A_536 : i32 to vector<1000x1xi32>
    %eq3A_538 = arith.cmpi eq, %get3A_391, %eq3A_537 : vector<1000x1xi32>
    %jit3A_539 = arith.constant 0xFF800000 : f32
    %broadcast_in_dim3A_540 = vector.shape_cast %eq3A_538 : vector<1000x1xi1> to vector<1000x1xi1>
    %broadcast_in_dim3A_541 = vector.broadcast %broadcast_in_dim3A_540 : vector<1000x1xi1> to vector<1000x256xi1>
    %broadcast_in_dim3A_542 = vector.broadcast %jit3A_539 : f32 to vector<1000x256xf32>
    %select_n3A_543 = arith.select %broadcast_in_dim3A_541, %select_n3A_388, %broadcast_in_dim3A_542 : vector<1000x256xi1>, vector<1000x256xf32>
    %reduce_max3A_544 = arith.constant dense<0xFF800000> : vector<256xf32>
    %reduce_max3A_545 = vector.multi_reduction <maximumf>, %select_n3A_543, %reduce_max3A_544 [0] : vector<1000x256xf32> to vector<256xf32>
    %broadcast_in_dim3A_546 = vector.shape_cast %reduce_max3A_545 : vector<256xf32> to vector<1x256xf32>
    %get3A_547 = arith.constant 8 : index
    %get3A_548 = arith.constant 0 : index
    %get3A_549 = vector.load %arg9[%get3A_547, %get3A_548] : memref<16x256xf32, #tpu.memory_space<vmem>>, vector<1x256xf32>
    %max3A_550 = arith.maximumf %get3A_549, %broadcast_in_dim3A_546 : vector<1x256xf32>
    %swap3A_551 = arith.constant 8 : index
    %swap3A_552 = arith.constant 0 : index
    %swap3A_553 = vector.load %arg9[%swap3A_551, %swap3A_552] : memref<16x256xf32, #tpu.memory_space<vmem>>, vector<1x256xf32>
    tpu.vector_store %arg9[%swap3A_551, %swap3A_552], %max3A_550 {strides = array<i32>} : memref<16x256xf32, #tpu.memory_space<vmem>>, vector<1x256xf32>,
    %eq3A_554 = arith.constant 9 : i32
    %eq3A_555 = vector.broadcast %eq3A_554 : i32 to vector<1000x1xi32>
    %eq3A_556 = arith.cmpi eq, %get3A_391, %eq3A_555 : vector<1000x1xi32>
    %jit3A_557 = arith.constant 0xFF800000 : f32
    %broadcast_in_dim3A_558 = vector.shape_cast %eq3A_556 : vector<1000x1xi1> to vector<1000x1xi1>
    %broadcast_in_dim3A_559 = vector.broadcast %broadcast_in_dim3A_558 : vector<1000x1xi1> to vector<1000x256xi1>
    %broadcast_in_dim3A_560 = vector.broadcast %jit3A_557 : f32 to vector<1000x256xf32>
    %select_n3A_561 = arith.select %broadcast_in_dim3A_559, %select_n3A_388, %broadcast_in_dim3A_560 : vector<1000x256xi1>, vector<1000x256xf32>
    %reduce_max3A_562 = arith.constant dense<0xFF800000> : vector<256xf32>
    %reduce_max3A_563 = vector.multi_reduction <maximumf>, %select_n3A_561, %reduce_max3A_562 [0] : vector<1000x256xf32> to vector<256xf32>
    %broadcast_in_dim3A_564 = vector.shape_cast %reduce_max3A_563 : vector<256xf32> to vector<1x256xf32>
    %get3A_565 = arith.constant 9 : index
    %get3A_566 = arith.constant 0 : index
    %get3A_567 = vector.load %arg9[%get3A_565, %get3A_566] : memref<16x256xf32, #tpu.memory_space<vmem>>, vector<1x256xf32>
    %max3A_568 = arith.maximumf %get3A_567, %broadcast_in_dim3A_564 : vector<1x256xf32>
    %swap3A_569 = arith.constant 9 : index
    %swap3A_570 = arith.constant 0 : index
    %swap3A_571 = vector.load %arg9[%swap3A_569, %swap3A_570] : memref<16x256xf32, #tpu.memory_space<vmem>>, vector<1x256xf32>
    tpu.vector_store %arg9[%swap3A_569, %swap3A_570], %max3A_568 {strides = array<i32>} : memref<16x256xf32, #tpu.memory_space<vmem>>, vector<1x256xf32>,
    %eq3A_572 = arith.constant 10 : i32
    %eq3A_573 = vector.broadcast %eq3A_572 : i32 to vector<1000x1xi32>
    %eq3A_574 = arith.cmpi eq, %get3A_391, %eq3A_573 : vector<1000x1xi32>
    %jit3A_575 = arith.constant 0xFF800000 : f32
    %broadcast_in_dim3A_576 = vector.shape_cast %eq3A_574 : vector<1000x1xi1> to vector<1000x1xi1>
    %broadcast_in_dim3A_577 = vector.broadcast %broadcast_in_dim3A_576 : vector<1000x1xi1> to vector<1000x256xi1>
    %broadcast_in_dim3A_578 = vector.broadcast %jit3A_575 : f32 to vector<1000x256xf32>
    %select_n3A_579 = arith.select %broadcast_in_dim3A_577, %select_n3A_388, %broadcast_in_dim3A_578 : vector<1000x256xi1>, vector<1000x256xf32>
    %reduce_max3A_580 = arith.constant dense<0xFF800000> : vector<256xf32>
    %reduce_max3A_581 = vector.multi_reduction <maximumf>, %select_n3A_579, %reduce_max3A_580 [0] : vector<1000x256xf32> to vector<256xf32>
    %broadcast_in_dim3A_582 = vector.shape_cast %reduce_max3A_581 : vector<256xf32> to vector<1x256xf32>
    %get3A_583 = arith.constant 10 : index
    %get3A_584 = arith.constant 0 : index
    %get3A_585 = vector.load %arg9[%get3A_583, %get3A_584] : memref<16x256xf32, #tpu.memory_space<vmem>>, vector<1x256xf32>
    %max3A_586 = arith.maximumf %get3A_585, %broadcast_in_dim3A_582 : vector<1x256xf32>
    %swap3A_587 = arith.constant 10 : index
    %swap3A_588 = arith.constant 0 : index
    %swap3A_589 = vector.load %arg9[%swap3A_587, %swap3A_588] : memref<16x256xf32, #tpu.memory_space<vmem>>, vector<1x256xf32>
    tpu.vector_store %arg9[%swap3A_587, %swap3A_588], %max3A_586 {strides = array<i32>} : memref<16x256xf32, #tpu.memory_space<vmem>>, vector<1x256xf32>,
    %eq3A_590 = arith.constant 11 : i32
    %eq3A_591 = vector.broadcast %eq3A_590 : i32 to vector<1000x1xi32>
    %eq3A_592 = arith.cmpi eq, %get3A_391, %eq3A_591 : vector<1000x1xi32>
    %jit3A_593 = arith.constant 0xFF800000 : f32
    %broadcast_in_dim3A_594 = vector.shape_cast %eq3A_592 : vector<1000x1xi1> to vector<1000x1xi1>
    %broadcast_in_dim3A_595 = vector.broadcast %broadcast_in_dim3A_594 : vector<1000x1xi1> to vector<1000x256xi1>
    %broadcast_in_dim3A_596 = vector.broadcast %jit3A_593 : f32 to vector<1000x256xf32>
    %select_n3A_597 = arith.select %broadcast_in_dim3A_595, %select_n3A_388, %broadcast_in_dim3A_596 : vector<1000x256xi1>, vector<1000x256xf32>
    %reduce_max3A_598 = arith.constant dense<0xFF800000> : vector<256xf32>
    %reduce_max3A_599 = vector.multi_reduction <maximumf>, %select_n3A_597, %reduce_max3A_598 [0] : vector<1000x256xf32> to vector<256xf32>
    %broadcast_in_dim3A_600 = vector.shape_cast %reduce_max3A_599 : vector<256xf32> to vector<1x256xf32>
    %get3A_601 = arith.constant 11 : index
    %get3A_602 = arith.constant 0 : index
    %get3A_603 = vector.load %arg9[%get3A_601, %get3A_602] : memref<16x256xf32, #tpu.memory_space<vmem>>, vector<1x256xf32>
    %max3A_604 = arith.maximumf %get3A_603, %broadcast_in_dim3A_600 : vector<1x256xf32>
    %swap3A_605 = arith.constant 11 : index
    %swap3A_606 = arith.constant 0 : index
    %swap3A_607 = vector.load %arg9[%swap3A_605, %swap3A_606] : memref<16x256xf32, #tpu.memory_space<vmem>>, vector<1x256xf32>
    tpu.vector_store %arg9[%swap3A_605, %swap3A_606], %max3A_604 {strides = array<i32>} : memref<16x256xf32, #tpu.memory_space<vmem>>, vector<1x256xf32>,
    %eq3A_608 = arith.constant 12 : i32
    %eq3A_609 = vector.broadcast %eq3A_608 : i32 to vector<1000x1xi32>
    %eq3A_610 = arith.cmpi eq, %get3A_391, %eq3A_609 : vector<1000x1xi32>
    %jit3A_611 = arith.constant 0xFF800000 : f32
    %broadcast_in_dim3A_612 = vector.shape_cast %eq3A_610 : vector<1000x1xi1> to vector<1000x1xi1>
    %broadcast_in_dim3A_613 = vector.broadcast %broadcast_in_dim3A_612 : vector<1000x1xi1> to vector<1000x256xi1>
    %broadcast_in_dim3A_614 = vector.broadcast %jit3A_611 : f32 to vector<1000x256xf32>
    %select_n3A_615 = arith.select %broadcast_in_dim3A_613, %select_n3A_388, %broadcast_in_dim3A_614 : vector<1000x256xi1>, vector<1000x256xf32>
    %reduce_max3A_616 = arith.constant dense<0xFF800000> : vector<256xf32>
    %reduce_max3A_617 = vector.multi_reduction <maximumf>, %select_n3A_615, %reduce_max3A_616 [0] : vector<1000x256xf32> to vector<256xf32>
    %broadcast_in_dim3A_618 = vector.shape_cast %reduce_max3A_617 : vector<256xf32> to vector<1x256xf32>
    %get3A_619 = arith.constant 12 : index
    %get3A_620 = arith.constant 0 : index
    %get3A_621 = vector.load %arg9[%get3A_619, %get3A_620] : memref<16x256xf32, #tpu.memory_space<vmem>>, vector<1x256xf32>
    %max3A_622 = arith.maximumf %get3A_621, %broadcast_in_dim3A_618 : vector<1x256xf32>
    %swap3A_623 = arith.constant 12 : index
    %swap3A_624 = arith.constant 0 : index
    %swap3A_625 = vector.load %arg9[%swap3A_623, %swap3A_624] : memref<16x256xf32, #tpu.memory_space<vmem>>, vector<1x256xf32>
    tpu.vector_store %arg9[%swap3A_623, %swap3A_624], %max3A_622 {strides = array<i32>} : memref<16x256xf32, #tpu.memory_space<vmem>>, vector<1x256xf32>,
    %eq3A_626 = arith.constant 13 : i32
    %eq3A_627 = vector.broadcast %eq3A_626 : i32 to vector<1000x1xi32>
    %eq3A_628 = arith.cmpi eq, %get3A_391, %eq3A_627 : vector<1000x1xi32>
    %jit3A_629 = arith.constant 0xFF800000 : f32
    %broadcast_in_dim3A_630 = vector.shape_cast %eq3A_628 : vector<1000x1xi1> to vector<1000x1xi1>
    %broadcast_in_dim3A_631 = vector.broadcast %broadcast_in_dim3A_630 : vector<1000x1xi1> to vector<1000x256xi1>
    %broadcast_in_dim3A_632 = vector.broadcast %jit3A_629 : f32 to vector<1000x256xf32>
    %select_n3A_633 = arith.select %broadcast_in_dim3A_631, %select_n3A_388, %broadcast_in_dim3A_632 : vector<1000x256xi1>, vector<1000x256xf32>
    %reduce_max3A_634 = arith.constant dense<0xFF800000> : vector<256xf32>
    %reduce_max3A_635 = vector.multi_reduction <maximumf>, %select_n3A_633, %reduce_max3A_634 [0] : vector<1000x256xf32> to vector<256xf32>
    %broadcast_in_dim3A_636 = vector.shape_cast %reduce_max3A_635 : vector<256xf32> to vector<1x256xf32>
    %get3A_637 = arith.constant 13 : index
    %get3A_638 = arith.constant 0 : index
    %get3A_639 = vector.load %arg9[%get3A_637, %get3A_638] : memref<16x256xf32, #tpu.memory_space<vmem>>, vector<1x256xf32>
    %max3A_640 = arith.maximumf %get3A_639, %broadcast_in_dim3A_636 : vector<1x256xf32>
    %swap3A_641 = arith.constant 13 : index
    %swap3A_642 = arith.constant 0 : index
    %swap3A_643 = vector.load %arg9[%swap3A_641, %swap3A_642] : memref<16x256xf32, #tpu.memory_space<vmem>>, vector<1x256xf32>
    tpu.vector_store %arg9[%swap3A_641, %swap3A_642], %max3A_640 {strides = array<i32>} : memref<16x256xf32, #tpu.memory_space<vmem>>, vector<1x256xf32>,
    %eq3A_644 = arith.constant 14 : i32
    %eq3A_645 = vector.broadcast %eq3A_644 : i32 to vector<1000x1xi32>
    %eq3A_646 = arith.cmpi eq, %get3A_391, %eq3A_645 : vector<1000x1xi32>
    %jit3A_647 = arith.constant 0xFF800000 : f32
    %broadcast_in_dim3A_648 = vector.shape_cast %eq3A_646 : vector<1000x1xi1> to vector<1000x1xi1>
    %broadcast_in_dim3A_649 = vector.broadcast %broadcast_in_dim3A_648 : vector<1000x1xi1> to vector<1000x256xi1>
    %broadcast_in_dim3A_650 = vector.broadcast %jit3A_647 : f32 to vector<1000x256xf32>
    %select_n3A_651 = arith.select %broadcast_in_dim3A_649, %select_n3A_388, %broadcast_in_dim3A_650 : vector<1000x256xi1>, vector<1000x256xf32>
    %reduce_max3A_652 = arith.constant dense<0xFF800000> : vector<256xf32>
    %reduce_max3A_653 = vector.multi_reduction <maximumf>, %select_n3A_651, %reduce_max3A_652 [0] : vector<1000x256xf32> to vector<256xf32>
    %broadcast_in_dim3A_654 = vector.shape_cast %reduce_max3A_653 : vector<256xf32> to vector<1x256xf32>
    %get3A_655 = arith.constant 14 : index
    %get3A_656 = arith.constant 0 : index
    %get3A_657 = vector.load %arg9[%get3A_655, %get3A_656] : memref<16x256xf32, #tpu.memory_space<vmem>>, vector<1x256xf32>
    %max3A_658 = arith.maximumf %get3A_657, %broadcast_in_dim3A_654 : vector<1x256xf32>
    %swap3A_659 = arith.constant 14 : index
    %swap3A_660 = arith.constant 0 : index
    %swap3A_661 = vector.load %arg9[%swap3A_659, %swap3A_660] : memref<16x256xf32, #tpu.memory_space<vmem>>, vector<1x256xf32>
    tpu.vector_store %arg9[%swap3A_659, %swap3A_660], %max3A_658 {strides = array<i32>} : memref<16x256xf32, #tpu.memory_space<vmem>>, vector<1x256xf32>,
    %eq3A_662 = arith.constant 15 : i32
    %eq3A_663 = vector.broadcast %eq3A_662 : i32 to vector<1000x1xi32>
    %eq3A_664 = arith.cmpi eq, %get3A_391, %eq3A_663 : vector<1000x1xi32>
    %jit3A_665 = arith.constant 0xFF800000 : f32
    %broadcast_in_dim3A_666 = vector.shape_cast %eq3A_664 : vector<1000x1xi1> to vector<1000x1xi1>
    %broadcast_in_dim3A_667 = vector.broadcast %broadcast_in_dim3A_666 : vector<1000x1xi1> to vector<1000x256xi1>
    %broadcast_in_dim3A_668 = vector.broadcast %jit3A_665 : f32 to vector<1000x256xf32>
    %select_n3A_669 = arith.select %broadcast_in_dim3A_667, %select_n3A_388, %broadcast_in_dim3A_668 : vector<1000x256xi1>, vector<1000x256xf32>
    %reduce_max3A_670 = arith.constant dense<0xFF800000> : vector<256xf32>
    %reduce_max3A_671 = vector.multi_reduction <maximumf>, %select_n3A_669, %reduce_max3A_670 [0] : vector<1000x256xf32> to vector<256xf32>
    %broadcast_in_dim3A_672 = vector.shape_cast %reduce_max3A_671 : vector<256xf32> to vector<1x256xf32>
    %get3A_673 = arith.constant 15 : index
    %get3A_674 = arith.constant 0 : index
    %get3A_675 = vector.load %arg9[%get3A_673, %get3A_674] : memref<16x256xf32, #tpu.memory_space<vmem>>, vector<1x256xf32>
    %max3A_676 = arith.maximumf %get3A_675, %broadcast_in_dim3A_672 : vector<1x256xf32>
    %swap3A_677 = arith.constant 15 : index
    %swap3A_678 = arith.constant 0 : index
    %swap3A_679 = vector.load %arg9[%swap3A_677, %swap3A_678] : memref<16x256xf32, #tpu.memory_space<vmem>>, vector<1x256xf32>
    tpu.vector_store %arg9[%swap3A_677, %swap3A_678], %max3A_676 {strides = array<i32>} : memref<16x256xf32, #tpu.memory_space<vmem>>, vector<1x256xf32>,
    %eq3A_680 = arith.constant 9 : i32
    %eq3A_681 = arith.cmpi eq, %arg0, %eq3A_680 : i32
    %convert_element_type3A_682 = arith.extui %eq3A_681 : i1 to i32
    %cond3A_683 = arith.constant 0 : i32
    %cond3A_684 = arith.cmpi ne, %convert_element_type3A_682, %cond3A_683 : i32
    scf.if %cond3A_684 {
      %get3A_685 = arith.constant 0 : index
      %get3A_686 = arith.constant 0 : index
      %get3A_687 = vector.load %arg8[%get3A_685, %get3A_686] : memref<16x256xf32, #tpu.memory_space<vmem>>, vector<16x256xf32>
      %get3A_688 = arith.constant 0 : index
      %get3A_689 = arith.constant 0 : index
      %get3A_690 = vector.load %arg9[%get3A_688, %get3A_689] : memref<16x256xf32, #tpu.memory_space<vmem>>, vector<16x256xf32>
      %is_finite3A = tpu.weird %get3A_687 : vector<16x256xf32> -> vector<16x256xi1>
      %is_finite3A_691 = arith.constant dense<true> : vector<16x256xi1>
      %is_finite3A_692 = arith.xori %is_finite3A, %is_finite3A_691 : vector<16x256xi1>
      %jit3A_693 = arith.constant 0.000000e+00 : f32
      %broadcast_in_dim3A_694 = vector.broadcast %jit3A_693 : f32 to vector<16x256xf32>
      %select_n3A_695 = arith.select %is_finite3A_692, %get3A_687, %broadcast_in_dim3A_694 : vector<16x256xi1>, vector<16x256xf32>
      %is_finite3A_696 = tpu.weird %get3A_690 : vector<16x256xf32> -> vector<16x256xi1>
      %is_finite3A_697 = arith.constant dense<true> : vector<16x256xi1>
      %is_finite3A_698 = arith.xori %is_finite3A_696, %is_finite3A_697 : vector<16x256xi1>
      %jit3A_699 = arith.constant 0.000000e+00 : f32
      %broadcast_in_dim3A_700 = vector.broadcast %jit3A_699 : f32 to vector<16x256xf32>
      %select_n3A_701 = arith.select %is_finite3A_698, %get3A_690, %broadcast_in_dim3A_700 : vector<16x256xi1>, vector<16x256xf32>
      %sub3A_702 = arith.subf %select_n3A_695, %select_n3A_701 : vector<16x256xf32>
      %integer_pow3A = arith.mulf %sub3A_702, %sub3A_702 : vector<16x256xf32>
      %reduce_sum3A = arith.constant dense<0.000000e+00> : vector<16xf32>
      %reduce_sum3A_703 = vector.multi_reduction <add>, %integer_pow3A, %reduce_sum3A [1] : vector<16x256xf32> to vector<16xf32>
      %add3A_704 = arith.constant 9.99999996E-13 : f32
      %add3A_705 = vector.broadcast %add3A_704 : f32 to vector<16xf32>
      %add3A_706 = arith.addf %reduce_sum3A_703, %add3A_705 : vector<16xf32>
      %sqrt3A = math.sqrt %add3A_706 : vector<16xf32>
      %broadcast_in_dim3A_707 = vector.shape_cast %sqrt3A : vector<16xf32> to vector<1x16xf32>
      %broadcast_in_dim3A_708 = vector.shape_cast %broadcast_in_dim3A_707 : vector<1x16xf32> to vector<1x16xf32>
      %broadcast_in_dim3A_709 = vector.broadcast %broadcast_in_dim3A_708 : vector<1x16xf32> to vector<8x16xf32>
      %swap3A_710 = arith.constant 0 : index
      %swap3A_711 = arith.constant 0 : index
      %swap3A_712 = vector.load %arg7[%swap3A_710, %swap3A_711] : memref<8x16xf32, #tpu.memory_space<vmem>>, vector<8x16xf32>
      tpu.vector_store %arg7[%swap3A_710, %swap3A_711], %broadcast_in_dim3A_709 {strides = array<i32>} : memref<8x16xf32, #tpu.memory_space<vmem>>, vector<8x16xf32>,
    } else {
    }
    return
  }
  func.func @transform_0(%arg0: i32) -> (i32, i32, i32) {
    %c0_i32 = arith.constant 0 : i32
    %c0_i32_0 = arith.constant 0 : i32
    %c0_i32_1 = arith.constant 0 : i32
    return %c0_i32, %arg0, %c0_i32_0 : i32, i32, i32
  }
  func.func @transform_1(%arg0: i32) -> (i32, i32, i32) {
    %c0_i32 = arith.constant 0 : i32
    %c0_i32_0 = arith.constant 0 : i32
    %c0_i32_1 = arith.constant 0 : i32
    return %c0_i32, %arg0, %c0_i32_0 : i32, i32, i32
  }
  func.func @transform_2(%arg0: i32) -> (i32, i32, i32) {
    %c0_i32 = arith.constant 0 : i32
    %c0_i32_0 = arith.constant 0 : i32
    %c0_i32_1 = arith.constant 0 : i32
    return %c0_i32, %arg0, %c0_i32_0 : i32, i32, i32
  }
  func.func @transform_3(%arg0: i32) -> (i32, i32, i32) {
    %c0_i32 = arith.constant 0 : i32
    %c0_i32_0 = arith.constant 0 : i32
    %c0_i32_1 = arith.constant 0 : i32
    return %c0_i32, %arg0, %c0_i32_0 : i32, i32, i32
  }
  func.func @transform_4(%arg0: i32) -> (i32, i32) {
    %c0_i32 = arith.constant 0 : i32
    %c0_i32_0 = arith.constant 0 : i32
    return %arg0, %c0_i32 : i32, i32
  }
  func.func @transform_5(%arg0: i32) -> (i32, i32) {
    %c0_i32 = arith.constant 0 : i32
    %c0_i32_0 = arith.constant 0 : i32
    return %arg0, %c0_i32 : i32, i32
  }
  func.func @transform_6(%arg0: i32) -> (i32, i32) {
    %c0_i32 = arith.constant 0 : i32
    %c0_i32_0 = arith.constant 0 : i32
    %c0_i32_1 = arith.constant 0 : i32
    return %c0_i32, %c0_i32_0 : i32, i32
  }
}

</mosaic_0001>

<sc_bundles>
// kernel: kernel.6.cloned.1.call-start
scs
__scs_entry_jumppad:
0x0: {  	(pc) =	sbr.rel $0x88, $3  }
0x1: {  	(tag) =	ssettag $0x0;
	lr =	simm.s32 $0x1  }
0x2: {  	[smem:$0x3F98] =	sst lr;
	_ =	strace $0xD0000000  }
0x3: {  	_ = 	snop  }
0x4: {  	_ = 	snop  }
0x5: {  	_ = 	snop  }
0x6: {  	_ = 	snop  }
0x7: {  	_ = 	snop  }
__scs_overlays_trampoline_lowered:
0x8: {  	[smem:$0x3FA7] =	sst s0  }
0x9: {  	[smem:$0x3FA8] =	sst s1  }
0xa: {  	[smem:$0x3FA9] =	sst s2  }
0xb: {  	[smem:$0x3FAA] =	sst s3  }
0xc: {  	[smem:$0x3FAB] =	sst s4  }
0xd: {  	[smem:$0x3FAC] =	sst s5  }
0xe: {  	[smem:$0x3FAD] =	sst s6  }
0xf: {  	[smem:$0x3FAE] =	sst s7  }
0x10: {  	[smem:$0x3FAF] =	sst s8  }
0x11: {  	[smem:$0x3FB0] =	sst s9;
	s0 =	simm.s32 @!p0 $0x0  }
0x12: {  	s1 =	sld [smem:$0x3F96];
	s0 =	simm.s32 @p0 $0x1  }
0x13: {  	[smem:$0x3FB1] =	sst s0;
	s0 =	simm.s32 @!p1 $0x0  }
0x14: {  	s2 =	sld [smem:$0x3F95];
	s0 =	simm.s32 @p1 $0x1  }
0x15: {  	[smem:$0x3FB2] =	sst s0;
	s0 =	simm.s32 @!p2 $0x0  }
0x16: {  	s3 =	sld [smem:$0x3FDB];
	s0 =	simm.s32 @p2 $0x1  }
0x17: {  	s4 =	simm.s32 $0x1BF5;
	[smem:$0x3FB4] =	sst s0  }
0x18: {  	s0 =	sld [smem:$0x3F97];
	_ =	swait.ge [sflag:s4], $0x0  }
0x19: {  	s7 =	sld [smem:$0x3F98]  }
0x1a: {  	s8 =	sadd.s32 $0xFFFFE003, lr  }
0x1b: {  	s9 =	sadd.s32 $0xFFFFFEF7, lr;
	s5 =	simm.s32 $0xFFFFFFFF;
	p2 =	slt.u32 s8, $0xFFFFF086  }
0x1c: {  	p1 =	slt.u32 s9, $0xF7A;
	s5 =	simm.s32 @!p2 $0x0  }
0x1d: {  	s5 =	simm.s32 @p1 $0x1;
	p0 =	seq.s32 s7, s2  }
0x1e: {  	s7 =	smul.u32 @!p0 $0xF7A, s2;
	p2 =	seq.s32 @!p0 s5, $0x0  }
0x1f: {  	s9 =	smul.u32 $0xF7A, s1;
	s8 =	simm.s32 @!p0 $0x1BF5;
	p2 =	por !p2, p0  }
0x20: {  	[sflag:s8] =	ssyncset.s32 @!p0 $0xFFFFF086;
	s6 =	sadd.s32 @!p0 s3, s7;
	s7 =	simm.s32 @!p0 $0x108  }
0x21: {  	s3 =	sadd.s32 s3, s9;
	s6 =	sadd.s32 @!p0 $0x88, s6;
	s7 =	simm.s32 @p2 $0x1082  }
0x22: {  	[simem:s7], [sflag:s8] =	dma.local @!p0 [hbm:s6], $0xF7A  }
0x23: {  	s9 =	sor.u32 $0xD0000000, s2;
	s6 =	simm.s32 $0x108;
	_ =	swait.ge @!p0 [sflag:s8], $0x0  }
0x24: {  	s3 =	sadd.s32 $0x88, s3;
	s6 =	simm.s32 @!p1 $0x1082;
	[sflag:s4] =	ssyncset.s32 $0xFFFFF086  }
0x25: {  	[simem:s6], [sflag:s4] =	dma.local [hbm:s3], $0xF7A  }
0x26: {  	[smem:$0x3F98] =	sst s1;
	(tag) =	ssettag s2;
	_ =	strace s9  }
0x27: {  	s1 =	sld [smem:$0x3FA8]  }
0x28: {  	s2 =	sld [smem:$0x3FA9]  }
0x29: {  	s4 =	sld [smem:$0x3FAB]  }
0x2a: {  	p0 =	seq.s32 s5, $0x0;
	s5 =	sld [smem:$0x3FAC]  }
0x2b: {  	s6 =	sld [smem:$0x3FAD]  }
0x2c: {  	s7 =	sld [smem:$0x3FAE]  }
0x2d: {  	s3 =	simm.s32 $0x108;
	s8 =	sld [smem:$0x3FAF]  }
0x2e: {  	s3 =	simm.s32 @!p0 $0x1082;
	s9 =	sld [smem:$0x3FB0]  }
0x2f: {  	lr =	sadd.s32 s0, s3;
	s0 =	sld [smem:$0x3FA7]  }
0x30: {  	s3 =	sld [smem:$0x3FAA]  }
0x31: {  	[smem:$0x3FB3] =	sst s10  }
0x32: {  	s10 =	sld [smem:$0x3FB1];
	_ =	sdelay $0x3  }
0x33: {  	p0 =	seq.s32 s10, $0x1;
	s10 =	sld [smem:$0x3FB3];
	_ =	sdelay $0x3  }
0x34: {  	[smem:$0x3FB3] =	sst s10  }
0x35: {  	s10 =	sld [smem:$0x3FB2];
	_ =	sdelay $0x3  }
0x36: {  	p1 =	seq.s32 s10, $0x1;
	s10 =	sld [smem:$0x3FB3];
	_ =	sdelay $0x3  }
0x37: {  	[smem:$0x3FB3] =	sst s10  }
0x38: {  	s10 =	sld [smem:$0x3FB4]  }
0x39: {  	_ = 	snop;
	(pc) =	sbr.ind lr, $3  }
0x3a: {  	_ = 	snop  }
0x3b: {  	_ = 	snop  }
0x3c: {  	p2 =	seq.s32 s10, $0x1;
	s10 =	sld [smem:$0x3FB3]  }
0x3d: {  	_ =	shalt  }
0x3e: {  	_ =	shalt  }
0x3f: {  	_ =	shalt  }
0x40: {  	_ =	shalt  }
0x41: {  	_ =	shalt  }
0x42: {  	_ =	shalt  }
0x43: {  	_ =	shalt  }
0x44: {  	_ =	shalt  }
0x45: {  	_ =	shalt  }
0x46: {  	_ =	shalt  }
0x47: {  	_ =	shalt  }
0x48: {  	_ =	shalt  }
0x49: {  	_ =	shalt  }
0x4a: {  	_ =	shalt  }
0x4b: {  	_ =	shalt  }
0x4c: {  	_ =	shalt  }
0x4d: {  	_ =	shalt  }
0x4e: {  	_ =	shalt  }
0x4f: {  	_ =	shalt  }
0x50: {  	_ =	shalt  }
0x51: {  	_ =	shalt  }
0x52: {  	_ =	shalt  }
0x53: {  	_ =	shalt  }
0x54: {  	_ =	shalt  }
0x55: {  	_ =	shalt  }
0x56: {  	_ =	shalt  }
0x57: {  	_ =	shalt  }
0x58: {  	_ =	shalt  }
0x59: {  	_ =	shalt  }
0x5a: {  	_ =	shalt  }
0x5b: {  	_ =	shalt  }
0x5c: {  	_ =	shalt  }
0x5d: {  	_ =	shalt  }
0x5e: {  	_ =	shalt  }
0x5f: {  	_ =	shalt  }
0x60: {  	_ =	shalt  }
0x61: {  	_ =	shalt  }
0x62: {  	_ =	shalt  }
0x63: {  	_ =	shalt  }
0x64: {  	_ =	shalt  }
0x65: {  	_ =	shalt  }
0x66: {  	_ =	shalt  }
0x67: {  	_ =	shalt  }
0x68: {  	_ =	shalt  }
0x69: {  	_ =	shalt  }
0x6a: {  	_ =	shalt  }
0x6b: {  	_ =	shalt  }
0x6c: {  	_ =	shalt  }
0x6d: {  	_ =	shalt  }
0x6e: {  	_ =	shalt  }
0x6f: {  	_ =	shalt  }
0x70: {  	_ =	shalt  }
0x71: {  	_ =	shalt  }
0x72: {  	_ =	shalt  }
0x73: {  	_ =	shalt  }
0x74: {  	_ =	shalt  }
0x75: {  	_ =	shalt  }
0x76: {  	_ =	shalt  }
0x77: {  	_ =	shalt  }
0x78: {  	_ =	shalt  }
0x79: {  	_ =	shalt  }
0x7a: {  	_ =	shalt  }
0x7b: {  	_ =	shalt  }
0x7c: {  	_ =	shalt  }
0x7d: {  	_ =	shalt  }
0x7e: {  	_ =	shalt  }
0x7f: {  	_ =	shalt  }
0x80: {  	_ =	shalt  }
0x81: {  	_ =	shalt  }
0x82: {  	_ =	shalt  }
0x83: {  	_ =	shalt  }
0x84: {  	_ =	shalt  }
0x85: {  	_ =	shalt  }
0x86: {  	_ =	shalt  }
0x87: {  	_ =	shalt  }
.Lfunc_end0:
.L_simem_size_0:
called_computation_lowered:
.L_overlay_start_0:
0x88: {  	s2 =	sld [smem:$0x3FD9]  }
0x89: {  	s3 =	sld [smem:$0x3FFE];
	_ =	sdelay $0x1  }
0x8a: {  	s1 =	srdreg.scid  }
0x8b: {  	s0 =	sand.u32 $0x1, s1  }
0x8c: {  	s16 =	sshll.u32 s0, $0xA;
	s2 =	sadd.s32 s3, s2  }
0x8d: {  	s2 =	sadd.s32 s2, s16  }
0x8e: {  	[smem:$0x3FBF] =	sst s2  }
0x8f: {  	_ = 	snop  }
0x90: {  	(tm) =	ssettm $0x1  }
0x91: {  	s17 =	sld [smem:$0x3FFB];
	_ =	sdelay $0x3  }
0x92: {  	_ =	strace s17  }
0x93: {  	s2 =	sld [smem:$0x3FFC];
	_ =	sdelay $0x3  }
0x94: {  	_ =	strace s2  }
0x95: {  	s2 =	sld [smem:$0x3FFD];
	_ =	sdelay $0x3  }
0x96: {  	_ =	strace s2  }
0x97: {  	_ =	strace $0x8FFFFFFF  }
0x98: {  	s18 =	sld [smem:$0x3FDB];
	_ =	sdelay $0x1  }
0x99: {  	s19 =	simm.s32 $_scs_section_size  }
0x9a: {  	s4 =	simm.s32 $_size__tile_overlayer_lowered;
	s5 =	simm.s32 $_tile_overlayer_lowered  }
0x9b: {  	s22 =	simm.s32 $0x1BFF;
	s21 =	sshll.u32 s5, $0x1;
	s2 =	sadd.s32 s19, s18  }
0x9c: {  	s6 =	simm.s32 $0x0;
	s20 =	sshll.u32 s4, $0x1;
	s4 =	sadd.s32 s21, s2  }
0x9d: {  	[timem:s6], [sflag:s22] =	dma.local [hbm:s4], s20  }
0x9e: {  	_ =	swait.ge [sflag:s22], s20  }
0x9f: {  	s3 =	ssub.s32 $0x0, s20;
	[sflag:s22] =	ssyncset.done $0x0  }
0xa0: {  	[sflag:s22] =	ssyncadd.s32 s3;
	_ =	sdelay $0x1  }
0xa1: {  	s23 =	simm.s32 $0x1B8B  }
0xa2: {  	_ =	swait.ge [sflag:s23], $0x1  }
0xa3: {  	[sflag:s23] =	ssyncset.done $0x0  }
0xa4: {  	s25 =	simm.s32 $0x1B8E;
	s24 =	sld [smem:$0x3FFE];
	[sflag:s23] =	ssyncadd.s32 $0xFFFFFFFF  }
0xa5: {  	s26 =	simm.s32 $execute0_lowered;
	[smem:$0x3FD2] =	sst s25  }
0xa6: {  	s4 =	sshll.u32 s26, $0x1;
	_ =	strace $0x80000046;
	[dreg:$0x1] =	wrdreg $0xFFFFFFFF  }
0xa7: {  	s28 =	simm.s32 $_size_execute0_lowered;
	s2 =	sadd.s32 s2, s4;
	[dreg:$0x0] =	wrdreg $0x0  }
0xa8: {  	s4 =	sshll.u32 s28, $0x1;
	[dreg:$0x2] =	wrdreg s2  }
0xa9: {  	[dreg:$0x3] =	wrdreg s4  }
0xaa: {  	[dreg:$0x4] =	wrdreg $0xC0  }
0xab: {  	_ =	task [dreg:s6], $0x5FFFF  }
0xac: {  	[dreg:$0x1] =	wrdreg $0xFFFFFFFF  }
0xad: {  	[dreg:$0x0] =	wrdreg $0x60  }
0xae: {  	[dreg:$0x2] =	wrdreg s24  }
0xaf: {  	[dreg:$0x3] =	wrdreg $0x6AE00  }
0xb0: {  	[dreg:$0x4] =	wrdreg $0x1AAE00  }
0xb1: {  	[dreg:$0x5] =	wrdreg $0x9  }
0xb2: {  	_ =	task.clear_ibuf [dreg:s6], $0x6FFFF;
	_ =	strace $0x90000046  }
0xb3: {  	s29 =	simm.s32 $0x9;
	_ =	strace $0x80000048  }
0xb4: {  	_ =	swait.ge [sflag:s29], $0x1  }
0xb5: {  	[sflag:s29] =	ssyncadd.s32 $0xFFFFFFFF  }
0xb6: {  	_ =	strace $0x90000048  }
0xb7: {  	_ =	sfence  }
0xb8: {  	s30 =	sld [smem:$0x0];
	_ =	sdelay $0x2  }
0xb9: {  	s31 =	sshll.u32 s1, $0xD;
	s1 =	sshrl.u32 s1, $0x2  }
0xba: {  	s3 =	sand.u32 $0x4000, s31;
	s1 =	sadd.s32 s1, s30  }
0xbb: {  	s0 =	sor.u32 s3, s0;
	s1 =	sshll.u32 s1, $0x11  }
0xbc: {  	s0 =	sor.u32 s1, s0  }
0xbd: {  	s0 =	sadd.s32 $0x8F2B, s0  }
0xbe: {  	[sflag:s0] =	ssyncadd.remote.s32 $0x1  }
0xbf: {  	_ =	sfence.sel $0xFFFF  }
0xc0: {  	[dreg:$0x0] =	wrdreg $0xFFFFFFFF;
	(pc) =	sbr.abs _section_cstart, $3  }
0xc1: {  	[dreg:$0x1] =	wrdreg $0xFFFFFFFF  }
0xc2: {  	_ =	task.clear_ibuf [dreg:s6], $0x2FFFF;
	_ =	strace $0x9FFFFFFF  }
0xc3: {  	(tm) =	ssettm $0x7FFFFFFF  }
tec
execute0_lowered:
.L_overlay_start_1:
0x0: {  	(tag) =	ssettag $0x1  }
0x1: {  	s1 =	rddreg [dreg:$0x0]  }
0x2: {  	s2 =	rddreg [dreg:$0x1]  }
0x3: {  	s9 =	rddreg [dreg:$0x2];
	s3 =	simm.s32 $0x0;
	s14 =	srdreg.scid  }
0x4: {  	s31 =	simm.s32 $0x2;
	[smem:$0x7FF] =	sst s3;
	s18 =	sadd.s32 $0xC5800, s1  }
0x5: {  	s19 =	sadd.s32 $0xC000, s1;
	s0 =	sadd.s32 $0x1AE00, s1;
	s10 =	sadd.s32 $0x29C00, s1  }
0x6: {  	s15 =	sadd.s32 $0x50400, s1;
	_ =	strace $0x80000047;
	[dreg:$0x4] =	wrdreg s0  }
0x7: {  	s4 =	sand.u32 $0x1, s14;
	s16 =	sadd.s32 $0x2200, s1;
	[dreg:$0x7] =	wrdreg s15  }
0x8: {  	s17 =	sadd.s32 $0x15E00, s1;
	[dreg:$0x8] =	wrdreg s16;
	s5 =	smul.u32 $0x28000, s4  }
0x9: {  	s12 =	sadd.s32 $0x1FE00, s1;
	[dreg:$0x9] =	wrdreg s17;
	s6 =	smul.u32 $0x5000, s4  }
0xa: {  	s16 =	sadd.s32 $0x3D800, s1;
	s15 =	stileid.u32;
	s0 =	smul.u32 $0x2710, s4  }
0xb: {  	s17 =	sadd.s32 $0x33A00, s1;
	[dreg:$0x5] =	wrdreg s10;
	s8 =	smul.u32 $0x4E20, s15  }
0xc: {  	s7 =	ssub.s32 $0x2, s4;
	[dreg:$0x6] =	wrdreg s12;
	s11 =	smul.u32 $0x500, s15  }
0xd: {  	s20 =	sshrl.u32 s7, $0x1;
	s14 =	smul.u32 $0x2800, s15;
	[dreg:$0xa] =	wrdreg s16  }
0xe: {  	s26 =	smul.u32 $0x50000, s15;
	[dreg:$0xb] =	wrdreg s17;
	s5 =	sadd.s32 s5, s1  }
0xf: {  	s6 =	sadd.s32 s6, s1;
	s7 =	ssub.s32 s7, s20;
	s1 =	sshll.u32 s4, $0x1  }
0x10: {  	s4 =	smul.u32 $0x280, s15;
	v1 =	vmov s0;
	s0 =	simm.s32 $0x5;
	s22 =	sadd.s32 $0xA0, s8  }
0x11: {  	s13 =	sshrl.u32 s8, $0x3;
	s8 =	sadd.s32 $0xF0, s8;
	[dreg:$0xe] =	wrdreg s22  }
0x12: {  	s6 =	sadd.s32 s11, s6;
	s7 =	smax.u32 s7, $0x1;
	[dreg:$0xf] =	wrdreg s8  }
0x13: {  	s5 =	sadd.s32 s14, s5;
	s20 =	sadd.s32 s10, s13;
	[dreg:$0x16] =	wrdreg s7  }
0x14: {  	s11 =	simm.s32 $0x3DE0;
	s21 =	sadd.s32 s12, s13;
	[dreg:$0xc] =	wrdreg s20  }
0x15: {  	s23 =	sadd.s32 $0xA, s13;
	s24 =	sadd.s32 s16, s13;
	[dreg:$0xd] =	wrdreg s21  }
0x16: {  	s25 =	sadd.s32 s17, s13;
	s22 =	sadd.s32 $0xA0, s4;
	[dreg:$0x10] =	wrdreg s24  }
0x17: {  	s29 =	sadd.s32 $0x77600, s6;
	s30 =	sadd.s32 $0x81600, s6;
	[dreg:$0x11] =	wrdreg s25  }
0x18: {  	s10 =	sadd.s32 s10, s23;
	s28 =	sadd.s32 s12, s23;
	s12 =	smul.u32 $0xA000, s15  }
0x19: {  	s14 =	sadd.s32 s16, s23;
	s8 =	sadd.s32 s17, s23;
	[dreg:$0x12] =	wrdreg s10  }
0x1a: {  	s15 =	sshrl.u32 s26, $0x2;
	s17 =	sor.u32 $0x50, s4;
	[dreg:$0x13] =	wrdreg s28  }
0x1b: {  	s23 =	sshll.u32 s22, $0x7;
	s25 =	sadd.s32 $0xF0, s4;
	[dreg:$0x14] =	wrdreg s14  }
0x1c: {  	[dreg:$0x15] =	wrdreg s8;
	s13 =	sadd.s32 s15, s2;
	s20 =	sshll.u32 s17, $0x7  }
0x1d: {  	s21 =	sshll.u32 s17, $0x4;
	s8 =	sshll.u32 s22, $0x4;
	s26 =	sshll.u32 s25, $0x7  }
0x1e: {  	s28 =	sadd.s32 $0x140, s4;
	s15 =	sadd.s32 $0x190, s4;
	s17 =	sadd.s32 $0x1E0, s4  }
0x1f: {  	s4 =	sadd.s32 $0x230, s4;
	s16 =	sshrl.u32 s12, $0x2;
	s7 =	sadd.s32 s20, s2  }
0x20: {  	s24 =	sadd.s32 s8, s9;
	s8 =	sadd.s32 s26, s2;
	[dreg:$0x17] =	wrdreg s13  }
0x21: {  	s10 =	sshll.u32 s28, $0x7;
	s12 =	sshll.u32 s28, $0x4;
	[dreg:$0x19] =	wrdreg s7  }
0x22: {  	s20 =	sshll.u32 s15, $0x4;
	s26 =	sadd.s32 $0xECA00, s5;
	[dreg:$0x1c] =	wrdreg s24  }
0x23: {  	s28 =	sadd.s32 $0x13CA00, s5;
	s14 =	sadd.s32 s16, s9;
	[dreg:$0x1d] =	wrdreg s8  }
0x24: {  	s7 =	sadd.s32 s21, s9;
	s16 =	sshll.u32 s15, $0x7;
	[smem:$0x7FC] =	sst s26  }
0x25: {  	s21 =	sshll.u32 s17, $0x7;
	s24 =	sshll.u32 s4, $0x7;
	[smem:$0x7FD] =	sst s28  }
0x26: {  	s4 =	sshll.u32 s4, $0x4;
	s15 =	simm.s32 $0x6;
	[dreg:$0x1a] =	wrdreg s7  }
0x27: {  	s26 =	simm.s32 $0x190;
	s7 =	sadd.s32 s23, s2;
	[dreg:$0x18] =	wrdreg s14  }
0x28: {  	s22 =	sadd.s32 s21, s2;
	s23 =	sshll.u32 s17, $0x4;
	[dreg:$0x1b] =	wrdreg s7  }
0x29: {  	s7 =	sshll.u32 s25, $0x4;
	[smem:$0x7F8] =	sst s22;
	s25 =	sadd.s32 s4, s9  }
0x2a: {  	s22 =	simm.s32 $0x1;
	s7 =	sadd.s32 s7, s9;
	[smem:$0x7FB] =	sst s25  }
0x2b: {  	s25 =	simm.s32 $0x4;
	[dreg:$0x1e] =	wrdreg s7;
	s7 =	sadd.s32 s10, s2  }
0x2c: {  	s10 =	smov.u32 s2;
	[dreg:$0x1f] =	wrdreg s7;
	s7 =	sadd.s32 s12, s9  }
0x2d: {  	s12 =	smov.u32 s9;
	[smem:$0x7F5] =	sst s7;
	s7 =	sadd.s32 s16, s2  }
0x2e: {  	s2 =	sadd.s32 s24, s2;
	s16 =	simm.s32 $0x65E0;
	[smem:$0x7F6] =	sst s7  }
0x2f: {  	s24 =	simm.s32 $0x140;
	s7 =	sadd.s32 s20, s9;
	[smem:$0x7FA] =	sst s2  }
0x30: {  	v0 =	vmov s1;
	s20 =	simm.s32 $0x50;
	[smem:$0x7F7] =	sst s7;
	s7 =	sadd.s32 s23, s9  }
0x31: {  	v3 =	vimm.f32 $0.0e+00;
	v2 =	vor.u32 $0x1, v0;
	s2 =	simm.s32 $0x0;
	s23 =	simm.s32 $0x3;
	[smem:$0x7F9] =	sst s7  }
.LBB2_1:
0x32: {  	s1 =	simm.s32 $0x3E20  }
0x33: {  	[tilespmem:s1+$0xFFFFFFD0] =	vst v3  }
0x34: {  	[tilespmem:s1+$0xFFFFFFE0] =	vst v3  }
0x35: {  	[tilespmem:s1+$0xFFFFFFF0] =	vst v3  }
0x36: {  	[tilespmem:s1+$0x0] =	vst v3  }
0x37: {  	[tilespmem:s1+$0x10] =	vst v3  }
0x38: {  	[tilespmem:s1+$0x20] =	vst v3  }
0x39: {  	[tilespmem:s1+$0x30] =	vst v3  }
0x3a: {  	[smem:$0x7F4] =	sst s2;
	s5 =	simm.s32 $0x0;
	s4 =	simm.s32 $0x40;
	[tilespmem:s1+$0xFFFFFFC0] =	vst v3  }
.LBB2_2:
0x3b: {  	p0 =	sne.s32 s4, $0x13C0;
	[tilespmem:s5+$0x65E0] =	vst v3;
	s1 =	sadd.s32 $0x80, s1  }
0x3c: {  	[tilespmem:s1+$0xFFFFFFD0] =	vst v3  }
0x3d: {  	[tilespmem:s1+$0xFFFFFFE0] =	vst v3  }
0x3e: {  	[tilespmem:s1+$0xFFFFFFF0] =	vst v3  }
.Ltmp0:
0x3f: {  	[tilespmem:s1+$0x0] =	vst v3;
	(pc) =	sbr.rel @p0 .LBB2_2-.Ltmp0, $4  }
0x40: {  	[tilespmem:s1+$0x10] =	vst v3  }
0x41: {  	[tilespmem:s1+$0x20] =	vst v3  }
0x42: {  	[tilespmem:s1+$0x30] =	vst v3  }
0x43: {  	s5 =	sshra.s32 s4, $0x2;
	s4 =	sadd.s32 $0x40, s4;
	[tilespmem:s1+$0xFFFFFFC0] =	vst v3  }
0x44: {  	[tilespmem:s5+$0x65E0] =	vst v3  }
0x45: {  	[spmem:s13] =	stream.linear.scatter [tilespmem:s11], [sflag:$0x6], $0x2800, $0x38;
	[tilespmem:$0x1D2E0] =	vst v63  }
0x46: {  	_ =	swait.ge [sflag:s15], $0x2800  }
0x47: {  	[sflag:s15] =	ssyncset.done $0x0  }
0x48: {  	[sflag:s15] =	ssyncadd.s32 $0xFFFFD800  }
0x49: {  	[spmem:s14] =	stream.linear.scatter [tilespmem:s16], [sflag:$0x6], $0x500, $0x38;
	[tilespmem:$0x1D2E0] =	vst v63  }
0x4a: {  	_ =	swait.ge [sflag:s15], $0x500  }
0x4b: {  	[sflag:s15] =	ssyncset.done $0x0  }
0x4c: {  	s1 =	rddreg [dreg:$0x19];
	[sflag:s15] =	ssyncadd.s32 $0xFFFFFB00  }
0x4d: {  	[spmem:s1] =	stream.linear.scatter [tilespmem:s11], [sflag:$0x6], $0x2800, $0x38;
	[tilespmem:$0x1D2E0] =	vst v63  }
0x4e: {  	_ =	swait.ge [sflag:s15], $0x2800  }
0x4f: {  	[sflag:s15] =	ssyncset.done $0x0  }
0x50: {  	s5 =	rddreg [dreg:$0x1a];
	[sflag:s15] =	ssyncadd.s32 $0xFFFFD800  }
0x51: {  	[spmem:s5] =	stream.linear.scatter [tilespmem:s16], [sflag:$0x6], $0x500, $0x38;
	[tilespmem:$0x1D2E0] =	vst v63  }
0x52: {  	_ =	swait.ge [sflag:s15], $0x500  }
0x53: {  	[sflag:s15] =	ssyncset.done $0x0  }
0x54: {  	s6 =	rddreg [dreg:$0x1b];
	[sflag:s15] =	ssyncadd.s32 $0xFFFFFB00  }
0x55: {  	[spmem:s6] =	stream.linear.scatter [tilespmem:s11], [sflag:$0x6], $0x2800, $0x38;
	[tilespmem:$0x1D2E0] =	vst v63  }
0x56: {  	_ =	swait.ge [sflag:s15], $0x2800  }
0x57: {  	[sflag:s15] =	ssyncset.done $0x0  }
0x58: {  	s7 =	rddreg [dreg:$0x1c];
	[sflag:s15] =	ssyncadd.s32 $0xFFFFD800  }
0x59: {  	[spmem:s7] =	stream.linear.scatter [tilespmem:s16], [sflag:$0x6], $0x500, $0x38;
	[tilespmem:$0x1D2E0] =	vst v63  }
0x5a: {  	_ =	swait.ge [sflag:s15], $0x500  }
0x5b: {  	[sflag:s15] =	ssyncset.done $0x0  }
0x5c: {  	s8 =	rddreg [dreg:$0x1d];
	[sflag:s15] =	ssyncadd.s32 $0xFFFFFB00  }
0x5d: {  	[spmem:s8] =	stream.linear.scatter [tilespmem:s11], [sflag:$0x6], $0x2800, $0x38;
	[tilespmem:$0x1D2E0] =	vst v63  }
0x5e: {  	_ =	swait.ge [sflag:s15], $0x2800  }
0x5f: {  	[sflag:s15] =	ssyncset.done $0x0  }
0x60: {  	s9 =	rddreg [dreg:$0x1e];
	[sflag:s15] =	ssyncadd.s32 $0xFFFFD800  }
0x61: {  	[spmem:s9] =	stream.linear.scatter [tilespmem:s16], [sflag:$0x6], $0x500, $0x38;
	[tilespmem:$0x1D2E0] =	vst v63  }
0x62: {  	_ =	swait.ge [sflag:s15], $0x500  }
0x63: {  	[sflag:s15] =	ssyncset.done $0x0  }
0x64: {  	s13 =	rddreg [dreg:$0x1f];
	[sflag:s15] =	ssyncadd.s32 $0xFFFFFB00  }
0x65: {  	[spmem:s13] =	stream.linear.scatter [tilespmem:s11], [sflag:$0x6], $0x2800, $0x38;
	[tilespmem:$0x1D2E0] =	vst v63  }
0x66: {  	_ =	swait.ge [sflag:s15], $0x2800  }
0x67: {  	s14 =	sld [smem:$0x7F5]  }
0x68: {  	[sflag:s15] =	ssyncset.done $0x0  }
0x69: {  	[sflag:s15] =	ssyncadd.s32 $0xFFFFD800  }
0x6a: {  	[spmem:s14] =	stream.linear.scatter [tilespmem:s16], [sflag:$0x6], $0x500, $0x38;
	[tilespmem:$0x1D2E0] =	vst v63  }
0x6b: {  	_ =	swait.ge [sflag:s15], $0x500  }
0x6c: {  	s17 =	sld [smem:$0x7F6]  }
0x6d: {  	[sflag:s15] =	ssyncset.done $0x0  }
0x6e: {  	[sflag:s15] =	ssyncadd.s32 $0xFFFFFB00  }
0x6f: {  	[spmem:s17] =	stream.linear.scatter [tilespmem:s11], [sflag:$0x6], $0x2800, $0x38;
	[tilespmem:$0x1D2E0] =	vst v63  }
0x70: {  	_ =	swait.ge [sflag:s15], $0x2800  }
0x71: {  	s21 =	sld [smem:$0x7F7]  }
0x72: {  	[sflag:s15] =	ssyncset.done $0x0  }
0x73: {  	[sflag:s15] =	ssyncadd.s32 $0xFFFFD800  }
0x74: {  	[spmem:s21] =	stream.linear.scatter [tilespmem:s16], [sflag:$0x6], $0x500, $0x38;
	[tilespmem:$0x1D2E0] =	vst v63  }
0x75: {  	_ =	swait.ge [sflag:s15], $0x500  }
0x76: {  	s2 =	sld [smem:$0x7F8]  }
0x77: {  	[sflag:s15] =	ssyncset.done $0x0  }
0x78: {  	[sflag:s15] =	ssyncadd.s32 $0xFFFFFB00  }
0x79: {  	[spmem:s2] =	stream.linear.scatter [tilespmem:s11], [sflag:$0x6], $0x2800, $0x38;
	[tilespmem:$0x1D2E0] =	vst v63  }
0x7a: {  	_ =	swait.ge [sflag:s15], $0x2800  }
0x7b: {  	s4 =	sld [smem:$0x7F9]  }
0x7c: {  	[sflag:s15] =	ssyncset.done $0x0  }
0x7d: {  	[sflag:s15] =	ssyncadd.s32 $0xFFFFD800  }
0x7e: {  	[spmem:s4] =	stream.linear.scatter [tilespmem:s16], [sflag:$0x6], $0x500, $0x38;
	[tilespmem:$0x1D2E0] =	vst v63  }
0x7f: {  	_ =	swait.ge [sflag:s15], $0x500  }
0x80: {  	s5 =	sld [smem:$0x7FA]  }
0x81: {  	[sflag:s15] =	ssyncset.done $0x0  }
0x82: {  	[sflag:s15] =	ssyncadd.s32 $0xFFFFFB00  }
0x83: {  	[spmem:s5] =	stream.linear.scatter [tilespmem:s11], [sflag:$0x6], $0x2800, $0x38;
	[tilespmem:$0x1D2E0] =	vst v63  }
0x84: {  	_ =	swait.ge [sflag:s15], $0x2800  }
0x85: {  	s6 =	sld [smem:$0x7FB]  }
0x86: {  	[sflag:s15] =	ssyncset.done $0x0  }
0x87: {  	[sflag:s15] =	ssyncadd.s32 $0xFFFFD800  }
0x88: {  	[spmem:s6] =	stream.linear.scatter [tilespmem:s16], [sflag:$0x6], $0x500, $0x38;
	[tilespmem:$0x1D2E0] =	vst v63  }
0x89: {  	_ =	swait.ge [sflag:s15], $0x500  }
0x8a: {  	[sflag:s15] =	ssyncset.done $0x0  }
0x8b: {  	[sflag:s15] =	ssyncadd.s32 $0xFFFFFB00  }
0x8c: {  	[bflag:$0x0] =	sbarrier.arrive $0xFFFF  }
0x8d: {  	s28 =	simm.s32 $0x0;
	s7 =	rddreg [dreg:$0xc]  }
0x8e: {  	[tilespmem:s28], [sflag:$0x1] =	stream.linear.gather [hbm4b:s7+s28], $0x50, $0x38;
	[tilespmem:$0x1D2E0] =	vst v63  }
0x8f: {  	s2 =	simm.s32 $0xA0;
	s8 =	rddreg [dreg:$0xd]  }
0x90: {  	[tilespmem:s2], [sflag:$0x1] =	stream.linear.gather [hbm4b:s8+s28], $0x50, $0x38;
	[tilespmem:$0x1D2E0] =	vst v63  }
0x91: {  	s9 =	rddreg [dreg:$0x12]  }
0x92: {  	[tilespmem:s20], [sflag:$0x2] =	stream.linear.gather [hbm4b:s9+s28], $0x50, $0x38;
	[tilespmem:$0x1D2E0] =	vst v63  }
0x93: {  	s4 =	simm.s32 $0xF0;
	s13 =	rddreg [dreg:$0x13]  }
0x94: {  	[tilespmem:s4], [sflag:$0x2] =	stream.linear.gather [hbm4b:s13+s28], $0x50, $0x38;
	[tilespmem:$0x1D2E0] =	vst v63  }
0x95: {  	_ =	swait.ge [sflag:s22], $0x50  }
0x96: {  	[sflag:s22] =	ssyncset.done $0x0  }
0x97: {  	[sflag:s22] =	ssyncadd.s32 $0xFFFFFFB0  }
0x98: {  	_ =	swait.ge [sflag:s22], $0x50  }
0x99: {  	[sflag:s22] =	ssyncset.done $0x0  }
0x9a: {  	[sflag:s22] =	ssyncadd.s32 $0xFFFFFFB0  }
0x9b: {  	v4 =	vld [tilespmem:$0x0]  }
0x9c: {  	v5 =	vld [tilespmem:$0x10]  }
0x9d: {  	v6 =	vld [tilespmem:$0x20]  }
0x9e: {  	v7 =	vld [tilespmem:$0x30]  }
0x9f: {  	v8 =	vld [tilespmem:$0x40]  }
0xa0: {  	v4 =	vadd.s32 v1, v4  }
0xa1: {  	[tilespmem:$0x0] =	vst v4;
	v4 =	vadd.s32 v1, v5  }
0xa2: {  	[tilespmem:$0x10] =	vst v4;
	v4 =	vadd.s32 v1, v6  }
0xa3: {  	[tilespmem:$0x20] =	vst v4;
	v4 =	vadd.s32 v1, v7  }
0xa4: {  	[tilespmem:$0x30] =	vst v4;
	v4 =	vadd.s32 v1, v8  }
0xa5: {  	s14 =	simm.s32 $0x15E0;
	[tilespmem:$0x40] =	vst v4  }
0xa6: {  	[tilespmem:s14], [sflag:$0x3] =	stream.indirect.gather [hbm4b:s18+s20], $0x40, s28, s20, $0xb8;
	[tilespmem:$0x1D2E0] =	vst v63  }
0xa7: {  	s17 =	simm.s32 $0x1E0  }
0xa8: {  	[tilespmem:s17], [sflag:$0x3] =	stream.indirect.gather [hbm4b:s19+s20], $0x10, s28, s20, $0xb8;
	[tilespmem:$0x1D2E0] =	vst v63  }
0xa9: {  	s21 =	simm.s32 $0xBE0;
	s1 =	rddreg [dreg:$0x4]  }
0xaa: {  	[tilespmem:s21], [sflag:$0x3] =	stream.indirect.gather [hbm4b:s1+s20], $0x10, s2, s20, $0xb8;
	[tilespmem:$0x1D2E0] =	vst v63  }
.LBB2_4:
0xab: {  	_ =	swait.ge [sflag:s31], $0x50  }
0xac: {  	[sflag:s31] =	ssyncset.done $0x0  }
0xad: {  	[sflag:s31] =	ssyncadd.s32 $0xFFFFFFB0  }
0xae: {  	_ =	swait.ge [sflag:s31], $0x50  }
0xaf: {  	[sflag:s31] =	ssyncset.done $0x0  }
0xb0: {  	[sflag:s31] =	ssyncadd.s32 $0xFFFFFFB0  }
0xb1: {  	v4 =	vld [tilespmem:$0x50]  }
0xb2: {  	v5 =	vld [tilespmem:$0x60]  }
0xb3: {  	v6 =	vld [tilespmem:$0x70]  }
0xb4: {  	v7 =	vld [tilespmem:$0x80]  }
0xb5: {  	v8 =	vld [tilespmem:$0x90]  }
0xb6: {  	v4 =	vadd.s32 v1, v4  }
0xb7: {  	[tilespmem:$0x50] =	vst v4;
	v4 =	vadd.s32 v1, v5  }
0xb8: {  	[tilespmem:$0x60] =	vst v4;
	v4 =	vadd.s32 v1, v6  }
0xb9: {  	[tilespmem:$0x70] =	vst v4;
	v4 =	vadd.s32 v1, v7  }
0xba: {  	[tilespmem:$0x80] =	vst v4;
	v4 =	vadd.s32 v1, v8  }
0xbb: {  	s2 =	simm.s32 $0x29E0;
	[tilespmem:$0x90] =	vst v4  }
0xbc: {  	[tilespmem:s2], [sflag:$0x4] =	stream.indirect.gather [hbm4b:s18+s20], $0x40, s20, s20, $0xb8;
	[tilespmem:$0x1D2E0] =	vst v63  }
0xbd: {  	s8 =	simm.s32 $0x6E0  }
0xbe: {  	[tilespmem:s8], [sflag:$0x4] =	stream.indirect.gather [hbm4b:s19+s20], $0x10, s20, s20, $0xb8;
	[tilespmem:$0x1D2E0] =	vst v63  }
0xbf: {  	s9 =	simm.s32 $0x10E0  }
0xc0: {  	[tilespmem:s9], [sflag:$0x4] =	stream.indirect.gather [hbm4b:s1+s20], $0x10, s4, s20, $0xb8;
	[tilespmem:$0x1D2E0] =	vst v63  }
0xc1: {  	_ =	swait.ge [sflag:s23], $0x1400  }
0xc2: {  	[sflag:s23] =	ssyncset.done $0x0  }
0xc3: {  	[sflag:s23] =	ssyncadd.s32 $0xFFFFEC00  }
0xc4: {  	_ =	swait.ge [sflag:s23], $0x500  }
0xc5: {  	[sflag:s23] =	ssyncset.done $0x0  }
0xc6: {  	[sflag:s23] =	ssyncadd.s32 $0xFFFFFB00  }
0xc7: {  	_ =	swait.ge [sflag:s23], $0x500  }
0xc8: {  	p0 =	seq.s32 s28, $0x0;
	[sflag:s23] =	ssyncset.done $0x0  }
0xc9: {  	s1 =	simm.s32 @!p0 $0x5;
	[sflag:s23] =	ssyncadd.s32 $0xFFFFFB00  }
0xca: {  	_ =	swait.ge @!p0 [sflag:s1], $0x2800  }
0xcb: {  	[sflag:s1] =	ssyncset.done @!p0 $0x0  }
0xcc: {  	[sflag:s1] =	ssyncadd.s32 @!p0 $0xFFFFD800  }
0xcd: {  	_ =	swait.ge @!p0 [sflag:s1], $0x500  }
0xce: {  	[sflag:s1] =	ssyncset.done @!p0 $0x0  }
0xcf: {  	[sflag:s1] =	ssyncadd.s32 @!p0 $0xFFFFFB00  }
0xd0: {  	v4 =	vld [tilespmem:$0xA0]  }
0xd1: {  	v5 =	vld [tilespmem:$0xB0]  }
0xd2: {  	v6 =	vld [tilespmem:$0xC0]  }
0xd3: {  	v7 =	vld [tilespmem:$0xD0]  }
0xd4: {  	v8 =	vld [tilespmem:$0xE0]  }
0xd5: {  	[tilespmem:$0x140] =	vst v4  }
0xd6: {  	[tilespmem:$0x150] =	vst v5  }
0xd7: {  	[tilespmem:$0x160] =	vst v6  }
0xd8: {  	[tilespmem:$0x170] =	vst v7  }
0xd9: {  	s13 =	simm.s32 $0x200;
	[tilespmem:$0x180] =	vst v8  }
0xda: {  	s14 =	simm.s32 $0xC00;
	v4 =	vld [tilespmem:s13+$0x10]  }
0xdb: {  	v5 =	vld [tilespmem:s14+$0x10]  }
0xdc: {  	v6 =	vld [tilespmem:s14+$0xFFFFFFE0]  }
0xdd: {  	v7 =	vld [tilespmem:s13+$0xFFFFFFF0]  }
0xde: {  	v8 =	vld [tilespmem:s14+$0xFFFFFFF0]  }
0xdf: {  	v9 =	vld [tilespmem:s13+$0x0]  }
0xe0: {  	s17 =	smov.u32 s18;
	s18 =	simm.s32 $0x240;
	v10 =	vld [tilespmem:s14+$0x0];
	v4 =	vadd.f32 v5, v4  }
0xe1: {  	v11 =	vld [tilespmem:s18+$0x10]  }
0xe2: {  	s21 =	smov.u32 s19;
	s19 =	simm.s32 $0xC40;
	v5 =	vld [tilespmem:s13+$0xFFFFFFE0];
	v12 =	vmul.f32 $2.000000030e-01, v4  }
0xe3: {  	v13 =	vld [tilespmem:s19+$0x10]  }
0xe4: {  	v7 =	vadd.f32 v8, v7;
	v8 =	vld [tilespmem:s18+$0xFFFFFFF0];
	v4 =	vmax.f32 v4, v12  }
0xe5: {  	v9 =	vadd.f32 v10, v9;
	v10 =	vld [tilespmem:s19+$0xFFFFFFF0];
	v4 =	vmul.f32 $1.442695020e+00, v4  }
0xe6: {  	v15 =	vld [tilespmem:s19+$0x0]  }
0xe7: {  	v12 =	vmul.f32 $2.000000030e-01, v7;
	v5 =	vadd.f32 v6, v5;
	v6 =	vld [tilespmem:s18+$0x0];
	(erf) = vpow2.f32 v4  }
0xe8: {  	v14 =	vld [tilespmem:s19+$0xFFFFFFE0];
	v4 =	vmul.f32 $2.000000030e-01, v9  }
0xe9: {  	s6 =	simm.s32 $0x280;
	v11 =	vadd.f32 v13, v11;
	v13 =	vld [tilespmem:s18+$0xFFFFFFE0];
	v7 =	vmax.f32 v7, v12;
	v12 =	vmul.f32 $2.000000030e-01, v5  }
0xea: {  	s4 =	simm.s32 $0xC80;
	v16 =	vld [tilespmem:s6+$0x10];
	v8 =	vadd.f32 v10, v8;
	v7 =	vmul.f32 $1.442695020e+00, v7;
	v4 =	vmax.f32 v9, v4  }
0xeb: {  	v9 =	vmul.f32 $2.000000030e-01, v11;
	v5 =	vmax.f32 v5, v12;
	v12 =	vld [tilespmem:s4+$0x10];
	v4 =	vmul.f32 $1.442695020e+00, v4  }
0xec: {  	(erf) = vpow2.f32 v7;
	v10 =	vmul.f32 $1.442695020e+00, v5;
	v5 =	vld [tilespmem:s4+$0xFFFFFFE0];
	v15 =	vadd.f32 v15, v6  }
0xed: {  	v7 =	vmax.f32 v11, v9;
	v11 =	vmul.f32 $2.000000030e-01, v8;
	(erf) = vpow2.f32 v4;
	v4 =	vld [tilespmem:s6+$0xFFFFFFF0]  }
0xee: {  	v9 =	vadd.f32 v14, v13;
	v17 =	vmul.f32 $1.442695020e+00, v7;
	v7 =	vld [tilespmem:s4+$0xFFFFFFF0]  }
0xef: {  	v6 =	vld [tilespmem:s6+$0x0];
	v14 =	vmul.f32 $2.000000030e-01, v15;
	(erf) = vpow2.f32 v10;
	v10 =	vmax.f32 v8, v11  }
0xf0: {  	s1 =	simm.s32 $0x6600;
	v8 =	vld [tilespmem:s4+$0x0];
	v13 =	vmul.f32 $2.000000030e-01, v9;
	(erf) = vpow2.f32 v17;
	v11 =	vadd.f32 v12, v16;
	v63 =	vpop (erf)  }
0xf1: {  	s5 =	simm.s32 $0x8;
	v12 =	vmul.f32 $1.442695020e+00, v10;
	v10 =	vld [tilespmem:s6+$0xFFFFFFE0];
	s6 =	simm.s32 $0x2C0;
	v14 =	vmax.f32 v15, v14;
	[tilespmem:s1+$0x10] =	vst v63  }
.LBB2_5:
0xf2: {  	v16 =	vmul.f32 $2.000000030e-01, v11  }
0xf3: {  	v15 =	vld [tilespmem:s6+$0x10];
	s4 =	sadd.s32 $0x40, s4;
	v20 =	vmax.f32 v9, v13;
	v13 =	vmul.f32 $1.442695020e+00, v14;
	v17 =	vadd.f32 v7, v4  }
0xf4: {  	s5 =	sadd.s32 $0x4, s5;
	v14 =	vld [tilespmem:s4+$0x10];
	v18 =	vmul.f32 $1.442695020e+00, v20;
	(erf) = vpow2.f32 v12  }
0xf5: {  	p0 =	slt.u32 s5, $0x4C;
	v19 =	vld [tilespmem:s4+$0xFFFFFFE0];
	v7 =	vmax.f32 v11, v16;
	(erf) = vpow2.f32 v13;
	v9 =	vpop (erf);
	v11 =	vmul.f32 $2.000000030e-01, v17  }
.Ltmp1:
0xf6: {  	v4 =	vld [tilespmem:s6+$0xFFFFFFF0];
	v16 =	vadd.f32 v8, v6;
	v8 =	vmul.f32 $1.442695020e+00, v7;
	[tilespmem:s1+$0xFFFFFFF0] =	vst v9;
	v6 =	vpop (erf);
	(pc) =	sbr.rel @p0 .LBB2_5-.Ltmp1, $4  }
0xf7: {  	v7 =	vld [tilespmem:s4+$0xFFFFFFF0];
	v9 =	vadd.f32 v5, v10;
	(erf) = vpow2.f32 v18;
	[tilespmem:s1+$0x0] =	vst v6  }
0xf8: {  	v6 =	vld [tilespmem:s6+$0x0];
	v18 =	vmax.f32 v17, v11;
	v17 =	vmul.f32 $2.000000030e-01, v16;
	(erf) = vpow2.f32 v8;
	v10 =	vpop (erf)  }
0xf9: {  	v8 =	vld [tilespmem:s4+$0x0];
	v11 =	vadd.f32 v14, v15;
	v13 =	vmul.f32 $2.000000030e-01, v9;
	v12 =	vmul.f32 $1.442695020e+00, v18;
	v5 =	vpop (erf);
	[tilespmem:s1+$0xFFFFFFE0] =	vst v10;
	s1 =	sadd.s32 $0x40, s1  }
0xfa: {  	v10 =	vld [tilespmem:s6+$0xFFFFFFE0];
	s6 =	sadd.s32 $0x40, s6;
	v14 =	vmax.f32 v16, v17;
	[tilespmem:s1+$0x10] =	vst v5;
	v5 =	vmov v19  }
0xfb: {  	_ =	sdelay $0x1  }
0xfc: {  	v15 =	vmul.f32 $2.000000030e-01, v11;
	v9 =	vmax.f32 v9, v13;
	v4 =	vadd.f32 v7, v4  }
0xfd: {  	(erf) = vpow2.f32 v12;
	v7 =	vmul.f32 $1.442695020e+00, v14;
	v6 =	vadd.f32 v8, v6  }
0xfe: {  	v9 =	vmul.f32 $1.442695020e+00, v9;
	v8 =	vmul.f32 $2.000000030e-01, v4;
	v5 =	vadd.f32 v5, v10  }
0xff: {  	(erf) = vpow2.f32 v7;
	v10 =	vmax.f32 v11, v15;
	v7 =	vmul.f32 $2.000000030e-01, v6  }
0x100: {  	v10 =	vmul.f32 $1.442695020e+00, v10;
	v4 =	vmax.f32 v4, v8;
	v8 =	vmul.f32 $2.000000030e-01, v5  }
0x101: {  	(erf) = vpow2.f32 v9;
	v4 =	vmul.f32 $1.442695020e+00, v4  }
0x102: {  	v6 =	vmax.f32 v6, v7;
	(erf) = vpow2.f32 v10;
	v5 =	vmax.f32 v5, v8  }
0x103: {  	v6 =	vmul.f32 $1.442695020e+00, v6;
	v5 =	vmul.f32 $1.442695020e+00, v5  }
0x104: {  	(erf) = vpow2.f32 v4  }
0x105: {  	v4 =	vpop (erf);
	(erf) = vpow2.f32 v6  }
0x106: {  	[tilespmem:s1+$0xFFFFFFF0] =	vst v4;
	v4 =	vpop (erf);
	(erf) = vpow2.f32 v5  }
0x107: {  	[tilespmem:s1+$0x0] =	vst v4;
	v5 =	vpop (erf)  }
0x108: {  	s19 =	sadd.s32 $0x40, s1;
	v4 =	vpop (erf);
	[tilespmem:s1+$0xFFFFFFE0] =	vst v5  }
0x109: {  	v5 =	vpop (erf);
	[tilespmem:s19+$0x10] =	vst v4  }
0x10a: {  	[tilespmem:s19+$0xFFFFFFF0] =	vst v5;
	v4 =	vpop (erf)  }
0x10b: {  	p2 =	por $0x1, $0x1;
	[tilespmem:s19+$0x0] =	vst v4;
	v4 =	vpop (erf)  }
.Ltmp2:
0x10c: {  	s5 =	sadd.s32 $0x40, s19;
	v5 =	vpop (erf);
	[tilespmem:s19+$0xFFFFFFE0] =	vst v4;
	(pc) =	sbr.rel @!p2 .LBB2_7-.Ltmp2, $4  }
0x10d: {  	[tilespmem:s5+$0x10] =	vst v5;
	v4 =	vpop (erf)  }
0x10e: {  	s6 =	simm.s32 $0x10;
	s7 =	simm.s32 $0x20;
	[tilespmem:s5+$0xFFFFFFF0] =	vst v4;
	v4 =	vpop (erf)  }
0x10f: {  	s4 =	simm.s32 $0x0;
	s18 =	simm.s32 $0x1660;
	v14 =	vor.u32 s6, v0;
	v16 =	vor.u32 s7, v0;
	v12 =	vor.u32 s7, v2;
	s1 =	simm.s32 $0x30;
	[tilespmem:s5+$0x0] =	vst v4;
	v4 =	vpop (erf)  }
0x110: {  	p0 =	por $0x0, $0x0;
	p1 =	por $0x0, $0x0;
	v10 =	vor.u32 s4, v0;
	v7 =	vor.u32 s6, v2;
	v18 =	vor.u32 s1, v0;
	s19 =	simm.s32 $0x3EE0;
	[tilespmem:s5+$0xFFFFFFE0] =	vst v4  }
0x111: {  	_ =	sdelay $0x2  }
0x112: {  	v4 =	vld [tilespmem:s18+$0x40]  }
0x113: {  	v8 =	vld.idx.msk [tilespmem:v18+s16+$0x0], $0xffff  }
0x114: {  	v5 =	vor.u32 s1, v2  }
0x115: {  	v6 =	vld [tilespmem:s18+$0xFFFFFFC0]  }
0x116: {  	v11 =	vld [tilespmem:s18+$0x0]  }
0x117: {  	v13 =	vld.idx.msk [tilespmem:v14+s16+$0x0], $0xffff;
	v9 =	vunpack.i.l.bf16.f32 v4  }
0x118: {  	v14 =	vld.idx.msk [tilespmem:v16+s16+$0x0], $0xffff;
	v4 =	vunpack.i.u.bf16.f32 v4;
	v9 =	vmul.f32 v9, v8  }
0x119: {  	v15 =	vmul.f32 v4, v8;
	v4 =	vld.idx.msk [tilespmem:v5+s16+$0x0], $0xffff  }
0x11a: {  	v5 =	vld [tilespmem:s18+$0xFFFFFF80];
	[tilespmem:s19+$0x80] =	vst v9  }
0x11b: {  	v10 =	vld.idx.msk [tilespmem:v10+s16+$0x0], $0xffff;
	v9 =	vunpack.i.l.bf16.f32 v6;
	[tilespmem:s19+$0x90] =	vst v15  }
0x11c: {  	v15 =	vor.u32 s4, v2;
	v6 =	vunpack.i.u.bf16.f32 v6;
	v16 =	vmul.f32 v9, v13;
	v17 =	vld [tilespmem:s18+$0x50]  }
0x11d: {  	v18 =	vunpack.i.l.bf16.f32 v11;
	v19 =	vmul.f32 v6, v13  }
0x11e: {  	v9 =	vld.idx.msk [tilespmem:v7+s16+$0x0], $0xffff;
	v7 =	vunpack.i.u.bf16.f32 v11;
	v11 =	vmul.f32 v18, v14;
	[tilespmem:s19+$0xFFFFFF80] =	vst v16  }
0x11f: {  	v6 =	vld.idx.msk [tilespmem:v12+s16+$0x0], $0xffff;
	v7 =	vmul.f32 v7, v14;
	v16 =	vunpack.i.l.bf16.f32 v5;
	[tilespmem:s19+$0xFFFFFF90] =	vst v19  }
0x120: {  	v12 =	vunpack.i.u.bf16.f32 v5;
	[tilespmem:s19+$0x0] =	vst v11;
	v16 =	vmul.f32 v16, v10;
	v18 =	vld [tilespmem:s18+$0xFFFFFFD0]  }
0x121: {  	v11 =	vmul.f32 v12, v10;
	[tilespmem:s19+$0x10] =	vst v7;
	v5 =	vld.idx.msk [tilespmem:v15+s16+$0x0], $0xffff;
	v7 =	vunpack.i.l.bf16.f32 v17  }
0x122: {  	v12 =	vld [tilespmem:s18+$0x10];
	[tilespmem:s19+$0xFFFFFF00] =	vst v16;
	v15 =	vunpack.i.u.bf16.f32 v17;
	v7 =	vmul.f32 v7, v8  }
0x123: {  	[tilespmem:s19+$0xFFFFFF10] =	vst v11;
	v8 =	vmul.f32 v15, v8  }
0x124: {  	v11 =	vld [tilespmem:s18+$0xFFFFFF90];
	[tilespmem:s19+$0xA0] =	vst v7  }
0x125: {  	v7 =	vunpack.i.l.bf16.f32 v18;
	[tilespmem:s19+$0xB0] =	vst v8  }
0x126: {  	v8 =	vunpack.i.u.bf16.f32 v18;
	v7 =	vmul.f32 v7, v13;
	v15 =	vld [tilespmem:s18+$0x60]  }
0x127: {  	v8 =	vmul.f32 v8, v13;
	v13 =	vunpack.i.l.bf16.f32 v12;
	v12 =	vunpack.i.u.bf16.f32 v12  }
0x128: {  	v12 =	vmul.f32 v12, v14;
	[tilespmem:s19+$0xFFFFFFA0] =	vst v7  }
0x129: {  	p2 =	por $0x1, $0x1;
	v7 =	vmul.f32 v13, v14;
	v13 =	vunpack.i.l.bf16.f32 v11;
	[tilespmem:s19+$0xFFFFFFB0] =	vst v8  }
.Ltmp3:
0x12a: {  	v8 =	vunpack.i.u.bf16.f32 v11;
	v11 =	vmul.f32 v13, v10;
	[tilespmem:s19+$0x30] =	vst v12;
	(pc) =	sbr.rel @!p2 .LBB2_9-.Ltmp3, $4  }
0x12b: {  	s1 =	simm.s32 $0x70;
	s6 =	simm.s32 $0x60;
	[tilespmem:s19+$0x20] =	vst v7;
	v7 =	vmul.f32 v8, v10;
	v8 =	vunpack.i.l.bf16.f32 v15  }
0x12c: {  	s5 =	simm.s32 $0x50;
	v16 =	vor.u32 s6, v0;
	v18 =	vor.u32 s1, v0;
	v19 =	vld [tilespmem:s18+$0xFFFFFFE0];
	[tilespmem:s19+$0xFFFFFF20] =	vst v11;
	v8 =	vmul.f32 v8, v4  }
0x12d: {  	s4 =	simm.s32 $0x40;
	v14 =	vor.u32 s5, v0;
	v12 =	vor.u32 s6, v2;
	v11 =	vunpack.i.u.bf16.f32 v15;
	v21 =	vld [tilespmem:s18+$0x20];
	[tilespmem:s19+$0xFFFFFF30] =	vst v7  }
0x12e: {  	p0 =	por $0x1, $0x1;
	v10 =	vor.u32 s4, v0;
	v24 =	vmul.f32 v11, v4;
	v7 =	vor.u32 s5, v2;
	v22 =	vld [tilespmem:s18+$0xFFFFFFA0];
	[tilespmem:s19+$0xC0] =	vst v8  }
0x12f: {  	_ = 	snop  }
0x130: {  	[tilespmem:s19+$0xD0] =	vst v24  }
0x131: {  	s7 =	simm.s32 $0x1760;
	v8 =	vunpack.i.l.bf16.f32 v19;
	v11 =	vld [tilespmem:s18+$0x70]  }
0x132: {  	v15 =	vld [tilespmem:s7+$0x40];
	v13 =	vunpack.i.u.bf16.f32 v19;
	v8 =	vmul.f32 v8, v9  }
0x133: {  	v18 =	vld.idx.msk [tilespmem:v18+s16+$0x0], $0xffff;
	v13 =	vmul.f32 v13, v9;
	v17 =	vunpack.i.l.bf16.f32 v21  }
0x134: {  	v20 =	vor.u32 s1, v2;
	v14 =	vld.idx.msk [tilespmem:v14+s16+$0x0], $0xffff;
	v19 =	vunpack.i.u.bf16.f32 v21;
	[tilespmem:s19+$0xFFFFFFC0] =	vst v8;
	v8 =	vmul.f32 v17, v6  }
0x135: {  	v16 =	vld.idx.msk [tilespmem:v16+s16+$0x0], $0xffff;
	v19 =	vmul.f32 v19, v6;
	v21 =	vunpack.i.u.bf16.f32 v22;
	v22 =	vunpack.i.l.bf16.f32 v22;
	[tilespmem:s19+$0xFFFFFFD0] =	vst v13  }
0x136: {  	v13 =	vld [tilespmem:s7+$0xFFFFFFC0];
	v22 =	vmul.f32 v22, v5;
	v21 =	vmul.f32 v21, v5;
	[tilespmem:s19+$0x40] =	vst v8;
	v8 =	vunpack.i.l.bf16.f32 v11  }
0x137: {  	v10 =	vld.idx.msk [tilespmem:v10+s16+$0x0], $0xffff;
	[tilespmem:s19+$0x50] =	vst v19;
	v11 =	vunpack.i.u.bf16.f32 v11;
	v19 =	vmul.f32 v8, v4;
	v8 =	vunpack.i.l.bf16.f32 v15  }
0x138: {  	v23 =	vld [tilespmem:s7+$0x0];
	[tilespmem:s19+$0xFFFFFF40] =	vst v22;
	v11 =	vmul.f32 v11, v4;
	v4 =	vunpack.i.u.bf16.f32 v15;
	v8 =	vmul.f32 v8, v18  }
0x139: {  	s8 =	simm.s32 $0x40E0;
	v17 =	vld [tilespmem:s7+$0xFFFFFF80];
	[tilespmem:s19+$0xFFFFFF50] =	vst v21;
	v15 =	vmul.f32 v4, v18  }
0x13a: {  	v4 =	vld.idx.msk [tilespmem:v20+s16+$0x0], $0xffff;
	[tilespmem:s8+$0x80] =	vst v8  }
0x13b: {  	v8 =	vld.idx.msk [tilespmem:v12+s16+$0x0], $0xffff;
	v12 =	vunpack.i.l.bf16.f32 v13;
	[tilespmem:s8+$0x90] =	vst v15  }
0x13c: {  	[tilespmem:s19+$0xF0] =	vst v11;
	v11 =	vunpack.i.u.bf16.f32 v13;
	v15 =	vor.u32 s4, v2;
	v12 =	vmul.f32 v12, v14;
	v20 =	vld [tilespmem:s7+$0x50]  }
0x13d: {  	[tilespmem:s19+$0xE0] =	vst v19;
	v13 =	vunpack.i.l.bf16.f32 v23;
	v19 =	vmul.f32 v11, v14;
	v11 =	vld.idx.msk [tilespmem:v7+s16+$0x0], $0xffff  }
0x13e: {  	v7 =	vunpack.i.u.bf16.f32 v23;
	v13 =	vmul.f32 v13, v16;
	[tilespmem:s8+$0xFFFFFF80] =	vst v12;
	v12 =	vld [tilespmem:s18+$0xFFFFFFF0]  }
0x13f: {  	v21 =	vunpack.i.l.bf16.f32 v17;
	v7 =	vmul.f32 v7, v16;
	[tilespmem:s8+$0xFFFFFF90] =	vst v19;
	v19 =	vld [tilespmem:s18+$0x30]  }
0x140: {  	v17 =	vunpack.i.u.bf16.f32 v17;
	v21 =	vmul.f32 v21, v10;
	[tilespmem:s8+$0x0] =	vst v13;
	v22 =	vld [tilespmem:s7+$0xFFFFFFD0]  }
0x141: {  	[tilespmem:s8+$0x10] =	vst v7;
	v13 =	vld.idx.msk [tilespmem:v15+s16+$0x0], $0xffff;
	v15 =	vmul.f32 v17, v10;
	v7 =	vunpack.i.l.bf16.f32 v20  }
0x142: {  	[tilespmem:s8+$0xFFFFFF00] =	vst v21;
	v17 =	vld [tilespmem:s7+$0x10];
	v20 =	vunpack.i.u.bf16.f32 v20;
	v7 =	vmul.f32 v7, v18  }
0x143: {  	v21 =	vld [tilespmem:s18+$0xFFFFFFB0];
	[tilespmem:s8+$0xFFFFFF10] =	vst v15;
	v15 =	vmul.f32 v20, v18;
	v18 =	vunpack.i.l.bf16.f32 v12  }
0x144: {  	v12 =	vunpack.i.u.bf16.f32 v12;
	v20 =	vld [tilespmem:s7+$0xFFFFFF90];
	[tilespmem:s8+$0xA0] =	vst v7;
	v7 =	vmul.f32 v18, v9  }
0x145: {  	v18 =	vunpack.i.u.bf16.f32 v19;
	v23 =	vunpack.i.l.bf16.f32 v22;
	[tilespmem:s8+$0xB0] =	vst v15;
	v9 =	vmul.f32 v12, v9  }
0x146: {  	v12 =	vunpack.i.l.bf16.f32 v19;
	v15 =	vunpack.i.u.bf16.f32 v22;
	v19 =	vmul.f32 v23, v14;
	v22 =	vld [tilespmem:s7+$0x60];
	[tilespmem:s19+$0xFFFFFFE0] =	vst v7  }
0x147: {  	s1 =	simm.s32 $0xB0;
	v23 =	vmul.f32 v18, v6;
	v7 =	vmul.f32 v15, v14;
	v15 =	vunpack.i.l.bf16.f32 v17;
	[tilespmem:s19+$0xFFFFFFF0] =	vst v9  }
0x148: {  	v18 =	vor.u32 s1, v0;
	v14 =	vunpack.i.u.bf16.f32 v17;
	[tilespmem:s8+$0xFFFFFFA0] =	vst v19;
	v9 =	vmul.f32 v15, v16  }
0x149: {  	p2 =	por $0x1, $0x1;
	v17 =	vunpack.i.u.bf16.f32 v21;
	v14 =	vmul.f32 v14, v16;
	v16 =	vunpack.i.l.bf16.f32 v20;
	[tilespmem:s8+$0xFFFFFFB0] =	vst v7  }
.Ltmp4:
0x14a: {  	v15 =	vunpack.i.u.bf16.f32 v20;
	v20 =	vmul.f32 v12, v6;
	v12 =	vmul.f32 v16, v10;
	[tilespmem:s8+$0x20] =	vst v9;
	v19 =	vld [tilespmem:s7+$0xFFFFFFE0];
	(pc) =	sbr.rel @!p2 .LBB2_11-.Ltmp4, $4  }
0x14b: {  	v7 =	vunpack.i.l.bf16.f32 v21;
	v16 =	vmul.f32 v15, v10;
	[tilespmem:s8+$0x30] =	vst v14;
	v9 =	vunpack.i.l.bf16.f32 v22  }
0x14c: {  	s5 =	simm.s32 $0x90;
	s4 =	simm.s32 $0x80;
	v15 =	vmul.f32 v7, v5;
	v6 =	vunpack.i.u.bf16.f32 v22;
	v21 =	vld [tilespmem:s7+$0x20];
	[tilespmem:s8+$0xFFFFFF20] =	vst v12;
	v9 =	vmul.f32 v9, v4  }
0x14d: {  	s13 =	simm.s32 $0xA0;
	s6 =	simm.s32 $0xC;
	p1 =	por $0x1, $0x1;
	v10 =	vor.u32 s4, v0;
	v14 =	vor.u32 s5, v0;
	[tilespmem:s8+$0xFFFFFF30] =	vst v16;
	v24 =	vmul.f32 v6, v4  }
0x14e: {  	s14 =	simm.s32 $0x3EE0;
	v7 =	vor.u32 s5, v2;
	s5 =	simm.s32 $0x1760;
	v16 =	vor.u32 s13, v0;
	v12 =	vor.u32 s13, v2;
	s13 =	simm.s32 $0x40E0;
	v22 =	vld [tilespmem:s7+$0xFFFFFFA0];
	[tilespmem:s8+$0xC0] =	vst v9  }
.LBB2_12:
0x14f: {  	p2 =	slt.u32 s6, $0x4C;
	v6 =	vor.u32 s4, v2;
	v9 =	vunpack.i.u.bf16.f32 v19;
	v19 =	vunpack.i.l.bf16.f32 v19;
	[tilespmem:s8+$0xD0] =	vst v24  }
0x150: {  	s5 =	sadd.s32 $0x100, s5;
	v19 =	vmul.f32 v19, v11;
	v9 =	vmul.f32 v9, v11;
	v24 =	vld [tilespmem:s7+$0x70];
	[tilespmem:s14+$0x60] =	vst v20  }
0x151: {  	v17 =	vmul.f32 v17, v5;
	v5 =	vmovc v13;
	v20 =	vld [tilespmem:s5+$0x40];
	v25 =	vunpack.i.u.bf16.f32 v21;
	v21 =	vunpack.i.l.bf16.f32 v21;
	[tilespmem:s14+$0x70] =	vst v23  }
0x152: {  	v18 =	vld.idx.msk [tilespmem:v18+s16+$0x0], $0xffff;
	[tilespmem:s8+$0xFFFFFFC0] =	vst v19;
	v13 =	vmul.f32 v21, v8;
	v19 =	vmul.f32 v25, v8  }
0x153: {  	v21 =	vld [tilespmem:s5+$0xFFFFFF80];
	v23 =	vunpack.i.u.bf16.f32 v22;
	v22 =	vunpack.i.l.bf16.f32 v22;
	[tilespmem:s8+$0xFFFFFFD0] =	vst v9  }
0x154: {  	v9 =	vld [tilespmem:s5+$0xFFFFFFC0];
	v22 =	vmul.f32 v22, v5;
	v23 =	vmul.f32 v23, v5;
	[tilespmem:s8+$0x40] =	vst v13  }
0x155: {  	v25 =	vor.u32 s1, v2;
	v13 =	vld [tilespmem:s5+$0x0];
	[tilespmem:s8+$0x50] =	vst v19;
	v19 =	vunpack.i.u.bf16.f32 v24;
	v24 =	vunpack.i.l.bf16.f32 v24  }
0x156: {  	v14 =	vld.idx.msk [tilespmem:v14+s16+$0x0], $0xffff;
	[tilespmem:s8+$0xFFFFFF40] =	vst v22;
	v22 =	vmul.f32 v24, v4;
	v4 =	vmul.f32 v19, v4  }
0x157: {  	v19 =	vunpack.i.l.bf16.f32 v20;
	v16 =	vld.idx.msk [tilespmem:v16+s16+$0x0], $0xffff;
	[tilespmem:s8+$0xFFFFFF50] =	vst v23  }
0x158: {  	v20 =	vunpack.i.u.bf16.f32 v20;
	v19 =	vmul.f32 v19, v18;
	v10 =	vld.idx.msk [tilespmem:v10+s16+$0x0], $0xffff;
	v23 =	vunpack.i.u.bf16.f32 v21;
	[tilespmem:s8+$0xF0] =	vst v4  }
0x159: {  	v20 =	vmul.f32 v20, v18;
	v21 =	vunpack.i.l.bf16.f32 v21;
	s8 =	sadd.s32 $0x200, s8;
	v24 =	vunpack.i.u.bf16.f32 v9;
	v12 =	vld.idx.msk [tilespmem:v12+s16+$0x0], $0xffff;
	[tilespmem:s13+$0xE0] =	vst v22  }
0x15a: {  	v9 =	vunpack.i.l.bf16.f32 v9;
	v22 =	vunpack.i.u.bf16.f32 v13;
	v26 =	vunpack.i.l.bf16.f32 v13;
	v4 =	vld.idx.msk [tilespmem:v25+s16+$0x0], $0xffff;
	[tilespmem:s8+$0x80] =	vst v19  }
0x15b: {  	v13 =	vld.idx.msk [tilespmem:v6+s16+$0x0], $0xffff;
	[tilespmem:s8+$0x90] =	vst v20  }
0x15c: {  	v6 =	vmul.f32 v9, v14;
	v9 =	vmul.f32 v24, v14;
	v19 =	vld [tilespmem:s5+$0x50];
	[tilespmem:s14+$0xFFFFFF60] =	vst v15  }
0x15d: {  	v15 =	vmul.f32 v26, v16;
	v20 =	vmul.f32 v22, v16;
	v7 =	vld.idx.msk [tilespmem:v7+s16+$0x0], $0xffff;
	[tilespmem:s14+$0xFFFFFF70] =	vst v17;
	s14 =	smov.u32 s13;
	s13 =	smov.u32 s8  }
0x15e: {  	v17 =	vmul.f32 v21, v10;
	v21 =	vmul.f32 v23, v10;
	[tilespmem:s8+$0xFFFFFF80] =	vst v6;
	v6 =	vld [tilespmem:s7+$0xFFFFFFF0]  }
0x15f: {  	[tilespmem:s8+$0xFFFFFF90] =	vst v9;
	v9 =	vld [tilespmem:s7+$0x30]  }
0x160: {  	v22 =	vld [tilespmem:s5+$0xFFFFFFD0];
	[tilespmem:s8+$0x0] =	vst v15  }
0x161: {  	[tilespmem:s8+$0x10] =	vst v20;
	v15 =	vunpack.i.l.bf16.f32 v19;
	v20 =	vld [tilespmem:s7+$0xFFFFFFB0];
	s7 =	smov.u32 s5  }
0x162: {  	[tilespmem:s8+$0xFFFFFF00] =	vst v17;
	v23 =	vld [tilespmem:s5+$0x10];
	v17 =	vunpack.i.u.bf16.f32 v19;
	v15 =	vmul.f32 v15, v18  }
0x163: {  	[tilespmem:s8+$0xFFFFFF10] =	vst v21;
	v17 =	vmul.f32 v17, v18;
	v18 =	vunpack.i.u.bf16.f32 v6;
	v6 =	vunpack.i.l.bf16.f32 v6  }
0x164: {  	v19 =	vld [tilespmem:s5+$0xFFFFFF90];
	[tilespmem:s8+$0xA0] =	vst v15;
	v6 =	vmul.f32 v6, v11;
	v21 =	vunpack.i.u.bf16.f32 v9;
	v9 =	vunpack.i.l.bf16.f32 v9  }
0x165: {  	v18 =	vmul.f32 v18, v11;
	v11 =	vmovc v7;
	v15 =	vunpack.i.u.bf16.f32 v22;
	v22 =	vunpack.i.l.bf16.f32 v22;
	[tilespmem:s8+$0xB0] =	vst v17  }
0x166: {  	v7 =	vmul.f32 v22, v14;
	v14 =	vmul.f32 v15, v14;
	v22 =	vld [tilespmem:s5+$0x60];
	v17 =	vunpack.i.u.bf16.f32 v20;
	[tilespmem:s14+$0xFFFFFFE0] =	vst v6  }
0x167: {  	v6 =	vunpack.i.u.bf16.f32 v23;
	v15 =	vunpack.i.l.bf16.f32 v23;
	v23 =	vunpack.i.l.bf16.f32 v20;
	[tilespmem:s14+$0xFFFFFFF0] =	vst v18  }
0x168: {  	[tilespmem:s8+$0xFFFFFFA0] =	vst v7;
	v7 =	vmul.f32 v15, v16;
	v6 =	vmul.f32 v6, v16  }
0x169: {  	v20 =	vmul.f32 v9, v8;
	v15 =	vunpack.i.u.bf16.f32 v19;
	v16 =	vunpack.i.l.bf16.f32 v19;
	[tilespmem:s8+$0xFFFFFFB0] =	vst v14  }
.Ltmp5:
0x16a: {  	v9 =	vmul.f32 v16, v10;
	v16 =	vmul.f32 v15, v10;
	v19 =	vld [tilespmem:s5+$0xFFFFFFE0];
	[tilespmem:s8+$0x20] =	vst v7;
	(pc) =	sbr.rel @p2 .LBB2_12-.Ltmp5, $4  }
0x16b: {  	s4 =	sshll.u32 s6, $0x4;
	v15 =	vmul.f32 v23, v5;
	v23 =	vmul.f32 v21, v8;
	v8 =	vmovc v12;
	[tilespmem:s8+$0x30] =	vst v6;
	v6 =	vunpack.i.l.bf16.f32 v22  }
0x16c: {  	s2 =	sadd.s32 $0x10, s4;
	s9 =	sadd.s32 $0x20, s4;
	s1 =	sadd.s32 $0x30, s4;
	v10 =	vor.u32 s4, v0;
	v7 =	vunpack.i.u.bf16.f32 v22;
	[tilespmem:s8+$0xFFFFFF20] =	vst v9;
	v21 =	vld [tilespmem:s5+$0x20];
	v6 =	vmul.f32 v6, v4  }
0x16d: {  	v18 =	vor.u32 s1, v0;
	v14 =	vor.u32 s2, v0;
	v24 =	vmul.f32 v7, v4;
	[tilespmem:s8+$0xFFFFFF30] =	vst v16  }
0x16e: {  	s6 =	sadd.s32 $0x4, s6;
	v12 =	vor.u32 s9, v2;
	v7 =	vor.u32 s2, v2;
	v16 =	vor.u32 s9, v0;
	v22 =	vld [tilespmem:s5+$0xFFFFFFA0];
	[tilespmem:s8+$0xC0] =	vst v6  }
0x16f: {  	v25 =	vmovc v5;
	v9 =	vmov v11;
	v5 =	vmov v13;
	v6 =	vmov v8  }
.LBB2_14:
0x170: {  	v8 =	vunpack.i.l.bf16.f32 @p0 v19;
	[tilespmem:s8+$0xD0] =	vst @p0 v24  }
0x171: {  	v11 =	vunpack.i.u.bf16.f32 @p0 v19;
	s2 =	sadd.s32 @p0 $0x100, s5;
	[tilespmem:s14+$0x60] =	vst @p1 v20;
	v8 =	vmul.f32 @p0 v8, v9;
	v13 =	vld @p0 [tilespmem:s7+$0x70]  }
0x172: {  	[tilespmem:s14+$0x70] =	vst @p1 v23;
	v11 =	vmul.f32 @p0 v11, v9;
	s18 =	smov.u32 @p0 s2;
	v19 =	vunpack.i.l.bf16.f32 @p0 v21  }
0x173: {  	v21 =	vunpack.i.u.bf16.f32 @p0 v21;
	v42 =	vld [tilespmem:s18+$0x40];
	[tilespmem:s8+$0xFFFFFFC0] =	vst @p0 v8;
	v8 =	vmul.f32 @p0 v19, v6  }
0x174: {  	v18 =	vld.idx.msk [tilespmem:v18+s16+$0x0], $0xffff;
	v19 =	vmul.f32 @p0 v21, v6;
	[tilespmem:s8+$0xFFFFFFD0] =	vst @p0 v11  }
0x175: {  	v43 =	vld [tilespmem:s18+$0xFFFFFFC0];
	v11 =	vunpack.i.u.bf16.f32 @p0 v22;
	[tilespmem:s8+$0x40] =	vst @p0 v8;
	v8 =	vor.u32 s1, v2  }
0x176: {  	v14 =	vld.idx.msk [tilespmem:v14+s16+$0x0], $0xffff;
	v11 =	vmul.f32 @p0 v11, v5;
	[tilespmem:s8+$0x50] =	vst @p0 v19;
	v19 =	vunpack.i.u.bf16.f32 @p0 v13  }
0x177: {  	v10 =	vld.idx.msk [tilespmem:v10+s16+$0x0], $0xffff;
	[tilespmem:s14+$0xFFFFFF60] =	vst @p1 v15;
	v13 =	vunpack.i.l.bf16.f32 @p0 v13;
	v19 =	vmul.f32 @p0 v19, v4  }
0x178: {  	v44 =	vld [tilespmem:s18+$0x0];
	[tilespmem:s8+$0xFFFFFF50] =	vst @p0 v11;
	v4 =	vmul.f32 @p0 v13, v4;
	v13 =	vunpack.i.l.bf16.f32 v42  }
0x179: {  	s1 =	sadd.s32 @p0 $0x200, s8;
	v11 =	vld.idx.msk [tilespmem:v16+s16+$0x0], $0xffff;
	v45 =	vunpack.i.u.bf16.f32 v42;
	v13 =	vmul.f32 v13, v18;
	[tilespmem:s8+$0xF0] =	vst @p0 v19  }
0x17a: {  	s19 =	smov.u32 @p0 s1;
	v48 =	vunpack.i.u.bf16.f32 v43;
	v16 =	vmul.f32 v45, v18;
	[tilespmem:s13+$0xE0] =	vst @p0 v4;
	v4 =	vld.idx.msk [tilespmem:v8+s16+$0x0], $0xffff  }
0x17b: {  	v19 =	vmul.f32 v48, v14;
	v8 =	vld [tilespmem:s18+$0xFFFFFF80];
	[tilespmem:s19+$0x80] =	vst v13  }
0x17c: {  	v7 =	vld.idx.msk [tilespmem:v7+s16+$0x0], $0xffff;
	v46 =	vunpack.i.l.bf16.f32 v43;
	v13 =	vmul.f32 @p1 v17, v25;
	[tilespmem:s19+$0x90] =	vst v16  }
0x17d: {  	v47 =	vor.u32 s4, v2;
	v21 =	vunpack.i.l.bf16.f32 @p0 v22;
	v17 =	vmul.f32 v46, v14;
	v49 =	vld [tilespmem:s18+$0x50];
	[tilespmem:s19+$0xFFFFFF90] =	vst v19  }
0x17e: {  	v21 =	vmul.f32 @p0 v21, v5;
	v15 =	vunpack.i.l.bf16.f32 v44;
	[tilespmem:s14+$0xFFFFFF70] =	vst @p1 v13  }
0x17f: {  	v15 =	vmul.f32 v15, v11;
	v13 =	vunpack.i.u.bf16.f32 v44;
	[tilespmem:s19+$0xFFFFFF80] =	vst v17;
	v17 =	vld @p0 [tilespmem:s7+$0xFFFFFFF0]  }
0x180: {  	[tilespmem:s8+$0xFFFFFF40] =	vst @p0 v21;
	v13 =	vmul.f32 v13, v11;
	v52 =	vld [tilespmem:s18+$0xFFFFFFD0];
	v50 =	vunpack.i.l.bf16.f32 v8  }
0x181: {  	v12 =	vld.idx.msk [tilespmem:v12+s16+$0x0], $0xffff;
	[tilespmem:s19+$0x0] =	vst v15;
	v8 =	vunpack.i.u.bf16.f32 v8;
	v51 =	vmul.f32 v50, v10  }
0x182: {  	v15 =	vld.idx.msk [tilespmem:v47+s16+$0x0], $0xffff;
	[tilespmem:s19+$0x10] =	vst v13;
	v8 =	vmul.f32 v8, v10;
	v13 =	vunpack.i.l.bf16.f32 v49  }
0x183: {  	v53 =	vld [tilespmem:s18+$0x10];
	v54 =	vunpack.i.u.bf16.f32 v49;
	v13 =	vmul.f32 v13, v18;
	[tilespmem:s19+$0xFFFFFF00] =	vst v51  }
0x184: {  	[tilespmem:s19+$0xFFFFFF10] =	vst v8;
	v8 =	vmul.f32 v54, v18;
	v18 =	vunpack.i.l.bf16.f32 @p0 v17  }
0x185: {  	v56 =	vunpack.i.l.bf16.f32 v52;
	v55 =	vld [tilespmem:s18+$0xFFFFFF90];
	[tilespmem:s19+$0xA0] =	vst v13;
	v13 =	vmul.f32 @p0 v18, v9  }
0x186: {  	s1 =	smov.u32 @p0 s13;
	v17 =	vunpack.i.u.bf16.f32 @p0 v17;
	v57 =	vmul.f32 v56, v14;
	[tilespmem:s19+$0xB0] =	vst v8  }
0x187: {  	v8 =	vmul.f32 @p0 v17, v9;
	v9 =	vunpack.i.u.bf16.f32 v52;
	v58 =	vld [tilespmem:s18+$0x60];
	[tilespmem:s1+$0xFFFFFFE0] =	vst @p0 v13  }
0x188: {  	v13 =	vld @p0 [tilespmem:s7+$0x30];
	v9 =	vmul.f32 v9, v14;
	v14 =	vunpack.i.l.bf16.f32 v53;
	[tilespmem:s19+$0xFFFFFFA0] =	vst v57  }
0x189: {  	[tilespmem:s1+$0xFFFFFFF0] =	vst @p0 v8;
	v8 =	vunpack.i.u.bf16.f32 v53;
	v14 =	vmul.f32 v14, v11  }
0x18a: {  	v8 =	vmul.f32 v8, v11;
	[tilespmem:s19+$0xFFFFFFB0] =	vst v9;
	v11 =	vunpack.i.l.bf16.f32 v55  }
0x18b: {  	v9 =	vunpack.i.u.bf16.f32 v55;
	v59 =	vld [tilespmem:s18+$0xFFFFFFE0];
	[tilespmem:s19+$0x20] =	vst v14;
	v11 =	vmul.f32 v11, v10  }
0x18c: {  	v9 =	vmul.f32 v9, v10;
	[tilespmem:s19+$0x30] =	vst v8;
	v8 =	vunpack.i.l.bf16.f32 v58  }
0x18d: {  	v10 =	vunpack.i.l.bf16.f32 @p0 v13;
	v14 =	vunpack.i.u.bf16.f32 v58;
	[tilespmem:s19+$0xFFFFFF20] =	vst v11;
	v11 =	vld [tilespmem:s18+$0x20];
	v8 =	vmul.f32 v8, v4  }
0x18e: {  	v13 =	vunpack.i.u.bf16.f32 @p0 v13;
	v10 =	vmul.f32 @p0 v10, v6;
	[tilespmem:s19+$0xFFFFFF30] =	vst v9;
	v9 =	vmul.f32 v14, v4  }
0x18f: {  	v6 =	vmul.f32 @p0 v13, v6;
	v13 =	vld [tilespmem:s18+$0xFFFFFFA0];
	[tilespmem:s19+$0xC0] =	vst v8  }
0x190: {  	s1 =	smov.u32 @p0 s1;
	v8 =	vpsel p0, v10, v0;
	v10 =	vunpack.i.l.bf16.f32 v59;
	[tilespmem:s19+$0xD0] =	vst v9  }
0x191: {  	v6 =	vpsel p0, v6, v0;
	v9 =	vunpack.i.u.bf16.f32 v59;
	v10 =	vmul.f32 v10, v7;
	v14 =	vld [tilespmem:s18+$0x70];
	[tilespmem:s1+$0x60] =	vst @p0 v8  }
0x192: {  	v8 =	vld @p0 [tilespmem:s7+$0xFFFFFFB0];
	v9 =	vmul.f32 v9, v7;
	[tilespmem:s1+$0x70] =	vst @p0 v6;
	v60 =	vunpack.i.l.bf16.f32 v11  }
0x193: {  	v6 =	vunpack.i.u.bf16.f32 v11;
	[tilespmem:s19+$0xFFFFFFC0] =	vst v10;
	v10 =	vmul.f32 v60, v12  }
0x194: {  	[tilespmem:s19+$0xFFFFFFD0] =	vst v9;
	v6 =	vmul.f32 v6, v12;
	v11 =	vunpack.i.l.bf16.f32 v13  }
0x195: {  	v9 =	vunpack.i.u.bf16.f32 v13;
	v11 =	vmul.f32 v11, v15;
	[tilespmem:s19+$0x40] =	vst v10;
	v10 =	vld [tilespmem:s18+$0xFFFFFFF0]  }
0x196: {  	v9 =	vmul.f32 v9, v15;
	[tilespmem:s19+$0x50] =	vst v6;
	v6 =	vunpack.i.u.bf16.f32 v14  }
0x197: {  	v13 =	vunpack.i.l.bf16.f32 @p0 v8;
	v14 =	vunpack.i.l.bf16.f32 v14;
	[tilespmem:s19+$0xFFFFFF40] =	vst v11;
	v6 =	vmul.f32 v6, v4;
	v11 =	vld [tilespmem:s18+$0x30]  }
0x198: {  	v8 =	vunpack.i.u.bf16.f32 @p0 v8;
	v13 =	vmul.f32 @p0 v13, v5;
	v4 =	vmul.f32 v14, v4;
	[tilespmem:s19+$0xFFFFFF50] =	vst v9  }
0x199: {  	v5 =	vpsel p0, v5, v0;
	v8 =	vpsel p0, v8, v0;
	[tilespmem:s19+$0xF0] =	vst v6;
	v6 =	vld [tilespmem:s18+$0xFFFFFFB0]  }
0x19a: {  	v5 =	vmul.f32 @p0 v8, v5;
	v9 =	vpsel p0, v13, v0;
	[tilespmem:s19+$0xE0] =	vst v4;
	v4 =	vunpack.i.l.bf16.f32 v10  }
0x19b: {  	[tilespmem:s1+$0xFFFFFF60] =	vst @p0 v9;
	v8 =	vunpack.i.u.bf16.f32 v10;
	v4 =	vmul.f32 v4, v7  }
0x19c: {  	[tilespmem:s1+$0xFFFFFF70] =	vst @p0 v5;
	v5 =	vunpack.i.l.bf16.f32 v11;
	v7 =	vmul.f32 v8, v7  }
0x19d: {  	v8 =	vunpack.i.u.bf16.f32 v11;
	[tilespmem:s19+$0xFFFFFFE0] =	vst v4;
	v4 =	vmul.f32 v5, v12  }
0x19e: {  	v5 =	vunpack.i.l.bf16.f32 v6;
	[tilespmem:s19+$0xFFFFFFF0] =	vst v7;
	v7 =	vmul.f32 v8, v12  }
0x19f: {  	v6 =	vunpack.i.u.bf16.f32 v6;
	v5 =	vmul.f32 v5, v15;
	[tilespmem:s19+$0x60] =	vst v4  }
0x1a0: {  	v4 =	vmul.f32 v6, v15;
	[tilespmem:s19+$0x70] =	vst v7  }
0x1a1: {  	p0 =	seq.s32 s28, $0x7C;
	[tilespmem:s19+$0xFFFFFF60] =	vst v5  }
0x1a2: {  	s1 =	smul.u32 @!p0 $0xA0, s28;
	[tilespmem:s19+$0xFFFFFF70] =	vst v4  }
0x1a3: {  	[spmem:s10] =	stream.indirect.scatter.add.f32 [tilespmem:s11], [sflag:$0x5], $0x80, s24, s20, $0xb8;
	[tilespmem:$0x1D2E0] =	vst v63  }
0x1a4: {  	s2 =	rddreg [dreg:$0xe]  }
0x1a5: {  	s1 =	sadd.s32 @!p0 s1, s2  }
0x1a6: {  	[spmem:s12] =	stream.indirect.scatter.add.f32 [tilespmem:s16], [sflag:$0x5], $0x10, s24, s20, $0xb8;
	[tilespmem:$0x1D2E0] =	vst v63  }
0x1a7: {  	s2 =	rddreg [dreg:$0x5];
	s1 =	sshrl.u32 @!p0 s1, $0x3  }
0x1a8: {  	s4 =	simm.s32 @!p0 $0x0;
	s2 =	sadd.s32 @!p0 s2, s1  }
0x1a9: {  	[tilespmem:s4], [sflag:$0x1] =	stream.linear.gather @!p0 [hbm4b:s2+s4], $0x50, $0x38;
	[tilespmem:$0x1D2E0] =	vst v63  }
0x1aa: {  	s2 =	rddreg [dreg:$0x6]  }
0x1ab: {  	s1 =	sadd.s32 @!p0 s2, s1;
	s2 =	simm.s32 @!p0 $0xA0  }
0x1ac: {  	[tilespmem:s2], [sflag:$0x1] =	stream.linear.gather @!p0 [hbm4b:s1+s4], $0x50, $0x38;
	[tilespmem:$0x1D2E0] =	vst v63  }
0x1ad: {  	_ =	swait.ge [sflag:s25], $0x1400  }
0x1ae: {  	[sflag:s25] =	ssyncset.done $0x0  }
0x1af: {  	[sflag:s25] =	ssyncadd.s32 $0xFFFFEC00  }
0x1b0: {  	_ =	swait.ge [sflag:s25], $0x500  }
0x1b1: {  	[sflag:s25] =	ssyncset.done $0x0  }
0x1b2: {  	[sflag:s25] =	ssyncadd.s32 $0xFFFFFB00  }
0x1b3: {  	_ =	swait.ge [sflag:s25], $0x500  }
0x1b4: {  	[sflag:s25] =	ssyncset.done $0x0  }
0x1b5: {  	[sflag:s25] =	ssyncadd.s32 $0xFFFFFB00  }
0x1b6: {  	_ =	swait.ge [sflag:s0], $0x2800  }
0x1b7: {  	[sflag:s0] =	ssyncset.done $0x0  }
0x1b8: {  	[sflag:s0] =	ssyncadd.s32 $0xFFFFD800  }
0x1b9: {  	_ =	swait.ge [sflag:s0], $0x500  }
0x1ba: {  	[sflag:s0] =	ssyncset.done $0x0  }
0x1bb: {  	[sflag:s0] =	ssyncadd.s32 $0xFFFFFB00  }
0x1bc: {  	v4 =	vld [tilespmem:$0xF0]  }
0x1bd: {  	v5 =	vld [tilespmem:$0x100]  }
0x1be: {  	v6 =	vld [tilespmem:$0x110]  }
0x1bf: {  	v7 =	vld [tilespmem:$0x120]  }
0x1c0: {  	v8 =	vld [tilespmem:$0x130]  }
0x1c1: {  	[tilespmem:$0x190] =	vst v4  }
0x1c2: {  	[tilespmem:$0x1A0] =	vst v5  }
0x1c3: {  	[tilespmem:$0x1B0] =	vst v6  }
0x1c4: {  	[tilespmem:$0x1C0] =	vst v7  }
0x1c5: {  	s9 =	simm.s32 $0x700;
	[tilespmem:$0x1D0] =	vst v8  }
0x1c6: {  	s13 =	simm.s32 $0x1100;
	v4 =	vld [tilespmem:s9+$0x10]  }
0x1c7: {  	v5 =	vld [tilespmem:s13+$0x10]  }
0x1c8: {  	v6 =	vld [tilespmem:s13+$0xFFFFFFE0]  }
0x1c9: {  	v7 =	vld [tilespmem:s9+$0xFFFFFFF0]  }
0x1ca: {  	v8 =	vld [tilespmem:s13+$0xFFFFFFF0]  }
0x1cb: {  	v9 =	vld [tilespmem:s9+$0x0]  }
0x1cc: {  	s14 =	simm.s32 $0x740;
	v10 =	vld [tilespmem:s13+$0x0];
	v4 =	vadd.f32 v5, v4  }
0x1cd: {  	v11 =	vld [tilespmem:s14+$0x10]  }
0x1ce: {  	s18 =	simm.s32 $0x1140;
	v5 =	vld [tilespmem:s9+$0xFFFFFFE0];
	v12 =	vmul.f32 $2.000000030e-01, v4  }
0x1cf: {  	v13 =	vld [tilespmem:s18+$0x10]  }
0x1d0: {  	v14 =	vld [tilespmem:s18+$0xFFFFFFE0];
	v4 =	vmax.f32 v4, v12  }
0x1d1: {  	v15 =	vld [tilespmem:s18+$0x0];
	v7 =	vadd.f32 v8, v7;
	v4 =	vmul.f32 $1.442695020e+00, v4  }
0x1d2: {  	v8 =	vld [tilespmem:s14+$0xFFFFFFF0];
	v9 =	vadd.f32 v10, v9  }
0x1d3: {  	v10 =	vld [tilespmem:s18+$0xFFFFFFF0];
	v12 =	vmul.f32 $2.000000030e-01, v7;
	v5 =	vadd.f32 v6, v5;
	(erf) = vpow2.f32 v4  }
0x1d4: {  	s19 =	simm.s32 $0x780;
	v6 =	vld [tilespmem:s14+$0x0];
	v4 =	vmul.f32 $2.000000030e-01, v9  }
0x1d5: {  	v61 =	vld [tilespmem:s19+$0x10];
	v11 =	vadd.f32 v13, v11;
	v7 =	vmax.f32 v7, v12;
	v12 =	vmul.f32 $2.000000030e-01, v5  }
0x1d6: {  	s4 =	simm.s32 $0x1180;
	v13 =	vld [tilespmem:s14+$0xFFFFFFE0];
	v7 =	vmul.f32 $1.442695020e+00, v7;
	v4 =	vmax.f32 v9, v4  }
0x1d7: {  	v9 =	vmul.f32 $2.000000030e-01, v11;
	v5 =	vmax.f32 v5, v12;
	v12 =	vld [tilespmem:s4+$0x10];
	v4 =	vmul.f32 $1.442695020e+00, v4  }
0x1d8: {  	v8 =	vadd.f32 v10, v8;
	(erf) = vpow2.f32 v7;
	v10 =	vmul.f32 $1.442695020e+00, v5;
	v5 =	vld [tilespmem:s4+$0xFFFFFFE0]  }
0x1d9: {  	v15 =	vadd.f32 v15, v6;
	v7 =	vmax.f32 v11, v9;
	(erf) = vpow2.f32 v4;
	v4 =	vld [tilespmem:s19+$0xFFFFFFF0]  }
0x1da: {  	v11 =	vmul.f32 $2.000000030e-01, v8;
	v62 =	vmul.f32 $1.442695020e+00, v7;
	v7 =	vld [tilespmem:s4+$0xFFFFFFF0]  }
0x1db: {  	v6 =	vld [tilespmem:s19+$0x0];
	v9 =	vadd.f32 v14, v13;
	v14 =	vmul.f32 $2.000000030e-01, v15;
	(erf) = vpow2.f32 v10  }
0x1dc: {  	s6 =	simm.s32 $0x7C0;
	s1 =	simm.s32 $0x6600;
	v10 =	vmax.f32 v8, v11;
	v8 =	vld [tilespmem:s4+$0x0];
	(erf) = vpow2.f32 v62;
	v11 =	vadd.f32 v12, v61;
	v63 =	vpop (erf)  }
0x1dd: {  	s5 =	simm.s32 $0x8;
	v13 =	vmul.f32 $2.000000030e-01, v9;
	v12 =	vmul.f32 $1.442695020e+00, v10;
	v10 =	vld [tilespmem:s19+$0xFFFFFFE0];
	v14 =	vmax.f32 v15, v14;
	[tilespmem:s1+$0x10] =	vst v63  }
.LBB2_15:
0x1de: {  	v16 =	vmul.f32 $2.000000030e-01, v11  }
0x1df: {  	v15 =	vld [tilespmem:s6+$0x10];
	s4 =	sadd.s32 $0x40, s4;
	v20 =	vmax.f32 v9, v13;
	v13 =	vmul.f32 $1.442695020e+00, v14;
	v17 =	vadd.f32 v7, v4  }
0x1e0: {  	s5 =	sadd.s32 $0x4, s5;
	v14 =	vld [tilespmem:s4+$0x10];
	v18 =	vmul.f32 $1.442695020e+00, v20;
	(erf) = vpow2.f32 v12  }
0x1e1: {  	p1 =	slt.u32 s5, $0x4C;
	v19 =	vld [tilespmem:s4+$0xFFFFFFE0];
	v7 =	vmax.f32 v11, v16;
	(erf) = vpow2.f32 v13;
	v9 =	vpop (erf);
	v11 =	vmul.f32 $2.000000030e-01, v17  }
.Ltmp6:
0x1e2: {  	v4 =	vld [tilespmem:s6+$0xFFFFFFF0];
	v16 =	vadd.f32 v8, v6;
	v8 =	vmul.f32 $1.442695020e+00, v7;
	[tilespmem:s1+$0xFFFFFFF0] =	vst v9;
	v6 =	vpop (erf);
	(pc) =	sbr.rel @p1 .LBB2_15-.Ltmp6, $4  }
0x1e3: {  	v7 =	vld [tilespmem:s4+$0xFFFFFFF0];
	v9 =	vadd.f32 v5, v10;
	(erf) = vpow2.f32 v18;
	[tilespmem:s1+$0x0] =	vst v6  }
0x1e4: {  	v6 =	vld [tilespmem:s6+$0x0];
	v18 =	vmax.f32 v17, v11;
	v17 =	vmul.f32 $2.000000030e-01, v16;
	(erf) = vpow2.f32 v8;
	v10 =	vpop (erf)  }
0x1e5: {  	v8 =	vld [tilespmem:s4+$0x0];
	v11 =	vadd.f32 v14, v15;
	v13 =	vmul.f32 $2.000000030e-01, v9;
	v12 =	vmul.f32 $1.442695020e+00, v18;
	v5 =	vpop (erf);
	[tilespmem:s1+$0xFFFFFFE0] =	vst v10;
	s1 =	sadd.s32 $0x40, s1  }
0x1e6: {  	v10 =	vld [tilespmem:s6+$0xFFFFFFE0];
	s6 =	sadd.s32 $0x40, s6;
	v14 =	vmax.f32 v16, v17;
	[tilespmem:s1+$0x10] =	vst v5;
	v5 =	vmov v19  }
0x1e7: {  	_ =	sdelay $0x1  }
0x1e8: {  	v15 =	vmul.f32 $2.000000030e-01, v11;
	v9 =	vmax.f32 v9, v13;
	v4 =	vadd.f32 v7, v4  }
0x1e9: {  	(erf) = vpow2.f32 v12;
	v7 =	vmul.f32 $1.442695020e+00, v14;
	v6 =	vadd.f32 v8, v6  }
0x1ea: {  	v9 =	vmul.f32 $1.442695020e+00, v9;
	v8 =	vmul.f32 $2.000000030e-01, v4;
	v5 =	vadd.f32 v5, v10  }
0x1eb: {  	(erf) = vpow2.f32 v7;
	v10 =	vmax.f32 v11, v15;
	v7 =	vmul.f32 $2.000000030e-01, v6  }
0x1ec: {  	v10 =	vmul.f32 $1.442695020e+00, v10;
	v4 =	vmax.f32 v4, v8;
	v8 =	vmul.f32 $2.000000030e-01, v5  }
0x1ed: {  	(erf) = vpow2.f32 v9;
	v4 =	vmul.f32 $1.442695020e+00, v4  }
0x1ee: {  	v6 =	vmax.f32 v6, v7;
	(erf) = vpow2.f32 v10;
	v5 =	vmax.f32 v5, v8  }
0x1ef: {  	v6 =	vmul.f32 $1.442695020e+00, v6;
	v5 =	vmul.f32 $1.442695020e+00, v5  }
0x1f0: {  	(erf) = vpow2.f32 v4  }
0x1f1: {  	v4 =	vpop (erf);
	(erf) = vpow2.f32 v6  }
0x1f2: {  	[tilespmem:s1+$0xFFFFFFF0] =	vst v4;
	v4 =	vpop (erf);
	(erf) = vpow2.f32 v5  }
0x1f3: {  	[tilespmem:s1+$0x0] =	vst v4;
	v5 =	vpop (erf)  }
0x1f4: {  	s19 =	sadd.s32 $0x40, s1;
	v4 =	vpop (erf);
	[tilespmem:s1+$0xFFFFFFE0] =	vst v5  }
0x1f5: {  	v5 =	vpop (erf);
	[tilespmem:s19+$0x10] =	vst v4  }
0x1f6: {  	[tilespmem:s19+$0xFFFFFFF0] =	vst v5;
	v4 =	vpop (erf)  }
0x1f7: {  	p3 =	por $0x1, $0x1;
	[tilespmem:s19+$0x0] =	vst v4;
	v4 =	vpop (erf)  }
.Ltmp7:
0x1f8: {  	s2 =	sadd.s32 $0x40, s19;
	v5 =	vpop (erf);
	[tilespmem:s19+$0xFFFFFFE0] =	vst v4;
	(pc) =	sbr.rel @!p3 .LBB2_17-.Ltmp7, $4  }
0x1f9: {  	[tilespmem:s2+$0x10] =	vst v5;
	v4 =	vpop (erf)  }
0x1fa: {  	s5 =	simm.s32 $0x10;
	s6 =	simm.s32 $0x20;
	[tilespmem:s2+$0xFFFFFFF0] =	vst v4;
	v4 =	vpop (erf)  }
0x1fb: {  	s4 =	simm.s32 $0x0;
	s18 =	simm.s32 $0x2A60;
	v14 =	vor.u32 s5, v0;
	v16 =	vor.u32 s6, v0;
	v12 =	vor.u32 s6, v2;
	s1 =	simm.s32 $0x30;
	[tilespmem:s2+$0x0] =	vst v4;
	v4 =	vpop (erf)  }
0x1fc: {  	p1 =	por $0x0, $0x0;
	p2 =	por $0x0, $0x0;
	v10 =	vor.u32 s4, v0;
	v7 =	vor.u32 s5, v2;
	v18 =	vor.u32 s1, v0;
	s19 =	simm.s32 $0x3EE0;
	[tilespmem:s2+$0xFFFFFFE0] =	vst v4  }
0x1fd: {  	_ =	sdelay $0x2  }
0x1fe: {  	v4 =	vld [tilespmem:s18+$0x40]  }
0x1ff: {  	v8 =	vld.idx.msk [tilespmem:v18+s16+$0x0], $0xffff  }
0x200: {  	v5 =	vor.u32 s1, v2  }
0x201: {  	v6 =	vld [tilespmem:s18+$0xFFFFFFC0]  }
0x202: {  	v11 =	vld [tilespmem:s18+$0x0]  }
0x203: {  	v13 =	vld.idx.msk [tilespmem:v14+s16+$0x0], $0xffff;
	v9 =	vunpack.i.l.bf16.f32 v4  }
0x204: {  	v14 =	vld.idx.msk [tilespmem:v16+s16+$0x0], $0xffff;
	v4 =	vunpack.i.u.bf16.f32 v4;
	v9 =	vmul.f32 v9, v8  }
0x205: {  	v15 =	vmul.f32 v4, v8;
	v4 =	vld.idx.msk [tilespmem:v5+s16+$0x0], $0xffff  }
0x206: {  	v5 =	vld [tilespmem:s18+$0xFFFFFF80];
	[tilespmem:s19+$0x80] =	vst v9  }
0x207: {  	v10 =	vld.idx.msk [tilespmem:v10+s16+$0x0], $0xffff;
	v9 =	vunpack.i.l.bf16.f32 v6;
	[tilespmem:s19+$0x90] =	vst v15  }
0x208: {  	v15 =	vor.u32 s4, v2;
	v6 =	vunpack.i.u.bf16.f32 v6;
	v16 =	vmul.f32 v9, v13;
	v17 =	vld [tilespmem:s18+$0x50]  }
0x209: {  	v18 =	vunpack.i.l.bf16.f32 v11;
	v19 =	vmul.f32 v6, v13  }
0x20a: {  	v9 =	vld.idx.msk [tilespmem:v7+s16+$0x0], $0xffff;
	v7 =	vunpack.i.u.bf16.f32 v11;
	v11 =	vmul.f32 v18, v14;
	[tilespmem:s19+$0xFFFFFF80] =	vst v16  }
0x20b: {  	v6 =	vld.idx.msk [tilespmem:v12+s16+$0x0], $0xffff;
	v7 =	vmul.f32 v7, v14;
	v16 =	vunpack.i.l.bf16.f32 v5;
	[tilespmem:s19+$0xFFFFFF90] =	vst v19  }
0x20c: {  	v12 =	vunpack.i.u.bf16.f32 v5;
	[tilespmem:s19+$0x0] =	vst v11;
	v16 =	vmul.f32 v16, v10;
	v18 =	vld [tilespmem:s18+$0xFFFFFFD0]  }
0x20d: {  	v11 =	vmul.f32 v12, v10;
	[tilespmem:s19+$0x10] =	vst v7;
	v5 =	vld.idx.msk [tilespmem:v15+s16+$0x0], $0xffff;
	v7 =	vunpack.i.l.bf16.f32 v17  }
0x20e: {  	v12 =	vld [tilespmem:s18+$0x10];
	[tilespmem:s19+$0xFFFFFF00] =	vst v16;
	v15 =	vunpack.i.u.bf16.f32 v17;
	v7 =	vmul.f32 v7, v8  }
0x20f: {  	[tilespmem:s19+$0xFFFFFF10] =	vst v11;
	v8 =	vmul.f32 v15, v8  }
0x210: {  	v11 =	vld [tilespmem:s18+$0xFFFFFF90];
	[tilespmem:s19+$0xA0] =	vst v7  }
0x211: {  	v7 =	vunpack.i.l.bf16.f32 v18;
	[tilespmem:s19+$0xB0] =	vst v8  }
0x212: {  	v8 =	vunpack.i.u.bf16.f32 v18;
	v7 =	vmul.f32 v7, v13;
	v15 =	vld [tilespmem:s18+$0x60]  }
0x213: {  	v8 =	vmul.f32 v8, v13;
	v13 =	vunpack.i.l.bf16.f32 v12;
	v12 =	vunpack.i.u.bf16.f32 v12  }
0x214: {  	v12 =	vmul.f32 v12, v14;
	[tilespmem:s19+$0xFFFFFFA0] =	vst v7  }
0x215: {  	p3 =	por $0x1, $0x1;
	v7 =	vmul.f32 v13, v14;
	v13 =	vunpack.i.l.bf16.f32 v11;
	[tilespmem:s19+$0xFFFFFFB0] =	vst v8  }
.Ltmp8:
0x216: {  	v8 =	vunpack.i.u.bf16.f32 v11;
	v11 =	vmul.f32 v13, v10;
	[tilespmem:s19+$0x30] =	vst v12;
	(pc) =	sbr.rel @!p3 .LBB2_19-.Ltmp8, $4  }
0x217: {  	s1 =	simm.s32 $0x70;
	s5 =	simm.s32 $0x60;
	[tilespmem:s19+$0x20] =	vst v7;
	v7 =	vmul.f32 v8, v10;
	v8 =	vunpack.i.l.bf16.f32 v15  }
0x218: {  	s2 =	simm.s32 $0x50;
	v16 =	vor.u32 s5, v0;
	v18 =	vor.u32 s1, v0;
	v19 =	vld [tilespmem:s18+$0xFFFFFFE0];
	[tilespmem:s19+$0xFFFFFF20] =	vst v11;
	v8 =	vmul.f32 v8, v4  }
0x219: {  	s4 =	simm.s32 $0x40;
	v14 =	vor.u32 s2, v0;
	v12 =	vor.u32 s5, v2;
	v11 =	vunpack.i.u.bf16.f32 v15;
	v21 =	vld [tilespmem:s18+$0x20];
	[tilespmem:s19+$0xFFFFFF30] =	vst v7  }
0x21a: {  	p1 =	por $0x1, $0x1;
	v10 =	vor.u32 s4, v0;
	v24 =	vmul.f32 v11, v4;
	v7 =	vor.u32 s2, v2;
	v22 =	vld [tilespmem:s18+$0xFFFFFFA0];
	[tilespmem:s19+$0xC0] =	vst v8  }
0x21b: {  	_ = 	snop  }
0x21c: {  	[tilespmem:s19+$0xD0] =	vst v24  }
0x21d: {  	s7 =	simm.s32 $0x2B60;
	v8 =	vunpack.i.l.bf16.f32 v19;
	v11 =	vld [tilespmem:s18+$0x70]  }
0x21e: {  	v15 =	vld [tilespmem:s7+$0x40];
	v13 =	vunpack.i.u.bf16.f32 v19;
	v8 =	vmul.f32 v8, v9  }
0x21f: {  	v18 =	vld.idx.msk [tilespmem:v18+s16+$0x0], $0xffff;
	v13 =	vmul.f32 v13, v9;
	v17 =	vunpack.i.l.bf16.f32 v21  }
0x220: {  	v20 =	vor.u32 s1, v2;
	v14 =	vld.idx.msk [tilespmem:v14+s16+$0x0], $0xffff;
	v19 =	vunpack.i.u.bf16.f32 v21;
	[tilespmem:s19+$0xFFFFFFC0] =	vst v8;
	v8 =	vmul.f32 v17, v6  }
0x221: {  	v16 =	vld.idx.msk [tilespmem:v16+s16+$0x0], $0xffff;
	v19 =	vmul.f32 v19, v6;
	v21 =	vunpack.i.u.bf16.f32 v22;
	v22 =	vunpack.i.l.bf16.f32 v22;
	[tilespmem:s19+$0xFFFFFFD0] =	vst v13  }
0x222: {  	v13 =	vld [tilespmem:s7+$0xFFFFFFC0];
	v22 =	vmul.f32 v22, v5;
	v21 =	vmul.f32 v21, v5;
	[tilespmem:s19+$0x40] =	vst v8;
	v8 =	vunpack.i.l.bf16.f32 v11  }
0x223: {  	v10 =	vld.idx.msk [tilespmem:v10+s16+$0x0], $0xffff;
	[tilespmem:s19+$0x50] =	vst v19;
	v11 =	vunpack.i.u.bf16.f32 v11;
	v19 =	vmul.f32 v8, v4;
	v8 =	vunpack.i.l.bf16.f32 v15  }
0x224: {  	v23 =	vld [tilespmem:s7+$0x0];
	[tilespmem:s19+$0xFFFFFF40] =	vst v22;
	v11 =	vmul.f32 v11, v4;
	v4 =	vunpack.i.u.bf16.f32 v15;
	v8 =	vmul.f32 v8, v18  }
0x225: {  	s8 =	simm.s32 $0x40E0;
	v17 =	vld [tilespmem:s7+$0xFFFFFF80];
	[tilespmem:s19+$0xFFFFFF50] =	vst v21;
	v15 =	vmul.f32 v4, v18  }
0x226: {  	v4 =	vld.idx.msk [tilespmem:v20+s16+$0x0], $0xffff;
	[tilespmem:s8+$0x80] =	vst v8  }
0x227: {  	v8 =	vld.idx.msk [tilespmem:v12+s16+$0x0], $0xffff;
	v12 =	vunpack.i.l.bf16.f32 v13;
	[tilespmem:s8+$0x90] =	vst v15  }
0x228: {  	[tilespmem:s19+$0xF0] =	vst v11;
	v11 =	vunpack.i.u.bf16.f32 v13;
	v15 =	vor.u32 s4, v2;
	v12 =	vmul.f32 v12, v14;
	v20 =	vld [tilespmem:s7+$0x50]  }
0x229: {  	[tilespmem:s19+$0xE0] =	vst v19;
	v13 =	vunpack.i.l.bf16.f32 v23;
	v19 =	vmul.f32 v11, v14;
	v11 =	vld.idx.msk [tilespmem:v7+s16+$0x0], $0xffff  }
0x22a: {  	v7 =	vunpack.i.u.bf16.f32 v23;
	v13 =	vmul.f32 v13, v16;
	[tilespmem:s8+$0xFFFFFF80] =	vst v12;
	v12 =	vld [tilespmem:s18+$0xFFFFFFF0]  }
0x22b: {  	v21 =	vunpack.i.l.bf16.f32 v17;
	v7 =	vmul.f32 v7, v16;
	[tilespmem:s8+$0xFFFFFF90] =	vst v19;
	v19 =	vld [tilespmem:s18+$0x30]  }
0x22c: {  	v17 =	vunpack.i.u.bf16.f32 v17;
	v21 =	vmul.f32 v21, v10;
	[tilespmem:s8+$0x0] =	vst v13;
	v22 =	vld [tilespmem:s7+$0xFFFFFFD0]  }
0x22d: {  	[tilespmem:s8+$0x10] =	vst v7;
	v13 =	vld.idx.msk [tilespmem:v15+s16+$0x0], $0xffff;
	v15 =	vmul.f32 v17, v10;
	v7 =	vunpack.i.l.bf16.f32 v20  }
0x22e: {  	[tilespmem:s8+$0xFFFFFF00] =	vst v21;
	v17 =	vld [tilespmem:s7+$0x10];
	v20 =	vunpack.i.u.bf16.f32 v20;
	v7 =	vmul.f32 v7, v18  }
0x22f: {  	v21 =	vld [tilespmem:s18+$0xFFFFFFB0];
	[tilespmem:s8+$0xFFFFFF10] =	vst v15;
	v15 =	vmul.f32 v20, v18;
	v18 =	vunpack.i.l.bf16.f32 v12  }
0x230: {  	v12 =	vunpack.i.u.bf16.f32 v12;
	v20 =	vld [tilespmem:s7+$0xFFFFFF90];
	[tilespmem:s8+$0xA0] =	vst v7;
	v7 =	vmul.f32 v18, v9  }
0x231: {  	v18 =	vunpack.i.u.bf16.f32 v19;
	v23 =	vunpack.i.l.bf16.f32 v22;
	[tilespmem:s8+$0xB0] =	vst v15;
	v9 =	vmul.f32 v12, v9  }
0x232: {  	v12 =	vunpack.i.l.bf16.f32 v19;
	v15 =	vunpack.i.u.bf16.f32 v22;
	v19 =	vmul.f32 v23, v14;
	v22 =	vld [tilespmem:s7+$0x60];
	[tilespmem:s19+$0xFFFFFFE0] =	vst v7  }
0x233: {  	s1 =	simm.s32 $0xB0;
	v23 =	vmul.f32 v18, v6;
	v7 =	vmul.f32 v15, v14;
	v15 =	vunpack.i.l.bf16.f32 v17;
	[tilespmem:s19+$0xFFFFFFF0] =	vst v9  }
0x234: {  	v18 =	vor.u32 s1, v0;
	v14 =	vunpack.i.u.bf16.f32 v17;
	[tilespmem:s8+$0xFFFFFFA0] =	vst v19;
	v9 =	vmul.f32 v15, v16  }
0x235: {  	p3 =	por $0x1, $0x1;
	v17 =	vunpack.i.u.bf16.f32 v21;
	v14 =	vmul.f32 v14, v16;
	v16 =	vunpack.i.l.bf16.f32 v20;
	[tilespmem:s8+$0xFFFFFFB0] =	vst v7  }
.Ltmp9:
0x236: {  	v15 =	vunpack.i.u.bf16.f32 v20;
	v20 =	vmul.f32 v12, v6;
	v12 =	vmul.f32 v16, v10;
	[tilespmem:s8+$0x20] =	vst v9;
	v19 =	vld [tilespmem:s7+$0xFFFFFFE0];
	(pc) =	sbr.rel @!p3 .LBB2_21-.Ltmp9, $4  }
0x237: {  	v7 =	vunpack.i.l.bf16.f32 v21;
	v16 =	vmul.f32 v15, v10;
	[tilespmem:s8+$0x30] =	vst v14;
	v9 =	vunpack.i.l.bf16.f32 v22  }
0x238: {  	s2 =	simm.s32 $0x90;
	s4 =	simm.s32 $0x80;
	v15 =	vmul.f32 v7, v5;
	v6 =	vunpack.i.u.bf16.f32 v22;
	v21 =	vld [tilespmem:s7+$0x20];
	[tilespmem:s8+$0xFFFFFF20] =	vst v12;
	v9 =	vmul.f32 v9, v4  }
0x239: {  	s5 =	simm.s32 $0xA0;
	s6 =	simm.s32 $0xC;
	p2 =	por $0x1, $0x1;
	v10 =	vor.u32 s4, v0;
	v14 =	vor.u32 s2, v0;
	[tilespmem:s8+$0xFFFFFF30] =	vst v16;
	v24 =	vmul.f32 v6, v4  }
0x23a: {  	s14 =	simm.s32 $0x3EE0;
	s13 =	simm.s32 $0x40E0;
	v7 =	vor.u32 s2, v2;
	v16 =	vor.u32 s5, v0;
	v12 =	vor.u32 s5, v2;
	s5 =	simm.s32 $0x2B60;
	v22 =	vld [tilespmem:s7+$0xFFFFFFA0];
	[tilespmem:s8+$0xC0] =	vst v9  }
.LBB2_22:
0x23b: {  	p3 =	slt.u32 s6, $0x4C;
	v6 =	vor.u32 s4, v2;
	v9 =	vunpack.i.u.bf16.f32 v19;
	v19 =	vunpack.i.l.bf16.f32 v19;
	[tilespmem:s8+$0xD0] =	vst v24  }
0x23c: {  	s5 =	sadd.s32 $0x100, s5;
	v19 =	vmul.f32 v19, v11;
	v9 =	vmul.f32 v9, v11;
	v24 =	vld [tilespmem:s7+$0x70];
	[tilespmem:s14+$0x60] =	vst v20  }
0x23d: {  	v17 =	vmul.f32 v17, v5;
	v5 =	vmovc v13;
	v20 =	vld [tilespmem:s5+$0x40];
	v25 =	vunpack.i.u.bf16.f32 v21;
	v21 =	vunpack.i.l.bf16.f32 v21;
	[tilespmem:s14+$0x70] =	vst v23  }
0x23e: {  	v18 =	vld.idx.msk [tilespmem:v18+s16+$0x0], $0xffff;
	[tilespmem:s8+$0xFFFFFFC0] =	vst v19;
	v13 =	vmul.f32 v21, v8;
	v19 =	vmul.f32 v25, v8  }
0x23f: {  	v21 =	vld [tilespmem:s5+$0xFFFFFF80];
	v23 =	vunpack.i.u.bf16.f32 v22;
	v22 =	vunpack.i.l.bf16.f32 v22;
	[tilespmem:s8+$0xFFFFFFD0] =	vst v9  }
0x240: {  	v9 =	vld [tilespmem:s5+$0xFFFFFFC0];
	v22 =	vmul.f32 v22, v5;
	v23 =	vmul.f32 v23, v5;
	[tilespmem:s8+$0x40] =	vst v13  }
0x241: {  	v25 =	vor.u32 s1, v2;
	v13 =	vld [tilespmem:s5+$0x0];
	[tilespmem:s8+$0x50] =	vst v19;
	v19 =	vunpack.i.u.bf16.f32 v24;
	v24 =	vunpack.i.l.bf16.f32 v24  }
0x242: {  	v14 =	vld.idx.msk [tilespmem:v14+s16+$0x0], $0xffff;
	[tilespmem:s8+$0xFFFFFF40] =	vst v22;
	v22 =	vmul.f32 v24, v4;
	v4 =	vmul.f32 v19, v4  }
0x243: {  	v19 =	vunpack.i.l.bf16.f32 v20;
	v16 =	vld.idx.msk [tilespmem:v16+s16+$0x0], $0xffff;
	[tilespmem:s8+$0xFFFFFF50] =	vst v23  }
0x244: {  	v20 =	vunpack.i.u.bf16.f32 v20;
	v19 =	vmul.f32 v19, v18;
	v10 =	vld.idx.msk [tilespmem:v10+s16+$0x0], $0xffff;
	v23 =	vunpack.i.u.bf16.f32 v21;
	[tilespmem:s8+$0xF0] =	vst v4  }
0x245: {  	v20 =	vmul.f32 v20, v18;
	v21 =	vunpack.i.l.bf16.f32 v21;
	s8 =	sadd.s32 $0x200, s8;
	v24 =	vunpack.i.u.bf16.f32 v9;
	v12 =	vld.idx.msk [tilespmem:v12+s16+$0x0], $0xffff;
	[tilespmem:s13+$0xE0] =	vst v22  }
0x246: {  	v9 =	vunpack.i.l.bf16.f32 v9;
	v22 =	vunpack.i.u.bf16.f32 v13;
	v26 =	vunpack.i.l.bf16.f32 v13;
	v4 =	vld.idx.msk [tilespmem:v25+s16+$0x0], $0xffff;
	[tilespmem:s8+$0x80] =	vst v19  }
0x247: {  	v13 =	vld.idx.msk [tilespmem:v6+s16+$0x0], $0xffff;
	[tilespmem:s8+$0x90] =	vst v20  }
0x248: {  	v6 =	vmul.f32 v9, v14;
	v9 =	vmul.f32 v24, v14;
	v19 =	vld [tilespmem:s5+$0x50];
	[tilespmem:s14+$0xFFFFFF60] =	vst v15  }
0x249: {  	v15 =	vmul.f32 v26, v16;
	v20 =	vmul.f32 v22, v16;
	v7 =	vld.idx.msk [tilespmem:v7+s16+$0x0], $0xffff;
	[tilespmem:s14+$0xFFFFFF70] =	vst v17;
	s14 =	smov.u32 s13;
	s13 =	smov.u32 s8  }
0x24a: {  	v17 =	vmul.f32 v21, v10;
	v21 =	vmul.f32 v23, v10;
	[tilespmem:s8+$0xFFFFFF80] =	vst v6;
	v6 =	vld [tilespmem:s7+$0xFFFFFFF0]  }
0x24b: {  	[tilespmem:s8+$0xFFFFFF90] =	vst v9;
	v9 =	vld [tilespmem:s7+$0x30]  }
0x24c: {  	v22 =	vld [tilespmem:s5+$0xFFFFFFD0];
	[tilespmem:s8+$0x0] =	vst v15  }
0x24d: {  	[tilespmem:s8+$0x10] =	vst v20;
	v15 =	vunpack.i.l.bf16.f32 v19;
	v20 =	vld [tilespmem:s7+$0xFFFFFFB0];
	s7 =	smov.u32 s5  }
0x24e: {  	[tilespmem:s8+$0xFFFFFF00] =	vst v17;
	v23 =	vld [tilespmem:s5+$0x10];
	v17 =	vunpack.i.u.bf16.f32 v19;
	v15 =	vmul.f32 v15, v18  }
0x24f: {  	[tilespmem:s8+$0xFFFFFF10] =	vst v21;
	v17 =	vmul.f32 v17, v18;
	v18 =	vunpack.i.u.bf16.f32 v6;
	v6 =	vunpack.i.l.bf16.f32 v6  }
0x250: {  	v19 =	vld [tilespmem:s5+$0xFFFFFF90];
	[tilespmem:s8+$0xA0] =	vst v15;
	v6 =	vmul.f32 v6, v11;
	v21 =	vunpack.i.u.bf16.f32 v9;
	v9 =	vunpack.i.l.bf16.f32 v9  }
0x251: {  	v18 =	vmul.f32 v18, v11;
	v11 =	vmovc v7;
	v15 =	vunpack.i.u.bf16.f32 v22;
	v22 =	vunpack.i.l.bf16.f32 v22;
	[tilespmem:s8+$0xB0] =	vst v17  }
0x252: {  	v7 =	vmul.f32 v22, v14;
	v14 =	vmul.f32 v15, v14;
	v22 =	vld [tilespmem:s5+$0x60];
	v17 =	vunpack.i.u.bf16.f32 v20;
	[tilespmem:s14+$0xFFFFFFE0] =	vst v6  }
0x253: {  	v6 =	vunpack.i.u.bf16.f32 v23;
	v15 =	vunpack.i.l.bf16.f32 v23;
	v23 =	vunpack.i.l.bf16.f32 v20;
	[tilespmem:s14+$0xFFFFFFF0] =	vst v18  }
0x254: {  	[tilespmem:s8+$0xFFFFFFA0] =	vst v7;
	v7 =	vmul.f32 v15, v16;
	v6 =	vmul.f32 v6, v16  }
0x255: {  	v20 =	vmul.f32 v9, v8;
	v15 =	vunpack.i.u.bf16.f32 v19;
	v16 =	vunpack.i.l.bf16.f32 v19;
	[tilespmem:s8+$0xFFFFFFB0] =	vst v14  }
.Ltmp10:
0x256: {  	v9 =	vmul.f32 v16, v10;
	v16 =	vmul.f32 v15, v10;
	v19 =	vld [tilespmem:s5+$0xFFFFFFE0];
	[tilespmem:s8+$0x20] =	vst v7;
	(pc) =	sbr.rel @p3 .LBB2_22-.Ltmp10, $4  }
0x257: {  	s4 =	sshll.u32 s6, $0x4;
	v15 =	vmul.f32 v23, v5;
	v23 =	vmul.f32 v21, v8;
	v8 =	vmovc v12;
	[tilespmem:s8+$0x30] =	vst v6;
	v6 =	vunpack.i.l.bf16.f32 v22  }
0x258: {  	s2 =	sadd.s32 $0x10, s4;
	s9 =	sadd.s32 $0x20, s4;
	s1 =	sadd.s32 $0x30, s4;
	v10 =	vor.u32 s4, v0;
	v7 =	vunpack.i.u.bf16.f32 v22;
	[tilespmem:s8+$0xFFFFFF20] =	vst v9;
	v21 =	vld [tilespmem:s5+$0x20];
	v6 =	vmul.f32 v6, v4  }
0x259: {  	v18 =	vor.u32 s1, v0;
	v14 =	vor.u32 s2, v0;
	v24 =	vmul.f32 v7, v4;
	[tilespmem:s8+$0xFFFFFF30] =	vst v16  }
0x25a: {  	s6 =	sadd.s32 $0x4, s6;
	v12 =	vor.u32 s9, v2;
	v7 =	vor.u32 s2, v2;
	v16 =	vor.u32 s9, v0;
	v22 =	vld [tilespmem:s5+$0xFFFFFFA0];
	[tilespmem:s8+$0xC0] =	vst v6  }
0x25b: {  	v25 =	vmovc v5;
	v9 =	vmov v11;
	v5 =	vmov v13;
	v6 =	vmov v8  }
.LBB2_24:
0x25c: {  	[tilespmem:s8+$0xD0] =	vst @p1 v24  }
0x25d: {  	v8 =	vunpack.i.l.bf16.f32 @p1 v19;
	s2 =	sadd.s32 @p1 $0x100, s5;
	[tilespmem:s14+$0x60] =	vst @p2 v20;
	v13 =	vld @p1 [tilespmem:s7+$0x70]  }
0x25e: {  	v11 =	vunpack.i.u.bf16.f32 @p1 v19;
	[tilespmem:s14+$0x70] =	vst @p2 v23;
	v8 =	vmul.f32 @p1 v8, v9;
	s18 =	smov.u32 @p1 s2  }
0x25f: {  	[tilespmem:s14+$0xFFFFFF60] =	vst @p2 v15;
	v11 =	vmul.f32 @p1 v11, v9;
	v19 =	vunpack.i.l.bf16.f32 @p1 v21;
	v21 =	vunpack.i.u.bf16.f32 @p1 v21;
	v52 =	vld [tilespmem:s18+$0x40]  }
0x260: {  	v18 =	vld.idx.msk [tilespmem:v18+s16+$0x0], $0xffff;
	[tilespmem:s8+$0xFFFFFFC0] =	vst @p1 v8;
	v8 =	vmul.f32 @p1 v19, v6;
	v19 =	vmul.f32 @p1 v21, v6  }
0x261: {  	v21 =	vunpack.i.l.bf16.f32 @p1 v22;
	[tilespmem:s8+$0xFFFFFFD0] =	vst @p1 v11  }
0x262: {  	v53 =	vor.u32 s1, v2;
	v54 =	vld [tilespmem:s18+$0xFFFFFFC0];
	v21 =	vmul.f32 @p1 v21, v5;
	[tilespmem:s8+$0x50] =	vst @p1 v19;
	v19 =	vunpack.i.u.bf16.f32 @p1 v13  }
0x263: {  	v14 =	vld.idx.msk [tilespmem:v14+s16+$0x0], $0xffff;
	[tilespmem:s8+$0x40] =	vst @p1 v8;
	v13 =	vunpack.i.l.bf16.f32 @p1 v13;
	v19 =	vmul.f32 @p1 v19, v4  }
0x264: {  	v57 =	vld.idx.msk [tilespmem:v16+s16+$0x0], $0xffff;
	[tilespmem:s8+$0xFFFFFF40] =	vst @p1 v21;
	v4 =	vmul.f32 @p1 v13, v4;
	v56 =	vunpack.i.l.bf16.f32 v52  }
0x265: {  	s1 =	sadd.s32 @p1 $0x200, s8;
	v55 =	vld [tilespmem:s18+$0x0];
	v58 =	vunpack.i.u.bf16.f32 v52;
	v13 =	vmul.f32 v56, v18;
	[tilespmem:s8+$0xF0] =	vst @p1 v19  }
0x266: {  	s19 =	smov.u32 @p1 s1;
	v59 =	vld [tilespmem:s18+$0xFFFFFF80];
	v11 =	vunpack.i.u.bf16.f32 @p1 v22;
	v16 =	vmul.f32 v58, v18;
	[tilespmem:s13+$0xE0] =	vst @p1 v4  }
0x267: {  	v11 =	vmul.f32 @p1 v11, v5;
	v62 =	vunpack.i.u.bf16.f32 v54;
	v4 =	vld.idx.msk [tilespmem:v53+s16+$0x0], $0xffff;
	[tilespmem:s19+$0x80] =	vst v13  }
0x268: {  	v10 =	vld.idx.msk [tilespmem:v10+s16+$0x0], $0xffff;
	v60 =	vunpack.i.l.bf16.f32 v54;
	v19 =	vmul.f32 v62, v14;
	[tilespmem:s19+$0x90] =	vst v16  }
0x269: {  	v61 =	vor.u32 s4, v2;
	[tilespmem:s8+$0xFFFFFF50] =	vst @p1 v11;
	v13 =	vmul.f32 @p2 v17, v25;
	v17 =	vmul.f32 v60, v14;
	v63 =	vld [tilespmem:s18+$0x50]  }
0x26a: {  	v7 =	vld.idx.msk [tilespmem:v7+s16+$0x0], $0xffff;
	v24 =	vunpack.i.l.bf16.f32 v55;
	[tilespmem:s19+$0xFFFFFF90] =	vst v19  }
0x26b: {  	v15 =	vmul.f32 v24, v57;
	v25 =	vunpack.i.u.bf16.f32 v55;
	[tilespmem:s19+$0xFFFFFF80] =	vst v17;
	v17 =	vld @p1 [tilespmem:s7+$0xFFFFFFF0]  }
0x26c: {  	v12 =	vld.idx.msk [tilespmem:v12+s16+$0x0], $0xffff;
	v26 =	vunpack.i.l.bf16.f32 v59;
	[tilespmem:s14+$0xFFFFFF70] =	vst @p2 v13;
	v13 =	vmul.f32 v25, v57  }
0x26d: {  	v8 =	vunpack.i.u.bf16.f32 v59;
	v27 =	vmul.f32 v26, v10;
	[tilespmem:s19+$0x0] =	vst v15;
	v28 =	vld [tilespmem:s18+$0xFFFFFFD0]  }
0x26e: {  	v29 =	vld.idx.msk [tilespmem:v61+s16+$0x0], $0xffff;
	v8 =	vmul.f32 v8, v10;
	[tilespmem:s19+$0x10] =	vst v13;
	v30 =	vunpack.i.l.bf16.f32 v63  }
0x26f: {  	[tilespmem:s19+$0xFFFFFF00] =	vst v27;
	v31 =	vld [tilespmem:s18+$0x10];
	v32 =	vunpack.i.u.bf16.f32 v63;
	v13 =	vmul.f32 v30, v18  }
0x270: {  	[tilespmem:s19+$0xFFFFFF10] =	vst v8;
	v33 =	vmul.f32 v32, v18;
	v18 =	vunpack.i.l.bf16.f32 @p1 v17;
	v17 =	vunpack.i.u.bf16.f32 @p1 v17  }
0x271: {  	v34 =	vld [tilespmem:s18+$0xFFFFFF90];
	v8 =	vmul.f32 @p1 v17, v9;
	[tilespmem:s19+$0xA0] =	vst v13  }
0x272: {  	s1 =	smov.u32 @p1 s13;
	v35 =	vunpack.i.l.bf16.f32 v28;
	v13 =	vmul.f32 @p1 v18, v9;
	[tilespmem:s19+$0xB0] =	vst v33  }
0x273: {  	v36 =	vunpack.i.u.bf16.f32 v28;
	v37 =	vmul.f32 v35, v14;
	v38 =	vld [tilespmem:s18+$0x60];
	[tilespmem:s1+$0xFFFFFFF0] =	vst @p1 v8  }
0x274: {  	v9 =	vmul.f32 v36, v14;
	v39 =	vunpack.i.l.bf16.f32 v31;
	[tilespmem:s1+$0xFFFFFFE0] =	vst @p1 v13;
	v13 =	vld @p1 [tilespmem:s7+$0x30]  }
0x275: {  	v40 =	vunpack.i.u.bf16.f32 v31;
	[tilespmem:s19+$0xFFFFFFA0] =	vst v37;
	v14 =	vmul.f32 v39, v57  }
0x276: {  	v41 =	vunpack.i.l.bf16.f32 v34;
	v8 =	vmul.f32 v40, v57;
	[tilespmem:s19+$0xFFFFFFB0] =	vst v9  }
0x277: {  	v42 =	vunpack.i.u.bf16.f32 v34;
	v11 =	vmul.f32 v41, v10;
	v43 =	vld [tilespmem:s18+$0xFFFFFFE0];
	[tilespmem:s19+$0x20] =	vst v14  }
0x278: {  	v9 =	vmul.f32 v42, v10;
	[tilespmem:s19+$0x30] =	vst v8;
	v44 =	vunpack.i.l.bf16.f32 v38  }
0x279: {  	[tilespmem:s19+$0xFFFFFF20] =	vst v11;
	v45 =	vld [tilespmem:s18+$0x20];
	v46 =	vunpack.i.u.bf16.f32 v38;
	v10 =	vunpack.i.l.bf16.f32 @p1 v13;
	v8 =	vmul.f32 v44, v4  }
0x27a: {  	[tilespmem:s19+$0xFFFFFF30] =	vst v9;
	v13 =	vunpack.i.u.bf16.f32 @p1 v13;
	v47 =	vmul.f32 v46, v4;
	v10 =	vmul.f32 @p1 v10, v6  }
0x27b: {  	v48 =	vld [tilespmem:s18+$0xFFFFFFA0];
	v6 =	vmul.f32 @p1 v13, v6;
	[tilespmem:s19+$0xC0] =	vst v8  }
0x27c: {  	s1 =	smov.u32 @p1 s1;
	v50 =	vunpack.i.u.bf16.f32 v43;
	[tilespmem:s19+$0xD0] =	vst v47;
	v8 =	vpsel p1, v10, v0  }
0x27d: {  	v49 =	vunpack.i.l.bf16.f32 v43;
	v9 =	vmul.f32 v50, v7;
	v6 =	vpsel p1, v6, v0;
	v51 =	vld [tilespmem:s18+$0x70];
	[tilespmem:s1+$0x60] =	vst @p1 v8  }
0x27e: {  	v10 =	vmul.f32 v49, v7;
	v52 =	vunpack.i.l.bf16.f32 v45;
	v8 =	vld @p1 [tilespmem:s7+$0xFFFFFFB0];
	[tilespmem:s1+$0x70] =	vst @p1 v6  }
0x27f: {  	v53 =	vunpack.i.u.bf16.f32 v45;
	v54 =	vmul.f32 v52, v12;
	[tilespmem:s19+$0xFFFFFFD0] =	vst v9  }
0x280: {  	v55 =	vunpack.i.l.bf16.f32 v48;
	v6 =	vmul.f32 v53, v12;
	[tilespmem:s19+$0xFFFFFFC0] =	vst v10  }
0x281: {  	v56 =	vunpack.i.u.bf16.f32 v48;
	v11 =	vmul.f32 v55, v29;
	[tilespmem:s19+$0x40] =	vst v54;
	v57 =	vld [tilespmem:s18+$0xFFFFFFF0]  }
0x282: {  	v9 =	vmul.f32 v56, v29;
	[tilespmem:s19+$0x50] =	vst v6;
	v58 =	vunpack.i.u.bf16.f32 v51  }
0x283: {  	[tilespmem:s19+$0xFFFFFF40] =	vst v11;
	v59 =	vld [tilespmem:s18+$0x30];
	v14 =	vunpack.i.l.bf16.f32 v51;
	v13 =	vunpack.i.l.bf16.f32 @p1 v8;
	v6 =	vmul.f32 v58, v4  }
0x284: {  	[tilespmem:s19+$0xFFFFFF50] =	vst v9;
	v8 =	vunpack.i.u.bf16.f32 @p1 v8;
	v4 =	vmul.f32 v14, v4;
	v13 =	vmul.f32 @p1 v13, v5  }
0x285: {  	v60 =	vld [tilespmem:s18+$0xFFFFFFB0];
	v5 =	vpsel p1, v5, v0;
	v8 =	vpsel p1, v8, v0;
	[tilespmem:s19+$0xF0] =	vst v6  }
0x286: {  	v5 =	vmul.f32 @p1 v8, v5;
	[tilespmem:s19+$0xE0] =	vst v4;
	v4 =	vunpack.i.l.bf16.f32 v57;
	v9 =	vpsel p1, v13, v0  }
0x287: {  	v61 =	vunpack.i.u.bf16.f32 v57;
	v4 =	vmul.f32 v4, v7;
	[tilespmem:s1+$0xFFFFFF60] =	vst @p1 v9  }
0x288: {  	v7 =	vmul.f32 v61, v7;
	v62 =	vunpack.i.u.bf16.f32 v59;
	[tilespmem:s1+$0xFFFFFF70] =	vst @p1 v5  }
0x289: {  	v5 =	vunpack.i.l.bf16.f32 v59;
	v63 =	vmul.f32 v62, v12;
	[tilespmem:s19+$0xFFFFFFE0] =	vst v4  }
0x28a: {  	v4 =	vmul.f32 v5, v12;
	v5 =	vunpack.i.l.bf16.f32 v60;
	[tilespmem:s19+$0xFFFFFFF0] =	vst v7  }
0x28b: {  	v6 =	vunpack.i.u.bf16.f32 v60;
	v5 =	vmul.f32 v5, v29;
	[tilespmem:s19+$0x70] =	vst v63  }
0x28c: {  	[tilespmem:s19+$0x60] =	vst v4;
	v4 =	vmul.f32 v6, v29  }
.Ltmp11:
0x28d: {  	[tilespmem:s19+$0xFFFFFF60] =	vst v5;
	(pc) =	sbr.rel @p0 .LBB2_26-.Ltmp11, $4  }
0x28e: {  	[tilespmem:s19+$0xFFFFFF70] =	vst v4  }
0x28f: {  	[spmem:s10] =	stream.indirect.scatter.add.f32 [tilespmem:s11], [sflag:$0x5], $0x80, s26, s20, $0xb8;
	[tilespmem:$0x1D2E0] =	vst v63  }
0x290: {  	_ = 	snop  }
0x291: {  	[spmem:s12] =	stream.indirect.scatter.add.f32 [tilespmem:s16], [sflag:$0x5], $0x10, s26, s20, $0xb8;
	[tilespmem:$0x1D2E0] =	vst v63  }
0x292: {  	s1 =	smul.u32 $0xA0, s28  }
0x293: {  	s2 =	rddreg [dreg:$0xf]  }
0x294: {  	s1 =	sadd.s32 s1, s2  }
0x295: {  	s9 =	rddreg [dreg:$0x5];
	s1 =	sshrl.u32 s1, $0x3  }
0x296: {  	s13 =	rddreg [dreg:$0x6];
	s2 =	sadd.s32 s9, s1  }
0x297: {  	[tilespmem:s20], [sflag:$0x2] =	stream.linear.gather [hbm4b:s2+s3], $0x50, $0x38;
	[tilespmem:$0x1D2E0] =	vst v63  }
0x298: {  	s4 =	simm.s32 $0xF0;
	s1 =	sadd.s32 s13, s1  }
0x299: {  	[tilespmem:s4], [sflag:$0x2] =	stream.linear.gather [hbm4b:s1+s3], $0x50, $0x38;
	[tilespmem:$0x1D2E0] =	vst v63  }
0x29a: {  	_ =	swait.ge [sflag:s22], $0x50  }
0x29b: {  	[sflag:s22] =	ssyncset.done $0x0  }
0x29c: {  	[sflag:s22] =	ssyncadd.s32 $0xFFFFFFB0  }
0x29d: {  	_ =	swait.ge [sflag:s22], $0x50  }
0x29e: {  	[sflag:s22] =	ssyncset.done $0x0  }
0x29f: {  	[sflag:s22] =	ssyncadd.s32 $0xFFFFFFB0  }
0x2a0: {  	v4 =	vld [tilespmem:$0x0]  }
0x2a1: {  	v5 =	vld [tilespmem:$0x10]  }
0x2a2: {  	v6 =	vld [tilespmem:$0x20]  }
0x2a3: {  	v7 =	vld [tilespmem:$0x30]  }
0x2a4: {  	v8 =	vld [tilespmem:$0x40]  }
0x2a5: {  	v4 =	vadd.s32 v1, v4  }
0x2a6: {  	[tilespmem:$0x0] =	vst v4;
	v4 =	vadd.s32 v1, v5  }
0x2a7: {  	[tilespmem:$0x10] =	vst v4;
	v4 =	vadd.s32 v1, v6  }
0x2a8: {  	[tilespmem:$0x20] =	vst v4;
	v4 =	vadd.s32 v1, v7  }
0x2a9: {  	[tilespmem:$0x30] =	vst v4;
	v4 =	vadd.s32 v1, v8  }
0x2aa: {  	s14 =	simm.s32 $0x15E0;
	[tilespmem:$0x40] =	vst v4  }
0x2ab: {  	[tilespmem:s14], [sflag:$0x3] =	stream.indirect.gather [hbm4b:s17+s20], $0x40, s3, s20, $0xb8;
	[tilespmem:$0x1D2E0] =	vst v63  }
.Ltmp12:
0x2ac: {  	s18 =	smov.u32 s17;
	(pc) =	sbr.rel .LBB2_4-.Ltmp12, $4  }
0x2ad: {  	s19 =	smov.u32 s21;
	s5 =	simm.s32 $0xBE0;
	s17 =	simm.s32 $0x1E0  }
0x2ae: {  	[tilespmem:s17], [sflag:$0x3] =	stream.indirect.gather [hbm4b:s21+s20], $0x10, s3, s20, $0xb8;
	[tilespmem:$0x1D2E0] =	vst v63  }
0x2af: {  	s28 =	sadd.s32 $0x1, s28;
	s1 =	rddreg [dreg:$0x4];
	s21 =	simm.s32 $0xA0  }
0x2b0: {  	[tilespmem:s5], [sflag:$0x3] =	stream.indirect.gather [hbm4b:s1+s20], $0x10, s21, s20, $0xb8;
	[tilespmem:$0x1D2E0] =	vst v63  }
.LBB2_7:
.Ltmp13:
0x2b1: {  	(pc) =	sbr.rel .LBB2_14-.Ltmp13, $2  }
0x2b2: {  	_ =	sdelay $0x2  }
0x2b3: {  	s8 =	simm.s32 $0x3EE0;
	s5 =	simm.s32 $0x1660  }
.LBB2_17:
.Ltmp14:
0x2b4: {  	(pc) =	sbr.rel .LBB2_24-.Ltmp14, $2  }
0x2b5: {  	_ =	sdelay $0x2  }
0x2b6: {  	s8 =	simm.s32 $0x3EE0;
	s5 =	simm.s32 $0x2A60  }
.LBB2_9:
.Ltmp15:
0x2b7: {  	(pc) =	sbr.rel .LBB2_14-.Ltmp15, $3  }
0x2b8: {  	_ =	sdelay $0x1  }
0x2b9: {  	s8 =	simm.s32 $0x3EE0  }
0x2ba: {  	s7 =	simm.s32 $0x1660;
	s5 =	simm.s32 $0x1660;
	s13 =	simm.s32 $0x3EE0  }
.LBB2_19:
.Ltmp16:
0x2bb: {  	(pc) =	sbr.rel .LBB2_24-.Ltmp16, $3  }
0x2bc: {  	_ =	sdelay $0x1  }
0x2bd: {  	s8 =	simm.s32 $0x3EE0  }
0x2be: {  	s7 =	simm.s32 $0x2A60;
	s5 =	simm.s32 $0x2A60;
	s13 =	simm.s32 $0x3EE0  }
.LBB2_11:
.Ltmp17:
0x2bf: {  	(pc) =	sbr.rel .LBB2_14-.Ltmp17, $2  }
0x2c0: {  	_ =	sdelay $0x2  }
0x2c1: {  	v25 =	vmovc v5;
	v9 =	vmov v11;
	s5 =	simm.s32 $0x1760;
	s14 =	simm.s32 $0x3EE0;
	v5 =	vmov v13;
	v6 =	vmov v8;
	s13 =	simm.s32 $0x40E0  }
.LBB2_21:
.Ltmp18:
0x2c2: {  	(pc) =	sbr.rel .LBB2_24-.Ltmp18, $2  }
0x2c3: {  	_ =	sdelay $0x2  }
0x2c4: {  	v25 =	vmovc v5;
	v9 =	vmov v11;
	s5 =	simm.s32 $0x2B60;
	s14 =	simm.s32 $0x3EE0;
	v5 =	vmov v13;
	v6 =	vmov v8;
	s13 =	simm.s32 $0x40E0  }
.LBB2_26:
0x2c5: {  	_ =	swait.ge [sflag:s0], $0x2800  }
0x2c6: {  	[sflag:s0] =	ssyncset.done $0x0  }
0x2c7: {  	[sflag:s0] =	ssyncadd.s32 $0xFFFFD800  }
0x2c8: {  	_ =	swait.ge [sflag:s0], $0x500  }
0x2c9: {  	[sflag:s0] =	ssyncset.done $0x0  }
0x2ca: {  	[sflag:s0] =	ssyncadd.s32 $0xFFFFFB00  }
0x2cb: {  	[bflag:$0x0] =	sbarrier.arrive $0xFFFF  }
0x2cc: {  	s13 =	rddreg [dreg:$0x17]  }
0x2cd: {  	[tilespmem:s11], [sflag:$0x6] =	stream.linear.gather [spmem:s13], $0x2800, $0x38;
	[tilespmem:$0x1D2E0] =	vst v63  }
0x2ce: {  	_ =	swait.ge [sflag:s15], $0x2800  }
0x2cf: {  	s2 =	sld [smem:$0x7FC]  }
0x2d0: {  	[sflag:s15] =	ssyncset.done $0x0  }
0x2d1: {  	[sflag:s15] =	ssyncadd.s32 $0xFFFFD800  }
0x2d2: {  	[hbm4b:s2+s3] =	stream.linear.scatter [tilespmem:s11], [sflag:$0x6], $0x2800, $0x38;
	[tilespmem:$0x1D2E0] =	vst v63  }
0x2d3: {  	_ =	swait.ge [sflag:s15], $0x2800  }
0x2d4: {  	[sflag:s15] =	ssyncset.done $0x0  }
0x2d5: {  	s14 =	rddreg [dreg:$0x18];
	[sflag:s15] =	ssyncadd.s32 $0xFFFFD800  }
0x2d6: {  	[tilespmem:s16], [sflag:$0x6] =	stream.linear.gather [spmem:s14], $0x500, $0x38;
	[tilespmem:$0x1D2E0] =	vst v63  }
0x2d7: {  	_ =	swait.ge [sflag:s15], $0x500  }
0x2d8: {  	[sflag:s15] =	ssyncset.done $0x0  }
0x2d9: {  	s1 =	sadd.s32 $0x0, s29;
	[sflag:s15] =	ssyncadd.s32 $0xFFFFFB00  }
0x2da: {  	[hbm4b:s1+s3] =	stream.linear.scatter [tilespmem:s16], [sflag:$0x6], $0x500, $0x38;
	[tilespmem:$0x1D2E0] =	vst v63  }
0x2db: {  	_ =	swait.ge [sflag:s15], $0x500  }
0x2dc: {  	s6 =	smov.u32 s13;
	s7 =	rddreg [dreg:$0x7]  }
0x2dd: {  	s4 =	sadd.s32 $0x500, s2;
	s5 =	smov.u32 s14;
	s8 =	rddreg [dreg:$0x8]  }
0x2de: {  	s1 =	simm.s32 $0xA0;
	[sflag:s15] =	ssyncset.done $0x0;
	s9 =	rddreg [dreg:$0x9]  }
.LBB2_27:
0x2df: {  	[sflag:s15] =	ssyncadd.s32 $0xFFFFFB00  }
0x2e0: {  	s5 =	sadd.s32 $0x500, s5;
	s6 =	sadd.s32 $0x2800, s6;
	s2 =	smov.u32 s1  }
0x2e1: {  	[tilespmem:s11], [sflag:$0x6] =	stream.linear.gather [spmem:s6], $0x2800, $0x38;
	[tilespmem:$0x1D2E0] =	vst v63  }
0x2e2: {  	p0 =	sne.s32 s1, $0x460;
	s1 =	sadd.s32 $0xA0, s1;
	_ =	swait.ge [sflag:s15], $0x2800  }
0x2e3: {  	[sflag:s15] =	ssyncset.done $0x0  }
0x2e4: {  	[sflag:s15] =	ssyncadd.s32 $0xFFFFD800  }
0x2e5: {  	[hbm4b:s4+s3] =	stream.linear.scatter [tilespmem:s11], [sflag:$0x6], $0x2800, $0x38;
	[tilespmem:$0x1D2E0] =	vst v63  }
0x2e6: {  	_ =	swait.ge [sflag:s15], $0x2800  }
0x2e7: {  	[sflag:s15] =	ssyncset.done $0x0  }
0x2e8: {  	[sflag:s15] =	ssyncadd.s32 $0xFFFFD800  }
0x2e9: {  	[tilespmem:s16], [sflag:$0x6] =	stream.linear.gather [spmem:s5], $0x500, $0x38;
	[tilespmem:$0x1D2E0] =	vst v63  }
0x2ea: {  	_ =	swait.ge [sflag:s15], $0x500  }
.Ltmp19:
0x2eb: {  	[sflag:s15] =	ssyncset.done $0x0;
	(pc) =	sbr.rel @p0 .LBB2_27-.Ltmp19, $4  }
0x2ec: {  	s2 =	sadd.s32 s2, s29;
	[sflag:s15] =	ssyncadd.s32 $0xFFFFFB00  }
0x2ed: {  	[hbm4b:s2+s3] =	stream.linear.scatter [tilespmem:s16], [sflag:$0x6], $0x500, $0x38;
	[tilespmem:$0x1D2E0] =	vst v63  }
0x2ee: {  	_ =	swait.ge [sflag:s15], $0x500  }
0x2ef: {  	s4 =	sadd.s32 $0x500, s4;
	[sflag:s15] =	ssyncset.done $0x0  }
0x2f0: {  	[sflag:s15] =	ssyncadd.s32 $0xFFFFFB00  }
0x2f1: {  	s1 =	simm.s32 $0x3E20;
	[bflag:$0x0] =	sbarrier.arrive $0xFFFF  }
0x2f2: {  	[tilespmem:s1+$0xFFFFFFD0] =	vst v3  }
0x2f3: {  	[tilespmem:s1+$0xFFFFFFE0] =	vst v3  }
0x2f4: {  	[tilespmem:s1+$0xFFFFFFF0] =	vst v3  }
0x2f5: {  	[tilespmem:s1+$0x0] =	vst v3  }
0x2f6: {  	[tilespmem:s1+$0x10] =	vst v3  }
0x2f7: {  	[tilespmem:s1+$0x20] =	vst v3  }
0x2f8: {  	[tilespmem:s1+$0x30] =	vst v3  }
0x2f9: {  	s5 =	simm.s32 $0x0;
	s4 =	simm.s32 $0x40;
	[tilespmem:s1+$0xFFFFFFC0] =	vst v3  }
.LBB2_29:
0x2fa: {  	p0 =	seq.s32 s4, $0x13C0;
	[tilespmem:s5+$0x65E0] =	vst v3;
	s1 =	sadd.s32 $0x80, s1  }
0x2fb: {  	[tilespmem:s1+$0xFFFFFFD0] =	vst v3  }
0x2fc: {  	[tilespmem:s1+$0xFFFFFFE0] =	vst v3  }
0x2fd: {  	[tilespmem:s1+$0xFFFFFFF0] =	vst v3  }
.Ltmp20:
0x2fe: {  	[tilespmem:s1+$0x0] =	vst v3;
	(pc) =	sbr.rel @!p0 .LBB2_29-.Ltmp20, $4  }
0x2ff: {  	[tilespmem:s1+$0x10] =	vst v3  }
0x300: {  	[tilespmem:s1+$0x20] =	vst v3  }
0x301: {  	[tilespmem:s1+$0x30] =	vst v3  }
0x302: {  	s5 =	sshra.s32 s4, $0x2;
	s4 =	sadd.s32 $0x40, s4;
	[tilespmem:s1+$0xFFFFFFC0] =	vst v3  }
0x303: {  	[tilespmem:s5+$0x65E0] =	vst v3  }
0x304: {  	[spmem:s13] =	stream.linear.scatter [tilespmem:s11], [sflag:$0x6], $0x2800, $0x38;
	[tilespmem:$0x1D2E0] =	vst v63  }
0x305: {  	_ =	swait.ge [sflag:s15], $0x2800  }
0x306: {  	[sflag:s15] =	ssyncset.done $0x0  }
0x307: {  	[sflag:s15] =	ssyncadd.s32 $0xFFFFD800  }
0x308: {  	[spmem:s14] =	stream.linear.scatter [tilespmem:s16], [sflag:$0x6], $0x500, $0x38;
	[tilespmem:$0x1D2E0] =	vst v63  }
0x309: {  	_ =	swait.ge [sflag:s15], $0x500  }
0x30a: {  	[sflag:s15] =	ssyncset.done $0x0  }
0x30b: {  	s1 =	rddreg [dreg:$0x19];
	[sflag:s15] =	ssyncadd.s32 $0xFFFFFB00  }
0x30c: {  	[spmem:s1] =	stream.linear.scatter [tilespmem:s11], [sflag:$0x6], $0x2800, $0x38;
	[tilespmem:$0x1D2E0] =	vst v63  }
0x30d: {  	_ =	swait.ge [sflag:s15], $0x2800  }
0x30e: {  	[sflag:s15] =	ssyncset.done $0x0  }
0x30f: {  	s13 =	rddreg [dreg:$0x1a];
	[sflag:s15] =	ssyncadd.s32 $0xFFFFD800  }
0x310: {  	[spmem:s13] =	stream.linear.scatter [tilespmem:s16], [sflag:$0x6], $0x500, $0x38;
	[tilespmem:$0x1D2E0] =	vst v63  }
0x311: {  	_ =	swait.ge [sflag:s15], $0x500  }
0x312: {  	[sflag:s15] =	ssyncset.done $0x0  }
0x313: {  	s14 =	rddreg [dreg:$0x1b];
	[sflag:s15] =	ssyncadd.s32 $0xFFFFFB00  }
0x314: {  	[spmem:s14] =	stream.linear.scatter [tilespmem:s11], [sflag:$0x6], $0x2800, $0x38;
	[tilespmem:$0x1D2E0] =	vst v63  }
0x315: {  	_ =	swait.ge [sflag:s15], $0x2800  }
0x316: {  	[sflag:s15] =	ssyncset.done $0x0  }
0x317: {  	s18 =	rddreg [dreg:$0x1c];
	[sflag:s15] =	ssyncadd.s32 $0xFFFFD800  }
0x318: {  	[spmem:s18] =	stream.linear.scatter [tilespmem:s16], [sflag:$0x6], $0x500, $0x38;
	[tilespmem:$0x1D2E0] =	vst v63  }
0x319: {  	_ =	swait.ge [sflag:s15], $0x500  }
0x31a: {  	[sflag:s15] =	ssyncset.done $0x0  }
0x31b: {  	s19 =	rddreg [dreg:$0x1d];
	[sflag:s15] =	ssyncadd.s32 $0xFFFFFB00  }
0x31c: {  	[spmem:s19] =	stream.linear.scatter [tilespmem:s11], [sflag:$0x6], $0x2800, $0x38;
	[tilespmem:$0x1D2E0] =	vst v63  }
0x31d: {  	_ =	swait.ge [sflag:s15], $0x2800  }
0x31e: {  	[sflag:s15] =	ssyncset.done $0x0  }
0x31f: {  	s2 =	rddreg [dreg:$0x1e];
	[sflag:s15] =	ssyncadd.s32 $0xFFFFD800  }
0x320: {  	[spmem:s2] =	stream.linear.scatter [tilespmem:s16], [sflag:$0x6], $0x500, $0x38;
	[tilespmem:$0x1D2E0] =	vst v63  }
0x321: {  	_ =	swait.ge [sflag:s15], $0x500  }
0x322: {  	[sflag:s15] =	ssyncset.done $0x0  }
0x323: {  	s4 =	rddreg [dreg:$0x1f];
	[sflag:s15] =	ssyncadd.s32 $0xFFFFFB00  }
0x324: {  	[spmem:s4] =	stream.linear.scatter [tilespmem:s11], [sflag:$0x6], $0x2800, $0x38;
	[tilespmem:$0x1D2E0] =	vst v63  }
0x325: {  	_ =	swait.ge [sflag:s15], $0x2800  }
0x326: {  	s5 =	sld [smem:$0x7F5]  }
0x327: {  	[sflag:s15] =	ssyncset.done $0x0  }
0x328: {  	[sflag:s15] =	ssyncadd.s32 $0xFFFFD800  }
0x329: {  	[spmem:s5] =	stream.linear.scatter [tilespmem:s16], [sflag:$0x6], $0x500, $0x38;
	[tilespmem:$0x1D2E0] =	vst v63  }
0x32a: {  	_ =	swait.ge [sflag:s15], $0x500  }
0x32b: {  	s6 =	sld [smem:$0x7F6]  }
0x32c: {  	[sflag:s15] =	ssyncset.done $0x0  }
0x32d: {  	[sflag:s15] =	ssyncadd.s32 $0xFFFFFB00  }
0x32e: {  	[spmem:s6] =	stream.linear.scatter [tilespmem:s11], [sflag:$0x6], $0x2800, $0x38;
	[tilespmem:$0x1D2E0] =	vst v63  }
0x32f: {  	_ =	swait.ge [sflag:s15], $0x2800  }
0x330: {  	s13 =	sld [smem:$0x7F7]  }
0x331: {  	[sflag:s15] =	ssyncset.done $0x0  }
0x332: {  	[sflag:s15] =	ssyncadd.s32 $0xFFFFD800  }
0x333: {  	[spmem:s13] =	stream.linear.scatter [tilespmem:s16], [sflag:$0x6], $0x500, $0x38;
	[tilespmem:$0x1D2E0] =	vst v63  }
0x334: {  	_ =	swait.ge [sflag:s15], $0x500  }
0x335: {  	s14 =	sld [smem:$0x7F8]  }
0x336: {  	[sflag:s15] =	ssyncset.done $0x0  }
0x337: {  	[sflag:s15] =	ssyncadd.s32 $0xFFFFFB00  }
0x338: {  	[spmem:s14] =	stream.linear.scatter [tilespmem:s11], [sflag:$0x6], $0x2800, $0x38;
	[tilespmem:$0x1D2E0] =	vst v63  }
0x339: {  	_ =	swait.ge [sflag:s15], $0x2800  }
0x33a: {  	s18 =	sld [smem:$0x7F9]  }
0x33b: {  	[sflag:s15] =	ssyncset.done $0x0  }
0x33c: {  	[sflag:s15] =	ssyncadd.s32 $0xFFFFD800  }
0x33d: {  	[spmem:s18] =	stream.linear.scatter [tilespmem:s16], [sflag:$0x6], $0x500, $0x38;
	[tilespmem:$0x1D2E0] =	vst v63  }
0x33e: {  	_ =	swait.ge [sflag:s15], $0x500  }
0x33f: {  	s19 =	sld [smem:$0x7FA]  }
0x340: {  	[sflag:s15] =	ssyncset.done $0x0  }
0x341: {  	[sflag:s15] =	ssyncadd.s32 $0xFFFFFB00  }
0x342: {  	[spmem:s19] =	stream.linear.scatter [tilespmem:s11], [sflag:$0x6], $0x2800, $0x38;
	[tilespmem:$0x1D2E0] =	vst v63  }
0x343: {  	_ =	swait.ge [sflag:s15], $0x2800  }
0x344: {  	s2 =	sld [smem:$0x7FB]  }
0x345: {  	[sflag:s15] =	ssyncset.done $0x0  }
0x346: {  	[sflag:s15] =	ssyncadd.s32 $0xFFFFD800  }
0x347: {  	[spmem:s2] =	stream.linear.scatter [tilespmem:s16], [sflag:$0x6], $0x500, $0x38;
	[tilespmem:$0x1D2E0] =	vst v63  }
0x348: {  	_ =	swait.ge [sflag:s15], $0x500  }
0x349: {  	[sflag:s15] =	ssyncset.done $0x0  }
0x34a: {  	[sflag:s15] =	ssyncadd.s32 $0xFFFFFB00  }
0x34b: {  	[bflag:$0x0] =	sbarrier.arrive $0xFFFF  }
0x34c: {  	s28 =	simm.s32 $0x0;
	s4 =	rddreg [dreg:$0x10]  }
0x34d: {  	[tilespmem:s28], [sflag:$0x1] =	stream.linear.gather [hbm4b:s4+s28], $0x50, $0x38;
	[tilespmem:$0x1D2E0] =	vst v63  }
0x34e: {  	s2 =	simm.s32 $0xA0;
	s5 =	rddreg [dreg:$0x11]  }
0x34f: {  	[tilespmem:s2], [sflag:$0x1] =	stream.linear.gather [hbm4b:s5+s28], $0x50, $0x38;
	[tilespmem:$0x1D2E0] =	vst v63  }
0x350: {  	s6 =	rddreg [dreg:$0x14]  }
0x351: {  	[tilespmem:s20], [sflag:$0x2] =	stream.linear.gather [hbm4b:s6+s28], $0x50, $0x38;
	[tilespmem:$0x1D2E0] =	vst v63  }
0x352: {  	s13 =	rddreg [dreg:$0x15];
	s4 =	simm.s32 $0xF0  }
0x353: {  	[tilespmem:s4], [sflag:$0x2] =	stream.linear.gather [hbm4b:s13+s28], $0x50, $0x38;
	[tilespmem:$0x1D2E0] =	vst v63  }
0x354: {  	_ =	swait.ge [sflag:s22], $0x50  }
0x355: {  	[sflag:s22] =	ssyncset.done $0x0  }
0x356: {  	[sflag:s22] =	ssyncadd.s32 $0xFFFFFFB0  }
0x357: {  	_ =	swait.ge [sflag:s22], $0x50  }
0x358: {  	[sflag:s22] =	ssyncset.done $0x0  }
0x359: {  	[sflag:s22] =	ssyncadd.s32 $0xFFFFFFB0  }
0x35a: {  	v4 =	vld [tilespmem:$0x0]  }
0x35b: {  	v5 =	vld [tilespmem:$0x10]  }
0x35c: {  	v6 =	vld [tilespmem:$0x20]  }
0x35d: {  	v7 =	vld [tilespmem:$0x30]  }
0x35e: {  	v8 =	vld [tilespmem:$0x40]  }
0x35f: {  	v4 =	vadd.s32 v1, v4  }
0x360: {  	[tilespmem:$0x0] =	vst v4;
	v4 =	vadd.s32 v1, v5  }
0x361: {  	[tilespmem:$0x10] =	vst v4;
	v4 =	vadd.s32 v1, v6  }
0x362: {  	[tilespmem:$0x20] =	vst v4;
	v4 =	vadd.s32 v1, v7  }
0x363: {  	[tilespmem:$0x30] =	vst v4;
	v4 =	vadd.s32 v1, v8  }
0x364: {  	s14 =	simm.s32 $0x15E0;
	[tilespmem:$0x40] =	vst v4  }
0x365: {  	[tilespmem:s14], [sflag:$0x3] =	stream.indirect.gather [hbm4b:s7+s20], $0x40, s28, s20, $0xb8;
	[tilespmem:$0x1D2E0] =	vst v63  }
0x366: {  	s18 =	simm.s32 $0x1E0  }
0x367: {  	[tilespmem:s18], [sflag:$0x3] =	stream.indirect.gather [hbm4b:s8+s20], $0x10, s28, s20, $0xb8;
	[tilespmem:$0x1D2E0] =	vst v63  }
0x368: {  	s19 =	simm.s32 $0xBE0  }
0x369: {  	[tilespmem:s19], [sflag:$0x3] =	stream.indirect.gather [hbm4b:s9+s20], $0x10, s2, s20, $0xb8;
	[tilespmem:$0x1D2E0] =	vst v63  }
.LBB2_31:
0x36a: {  	_ =	swait.ge [sflag:s31], $0x50  }
0x36b: {  	[sflag:s31] =	ssyncset.done $0x0  }
0x36c: {  	[sflag:s31] =	ssyncadd.s32 $0xFFFFFFB0  }
0x36d: {  	_ =	swait.ge [sflag:s31], $0x50  }
0x36e: {  	[sflag:s31] =	ssyncset.done $0x0  }
0x36f: {  	[sflag:s31] =	ssyncadd.s32 $0xFFFFFFB0  }
0x370: {  	v4 =	vld [tilespmem:$0x50]  }
0x371: {  	v5 =	vld [tilespmem:$0x60]  }
0x372: {  	v6 =	vld [tilespmem:$0x70]  }
0x373: {  	v7 =	vld [tilespmem:$0x80]  }
0x374: {  	v8 =	vld [tilespmem:$0x90]  }
0x375: {  	v4 =	vadd.s32 v1, v4  }
0x376: {  	[tilespmem:$0x50] =	vst v4;
	v4 =	vadd.s32 v1, v5  }
0x377: {  	[tilespmem:$0x60] =	vst v4;
	v4 =	vadd.s32 v1, v6  }
0x378: {  	[tilespmem:$0x70] =	vst v4;
	v4 =	vadd.s32 v1, v7  }
0x379: {  	[tilespmem:$0x80] =	vst v4;
	v4 =	vadd.s32 v1, v8  }
0x37a: {  	s1 =	simm.s32 $0x29E0;
	[tilespmem:$0x90] =	vst v4  }
0x37b: {  	[tilespmem:s1], [sflag:$0x4] =	stream.indirect.gather [hbm4b:s7+s20], $0x40, s20, s20, $0xb8;
	[tilespmem:$0x1D2E0] =	vst v63  }
0x37c: {  	s7 =	simm.s32 $0x6E0  }
0x37d: {  	[tilespmem:s7], [sflag:$0x4] =	stream.indirect.gather [hbm4b:s8+s20], $0x10, s20, s20, $0xb8;
	[tilespmem:$0x1D2E0] =	vst v63  }
0x37e: {  	s8 =	simm.s32 $0x10E0  }
0x37f: {  	[tilespmem:s8], [sflag:$0x4] =	stream.indirect.gather [hbm4b:s9+s20], $0x10, s4, s20, $0xb8;
	[tilespmem:$0x1D2E0] =	vst v63  }
0x380: {  	_ =	swait.ge [sflag:s23], $0x1400  }
0x381: {  	[sflag:s23] =	ssyncset.done $0x0  }
0x382: {  	[sflag:s23] =	ssyncadd.s32 $0xFFFFEC00  }
0x383: {  	_ =	swait.ge [sflag:s23], $0x500  }
0x384: {  	[sflag:s23] =	ssyncset.done $0x0  }
0x385: {  	[sflag:s23] =	ssyncadd.s32 $0xFFFFFB00  }
0x386: {  	_ =	swait.ge [sflag:s23], $0x500  }
0x387: {  	p0 =	seq.s32 s28, $0x0;
	[sflag:s23] =	ssyncset.done $0x0  }
0x388: {  	s1 =	simm.s32 @!p0 $0x5;
	[sflag:s23] =	ssyncadd.s32 $0xFFFFFB00  }
0x389: {  	_ =	swait.ge @!p0 [sflag:s1], $0x2800  }
0x38a: {  	[sflag:s1] =	ssyncset.done @!p0 $0x0  }
0x38b: {  	[sflag:s1] =	ssyncadd.s32 @!p0 $0xFFFFD800  }
0x38c: {  	_ =	swait.ge @!p0 [sflag:s1], $0x500  }
0x38d: {  	[sflag:s1] =	ssyncset.done @!p0 $0x0  }
0x38e: {  	[sflag:s1] =	ssyncadd.s32 @!p0 $0xFFFFFB00  }
0x38f: {  	v4 =	vld [tilespmem:$0xA0]  }
0x390: {  	v5 =	vld [tilespmem:$0xB0]  }
0x391: {  	v6 =	vld [tilespmem:$0xC0]  }
0x392: {  	v7 =	vld [tilespmem:$0xD0]  }
0x393: {  	v8 =	vld [tilespmem:$0xE0]  }
0x394: {  	[tilespmem:$0x140] =	vst v4  }
0x395: {  	[tilespmem:$0x150] =	vst v5  }
0x396: {  	[tilespmem:$0x160] =	vst v6  }
0x397: {  	[tilespmem:$0x170] =	vst v7  }
0x398: {  	s13 =	simm.s32 $0x200;
	[tilespmem:$0x180] =	vst v8  }
0x399: {  	s2 =	simm.s32 $0xC00;
	v4 =	vld [tilespmem:s13+$0x10]  }
0x39a: {  	v5 =	vld [tilespmem:s2+$0x10]  }
0x39b: {  	v6 =	vld [tilespmem:s2+$0xFFFFFFE0]  }
0x39c: {  	v7 =	vld [tilespmem:s13+$0xFFFFFFF0]  }
0x39d: {  	v8 =	vld [tilespmem:s2+$0xFFFFFFF0]  }
0x39e: {  	v9 =	vld [tilespmem:s13+$0x0]  }
0x39f: {  	s14 =	simm.s32 $0x240;
	v10 =	vld [tilespmem:s2+$0x0];
	v4 =	vadd.f32 v5, v4  }
0x3a0: {  	v11 =	vld [tilespmem:s14+$0x10]  }
0x3a1: {  	s18 =	simm.s32 $0xC40;
	v5 =	vld [tilespmem:s13+$0xFFFFFFE0];
	v12 =	vmul.f32 $2.000000030e-01, v4  }
0x3a2: {  	v13 =	vld [tilespmem:s18+$0x10]  }
0x3a3: {  	v14 =	vld [tilespmem:s18+$0xFFFFFFE0];
	v4 =	vmax.f32 v4, v12  }
0x3a4: {  	v15 =	vld [tilespmem:s18+$0x0];
	v7 =	vadd.f32 v8, v7;
	v4 =	vmul.f32 $1.442695020e+00, v4  }
0x3a5: {  	v8 =	vld [tilespmem:s14+$0xFFFFFFF0];
	v9 =	vadd.f32 v10, v9  }
0x3a6: {  	v10 =	vld [tilespmem:s18+$0xFFFFFFF0];
	v12 =	vmul.f32 $2.000000030e-01, v7;
	v5 =	vadd.f32 v6, v5;
	(erf) = vpow2.f32 v4  }
0x3a7: {  	s19 =	simm.s32 $0x280;
	v6 =	vld [tilespmem:s14+$0x0];
	v4 =	vmul.f32 $2.000000030e-01, v9  }
0x3a8: {  	v16 =	vld [tilespmem:s19+$0x10];
	v11 =	vadd.f32 v13, v11;
	v7 =	vmax.f32 v7, v12;
	v12 =	vmul.f32 $2.000000030e-01, v5  }
0x3a9: {  	s4 =	simm.s32 $0xC80;
	v13 =	vld [tilespmem:s14+$0xFFFFFFE0];
	v7 =	vmul.f32 $1.442695020e+00, v7;
	v4 =	vmax.f32 v9, v4  }
0x3aa: {  	v9 =	vmul.f32 $2.000000030e-01, v11;
	v5 =	vmax.f32 v5, v12;
	v12 =	vld [tilespmem:s4+$0x10];
	v4 =	vmul.f32 $1.442695020e+00, v4  }
0x3ab: {  	v8 =	vadd.f32 v10, v8;
	(erf) = vpow2.f32 v7;
	v10 =	vmul.f32 $1.442695020e+00, v5;
	v5 =	vld [tilespmem:s4+$0xFFFFFFE0]  }
0x3ac: {  	v15 =	vadd.f32 v15, v6;
	v7 =	vmax.f32 v11, v9;
	(erf) = vpow2.f32 v4;
	v4 =	vld [tilespmem:s19+$0xFFFFFFF0]  }
0x3ad: {  	v11 =	vmul.f32 $2.000000030e-01, v8;
	v17 =	vmul.f32 $1.442695020e+00, v7;
	v7 =	vld [tilespmem:s4+$0xFFFFFFF0]  }
0x3ae: {  	v6 =	vld [tilespmem:s19+$0x0];
	v9 =	vadd.f32 v14, v13;
	v14 =	vmul.f32 $2.000000030e-01, v15;
	(erf) = vpow2.f32 v10  }
0x3af: {  	s6 =	simm.s32 $0x2C0;
	s1 =	simm.s32 $0x6600;
	v10 =	vmax.f32 v8, v11;
	v8 =	vld [tilespmem:s4+$0x0];
	(erf) = vpow2.f32 v17;
	v11 =	vadd.f32 v12, v16;
	v63 =	vpop (erf)  }
0x3b0: {  	s5 =	simm.s32 $0x8;
	v13 =	vmul.f32 $2.000000030e-01, v9;
	v12 =	vmul.f32 $1.442695020e+00, v10;
	v10 =	vld [tilespmem:s19+$0xFFFFFFE0];
	v14 =	vmax.f32 v15, v14;
	[tilespmem:s1+$0x10] =	vst v63  }
.LBB2_32:
0x3b1: {  	v16 =	vmul.f32 $2.000000030e-01, v11  }
0x3b2: {  	v15 =	vld [tilespmem:s6+$0x10];
	s4 =	sadd.s32 $0x40, s4;
	v20 =	vmax.f32 v9, v13;
	v13 =	vmul.f32 $1.442695020e+00, v14;
	v17 =	vadd.f32 v7, v4  }
0x3b3: {  	s5 =	sadd.s32 $0x4, s5;
	v14 =	vld [tilespmem:s4+$0x10];
	v18 =	vmul.f32 $1.442695020e+00, v20;
	(erf) = vpow2.f32 v12  }
0x3b4: {  	p0 =	slt.u32 s5, $0x4C;
	v19 =	vld [tilespmem:s4+$0xFFFFFFE0];
	v7 =	vmax.f32 v11, v16;
	(erf) = vpow2.f32 v13;
	v9 =	vpop (erf);
	v11 =	vmul.f32 $2.000000030e-01, v17  }
.Ltmp21:
0x3b5: {  	v4 =	vld [tilespmem:s6+$0xFFFFFFF0];
	v16 =	vadd.f32 v8, v6;
	v8 =	vmul.f32 $1.442695020e+00, v7;
	[tilespmem:s1+$0xFFFFFFF0] =	vst v9;
	v6 =	vpop (erf);
	(pc) =	sbr.rel @p0 .LBB2_32-.Ltmp21, $4  }
0x3b6: {  	v7 =	vld [tilespmem:s4+$0xFFFFFFF0];
	v9 =	vadd.f32 v5, v10;
	(erf) = vpow2.f32 v18;
	[tilespmem:s1+$0x0] =	vst v6  }
0x3b7: {  	v6 =	vld [tilespmem:s6+$0x0];
	v18 =	vmax.f32 v17, v11;
	v17 =	vmul.f32 $2.000000030e-01, v16;
	(erf) = vpow2.f32 v8;
	v10 =	vpop (erf)  }
0x3b8: {  	v8 =	vld [tilespmem:s4+$0x0];
	v11 =	vadd.f32 v14, v15;
	v13 =	vmul.f32 $2.000000030e-01, v9;
	v12 =	vmul.f32 $1.442695020e+00, v18;
	v5 =	vpop (erf);
	[tilespmem:s1+$0xFFFFFFE0] =	vst v10;
	s1 =	sadd.s32 $0x40, s1  }
0x3b9: {  	v10 =	vld [tilespmem:s6+$0xFFFFFFE0];
	s6 =	sadd.s32 $0x40, s6;
	v14 =	vmax.f32 v16, v17;
	[tilespmem:s1+$0x10] =	vst v5;
	v5 =	vmov v19  }
0x3ba: {  	_ =	sdelay $0x1  }
0x3bb: {  	v15 =	vmul.f32 $2.000000030e-01, v11;
	v9 =	vmax.f32 v9, v13;
	v4 =	vadd.f32 v7, v4  }
0x3bc: {  	(erf) = vpow2.f32 v12;
	v7 =	vmul.f32 $1.442695020e+00, v14;
	v6 =	vadd.f32 v8, v6  }
0x3bd: {  	v9 =	vmul.f32 $1.442695020e+00, v9;
	v8 =	vmul.f32 $2.000000030e-01, v4;
	v5 =	vadd.f32 v5, v10  }
0x3be: {  	(erf) = vpow2.f32 v7;
	v10 =	vmax.f32 v11, v15;
	v7 =	vmul.f32 $2.000000030e-01, v6  }
0x3bf: {  	v10 =	vmul.f32 $1.442695020e+00, v10;
	v4 =	vmax.f32 v4, v8;
	v8 =	vmul.f32 $2.000000030e-01, v5  }
0x3c0: {  	(erf) = vpow2.f32 v9;
	v4 =	vmul.f32 $1.442695020e+00, v4  }
0x3c1: {  	v6 =	vmax.f32 v6, v7;
	(erf) = vpow2.f32 v10;
	v5 =	vmax.f32 v5, v8  }
0x3c2: {  	v6 =	vmul.f32 $1.442695020e+00, v6;
	v5 =	vmul.f32 $1.442695020e+00, v5  }
0x3c3: {  	(erf) = vpow2.f32 v4  }
0x3c4: {  	v4 =	vpop (erf);
	(erf) = vpow2.f32 v6  }
0x3c5: {  	[tilespmem:s1+$0xFFFFFFF0] =	vst v4;
	v4 =	vpop (erf);
	(erf) = vpow2.f32 v5  }
0x3c6: {  	[tilespmem:s1+$0x0] =	vst v4;
	v5 =	vpop (erf)  }
0x3c7: {  	s19 =	sadd.s32 $0x40, s1;
	v4 =	vpop (erf);
	[tilespmem:s1+$0xFFFFFFE0] =	vst v5  }
0x3c8: {  	v5 =	vpop (erf);
	[tilespmem:s19+$0x10] =	vst v4  }
0x3c9: {  	[tilespmem:s19+$0xFFFFFFF0] =	vst v5;
	v4 =	vpop (erf)  }
0x3ca: {  	p2 =	por $0x1, $0x1;
	[tilespmem:s19+$0x0] =	vst v4;
	v4 =	vpop (erf)  }
.Ltmp22:
0x3cb: {  	s2 =	sadd.s32 $0x40, s19;
	v5 =	vpop (erf);
	[tilespmem:s19+$0xFFFFFFE0] =	vst v4;
	(pc) =	sbr.rel @!p2 .LBB2_34-.Ltmp22, $4  }
0x3cc: {  	[tilespmem:s2+$0x10] =	vst v5;
	v4 =	vpop (erf)  }
0x3cd: {  	s5 =	simm.s32 $0x10;
	s6 =	simm.s32 $0x20;
	[tilespmem:s2+$0xFFFFFFF0] =	vst v4;
	v4 =	vpop (erf)  }
0x3ce: {  	s4 =	simm.s32 $0x0;
	s18 =	simm.s32 $0x1660;
	v14 =	vor.u32 s5, v0;
	v16 =	vor.u32 s6, v0;
	v12 =	vor.u32 s6, v2;
	s1 =	simm.s32 $0x30;
	[tilespmem:s2+$0x0] =	vst v4;
	v4 =	vpop (erf)  }
0x3cf: {  	p0 =	por $0x0, $0x0;
	p1 =	por $0x0, $0x0;
	v10 =	vor.u32 s4, v0;
	v7 =	vor.u32 s5, v2;
	v18 =	vor.u32 s1, v0;
	s19 =	simm.s32 $0x3EE0;
	[tilespmem:s2+$0xFFFFFFE0] =	vst v4  }
0x3d0: {  	_ =	sdelay $0x2  }
0x3d1: {  	v4 =	vld [tilespmem:s18+$0x40]  }
0x3d2: {  	v8 =	vld.idx.msk [tilespmem:v18+s16+$0x0], $0xffff  }
0x3d3: {  	v5 =	vor.u32 s1, v2  }
0x3d4: {  	v6 =	vld [tilespmem:s18+$0xFFFFFFC0]  }
0x3d5: {  	v11 =	vld [tilespmem:s18+$0x0]  }
0x3d6: {  	v13 =	vld.idx.msk [tilespmem:v14+s16+$0x0], $0xffff;
	v9 =	vunpack.i.l.bf16.f32 v4  }
0x3d7: {  	v14 =	vld.idx.msk [tilespmem:v16+s16+$0x0], $0xffff;
	v4 =	vunpack.i.u.bf16.f32 v4;
	v9 =	vmul.f32 v9, v8  }
0x3d8: {  	v15 =	vmul.f32 v4, v8;
	v4 =	vld.idx.msk [tilespmem:v5+s16+$0x0], $0xffff  }
0x3d9: {  	v5 =	vld [tilespmem:s18+$0xFFFFFF80];
	[tilespmem:s19+$0x80] =	vst v9  }
0x3da: {  	v10 =	vld.idx.msk [tilespmem:v10+s16+$0x0], $0xffff;
	v9 =	vunpack.i.l.bf16.f32 v6;
	[tilespmem:s19+$0x90] =	vst v15  }
0x3db: {  	v15 =	vor.u32 s4, v2;
	v6 =	vunpack.i.u.bf16.f32 v6;
	v16 =	vmul.f32 v9, v13;
	v17 =	vld [tilespmem:s18+$0x50]  }
0x3dc: {  	v18 =	vunpack.i.l.bf16.f32 v11;
	v19 =	vmul.f32 v6, v13  }
0x3dd: {  	v9 =	vld.idx.msk [tilespmem:v7+s16+$0x0], $0xffff;
	v7 =	vunpack.i.u.bf16.f32 v11;
	v11 =	vmul.f32 v18, v14;
	[tilespmem:s19+$0xFFFFFF80] =	vst v16  }
0x3de: {  	v6 =	vld.idx.msk [tilespmem:v12+s16+$0x0], $0xffff;
	v7 =	vmul.f32 v7, v14;
	v16 =	vunpack.i.l.bf16.f32 v5;
	[tilespmem:s19+$0xFFFFFF90] =	vst v19  }
0x3df: {  	v12 =	vunpack.i.u.bf16.f32 v5;
	[tilespmem:s19+$0x0] =	vst v11;
	v16 =	vmul.f32 v16, v10;
	v18 =	vld [tilespmem:s18+$0xFFFFFFD0]  }
0x3e0: {  	v11 =	vmul.f32 v12, v10;
	[tilespmem:s19+$0x10] =	vst v7;
	v5 =	vld.idx.msk [tilespmem:v15+s16+$0x0], $0xffff;
	v7 =	vunpack.i.l.bf16.f32 v17  }
0x3e1: {  	v12 =	vld [tilespmem:s18+$0x10];
	[tilespmem:s19+$0xFFFFFF00] =	vst v16;
	v15 =	vunpack.i.u.bf16.f32 v17;
	v7 =	vmul.f32 v7, v8  }
0x3e2: {  	[tilespmem:s19+$0xFFFFFF10] =	vst v11;
	v8 =	vmul.f32 v15, v8  }
0x3e3: {  	v11 =	vld [tilespmem:s18+$0xFFFFFF90];
	[tilespmem:s19+$0xA0] =	vst v7  }
0x3e4: {  	v7 =	vunpack.i.l.bf16.f32 v18;
	[tilespmem:s19+$0xB0] =	vst v8  }
0x3e5: {  	v8 =	vunpack.i.u.bf16.f32 v18;
	v7 =	vmul.f32 v7, v13;
	v15 =	vld [tilespmem:s18+$0x60]  }
0x3e6: {  	v8 =	vmul.f32 v8, v13;
	v13 =	vunpack.i.l.bf16.f32 v12;
	v12 =	vunpack.i.u.bf16.f32 v12  }
0x3e7: {  	v12 =	vmul.f32 v12, v14;
	[tilespmem:s19+$0xFFFFFFA0] =	vst v7  }
0x3e8: {  	p2 =	por $0x1, $0x1;
	v7 =	vmul.f32 v13, v14;
	v13 =	vunpack.i.l.bf16.f32 v11;
	[tilespmem:s19+$0xFFFFFFB0] =	vst v8  }
.Ltmp23:
0x3e9: {  	v8 =	vunpack.i.u.bf16.f32 v11;
	v11 =	vmul.f32 v13, v10;
	[tilespmem:s19+$0x30] =	vst v12;
	(pc) =	sbr.rel @!p2 .LBB2_36-.Ltmp23, $4  }
0x3ea: {  	s1 =	simm.s32 $0x70;
	s5 =	simm.s32 $0x60;
	[tilespmem:s19+$0x20] =	vst v7;
	v7 =	vmul.f32 v8, v10;
	v8 =	vunpack.i.l.bf16.f32 v15  }
0x3eb: {  	s2 =	simm.s32 $0x50;
	v16 =	vor.u32 s5, v0;
	v18 =	vor.u32 s1, v0;
	v19 =	vld [tilespmem:s18+$0xFFFFFFE0];
	[tilespmem:s19+$0xFFFFFF20] =	vst v11;
	v8 =	vmul.f32 v8, v4  }
0x3ec: {  	s4 =	simm.s32 $0x40;
	v14 =	vor.u32 s2, v0;
	v12 =	vor.u32 s5, v2;
	v11 =	vunpack.i.u.bf16.f32 v15;
	v21 =	vld [tilespmem:s18+$0x20];
	[tilespmem:s19+$0xFFFFFF30] =	vst v7  }
0x3ed: {  	p0 =	por $0x1, $0x1;
	v10 =	vor.u32 s4, v0;
	v24 =	vmul.f32 v11, v4;
	v7 =	vor.u32 s2, v2;
	v22 =	vld [tilespmem:s18+$0xFFFFFFA0];
	[tilespmem:s19+$0xC0] =	vst v8  }
0x3ee: {  	_ = 	snop  }
0x3ef: {  	[tilespmem:s19+$0xD0] =	vst v24  }
0x3f0: {  	s7 =	simm.s32 $0x1760;
	v8 =	vunpack.i.l.bf16.f32 v19;
	v11 =	vld [tilespmem:s18+$0x70]  }
0x3f1: {  	v15 =	vld [tilespmem:s7+$0x40];
	v13 =	vunpack.i.u.bf16.f32 v19;
	v8 =	vmul.f32 v8, v9  }
0x3f2: {  	v18 =	vld.idx.msk [tilespmem:v18+s16+$0x0], $0xffff;
	v13 =	vmul.f32 v13, v9;
	v17 =	vunpack.i.l.bf16.f32 v21  }
0x3f3: {  	v20 =	vor.u32 s1, v2;
	v14 =	vld.idx.msk [tilespmem:v14+s16+$0x0], $0xffff;
	v19 =	vunpack.i.u.bf16.f32 v21;
	[tilespmem:s19+$0xFFFFFFC0] =	vst v8;
	v8 =	vmul.f32 v17, v6  }
0x3f4: {  	v16 =	vld.idx.msk [tilespmem:v16+s16+$0x0], $0xffff;
	v19 =	vmul.f32 v19, v6;
	v21 =	vunpack.i.u.bf16.f32 v22;
	v22 =	vunpack.i.l.bf16.f32 v22;
	[tilespmem:s19+$0xFFFFFFD0] =	vst v13  }
0x3f5: {  	v13 =	vld [tilespmem:s7+$0xFFFFFFC0];
	v22 =	vmul.f32 v22, v5;
	v21 =	vmul.f32 v21, v5;
	[tilespmem:s19+$0x40] =	vst v8;
	v8 =	vunpack.i.l.bf16.f32 v11  }
0x3f6: {  	v10 =	vld.idx.msk [tilespmem:v10+s16+$0x0], $0xffff;
	[tilespmem:s19+$0x50] =	vst v19;
	v11 =	vunpack.i.u.bf16.f32 v11;
	v19 =	vmul.f32 v8, v4;
	v8 =	vunpack.i.l.bf16.f32 v15  }
0x3f7: {  	v23 =	vld [tilespmem:s7+$0x0];
	[tilespmem:s19+$0xFFFFFF40] =	vst v22;
	v11 =	vmul.f32 v11, v4;
	v4 =	vunpack.i.u.bf16.f32 v15;
	v8 =	vmul.f32 v8, v18  }
0x3f8: {  	s8 =	simm.s32 $0x40E0;
	v17 =	vld [tilespmem:s7+$0xFFFFFF80];
	[tilespmem:s19+$0xFFFFFF50] =	vst v21;
	v15 =	vmul.f32 v4, v18  }
0x3f9: {  	v4 =	vld.idx.msk [tilespmem:v20+s16+$0x0], $0xffff;
	[tilespmem:s8+$0x80] =	vst v8  }
0x3fa: {  	v8 =	vld.idx.msk [tilespmem:v12+s16+$0x0], $0xffff;
	v12 =	vunpack.i.l.bf16.f32 v13;
	[tilespmem:s8+$0x90] =	vst v15  }
0x3fb: {  	[tilespmem:s19+$0xF0] =	vst v11;
	v11 =	vunpack.i.u.bf16.f32 v13;
	v15 =	vor.u32 s4, v2;
	v12 =	vmul.f32 v12, v14;
	v20 =	vld [tilespmem:s7+$0x50]  }
0x3fc: {  	[tilespmem:s19+$0xE0] =	vst v19;
	v13 =	vunpack.i.l.bf16.f32 v23;
	v19 =	vmul.f32 v11, v14;
	v11 =	vld.idx.msk [tilespmem:v7+s16+$0x0], $0xffff  }
0x3fd: {  	v7 =	vunpack.i.u.bf16.f32 v23;
	v13 =	vmul.f32 v13, v16;
	[tilespmem:s8+$0xFFFFFF80] =	vst v12;
	v12 =	vld [tilespmem:s18+$0xFFFFFFF0]  }
0x3fe: {  	v21 =	vunpack.i.l.bf16.f32 v17;
	v7 =	vmul.f32 v7, v16;
	[tilespmem:s8+$0xFFFFFF90] =	vst v19;
	v19 =	vld [tilespmem:s18+$0x30]  }
0x3ff: {  	v17 =	vunpack.i.u.bf16.f32 v17;
	v21 =	vmul.f32 v21, v10;
	[tilespmem:s8+$0x0] =	vst v13;
	v22 =	vld [tilespmem:s7+$0xFFFFFFD0]  }
0x400: {  	[tilespmem:s8+$0x10] =	vst v7;
	v13 =	vld.idx.msk [tilespmem:v15+s16+$0x0], $0xffff;
	v15 =	vmul.f32 v17, v10;
	v7 =	vunpack.i.l.bf16.f32 v20  }
0x401: {  	[tilespmem:s8+$0xFFFFFF00] =	vst v21;
	v17 =	vld [tilespmem:s7+$0x10];
	v20 =	vunpack.i.u.bf16.f32 v20;
	v7 =	vmul.f32 v7, v18  }
0x402: {  	v21 =	vld [tilespmem:s18+$0xFFFFFFB0];
	[tilespmem:s8+$0xFFFFFF10] =	vst v15;
	v15 =	vmul.f32 v20, v18;
	v18 =	vunpack.i.l.bf16.f32 v12  }
0x403: {  	v12 =	vunpack.i.u.bf16.f32 v12;
	v20 =	vld [tilespmem:s7+$0xFFFFFF90];
	[tilespmem:s8+$0xA0] =	vst v7;
	v7 =	vmul.f32 v18, v9  }
0x404: {  	v18 =	vunpack.i.u.bf16.f32 v19;
	v23 =	vunpack.i.l.bf16.f32 v22;
	[tilespmem:s8+$0xB0] =	vst v15;
	v9 =	vmul.f32 v12, v9  }
0x405: {  	v12 =	vunpack.i.l.bf16.f32 v19;
	v15 =	vunpack.i.u.bf16.f32 v22;
	v19 =	vmul.f32 v23, v14;
	v22 =	vld [tilespmem:s7+$0x60];
	[tilespmem:s19+$0xFFFFFFE0] =	vst v7  }
0x406: {  	s1 =	simm.s32 $0xB0;
	v23 =	vmul.f32 v18, v6;
	v7 =	vmul.f32 v15, v14;
	v15 =	vunpack.i.l.bf16.f32 v17;
	[tilespmem:s19+$0xFFFFFFF0] =	vst v9  }
0x407: {  	v18 =	vor.u32 s1, v0;
	v14 =	vunpack.i.u.bf16.f32 v17;
	[tilespmem:s8+$0xFFFFFFA0] =	vst v19;
	v9 =	vmul.f32 v15, v16  }
0x408: {  	p2 =	por $0x1, $0x1;
	v17 =	vunpack.i.u.bf16.f32 v21;
	v14 =	vmul.f32 v14, v16;
	v16 =	vunpack.i.l.bf16.f32 v20;
	[tilespmem:s8+$0xFFFFFFB0] =	vst v7  }
.Ltmp24:
0x409: {  	v15 =	vunpack.i.u.bf16.f32 v20;
	v20 =	vmul.f32 v12, v6;
	v12 =	vmul.f32 v16, v10;
	[tilespmem:s8+$0x20] =	vst v9;
	v19 =	vld [tilespmem:s7+$0xFFFFFFE0];
	(pc) =	sbr.rel @!p2 .LBB2_38-.Ltmp24, $4  }
0x40a: {  	v7 =	vunpack.i.l.bf16.f32 v21;
	v16 =	vmul.f32 v15, v10;
	[tilespmem:s8+$0x30] =	vst v14;
	v9 =	vunpack.i.l.bf16.f32 v22  }
0x40b: {  	s2 =	simm.s32 $0x90;
	s4 =	simm.s32 $0x80;
	v15 =	vmul.f32 v7, v5;
	v6 =	vunpack.i.u.bf16.f32 v22;
	v21 =	vld [tilespmem:s7+$0x20];
	[tilespmem:s8+$0xFFFFFF20] =	vst v12;
	v9 =	vmul.f32 v9, v4  }
0x40c: {  	s5 =	simm.s32 $0xA0;
	s6 =	simm.s32 $0xC;
	p1 =	por $0x1, $0x1;
	v10 =	vor.u32 s4, v0;
	v14 =	vor.u32 s2, v0;
	[tilespmem:s8+$0xFFFFFF30] =	vst v16;
	v24 =	vmul.f32 v6, v4  }
0x40d: {  	s14 =	simm.s32 $0x3EE0;
	s13 =	simm.s32 $0x40E0;
	v7 =	vor.u32 s2, v2;
	v16 =	vor.u32 s5, v0;
	v12 =	vor.u32 s5, v2;
	s5 =	simm.s32 $0x1760;
	v22 =	vld [tilespmem:s7+$0xFFFFFFA0];
	[tilespmem:s8+$0xC0] =	vst v9  }
.LBB2_39:
0x40e: {  	p2 =	slt.u32 s6, $0x4C;
	v6 =	vor.u32 s4, v2;
	v9 =	vunpack.i.u.bf16.f32 v19;
	v19 =	vunpack.i.l.bf16.f32 v19;
	[tilespmem:s8+$0xD0] =	vst v24  }
0x40f: {  	s5 =	sadd.s32 $0x100, s5;
	v19 =	vmul.f32 v19, v11;
	v9 =	vmul.f32 v9, v11;
	v24 =	vld [tilespmem:s7+$0x70];
	[tilespmem:s14+$0x60] =	vst v20  }
0x410: {  	v17 =	vmul.f32 v17, v5;
	v5 =	vmovc v13;
	v20 =	vld [tilespmem:s5+$0x40];
	v25 =	vunpack.i.u.bf16.f32 v21;
	v21 =	vunpack.i.l.bf16.f32 v21;
	[tilespmem:s14+$0x70] =	vst v23  }
0x411: {  	v18 =	vld.idx.msk [tilespmem:v18+s16+$0x0], $0xffff;
	[tilespmem:s8+$0xFFFFFFC0] =	vst v19;
	v13 =	vmul.f32 v21, v8;
	v19 =	vmul.f32 v25, v8  }
0x412: {  	v21 =	vld [tilespmem:s5+$0xFFFFFF80];
	v23 =	vunpack.i.u.bf16.f32 v22;
	v22 =	vunpack.i.l.bf16.f32 v22;
	[tilespmem:s8+$0xFFFFFFD0] =	vst v9  }
0x413: {  	v9 =	vld [tilespmem:s5+$0xFFFFFFC0];
	v22 =	vmul.f32 v22, v5;
	v23 =	vmul.f32 v23, v5;
	[tilespmem:s8+$0x40] =	vst v13  }
0x414: {  	v25 =	vor.u32 s1, v2;
	v13 =	vld [tilespmem:s5+$0x0];
	[tilespmem:s8+$0x50] =	vst v19;
	v19 =	vunpack.i.u.bf16.f32 v24;
	v24 =	vunpack.i.l.bf16.f32 v24  }
0x415: {  	v14 =	vld.idx.msk [tilespmem:v14+s16+$0x0], $0xffff;
	[tilespmem:s8+$0xFFFFFF40] =	vst v22;
	v22 =	vmul.f32 v24, v4;
	v4 =	vmul.f32 v19, v4  }
0x416: {  	v19 =	vunpack.i.l.bf16.f32 v20;
	v16 =	vld.idx.msk [tilespmem:v16+s16+$0x0], $0xffff;
	[tilespmem:s8+$0xFFFFFF50] =	vst v23  }
0x417: {  	v20 =	vunpack.i.u.bf16.f32 v20;
	v19 =	vmul.f32 v19, v18;
	v10 =	vld.idx.msk [tilespmem:v10+s16+$0x0], $0xffff;
	v23 =	vunpack.i.u.bf16.f32 v21;
	[tilespmem:s8+$0xF0] =	vst v4  }
0x418: {  	v20 =	vmul.f32 v20, v18;
	v21 =	vunpack.i.l.bf16.f32 v21;
	s8 =	sadd.s32 $0x200, s8;
	v24 =	vunpack.i.u.bf16.f32 v9;
	v12 =	vld.idx.msk [tilespmem:v12+s16+$0x0], $0xffff;
	[tilespmem:s13+$0xE0] =	vst v22  }
0x419: {  	v9 =	vunpack.i.l.bf16.f32 v9;
	v22 =	vunpack.i.u.bf16.f32 v13;
	v26 =	vunpack.i.l.bf16.f32 v13;
	v4 =	vld.idx.msk [tilespmem:v25+s16+$0x0], $0xffff;
	[tilespmem:s8+$0x80] =	vst v19  }
0x41a: {  	v13 =	vld.idx.msk [tilespmem:v6+s16+$0x0], $0xffff;
	[tilespmem:s8+$0x90] =	vst v20  }
0x41b: {  	v6 =	vmul.f32 v9, v14;
	v9 =	vmul.f32 v24, v14;
	v19 =	vld [tilespmem:s5+$0x50];
	[tilespmem:s14+$0xFFFFFF60] =	vst v15  }
0x41c: {  	v15 =	vmul.f32 v26, v16;
	v20 =	vmul.f32 v22, v16;
	v7 =	vld.idx.msk [tilespmem:v7+s16+$0x0], $0xffff;
	[tilespmem:s14+$0xFFFFFF70] =	vst v17;
	s14 =	smov.u32 s13;
	s13 =	smov.u32 s8  }
0x41d: {  	v17 =	vmul.f32 v21, v10;
	v21 =	vmul.f32 v23, v10;
	[tilespmem:s8+$0xFFFFFF80] =	vst v6;
	v6 =	vld [tilespmem:s7+$0xFFFFFFF0]  }
0x41e: {  	[tilespmem:s8+$0xFFFFFF90] =	vst v9;
	v9 =	vld [tilespmem:s7+$0x30]  }
0x41f: {  	v22 =	vld [tilespmem:s5+$0xFFFFFFD0];
	[tilespmem:s8+$0x0] =	vst v15  }
0x420: {  	[tilespmem:s8+$0x10] =	vst v20;
	v15 =	vunpack.i.l.bf16.f32 v19;
	v20 =	vld [tilespmem:s7+$0xFFFFFFB0];
	s7 =	smov.u32 s5  }
0x421: {  	[tilespmem:s8+$0xFFFFFF00] =	vst v17;
	v23 =	vld [tilespmem:s5+$0x10];
	v17 =	vunpack.i.u.bf16.f32 v19;
	v15 =	vmul.f32 v15, v18  }
0x422: {  	[tilespmem:s8+$0xFFFFFF10] =	vst v21;
	v17 =	vmul.f32 v17, v18;
	v18 =	vunpack.i.u.bf16.f32 v6;
	v6 =	vunpack.i.l.bf16.f32 v6  }
0x423: {  	v19 =	vld [tilespmem:s5+$0xFFFFFF90];
	[tilespmem:s8+$0xA0] =	vst v15;
	v6 =	vmul.f32 v6, v11;
	v21 =	vunpack.i.u.bf16.f32 v9;
	v9 =	vunpack.i.l.bf16.f32 v9  }
0x424: {  	v18 =	vmul.f32 v18, v11;
	v11 =	vmovc v7;
	v15 =	vunpack.i.u.bf16.f32 v22;
	v22 =	vunpack.i.l.bf16.f32 v22;
	[tilespmem:s8+$0xB0] =	vst v17  }
0x425: {  	v7 =	vmul.f32 v22, v14;
	v14 =	vmul.f32 v15, v14;
	v22 =	vld [tilespmem:s5+$0x60];
	v17 =	vunpack.i.u.bf16.f32 v20;
	[tilespmem:s14+$0xFFFFFFE0] =	vst v6  }
0x426: {  	v6 =	vunpack.i.u.bf16.f32 v23;
	v15 =	vunpack.i.l.bf16.f32 v23;
	v23 =	vunpack.i.l.bf16.f32 v20;
	[tilespmem:s14+$0xFFFFFFF0] =	vst v18  }
0x427: {  	[tilespmem:s8+$0xFFFFFFA0] =	vst v7;
	v7 =	vmul.f32 v15, v16;
	v6 =	vmul.f32 v6, v16  }
0x428: {  	v20 =	vmul.f32 v9, v8;
	v15 =	vunpack.i.u.bf16.f32 v19;
	v16 =	vunpack.i.l.bf16.f32 v19;
	[tilespmem:s8+$0xFFFFFFB0] =	vst v14  }
.Ltmp25:
0x429: {  	v9 =	vmul.f32 v16, v10;
	v16 =	vmul.f32 v15, v10;
	v19 =	vld [tilespmem:s5+$0xFFFFFFE0];
	[tilespmem:s8+$0x20] =	vst v7;
	(pc) =	sbr.rel @p2 .LBB2_39-.Ltmp25, $4  }
0x42a: {  	s4 =	sshll.u32 s6, $0x4;
	v15 =	vmul.f32 v23, v5;
	v23 =	vmul.f32 v21, v8;
	v8 =	vmovc v12;
	[tilespmem:s8+$0x30] =	vst v6;
	v6 =	vunpack.i.l.bf16.f32 v22  }
0x42b: {  	s2 =	sadd.s32 $0x10, s4;
	s9 =	sadd.s32 $0x20, s4;
	s1 =	sadd.s32 $0x30, s4;
	v10 =	vor.u32 s4, v0;
	v7 =	vunpack.i.u.bf16.f32 v22;
	[tilespmem:s8+$0xFFFFFF20] =	vst v9;
	v21 =	vld [tilespmem:s5+$0x20];
	v6 =	vmul.f32 v6, v4  }
0x42c: {  	v18 =	vor.u32 s1, v0;
	v14 =	vor.u32 s2, v0;
	v24 =	vmul.f32 v7, v4;
	[tilespmem:s8+$0xFFFFFF30] =	vst v16  }
0x42d: {  	s6 =	sadd.s32 $0x4, s6;
	v12 =	vor.u32 s9, v2;
	v7 =	vor.u32 s2, v2;
	v16 =	vor.u32 s9, v0;
	v22 =	vld [tilespmem:s5+$0xFFFFFFA0];
	[tilespmem:s8+$0xC0] =	vst v6  }
0x42e: {  	v25 =	vmovc v5;
	v9 =	vmov v11;
	v5 =	vmov v13;
	v6 =	vmov v8  }
.LBB2_41:
0x42f: {  	v8 =	vunpack.i.l.bf16.f32 @p0 v19;
	[tilespmem:s8+$0xD0] =	vst @p0 v24  }
0x430: {  	v11 =	vunpack.i.u.bf16.f32 @p0 v19;
	s2 =	sadd.s32 @p0 $0x100, s5;
	[tilespmem:s14+$0x60] =	vst @p1 v20;
	v8 =	vmul.f32 @p0 v8, v9;
	v13 =	vld @p0 [tilespmem:s7+$0x70]  }
0x431: {  	[tilespmem:s14+$0x70] =	vst @p1 v23;
	v11 =	vmul.f32 @p0 v11, v9;
	s18 =	smov.u32 @p0 s2;
	v19 =	vunpack.i.l.bf16.f32 @p0 v21  }
0x432: {  	v21 =	vunpack.i.u.bf16.f32 @p0 v21;
	v42 =	vld [tilespmem:s18+$0x40];
	[tilespmem:s8+$0xFFFFFFC0] =	vst @p0 v8;
	v8 =	vmul.f32 @p0 v19, v6  }
0x433: {  	v18 =	vld.idx.msk [tilespmem:v18+s16+$0x0], $0xffff;
	v19 =	vmul.f32 @p0 v21, v6;
	[tilespmem:s8+$0xFFFFFFD0] =	vst @p0 v11  }
0x434: {  	v43 =	vld [tilespmem:s18+$0xFFFFFFC0];
	v11 =	vunpack.i.u.bf16.f32 @p0 v22;
	[tilespmem:s8+$0x40] =	vst @p0 v8;
	v8 =	vor.u32 s1, v2  }
0x435: {  	v14 =	vld.idx.msk [tilespmem:v14+s16+$0x0], $0xffff;
	v11 =	vmul.f32 @p0 v11, v5;
	[tilespmem:s8+$0x50] =	vst @p0 v19;
	v19 =	vunpack.i.u.bf16.f32 @p0 v13  }
0x436: {  	v10 =	vld.idx.msk [tilespmem:v10+s16+$0x0], $0xffff;
	[tilespmem:s14+$0xFFFFFF60] =	vst @p1 v15;
	v13 =	vunpack.i.l.bf16.f32 @p0 v13;
	v19 =	vmul.f32 @p0 v19, v4  }
0x437: {  	v44 =	vld [tilespmem:s18+$0x0];
	[tilespmem:s8+$0xFFFFFF50] =	vst @p0 v11;
	v4 =	vmul.f32 @p0 v13, v4;
	v13 =	vunpack.i.l.bf16.f32 v42  }
0x438: {  	s1 =	sadd.s32 @p0 $0x200, s8;
	v11 =	vld.idx.msk [tilespmem:v16+s16+$0x0], $0xffff;
	v45 =	vunpack.i.u.bf16.f32 v42;
	v13 =	vmul.f32 v13, v18;
	[tilespmem:s8+$0xF0] =	vst @p0 v19  }
0x439: {  	s19 =	smov.u32 @p0 s1;
	v48 =	vunpack.i.u.bf16.f32 v43;
	v16 =	vmul.f32 v45, v18;
	[tilespmem:s13+$0xE0] =	vst @p0 v4;
	v4 =	vld.idx.msk [tilespmem:v8+s16+$0x0], $0xffff  }
0x43a: {  	v19 =	vmul.f32 v48, v14;
	v8 =	vld [tilespmem:s18+$0xFFFFFF80];
	[tilespmem:s19+$0x80] =	vst v13  }
0x43b: {  	v7 =	vld.idx.msk [tilespmem:v7+s16+$0x0], $0xffff;
	v46 =	vunpack.i.l.bf16.f32 v43;
	v13 =	vmul.f32 @p1 v17, v25;
	[tilespmem:s19+$0x90] =	vst v16  }
0x43c: {  	v47 =	vor.u32 s4, v2;
	v21 =	vunpack.i.l.bf16.f32 @p0 v22;
	v17 =	vmul.f32 v46, v14;
	v49 =	vld [tilespmem:s18+$0x50];
	[tilespmem:s19+$0xFFFFFF90] =	vst v19  }
0x43d: {  	v21 =	vmul.f32 @p0 v21, v5;
	v15 =	vunpack.i.l.bf16.f32 v44;
	[tilespmem:s14+$0xFFFFFF70] =	vst @p1 v13  }
0x43e: {  	v15 =	vmul.f32 v15, v11;
	v13 =	vunpack.i.u.bf16.f32 v44;
	[tilespmem:s19+$0xFFFFFF80] =	vst v17;
	v17 =	vld @p0 [tilespmem:s7+$0xFFFFFFF0]  }
0x43f: {  	[tilespmem:s8+$0xFFFFFF40] =	vst @p0 v21;
	v13 =	vmul.f32 v13, v11;
	v52 =	vld [tilespmem:s18+$0xFFFFFFD0];
	v50 =	vunpack.i.l.bf16.f32 v8  }
0x440: {  	v12 =	vld.idx.msk [tilespmem:v12+s16+$0x0], $0xffff;
	[tilespmem:s19+$0x0] =	vst v15;
	v8 =	vunpack.i.u.bf16.f32 v8;
	v51 =	vmul.f32 v50, v10  }
0x441: {  	v15 =	vld.idx.msk [tilespmem:v47+s16+$0x0], $0xffff;
	[tilespmem:s19+$0x10] =	vst v13;
	v8 =	vmul.f32 v8, v10;
	v13 =	vunpack.i.l.bf16.f32 v49  }
0x442: {  	v53 =	vld [tilespmem:s18+$0x10];
	v54 =	vunpack.i.u.bf16.f32 v49;
	v13 =	vmul.f32 v13, v18;
	[tilespmem:s19+$0xFFFFFF00] =	vst v51  }
0x443: {  	[tilespmem:s19+$0xFFFFFF10] =	vst v8;
	v8 =	vmul.f32 v54, v18;
	v18 =	vunpack.i.l.bf16.f32 @p0 v17  }
0x444: {  	v56 =	vunpack.i.l.bf16.f32 v52;
	v55 =	vld [tilespmem:s18+$0xFFFFFF90];
	[tilespmem:s19+$0xA0] =	vst v13;
	v13 =	vmul.f32 @p0 v18, v9  }
0x445: {  	s1 =	smov.u32 @p0 s13;
	v17 =	vunpack.i.u.bf16.f32 @p0 v17;
	v57 =	vmul.f32 v56, v14;
	[tilespmem:s19+$0xB0] =	vst v8  }
0x446: {  	v8 =	vmul.f32 @p0 v17, v9;
	v9 =	vunpack.i.u.bf16.f32 v52;
	v58 =	vld [tilespmem:s18+$0x60];
	[tilespmem:s1+$0xFFFFFFE0] =	vst @p0 v13  }
0x447: {  	v13 =	vld @p0 [tilespmem:s7+$0x30];
	v9 =	vmul.f32 v9, v14;
	v14 =	vunpack.i.l.bf16.f32 v53;
	[tilespmem:s19+$0xFFFFFFA0] =	vst v57  }
0x448: {  	[tilespmem:s1+$0xFFFFFFF0] =	vst @p0 v8;
	v8 =	vunpack.i.u.bf16.f32 v53;
	v14 =	vmul.f32 v14, v11  }
0x449: {  	v8 =	vmul.f32 v8, v11;
	[tilespmem:s19+$0xFFFFFFB0] =	vst v9;
	v11 =	vunpack.i.l.bf16.f32 v55  }
0x44a: {  	v9 =	vunpack.i.u.bf16.f32 v55;
	v59 =	vld [tilespmem:s18+$0xFFFFFFE0];
	[tilespmem:s19+$0x20] =	vst v14;
	v11 =	vmul.f32 v11, v10  }
0x44b: {  	v9 =	vmul.f32 v9, v10;
	[tilespmem:s19+$0x30] =	vst v8;
	v8 =	vunpack.i.l.bf16.f32 v58  }
0x44c: {  	v10 =	vunpack.i.l.bf16.f32 @p0 v13;
	v14 =	vunpack.i.u.bf16.f32 v58;
	[tilespmem:s19+$0xFFFFFF20] =	vst v11;
	v11 =	vld [tilespmem:s18+$0x20];
	v8 =	vmul.f32 v8, v4  }
0x44d: {  	v13 =	vunpack.i.u.bf16.f32 @p0 v13;
	v10 =	vmul.f32 @p0 v10, v6;
	[tilespmem:s19+$0xFFFFFF30] =	vst v9;
	v9 =	vmul.f32 v14, v4  }
0x44e: {  	v6 =	vmul.f32 @p0 v13, v6;
	v13 =	vld [tilespmem:s18+$0xFFFFFFA0];
	[tilespmem:s19+$0xC0] =	vst v8  }
0x44f: {  	s1 =	smov.u32 @p0 s1;
	v8 =	vpsel p0, v10, v0;
	v10 =	vunpack.i.l.bf16.f32 v59;
	[tilespmem:s19+$0xD0] =	vst v9  }
0x450: {  	v6 =	vpsel p0, v6, v0;
	v9 =	vunpack.i.u.bf16.f32 v59;
	v10 =	vmul.f32 v10, v7;
	v14 =	vld [tilespmem:s18+$0x70];
	[tilespmem:s1+$0x60] =	vst @p0 v8  }
0x451: {  	v8 =	vld @p0 [tilespmem:s7+$0xFFFFFFB0];
	v9 =	vmul.f32 v9, v7;
	[tilespmem:s1+$0x70] =	vst @p0 v6;
	v60 =	vunpack.i.l.bf16.f32 v11  }
0x452: {  	v6 =	vunpack.i.u.bf16.f32 v11;
	[tilespmem:s19+$0xFFFFFFC0] =	vst v10;
	v10 =	vmul.f32 v60, v12  }
0x453: {  	[tilespmem:s19+$0xFFFFFFD0] =	vst v9;
	v6 =	vmul.f32 v6, v12;
	v11 =	vunpack.i.l.bf16.f32 v13  }
0x454: {  	v9 =	vunpack.i.u.bf16.f32 v13;
	v11 =	vmul.f32 v11, v15;
	[tilespmem:s19+$0x40] =	vst v10;
	v10 =	vld [tilespmem:s18+$0xFFFFFFF0]  }
0x455: {  	v9 =	vmul.f32 v9, v15;
	[tilespmem:s19+$0x50] =	vst v6;
	v6 =	vunpack.i.u.bf16.f32 v14  }
0x456: {  	v13 =	vunpack.i.l.bf16.f32 @p0 v8;
	v14 =	vunpack.i.l.bf16.f32 v14;
	[tilespmem:s19+$0xFFFFFF40] =	vst v11;
	v6 =	vmul.f32 v6, v4;
	v11 =	vld [tilespmem:s18+$0x30]  }
0x457: {  	v8 =	vunpack.i.u.bf16.f32 @p0 v8;
	v13 =	vmul.f32 @p0 v13, v5;
	v4 =	vmul.f32 v14, v4;
	[tilespmem:s19+$0xFFFFFF50] =	vst v9  }
0x458: {  	v5 =	vpsel p0, v5, v0;
	v8 =	vpsel p0, v8, v0;
	[tilespmem:s19+$0xF0] =	vst v6;
	v6 =	vld [tilespmem:s18+$0xFFFFFFB0]  }
0x459: {  	v5 =	vmul.f32 @p0 v8, v5;
	v9 =	vpsel p0, v13, v0;
	[tilespmem:s19+$0xE0] =	vst v4;
	v4 =	vunpack.i.l.bf16.f32 v10  }
0x45a: {  	[tilespmem:s1+$0xFFFFFF60] =	vst @p0 v9;
	v8 =	vunpack.i.u.bf16.f32 v10;
	v4 =	vmul.f32 v4, v7  }
0x45b: {  	[tilespmem:s1+$0xFFFFFF70] =	vst @p0 v5;
	v5 =	vunpack.i.l.bf16.f32 v11;
	v7 =	vmul.f32 v8, v7  }
0x45c: {  	v8 =	vunpack.i.u.bf16.f32 v11;
	[tilespmem:s19+$0xFFFFFFE0] =	vst v4;
	v4 =	vmul.f32 v5, v12  }
0x45d: {  	v5 =	vunpack.i.l.bf16.f32 v6;
	[tilespmem:s19+$0xFFFFFFF0] =	vst v7;
	v7 =	vmul.f32 v8, v12  }
0x45e: {  	v6 =	vunpack.i.u.bf16.f32 v6;
	v5 =	vmul.f32 v5, v15;
	[tilespmem:s19+$0x60] =	vst v4  }
0x45f: {  	v4 =	vmul.f32 v6, v15;
	[tilespmem:s19+$0x70] =	vst v7  }
0x460: {  	p0 =	seq.s32 s28, $0x7C;
	[tilespmem:s19+$0xFFFFFF60] =	vst v5  }
0x461: {  	s1 =	smul.u32 @!p0 $0xA0, s28;
	[tilespmem:s19+$0xFFFFFF70] =	vst v4  }
0x462: {  	[spmem:s10] =	stream.indirect.scatter.add.f32 [tilespmem:s11], [sflag:$0x5], $0x80, s24, s20, $0xb8;
	[tilespmem:$0x1D2E0] =	vst v63  }
0x463: {  	s2 =	rddreg [dreg:$0xe]  }
0x464: {  	s1 =	sadd.s32 @!p0 s1, s2  }
0x465: {  	[spmem:s12] =	stream.indirect.scatter.add.f32 [tilespmem:s16], [sflag:$0x5], $0x10, s24, s20, $0xb8;
	[tilespmem:$0x1D2E0] =	vst v63  }
0x466: {  	s2 =	rddreg [dreg:$0xa];
	s1 =	sshrl.u32 @!p0 s1, $0x3  }
0x467: {  	s4 =	simm.s32 @!p0 $0x0;
	s2 =	sadd.s32 @!p0 s2, s1  }
0x468: {  	[tilespmem:s4], [sflag:$0x1] =	stream.linear.gather @!p0 [hbm4b:s2+s4], $0x50, $0x38;
	[tilespmem:$0x1D2E0] =	vst v63  }
0x469: {  	s2 =	rddreg [dreg:$0xb]  }
0x46a: {  	s1 =	sadd.s32 @!p0 s2, s1;
	s2 =	simm.s32 @!p0 $0xA0  }
0x46b: {  	[tilespmem:s2], [sflag:$0x1] =	stream.linear.gather @!p0 [hbm4b:s1+s4], $0x50, $0x38;
	[tilespmem:$0x1D2E0] =	vst v63  }
0x46c: {  	_ =	swait.ge [sflag:s25], $0x1400  }
0x46d: {  	[sflag:s25] =	ssyncset.done $0x0  }
0x46e: {  	[sflag:s25] =	ssyncadd.s32 $0xFFFFEC00  }
0x46f: {  	_ =	swait.ge [sflag:s25], $0x500  }
0x470: {  	[sflag:s25] =	ssyncset.done $0x0  }
0x471: {  	[sflag:s25] =	ssyncadd.s32 $0xFFFFFB00  }
0x472: {  	_ =	swait.ge [sflag:s25], $0x500  }
0x473: {  	[sflag:s25] =	ssyncset.done $0x0  }
0x474: {  	[sflag:s25] =	ssyncadd.s32 $0xFFFFFB00  }
0x475: {  	_ =	swait.ge [sflag:s0], $0x2800  }
0x476: {  	[sflag:s0] =	ssyncset.done $0x0  }
0x477: {  	[sflag:s0] =	ssyncadd.s32 $0xFFFFD800  }
0x478: {  	_ =	swait.ge [sflag:s0], $0x500  }
0x479: {  	[sflag:s0] =	ssyncset.done $0x0  }
0x47a: {  	[sflag:s0] =	ssyncadd.s32 $0xFFFFFB00  }
0x47b: {  	v4 =	vld [tilespmem:$0xF0]  }
0x47c: {  	v5 =	vld [tilespmem:$0x100]  }
0x47d: {  	v6 =	vld [tilespmem:$0x110]  }
0x47e: {  	v7 =	vld [tilespmem:$0x120]  }
0x47f: {  	v8 =	vld [tilespmem:$0x130]  }
0x480: {  	[tilespmem:$0x190] =	vst v4  }
0x481: {  	[tilespmem:$0x1A0] =	vst v5  }
0x482: {  	[tilespmem:$0x1B0] =	vst v6  }
0x483: {  	[tilespmem:$0x1C0] =	vst v7  }
0x484: {  	s9 =	simm.s32 $0x700;
	[tilespmem:$0x1D0] =	vst v8  }
0x485: {  	s13 =	simm.s32 $0x1100;
	v4 =	vld [tilespmem:s9+$0x10]  }
0x486: {  	v5 =	vld [tilespmem:s13+$0x10]  }
0x487: {  	v6 =	vld [tilespmem:s13+$0xFFFFFFE0]  }
0x488: {  	v7 =	vld [tilespmem:s9+$0xFFFFFFF0]  }
0x489: {  	v8 =	vld [tilespmem:s13+$0xFFFFFFF0]  }
0x48a: {  	v9 =	vld [tilespmem:s9+$0x0]  }
0x48b: {  	s14 =	simm.s32 $0x740;
	v10 =	vld [tilespmem:s13+$0x0];
	v4 =	vadd.f32 v5, v4  }
0x48c: {  	v11 =	vld [tilespmem:s14+$0x10]  }
0x48d: {  	s18 =	simm.s32 $0x1140;
	v5 =	vld [tilespmem:s9+$0xFFFFFFE0];
	v12 =	vmul.f32 $2.000000030e-01, v4  }
0x48e: {  	v13 =	vld [tilespmem:s18+$0x10]  }
0x48f: {  	v14 =	vld [tilespmem:s18+$0xFFFFFFE0];
	v4 =	vmax.f32 v4, v12  }
0x490: {  	v15 =	vld [tilespmem:s18+$0x0];
	v7 =	vadd.f32 v8, v7;
	v4 =	vmul.f32 $1.442695020e+00, v4  }
0x491: {  	v8 =	vld [tilespmem:s14+$0xFFFFFFF0];
	v9 =	vadd.f32 v10, v9  }
0x492: {  	v10 =	vld [tilespmem:s18+$0xFFFFFFF0];
	v12 =	vmul.f32 $2.000000030e-01, v7;
	v5 =	vadd.f32 v6, v5;
	(erf) = vpow2.f32 v4  }
0x493: {  	s19 =	simm.s32 $0x780;
	v6 =	vld [tilespmem:s14+$0x0];
	v4 =	vmul.f32 $2.000000030e-01, v9  }
0x494: {  	v61 =	vld [tilespmem:s19+$0x10];
	v11 =	vadd.f32 v13, v11;
	v7 =	vmax.f32 v7, v12;
	v12 =	vmul.f32 $2.000000030e-01, v5  }
0x495: {  	s4 =	simm.s32 $0x1180;
	v13 =	vld [tilespmem:s14+$0xFFFFFFE0];
	v7 =	vmul.f32 $1.442695020e+00, v7;
	v4 =	vmax.f32 v9, v4  }
0x496: {  	v9 =	vmul.f32 $2.000000030e-01, v11;
	v5 =	vmax.f32 v5, v12;
	v12 =	vld [tilespmem:s4+$0x10];
	v4 =	vmul.f32 $1.442695020e+00, v4  }
0x497: {  	v8 =	vadd.f32 v10, v8;
	(erf) = vpow2.f32 v7;
	v10 =	vmul.f32 $1.442695020e+00, v5;
	v5 =	vld [tilespmem:s4+$0xFFFFFFE0]  }
0x498: {  	v15 =	vadd.f32 v15, v6;
	v7 =	vmax.f32 v11, v9;
	(erf) = vpow2.f32 v4;
	v4 =	vld [tilespmem:s19+$0xFFFFFFF0]  }
0x499: {  	v11 =	vmul.f32 $2.000000030e-01, v8;
	v62 =	vmul.f32 $1.442695020e+00, v7;
	v7 =	vld [tilespmem:s4+$0xFFFFFFF0]  }
0x49a: {  	v6 =	vld [tilespmem:s19+$0x0];
	v9 =	vadd.f32 v14, v13;
	v14 =	vmul.f32 $2.000000030e-01, v15;
	(erf) = vpow2.f32 v10  }
0x49b: {  	s6 =	simm.s32 $0x7C0;
	s1 =	simm.s32 $0x6600;
	v10 =	vmax.f32 v8, v11;
	v8 =	vld [tilespmem:s4+$0x0];
	(erf) = vpow2.f32 v62;
	v11 =	vadd.f32 v12, v61;
	v63 =	vpop (erf)  }
0x49c: {  	s5 =	simm.s32 $0x8;
	v13 =	vmul.f32 $2.000000030e-01, v9;
	v12 =	vmul.f32 $1.442695020e+00, v10;
	v10 =	vld [tilespmem:s19+$0xFFFFFFE0];
	v14 =	vmax.f32 v15, v14;
	[tilespmem:s1+$0x10] =	vst v63  }
.LBB2_42:
0x49d: {  	v16 =	vmul.f32 $2.000000030e-01, v11  }
0x49e: {  	v15 =	vld [tilespmem:s6+$0x10];
	s4 =	sadd.s32 $0x40, s4;
	v20 =	vmax.f32 v9, v13;
	v13 =	vmul.f32 $1.442695020e+00, v14;
	v17 =	vadd.f32 v7, v4  }
0x49f: {  	s5 =	sadd.s32 $0x4, s5;
	v14 =	vld [tilespmem:s4+$0x10];
	v18 =	vmul.f32 $1.442695020e+00, v20;
	(erf) = vpow2.f32 v12  }
0x4a0: {  	p1 =	slt.u32 s5, $0x4C;
	v19 =	vld [tilespmem:s4+$0xFFFFFFE0];
	v7 =	vmax.f32 v11, v16;
	(erf) = vpow2.f32 v13;
	v9 =	vpop (erf);
	v11 =	vmul.f32 $2.000000030e-01, v17  }
.Ltmp26:
0x4a1: {  	v4 =	vld [tilespmem:s6+$0xFFFFFFF0];
	v16 =	vadd.f32 v8, v6;
	v8 =	vmul.f32 $1.442695020e+00, v7;
	[tilespmem:s1+$0xFFFFFFF0] =	vst v9;
	v6 =	vpop (erf);
	(pc) =	sbr.rel @p1 .LBB2_42-.Ltmp26, $4  }
0x4a2: {  	v7 =	vld [tilespmem:s4+$0xFFFFFFF0];
	v9 =	vadd.f32 v5, v10;
	(erf) = vpow2.f32 v18;
	[tilespmem:s1+$0x0] =	vst v6  }
0x4a3: {  	v6 =	vld [tilespmem:s6+$0x0];
	v18 =	vmax.f32 v17, v11;
	v17 =	vmul.f32 $2.000000030e-01, v16;
	(erf) = vpow2.f32 v8;
	v10 =	vpop (erf)  }
0x4a4: {  	v8 =	vld [tilespmem:s4+$0x0];
	v11 =	vadd.f32 v14, v15;
	v13 =	vmul.f32 $2.000000030e-01, v9;
	v12 =	vmul.f32 $1.442695020e+00, v18;
	v5 =	vpop (erf);
	[tilespmem:s1+$0xFFFFFFE0] =	vst v10;
	s1 =	sadd.s32 $0x40, s1  }
0x4a5: {  	v10 =	vld [tilespmem:s6+$0xFFFFFFE0];
	s6 =	sadd.s32 $0x40, s6;
	v14 =	vmax.f32 v16, v17;
	[tilespmem:s1+$0x10] =	vst v5;
	v5 =	vmov v19  }
0x4a6: {  	_ =	sdelay $0x1  }
0x4a7: {  	v15 =	vmul.f32 $2.000000030e-01, v11;
	v9 =	vmax.f32 v9, v13;
	v4 =	vadd.f32 v7, v4  }
0x4a8: {  	(erf) = vpow2.f32 v12;
	v7 =	vmul.f32 $1.442695020e+00, v14;
	v6 =	vadd.f32 v8, v6  }
0x4a9: {  	v9 =	vmul.f32 $1.442695020e+00, v9;
	v8 =	vmul.f32 $2.000000030e-01, v4;
	v5 =	vadd.f32 v5, v10  }
0x4aa: {  	(erf) = vpow2.f32 v7;
	v10 =	vmax.f32 v11, v15;
	v7 =	vmul.f32 $2.000000030e-01, v6  }
0x4ab: {  	v10 =	vmul.f32 $1.442695020e+00, v10;
	v4 =	vmax.f32 v4, v8;
	v8 =	vmul.f32 $2.000000030e-01, v5  }
0x4ac: {  	(erf) = vpow2.f32 v9;
	v4 =	vmul.f32 $1.442695020e+00, v4  }
0x4ad: {  	v6 =	vmax.f32 v6, v7;
	(erf) = vpow2.f32 v10;
	v5 =	vmax.f32 v5, v8  }
0x4ae: {  	v6 =	vmul.f32 $1.442695020e+00, v6;
	v5 =	vmul.f32 $1.442695020e+00, v5  }
0x4af: {  	(erf) = vpow2.f32 v4  }
0x4b0: {  	v4 =	vpop (erf);
	(erf) = vpow2.f32 v6  }
0x4b1: {  	[tilespmem:s1+$0xFFFFFFF0] =	vst v4;
	v4 =	vpop (erf);
	(erf) = vpow2.f32 v5  }
0x4b2: {  	[tilespmem:s1+$0x0] =	vst v4;
	v5 =	vpop (erf)  }
0x4b3: {  	s19 =	sadd.s32 $0x40, s1;
	v4 =	vpop (erf);
	[tilespmem:s1+$0xFFFFFFE0] =	vst v5  }
0x4b4: {  	v5 =	vpop (erf);
	[tilespmem:s19+$0x10] =	vst v4  }
0x4b5: {  	[tilespmem:s19+$0xFFFFFFF0] =	vst v5;
	v4 =	vpop (erf)  }
0x4b6: {  	p3 =	por $0x1, $0x1;
	[tilespmem:s19+$0x0] =	vst v4;
	v4 =	vpop (erf)  }
.Ltmp27:
0x4b7: {  	s2 =	sadd.s32 $0x40, s19;
	v5 =	vpop (erf);
	[tilespmem:s19+$0xFFFFFFE0] =	vst v4;
	(pc) =	sbr.rel @!p3 .LBB2_44-.Ltmp27, $4  }
0x4b8: {  	[tilespmem:s2+$0x10] =	vst v5;
	v4 =	vpop (erf)  }
0x4b9: {  	s5 =	simm.s32 $0x10;
	s6 =	simm.s32 $0x20;
	[tilespmem:s2+$0xFFFFFFF0] =	vst v4;
	v4 =	vpop (erf)  }
0x4ba: {  	s4 =	simm.s32 $0x0;
	s18 =	simm.s32 $0x2A60;
	v14 =	vor.u32 s5, v0;
	v16 =	vor.u32 s6, v0;
	v12 =	vor.u32 s6, v2;
	s1 =	simm.s32 $0x30;
	[tilespmem:s2+$0x0] =	vst v4;
	v4 =	vpop (erf)  }
0x4bb: {  	p1 =	por $0x0, $0x0;
	p2 =	por $0x0, $0x0;
	v10 =	vor.u32 s4, v0;
	v7 =	vor.u32 s5, v2;
	v18 =	vor.u32 s1, v0;
	s19 =	simm.s32 $0x3EE0;
	[tilespmem:s2+$0xFFFFFFE0] =	vst v4  }
0x4bc: {  	_ =	sdelay $0x2  }
0x4bd: {  	v4 =	vld [tilespmem:s18+$0x40]  }
0x4be: {  	v8 =	vld.idx.msk [tilespmem:v18+s16+$0x0], $0xffff  }
0x4bf: {  	v5 =	vor.u32 s1, v2  }
0x4c0: {  	v6 =	vld [tilespmem:s18+$0xFFFFFFC0]  }
0x4c1: {  	v11 =	vld [tilespmem:s18+$0x0]  }
0x4c2: {  	v13 =	vld.idx.msk [tilespmem:v14+s16+$0x0], $0xffff;
	v9 =	vunpack.i.l.bf16.f32 v4  }
0x4c3: {  	v14 =	vld.idx.msk [tilespmem:v16+s16+$0x0], $0xffff;
	v4 =	vunpack.i.u.bf16.f32 v4;
	v9 =	vmul.f32 v9, v8  }
0x4c4: {  	v15 =	vmul.f32 v4, v8;
	v4 =	vld.idx.msk [tilespmem:v5+s16+$0x0], $0xffff  }
0x4c5: {  	v5 =	vld [tilespmem:s18+$0xFFFFFF80];
	[tilespmem:s19+$0x80] =	vst v9  }
0x4c6: {  	v10 =	vld.idx.msk [tilespmem:v10+s16+$0x0], $0xffff;
	v9 =	vunpack.i.l.bf16.f32 v6;
	[tilespmem:s19+$0x90] =	vst v15  }
0x4c7: {  	v15 =	vor.u32 s4, v2;
	v6 =	vunpack.i.u.bf16.f32 v6;
	v16 =	vmul.f32 v9, v13;
	v17 =	vld [tilespmem:s18+$0x50]  }
0x4c8: {  	v18 =	vunpack.i.l.bf16.f32 v11;
	v19 =	vmul.f32 v6, v13  }
0x4c9: {  	v9 =	vld.idx.msk [tilespmem:v7+s16+$0x0], $0xffff;
	v7 =	vunpack.i.u.bf16.f32 v11;
	v11 =	vmul.f32 v18, v14;
	[tilespmem:s19+$0xFFFFFF80] =	vst v16  }
0x4ca: {  	v6 =	vld.idx.msk [tilespmem:v12+s16+$0x0], $0xffff;
	v7 =	vmul.f32 v7, v14;
	v16 =	vunpack.i.l.bf16.f32 v5;
	[tilespmem:s19+$0xFFFFFF90] =	vst v19  }
0x4cb: {  	v12 =	vunpack.i.u.bf16.f32 v5;
	[tilespmem:s19+$0x0] =	vst v11;
	v16 =	vmul.f32 v16, v10;
	v18 =	vld [tilespmem:s18+$0xFFFFFFD0]  }
0x4cc: {  	v11 =	vmul.f32 v12, v10;
	[tilespmem:s19+$0x10] =	vst v7;
	v5 =	vld.idx.msk [tilespmem:v15+s16+$0x0], $0xffff;
	v7 =	vunpack.i.l.bf16.f32 v17  }
0x4cd: {  	v12 =	vld [tilespmem:s18+$0x10];
	[tilespmem:s19+$0xFFFFFF00] =	vst v16;
	v15 =	vunpack.i.u.bf16.f32 v17;
	v7 =	vmul.f32 v7, v8  }
0x4ce: {  	[tilespmem:s19+$0xFFFFFF10] =	vst v11;
	v8 =	vmul.f32 v15, v8  }
0x4cf: {  	v11 =	vld [tilespmem:s18+$0xFFFFFF90];
	[tilespmem:s19+$0xA0] =	vst v7  }
0x4d0: {  	v7 =	vunpack.i.l.bf16.f32 v18;
	[tilespmem:s19+$0xB0] =	vst v8  }
0x4d1: {  	v8 =	vunpack.i.u.bf16.f32 v18;
	v7 =	vmul.f32 v7, v13;
	v15 =	vld [tilespmem:s18+$0x60]  }
0x4d2: {  	v8 =	vmul.f32 v8, v13;
	v13 =	vunpack.i.l.bf16.f32 v12;
	v12 =	vunpack.i.u.bf16.f32 v12  }
0x4d3: {  	v12 =	vmul.f32 v12, v14;
	[tilespmem:s19+$0xFFFFFFA0] =	vst v7  }
0x4d4: {  	p3 =	por $0x1, $0x1;
	v7 =	vmul.f32 v13, v14;
	v13 =	vunpack.i.l.bf16.f32 v11;
	[tilespmem:s19+$0xFFFFFFB0] =	vst v8  }
.Ltmp28:
0x4d5: {  	v8 =	vunpack.i.u.bf16.f32 v11;
	v11 =	vmul.f32 v13, v10;
	[tilespmem:s19+$0x30] =	vst v12;
	(pc) =	sbr.rel @!p3 .LBB2_46-.Ltmp28, $4  }
0x4d6: {  	s1 =	simm.s32 $0x70;
	s5 =	simm.s32 $0x60;
	[tilespmem:s19+$0x20] =	vst v7;
	v7 =	vmul.f32 v8, v10;
	v8 =	vunpack.i.l.bf16.f32 v15  }
0x4d7: {  	s2 =	simm.s32 $0x50;
	v16 =	vor.u32 s5, v0;
	v18 =	vor.u32 s1, v0;
	v19 =	vld [tilespmem:s18+$0xFFFFFFE0];
	[tilespmem:s19+$0xFFFFFF20] =	vst v11;
	v8 =	vmul.f32 v8, v4  }
0x4d8: {  	s4 =	simm.s32 $0x40;
	v14 =	vor.u32 s2, v0;
	v12 =	vor.u32 s5, v2;
	v11 =	vunpack.i.u.bf16.f32 v15;
	v21 =	vld [tilespmem:s18+$0x20];
	[tilespmem:s19+$0xFFFFFF30] =	vst v7  }
0x4d9: {  	p1 =	por $0x1, $0x1;
	v10 =	vor.u32 s4, v0;
	v24 =	vmul.f32 v11, v4;
	v7 =	vor.u32 s2, v2;
	v22 =	vld [tilespmem:s18+$0xFFFFFFA0];
	[tilespmem:s19+$0xC0] =	vst v8  }
0x4da: {  	_ = 	snop  }
0x4db: {  	[tilespmem:s19+$0xD0] =	vst v24  }
0x4dc: {  	s7 =	simm.s32 $0x2B60;
	v8 =	vunpack.i.l.bf16.f32 v19;
	v11 =	vld [tilespmem:s18+$0x70]  }
0x4dd: {  	v15 =	vld [tilespmem:s7+$0x40];
	v13 =	vunpack.i.u.bf16.f32 v19;
	v8 =	vmul.f32 v8, v9  }
0x4de: {  	v18 =	vld.idx.msk [tilespmem:v18+s16+$0x0], $0xffff;
	v13 =	vmul.f32 v13, v9;
	v17 =	vunpack.i.l.bf16.f32 v21  }
0x4df: {  	v20 =	vor.u32 s1, v2;
	v14 =	vld.idx.msk [tilespmem:v14+s16+$0x0], $0xffff;
	v19 =	vunpack.i.u.bf16.f32 v21;
	[tilespmem:s19+$0xFFFFFFC0] =	vst v8;
	v8 =	vmul.f32 v17, v6  }
0x4e0: {  	v16 =	vld.idx.msk [tilespmem:v16+s16+$0x0], $0xffff;
	v19 =	vmul.f32 v19, v6;
	v21 =	vunpack.i.u.bf16.f32 v22;
	v22 =	vunpack.i.l.bf16.f32 v22;
	[tilespmem:s19+$0xFFFFFFD0] =	vst v13  }
0x4e1: {  	v13 =	vld [tilespmem:s7+$0xFFFFFFC0];
	v22 =	vmul.f32 v22, v5;
	v21 =	vmul.f32 v21, v5;
	[tilespmem:s19+$0x40] =	vst v8;
	v8 =	vunpack.i.l.bf16.f32 v11  }
0x4e2: {  	v10 =	vld.idx.msk [tilespmem:v10+s16+$0x0], $0xffff;
	[tilespmem:s19+$0x50] =	vst v19;
	v11 =	vunpack.i.u.bf16.f32 v11;
	v19 =	vmul.f32 v8, v4;
	v8 =	vunpack.i.l.bf16.f32 v15  }
0x4e3: {  	v23 =	vld [tilespmem:s7+$0x0];
	[tilespmem:s19+$0xFFFFFF40] =	vst v22;
	v11 =	vmul.f32 v11, v4;
	v4 =	vunpack.i.u.bf16.f32 v15;
	v8 =	vmul.f32 v8, v18  }
0x4e4: {  	s8 =	simm.s32 $0x40E0;
	v17 =	vld [tilespmem:s7+$0xFFFFFF80];
	[tilespmem:s19+$0xFFFFFF50] =	vst v21;
	v15 =	vmul.f32 v4, v18  }
0x4e5: {  	v4 =	vld.idx.msk [tilespmem:v20+s16+$0x0], $0xffff;
	[tilespmem:s8+$0x80] =	vst v8  }
0x4e6: {  	v8 =	vld.idx.msk [tilespmem:v12+s16+$0x0], $0xffff;
	v12 =	vunpack.i.l.bf16.f32 v13;
	[tilespmem:s8+$0x90] =	vst v15  }
0x4e7: {  	[tilespmem:s19+$0xF0] =	vst v11;
	v11 =	vunpack.i.u.bf16.f32 v13;
	v15 =	vor.u32 s4, v2;
	v12 =	vmul.f32 v12, v14;
	v20 =	vld [tilespmem:s7+$0x50]  }
0x4e8: {  	[tilespmem:s19+$0xE0] =	vst v19;
	v13 =	vunpack.i.l.bf16.f32 v23;
	v19 =	vmul.f32 v11, v14;
	v11 =	vld.idx.msk [tilespmem:v7+s16+$0x0], $0xffff  }
0x4e9: {  	v7 =	vunpack.i.u.bf16.f32 v23;
	v13 =	vmul.f32 v13, v16;
	[tilespmem:s8+$0xFFFFFF80] =	vst v12;
	v12 =	vld [tilespmem:s18+$0xFFFFFFF0]  }
0x4ea: {  	v21 =	vunpack.i.l.bf16.f32 v17;
	v7 =	vmul.f32 v7, v16;
	[tilespmem:s8+$0xFFFFFF90] =	vst v19;
	v19 =	vld [tilespmem:s18+$0x30]  }
0x4eb: {  	v17 =	vunpack.i.u.bf16.f32 v17;
	v21 =	vmul.f32 v21, v10;
	[tilespmem:s8+$0x0] =	vst v13;
	v22 =	vld [tilespmem:s7+$0xFFFFFFD0]  }
0x4ec: {  	[tilespmem:s8+$0x10] =	vst v7;
	v13 =	vld.idx.msk [tilespmem:v15+s16+$0x0], $0xffff;
	v15 =	vmul.f32 v17, v10;
	v7 =	vunpack.i.l.bf16.f32 v20  }
0x4ed: {  	[tilespmem:s8+$0xFFFFFF00] =	vst v21;
	v17 =	vld [tilespmem:s7+$0x10];
	v20 =	vunpack.i.u.bf16.f32 v20;
	v7 =	vmul.f32 v7, v18  }
0x4ee: {  	v21 =	vld [tilespmem:s18+$0xFFFFFFB0];
	[tilespmem:s8+$0xFFFFFF10] =	vst v15;
	v15 =	vmul.f32 v20, v18;
	v18 =	vunpack.i.l.bf16.f32 v12  }
0x4ef: {  	v12 =	vunpack.i.u.bf16.f32 v12;
	v20 =	vld [tilespmem:s7+$0xFFFFFF90];
	[tilespmem:s8+$0xA0] =	vst v7;
	v7 =	vmul.f32 v18, v9  }
0x4f0: {  	v18 =	vunpack.i.u.bf16.f32 v19;
	v23 =	vunpack.i.l.bf16.f32 v22;
	[tilespmem:s8+$0xB0] =	vst v15;
	v9 =	vmul.f32 v12, v9  }
0x4f1: {  	v12 =	vunpack.i.l.bf16.f32 v19;
	v15 =	vunpack.i.u.bf16.f32 v22;
	v19 =	vmul.f32 v23, v14;
	v22 =	vld [tilespmem:s7+$0x60];
	[tilespmem:s19+$0xFFFFFFE0] =	vst v7  }
0x4f2: {  	s1 =	simm.s32 $0xB0;
	v23 =	vmul.f32 v18, v6;
	v7 =	vmul.f32 v15, v14;
	v15 =	vunpack.i.l.bf16.f32 v17;
	[tilespmem:s19+$0xFFFFFFF0] =	vst v9  }
0x4f3: {  	v18 =	vor.u32 s1, v0;
	v14 =	vunpack.i.u.bf16.f32 v17;
	[tilespmem:s8+$0xFFFFFFA0] =	vst v19;
	v9 =	vmul.f32 v15, v16  }
0x4f4: {  	p3 =	por $0x1, $0x1;
	v17 =	vunpack.i.u.bf16.f32 v21;
	v14 =	vmul.f32 v14, v16;
	v16 =	vunpack.i.l.bf16.f32 v20;
	[tilespmem:s8+$0xFFFFFFB0] =	vst v7  }
.Ltmp29:
0x4f5: {  	v15 =	vunpack.i.u.bf16.f32 v20;
	v20 =	vmul.f32 v12, v6;
	v12 =	vmul.f32 v16, v10;
	[tilespmem:s8+$0x20] =	vst v9;
	v19 =	vld [tilespmem:s7+$0xFFFFFFE0];
	(pc) =	sbr.rel @!p3 .LBB2_48-.Ltmp29, $4  }
0x4f6: {  	v7 =	vunpack.i.l.bf16.f32 v21;
	v16 =	vmul.f32 v15, v10;
	[tilespmem:s8+$0x30] =	vst v14;
	v9 =	vunpack.i.l.bf16.f32 v22  }
0x4f7: {  	s2 =	simm.s32 $0x90;
	s4 =	simm.s32 $0x80;
	v15 =	vmul.f32 v7, v5;
	v6 =	vunpack.i.u.bf16.f32 v22;
	v21 =	vld [tilespmem:s7+$0x20];
	[tilespmem:s8+$0xFFFFFF20] =	vst v12;
	v9 =	vmul.f32 v9, v4  }
0x4f8: {  	s5 =	simm.s32 $0xA0;
	s6 =	simm.s32 $0xC;
	p2 =	por $0x1, $0x1;
	v10 =	vor.u32 s4, v0;
	v14 =	vor.u32 s2, v0;
	[tilespmem:s8+$0xFFFFFF30] =	vst v16;
	v24 =	vmul.f32 v6, v4  }
0x4f9: {  	s14 =	simm.s32 $0x3EE0;
	s13 =	simm.s32 $0x40E0;
	v7 =	vor.u32 s2, v2;
	v16 =	vor.u32 s5, v0;
	v12 =	vor.u32 s5, v2;
	s5 =	simm.s32 $0x2B60;
	v22 =	vld [tilespmem:s7+$0xFFFFFFA0];
	[tilespmem:s8+$0xC0] =	vst v9  }
.LBB2_49:
0x4fa: {  	p3 =	slt.u32 s6, $0x4C;
	v6 =	vor.u32 s4, v2;
	v9 =	vunpack.i.u.bf16.f32 v19;
	v19 =	vunpack.i.l.bf16.f32 v19;
	[tilespmem:s8+$0xD0] =	vst v24  }
0x4fb: {  	s5 =	sadd.s32 $0x100, s5;
	v19 =	vmul.f32 v19, v11;
	v9 =	vmul.f32 v9, v11;
	v24 =	vld [tilespmem:s7+$0x70];
	[tilespmem:s14+$0x60] =	vst v20  }
0x4fc: {  	v17 =	vmul.f32 v17, v5;
	v5 =	vmovc v13;
	v20 =	vld [tilespmem:s5+$0x40];
	v25 =	vunpack.i.u.bf16.f32 v21;
	v21 =	vunpack.i.l.bf16.f32 v21;
	[tilespmem:s14+$0x70] =	vst v23  }
0x4fd: {  	v18 =	vld.idx.msk [tilespmem:v18+s16+$0x0], $0xffff;
	[tilespmem:s8+$0xFFFFFFC0] =	vst v19;
	v13 =	vmul.f32 v21, v8;
	v19 =	vmul.f32 v25, v8  }
0x4fe: {  	v21 =	vld [tilespmem:s5+$0xFFFFFF80];
	v23 =	vunpack.i.u.bf16.f32 v22;
	v22 =	vunpack.i.l.bf16.f32 v22;
	[tilespmem:s8+$0xFFFFFFD0] =	vst v9  }
0x4ff: {  	v9 =	vld [tilespmem:s5+$0xFFFFFFC0];
	v22 =	vmul.f32 v22, v5;
	v23 =	vmul.f32 v23, v5;
	[tilespmem:s8+$0x40] =	vst v13  }
0x500: {  	v25 =	vor.u32 s1, v2;
	v13 =	vld [tilespmem:s5+$0x0];
	[tilespmem:s8+$0x50] =	vst v19;
	v19 =	vunpack.i.u.bf16.f32 v24;
	v24 =	vunpack.i.l.bf16.f32 v24  }
0x501: {  	v14 =	vld.idx.msk [tilespmem:v14+s16+$0x0], $0xffff;
	[tilespmem:s8+$0xFFFFFF40] =	vst v22;
	v22 =	vmul.f32 v24, v4;
	v4 =	vmul.f32 v19, v4  }
0x502: {  	v19 =	vunpack.i.l.bf16.f32 v20;
	v16 =	vld.idx.msk [tilespmem:v16+s16+$0x0], $0xffff;
	[tilespmem:s8+$0xFFFFFF50] =	vst v23  }
0x503: {  	v20 =	vunpack.i.u.bf16.f32 v20;
	v19 =	vmul.f32 v19, v18;
	v10 =	vld.idx.msk [tilespmem:v10+s16+$0x0], $0xffff;
	v23 =	vunpack.i.u.bf16.f32 v21;
	[tilespmem:s8+$0xF0] =	vst v4  }
0x504: {  	v20 =	vmul.f32 v20, v18;
	v21 =	vunpack.i.l.bf16.f32 v21;
	s8 =	sadd.s32 $0x200, s8;
	v24 =	vunpack.i.u.bf16.f32 v9;
	v12 =	vld.idx.msk [tilespmem:v12+s16+$0x0], $0xffff;
	[tilespmem:s13+$0xE0] =	vst v22  }
0x505: {  	v9 =	vunpack.i.l.bf16.f32 v9;
	v22 =	vunpack.i.u.bf16.f32 v13;
	v26 =	vunpack.i.l.bf16.f32 v13;
	v4 =	vld.idx.msk [tilespmem:v25+s16+$0x0], $0xffff;
	[tilespmem:s8+$0x80] =	vst v19  }
0x506: {  	v13 =	vld.idx.msk [tilespmem:v6+s16+$0x0], $0xffff;
	[tilespmem:s8+$0x90] =	vst v20  }
0x507: {  	v6 =	vmul.f32 v9, v14;
	v9 =	vmul.f32 v24, v14;
	v19 =	vld [tilespmem:s5+$0x50];
	[tilespmem:s14+$0xFFFFFF60] =	vst v15  }
0x508: {  	v15 =	vmul.f32 v26, v16;
	v20 =	vmul.f32 v22, v16;
	v7 =	vld.idx.msk [tilespmem:v7+s16+$0x0], $0xffff;
	[tilespmem:s14+$0xFFFFFF70] =	vst v17;
	s14 =	smov.u32 s13;
	s13 =	smov.u32 s8  }
0x509: {  	v17 =	vmul.f32 v21, v10;
	v21 =	vmul.f32 v23, v10;
	[tilespmem:s8+$0xFFFFFF80] =	vst v6;
	v6 =	vld [tilespmem:s7+$0xFFFFFFF0]  }
0x50a: {  	[tilespmem:s8+$0xFFFFFF90] =	vst v9;
	v9 =	vld [tilespmem:s7+$0x30]  }
0x50b: {  	v22 =	vld [tilespmem:s5+$0xFFFFFFD0];
	[tilespmem:s8+$0x0] =	vst v15  }
0x50c: {  	[tilespmem:s8+$0x10] =	vst v20;
	v15 =	vunpack.i.l.bf16.f32 v19;
	v20 =	vld [tilespmem:s7+$0xFFFFFFB0];
	s7 =	smov.u32 s5  }
0x50d: {  	[tilespmem:s8+$0xFFFFFF00] =	vst v17;
	v23 =	vld [tilespmem:s5+$0x10];
	v17 =	vunpack.i.u.bf16.f32 v19;
	v15 =	vmul.f32 v15, v18  }
0x50e: {  	[tilespmem:s8+$0xFFFFFF10] =	vst v21;
	v17 =	vmul.f32 v17, v18;
	v18 =	vunpack.i.u.bf16.f32 v6;
	v6 =	vunpack.i.l.bf16.f32 v6  }
0x50f: {  	v19 =	vld [tilespmem:s5+$0xFFFFFF90];
	[tilespmem:s8+$0xA0] =	vst v15;
	v6 =	vmul.f32 v6, v11;
	v21 =	vunpack.i.u.bf16.f32 v9;
	v9 =	vunpack.i.l.bf16.f32 v9  }
0x510: {  	v18 =	vmul.f32 v18, v11;
	v11 =	vmovc v7;
	v15 =	vunpack.i.u.bf16.f32 v22;
	v22 =	vunpack.i.l.bf16.f32 v22;
	[tilespmem:s8+$0xB0] =	vst v17  }
0x511: {  	v7 =	vmul.f32 v22, v14;
	v14 =	vmul.f32 v15, v14;
	v22 =	vld [tilespmem:s5+$0x60];
	v17 =	vunpack.i.u.bf16.f32 v20;
	[tilespmem:s14+$0xFFFFFFE0] =	vst v6  }
0x512: {  	v6 =	vunpack.i.u.bf16.f32 v23;
	v15 =	vunpack.i.l.bf16.f32 v23;
	v23 =	vunpack.i.l.bf16.f32 v20;
	[tilespmem:s14+$0xFFFFFFF0] =	vst v18  }
0x513: {  	[tilespmem:s8+$0xFFFFFFA0] =	vst v7;
	v7 =	vmul.f32 v15, v16;
	v6 =	vmul.f32 v6, v16  }
0x514: {  	v20 =	vmul.f32 v9, v8;
	v15 =	vunpack.i.u.bf16.f32 v19;
	v16 =	vunpack.i.l.bf16.f32 v19;
	[tilespmem:s8+$0xFFFFFFB0] =	vst v14  }
.Ltmp30:
0x515: {  	v9 =	vmul.f32 v16, v10;
	v16 =	vmul.f32 v15, v10;
	v19 =	vld [tilespmem:s5+$0xFFFFFFE0];
	[tilespmem:s8+$0x20] =	vst v7;
	(pc) =	sbr.rel @p3 .LBB2_49-.Ltmp30, $4  }
0x516: {  	s4 =	sshll.u32 s6, $0x4;
	v15 =	vmul.f32 v23, v5;
	v23 =	vmul.f32 v21, v8;
	v8 =	vmovc v12;
	[tilespmem:s8+$0x30] =	vst v6;
	v6 =	vunpack.i.l.bf16.f32 v22  }
0x517: {  	s2 =	sadd.s32 $0x10, s4;
	s9 =	sadd.s32 $0x20, s4;
	s1 =	sadd.s32 $0x30, s4;
	v10 =	vor.u32 s4, v0;
	v7 =	vunpack.i.u.bf16.f32 v22;
	[tilespmem:s8+$0xFFFFFF20] =	vst v9;
	v21 =	vld [tilespmem:s5+$0x20];
	v6 =	vmul.f32 v6, v4  }
0x518: {  	v18 =	vor.u32 s1, v0;
	v14 =	vor.u32 s2, v0;
	v24 =	vmul.f32 v7, v4;
	[tilespmem:s8+$0xFFFFFF30] =	vst v16  }
0x519: {  	s6 =	sadd.s32 $0x4, s6;
	v12 =	vor.u32 s9, v2;
	v7 =	vor.u32 s2, v2;
	v16 =	vor.u32 s9, v0;
	v22 =	vld [tilespmem:s5+$0xFFFFFFA0];
	[tilespmem:s8+$0xC0] =	vst v6  }
0x51a: {  	v25 =	vmovc v5;
	v9 =	vmov v11;
	v5 =	vmov v13;
	v6 =	vmov v8  }
.LBB2_51:
0x51b: {  	[tilespmem:s8+$0xD0] =	vst @p1 v24  }
0x51c: {  	v8 =	vunpack.i.l.bf16.f32 @p1 v19;
	s2 =	sadd.s32 @p1 $0x100, s5;
	[tilespmem:s14+$0x60] =	vst @p2 v20;
	v13 =	vld @p1 [tilespmem:s7+$0x70]  }
0x51d: {  	v11 =	vunpack.i.u.bf16.f32 @p1 v19;
	[tilespmem:s14+$0x70] =	vst @p2 v23;
	v8 =	vmul.f32 @p1 v8, v9;
	s18 =	smov.u32 @p1 s2  }
0x51e: {  	[tilespmem:s14+$0xFFFFFF60] =	vst @p2 v15;
	v11 =	vmul.f32 @p1 v11, v9;
	v19 =	vunpack.i.l.bf16.f32 @p1 v21;
	v21 =	vunpack.i.u.bf16.f32 @p1 v21;
	v52 =	vld [tilespmem:s18+$0x40]  }
0x51f: {  	v18 =	vld.idx.msk [tilespmem:v18+s16+$0x0], $0xffff;
	[tilespmem:s8+$0xFFFFFFC0] =	vst @p1 v8;
	v8 =	vmul.f32 @p1 v19, v6;
	v19 =	vmul.f32 @p1 v21, v6  }
0x520: {  	v21 =	vunpack.i.l.bf16.f32 @p1 v22;
	[tilespmem:s8+$0xFFFFFFD0] =	vst @p1 v11  }
0x521: {  	v53 =	vor.u32 s1, v2;
	v54 =	vld [tilespmem:s18+$0xFFFFFFC0];
	v21 =	vmul.f32 @p1 v21, v5;
	[tilespmem:s8+$0x50] =	vst @p1 v19;
	v19 =	vunpack.i.u.bf16.f32 @p1 v13  }
0x522: {  	v14 =	vld.idx.msk [tilespmem:v14+s16+$0x0], $0xffff;
	[tilespmem:s8+$0x40] =	vst @p1 v8;
	v13 =	vunpack.i.l.bf16.f32 @p1 v13;
	v19 =	vmul.f32 @p1 v19, v4  }
0x523: {  	v57 =	vld.idx.msk [tilespmem:v16+s16+$0x0], $0xffff;
	[tilespmem:s8+$0xFFFFFF40] =	vst @p1 v21;
	v4 =	vmul.f32 @p1 v13, v4;
	v56 =	vunpack.i.l.bf16.f32 v52  }
0x524: {  	s1 =	sadd.s32 @p1 $0x200, s8;
	v55 =	vld [tilespmem:s18+$0x0];
	v58 =	vunpack.i.u.bf16.f32 v52;
	v13 =	vmul.f32 v56, v18;
	[tilespmem:s8+$0xF0] =	vst @p1 v19  }
0x525: {  	s19 =	smov.u32 @p1 s1;
	v59 =	vld [tilespmem:s18+$0xFFFFFF80];
	v11 =	vunpack.i.u.bf16.f32 @p1 v22;
	v16 =	vmul.f32 v58, v18;
	[tilespmem:s13+$0xE0] =	vst @p1 v4  }
0x526: {  	v11 =	vmul.f32 @p1 v11, v5;
	v62 =	vunpack.i.u.bf16.f32 v54;
	v4 =	vld.idx.msk [tilespmem:v53+s16+$0x0], $0xffff;
	[tilespmem:s19+$0x80] =	vst v13  }
0x527: {  	v10 =	vld.idx.msk [tilespmem:v10+s16+$0x0], $0xffff;
	v60 =	vunpack.i.l.bf16.f32 v54;
	v19 =	vmul.f32 v62, v14;
	[tilespmem:s19+$0x90] =	vst v16  }
0x528: {  	v61 =	vor.u32 s4, v2;
	[tilespmem:s8+$0xFFFFFF50] =	vst @p1 v11;
	v13 =	vmul.f32 @p2 v17, v25;
	v17 =	vmul.f32 v60, v14;
	v63 =	vld [tilespmem:s18+$0x50]  }
0x529: {  	v7 =	vld.idx.msk [tilespmem:v7+s16+$0x0], $0xffff;
	v24 =	vunpack.i.l.bf16.f32 v55;
	[tilespmem:s19+$0xFFFFFF90] =	vst v19  }
0x52a: {  	v15 =	vmul.f32 v24, v57;
	v25 =	vunpack.i.u.bf16.f32 v55;
	[tilespmem:s19+$0xFFFFFF80] =	vst v17;
	v17 =	vld @p1 [tilespmem:s7+$0xFFFFFFF0]  }
0x52b: {  	v12 =	vld.idx.msk [tilespmem:v12+s16+$0x0], $0xffff;
	v26 =	vunpack.i.l.bf16.f32 v59;
	[tilespmem:s14+$0xFFFFFF70] =	vst @p2 v13;
	v13 =	vmul.f32 v25, v57  }
0x52c: {  	v8 =	vunpack.i.u.bf16.f32 v59;
	v27 =	vmul.f32 v26, v10;
	[tilespmem:s19+$0x0] =	vst v15;
	v28 =	vld [tilespmem:s18+$0xFFFFFFD0]  }
0x52d: {  	v29 =	vld.idx.msk [tilespmem:v61+s16+$0x0], $0xffff;
	v8 =	vmul.f32 v8, v10;
	[tilespmem:s19+$0x10] =	vst v13;
	v30 =	vunpack.i.l.bf16.f32 v63  }
0x52e: {  	[tilespmem:s19+$0xFFFFFF00] =	vst v27;
	v31 =	vld [tilespmem:s18+$0x10];
	v32 =	vunpack.i.u.bf16.f32 v63;
	v13 =	vmul.f32 v30, v18  }
0x52f: {  	[tilespmem:s19+$0xFFFFFF10] =	vst v8;
	v33 =	vmul.f32 v32, v18;
	v18 =	vunpack.i.l.bf16.f32 @p1 v17;
	v17 =	vunpack.i.u.bf16.f32 @p1 v17  }
0x530: {  	v34 =	vld [tilespmem:s18+$0xFFFFFF90];
	v8 =	vmul.f32 @p1 v17, v9;
	[tilespmem:s19+$0xA0] =	vst v13  }
0x531: {  	s1 =	smov.u32 @p1 s13;
	v35 =	vunpack.i.l.bf16.f32 v28;
	v13 =	vmul.f32 @p1 v18, v9;
	[tilespmem:s19+$0xB0] =	vst v33  }
0x532: {  	v36 =	vunpack.i.u.bf16.f32 v28;
	v37 =	vmul.f32 v35, v14;
	v38 =	vld [tilespmem:s18+$0x60];
	[tilespmem:s1+$0xFFFFFFF0] =	vst @p1 v8  }
0x533: {  	v9 =	vmul.f32 v36, v14;
	v39 =	vunpack.i.l.bf16.f32 v31;
	[tilespmem:s1+$0xFFFFFFE0] =	vst @p1 v13;
	v13 =	vld @p1 [tilespmem:s7+$0x30]  }
0x534: {  	v40 =	vunpack.i.u.bf16.f32 v31;
	[tilespmem:s19+$0xFFFFFFA0] =	vst v37;
	v14 =	vmul.f32 v39, v57  }
0x535: {  	v41 =	vunpack.i.l.bf16.f32 v34;
	v8 =	vmul.f32 v40, v57;
	[tilespmem:s19+$0xFFFFFFB0] =	vst v9  }
0x536: {  	v42 =	vunpack.i.u.bf16.f32 v34;
	v11 =	vmul.f32 v41, v10;
	v43 =	vld [tilespmem:s18+$0xFFFFFFE0];
	[tilespmem:s19+$0x20] =	vst v14  }
0x537: {  	v9 =	vmul.f32 v42, v10;
	[tilespmem:s19+$0x30] =	vst v8;
	v44 =	vunpack.i.l.bf16.f32 v38  }
0x538: {  	[tilespmem:s19+$0xFFFFFF20] =	vst v11;
	v45 =	vld [tilespmem:s18+$0x20];
	v46 =	vunpack.i.u.bf16.f32 v38;
	v10 =	vunpack.i.l.bf16.f32 @p1 v13;
	v8 =	vmul.f32 v44, v4  }
0x539: {  	[tilespmem:s19+$0xFFFFFF30] =	vst v9;
	v13 =	vunpack.i.u.bf16.f32 @p1 v13;
	v47 =	vmul.f32 v46, v4;
	v10 =	vmul.f32 @p1 v10, v6  }
0x53a: {  	v48 =	vld [tilespmem:s18+$0xFFFFFFA0];
	v6 =	vmul.f32 @p1 v13, v6;
	[tilespmem:s19+$0xC0] =	vst v8  }
0x53b: {  	s1 =	smov.u32 @p1 s1;
	v50 =	vunpack.i.u.bf16.f32 v43;
	[tilespmem:s19+$0xD0] =	vst v47;
	v8 =	vpsel p1, v10, v0  }
0x53c: {  	v49 =	vunpack.i.l.bf16.f32 v43;
	v9 =	vmul.f32 v50, v7;
	v6 =	vpsel p1, v6, v0;
	v51 =	vld [tilespmem:s18+$0x70];
	[tilespmem:s1+$0x60] =	vst @p1 v8  }
0x53d: {  	v10 =	vmul.f32 v49, v7;
	v52 =	vunpack.i.l.bf16.f32 v45;
	v8 =	vld @p1 [tilespmem:s7+$0xFFFFFFB0];
	[tilespmem:s1+$0x70] =	vst @p1 v6  }
0x53e: {  	v53 =	vunpack.i.u.bf16.f32 v45;
	v54 =	vmul.f32 v52, v12;
	[tilespmem:s19+$0xFFFFFFD0] =	vst v9  }
0x53f: {  	v55 =	vunpack.i.l.bf16.f32 v48;
	v6 =	vmul.f32 v53, v12;
	[tilespmem:s19+$0xFFFFFFC0] =	vst v10  }
0x540: {  	v56 =	vunpack.i.u.bf16.f32 v48;
	v11 =	vmul.f32 v55, v29;
	[tilespmem:s19+$0x40] =	vst v54;
	v57 =	vld [tilespmem:s18+$0xFFFFFFF0]  }
0x541: {  	v9 =	vmul.f32 v56, v29;
	[tilespmem:s19+$0x50] =	vst v6;
	v58 =	vunpack.i.u.bf16.f32 v51  }
0x542: {  	[tilespmem:s19+$0xFFFFFF40] =	vst v11;
	v59 =	vld [tilespmem:s18+$0x30];
	v14 =	vunpack.i.l.bf16.f32 v51;
	v13 =	vunpack.i.l.bf16.f32 @p1 v8;
	v6 =	vmul.f32 v58, v4  }
0x543: {  	[tilespmem:s19+$0xFFFFFF50] =	vst v9;
	v8 =	vunpack.i.u.bf16.f32 @p1 v8;
	v4 =	vmul.f32 v14, v4;
	v13 =	vmul.f32 @p1 v13, v5  }
0x544: {  	v60 =	vld [tilespmem:s18+$0xFFFFFFB0];
	v5 =	vpsel p1, v5, v0;
	v8 =	vpsel p1, v8, v0;
	[tilespmem:s19+$0xF0] =	vst v6  }
0x545: {  	v5 =	vmul.f32 @p1 v8, v5;
	[tilespmem:s19+$0xE0] =	vst v4;
	v4 =	vunpack.i.l.bf16.f32 v57;
	v9 =	vpsel p1, v13, v0  }
0x546: {  	v61 =	vunpack.i.u.bf16.f32 v57;
	v4 =	vmul.f32 v4, v7;
	[tilespmem:s1+$0xFFFFFF60] =	vst @p1 v9  }
0x547: {  	v7 =	vmul.f32 v61, v7;
	v62 =	vunpack.i.u.bf16.f32 v59;
	[tilespmem:s1+$0xFFFFFF70] =	vst @p1 v5  }
0x548: {  	v5 =	vunpack.i.l.bf16.f32 v59;
	v63 =	vmul.f32 v62, v12;
	[tilespmem:s19+$0xFFFFFFE0] =	vst v4  }
0x549: {  	v4 =	vmul.f32 v5, v12;
	v5 =	vunpack.i.l.bf16.f32 v60;
	[tilespmem:s19+$0xFFFFFFF0] =	vst v7  }
0x54a: {  	v6 =	vunpack.i.u.bf16.f32 v60;
	v5 =	vmul.f32 v5, v29;
	[tilespmem:s19+$0x70] =	vst v63  }
0x54b: {  	[tilespmem:s19+$0x60] =	vst v4;
	v4 =	vmul.f32 v6, v29  }
.Ltmp31:
0x54c: {  	[tilespmem:s19+$0xFFFFFF60] =	vst v5;
	(pc) =	sbr.rel @p0 .LBB2_53-.Ltmp31, $4  }
0x54d: {  	[tilespmem:s19+$0xFFFFFF70] =	vst v4  }
0x54e: {  	[spmem:s10] =	stream.indirect.scatter.add.f32 [tilespmem:s11], [sflag:$0x5], $0x80, s26, s20, $0xb8;
	[tilespmem:$0x1D2E0] =	vst v63  }
0x54f: {  	_ = 	snop  }
0x550: {  	[spmem:s12] =	stream.indirect.scatter.add.f32 [tilespmem:s16], [sflag:$0x5], $0x10, s26, s20, $0xb8;
	[tilespmem:$0x1D2E0] =	vst v63  }
0x551: {  	s1 =	smul.u32 $0xA0, s28  }
0x552: {  	s2 =	rddreg [dreg:$0xf]  }
0x553: {  	s1 =	sadd.s32 s1, s2  }
0x554: {  	s8 =	rddreg [dreg:$0xa];
	s1 =	sshrl.u32 s1, $0x3  }
0x555: {  	s9 =	rddreg [dreg:$0xb];
	s2 =	sadd.s32 s8, s1  }
0x556: {  	[tilespmem:s20], [sflag:$0x2] =	stream.linear.gather [hbm4b:s2+s3], $0x50, $0x38;
	[tilespmem:$0x1D2E0] =	vst v63  }
0x557: {  	s4 =	simm.s32 $0xF0;
	s1 =	sadd.s32 s9, s1  }
0x558: {  	[tilespmem:s4], [sflag:$0x2] =	stream.linear.gather [hbm4b:s1+s3], $0x50, $0x38;
	[tilespmem:$0x1D2E0] =	vst v63  }
0x559: {  	_ =	swait.ge [sflag:s22], $0x50  }
0x55a: {  	[sflag:s22] =	ssyncset.done $0x0  }
0x55b: {  	[sflag:s22] =	ssyncadd.s32 $0xFFFFFFB0  }
0x55c: {  	_ =	swait.ge [sflag:s22], $0x50  }
0x55d: {  	[sflag:s22] =	ssyncset.done $0x0  }
0x55e: {  	[sflag:s22] =	ssyncadd.s32 $0xFFFFFFB0  }
0x55f: {  	v4 =	vld [tilespmem:$0x0]  }
0x560: {  	v5 =	vld [tilespmem:$0x10]  }
0x561: {  	v6 =	vld [tilespmem:$0x20]  }
0x562: {  	v7 =	vld [tilespmem:$0x30]  }
0x563: {  	v8 =	vld [tilespmem:$0x40]  }
0x564: {  	v4 =	vadd.s32 v1, v4  }
0x565: {  	[tilespmem:$0x0] =	vst v4;
	v4 =	vadd.s32 v1, v5  }
0x566: {  	[tilespmem:$0x10] =	vst v4;
	v4 =	vadd.s32 v1, v6  }
0x567: {  	[tilespmem:$0x20] =	vst v4;
	v4 =	vadd.s32 v1, v7  }
0x568: {  	[tilespmem:$0x30] =	vst v4;
	v4 =	vadd.s32 v1, v8  }
0x569: {  	s13 =	simm.s32 $0x15E0;
	s7 =	rddreg [dreg:$0x7];
	[tilespmem:$0x40] =	vst v4  }
0x56a: {  	[tilespmem:s13], [sflag:$0x3] =	stream.indirect.gather [hbm4b:s7+s20], $0x40, s3, s20, $0xb8;
	[tilespmem:$0x1D2E0] =	vst v63  }
.Ltmp32:
0x56b: {  	_ = 	snop;
	(pc) =	sbr.rel .LBB2_31-.Ltmp32, $4  }
0x56c: {  	s14 =	simm.s32 $0x1E0;
	s18 =	simm.s32 $0xA0;
	s8 =	rddreg [dreg:$0x8]  }
0x56d: {  	[tilespmem:s14], [sflag:$0x3] =	stream.indirect.gather [hbm4b:s8+s20], $0x10, s3, s20, $0xb8;
	[tilespmem:$0x1D2E0] =	vst v63  }
0x56e: {  	s19 =	simm.s32 $0xBE0;
	s28 =	sadd.s32 $0x1, s28;
	s9 =	rddreg [dreg:$0x9]  }
0x56f: {  	[tilespmem:s19], [sflag:$0x3] =	stream.indirect.gather [hbm4b:s9+s20], $0x10, s18, s20, $0xb8;
	[tilespmem:$0x1D2E0] =	vst v63  }
.LBB2_34:
.Ltmp33:
0x570: {  	(pc) =	sbr.rel .LBB2_41-.Ltmp33, $2  }
0x571: {  	_ =	sdelay $0x2  }
0x572: {  	s8 =	simm.s32 $0x3EE0;
	s5 =	simm.s32 $0x1660  }
.LBB2_44:
.Ltmp34:
0x573: {  	(pc) =	sbr.rel .LBB2_51-.Ltmp34, $2  }
0x574: {  	_ =	sdelay $0x2  }
0x575: {  	s8 =	simm.s32 $0x3EE0;
	s5 =	simm.s32 $0x2A60  }
.LBB2_36:
.Ltmp35:
0x576: {  	(pc) =	sbr.rel .LBB2_41-.Ltmp35, $3  }
0x577: {  	_ =	sdelay $0x1  }
0x578: {  	s8 =	simm.s32 $0x3EE0  }
0x579: {  	s7 =	simm.s32 $0x1660;
	s5 =	simm.s32 $0x1660;
	s13 =	simm.s32 $0x3EE0  }
.LBB2_46:
.Ltmp36:
0x57a: {  	(pc) =	sbr.rel .LBB2_51-.Ltmp36, $3  }
0x57b: {  	_ =	sdelay $0x1  }
0x57c: {  	s8 =	simm.s32 $0x3EE0  }
0x57d: {  	s7 =	simm.s32 $0x2A60;
	s5 =	simm.s32 $0x2A60;
	s13 =	simm.s32 $0x3EE0  }
.LBB2_38:
.Ltmp37:
0x57e: {  	(pc) =	sbr.rel .LBB2_41-.Ltmp37, $2  }
0x57f: {  	_ =	sdelay $0x2  }
0x580: {  	v25 =	vmovc v5;
	v9 =	vmov v11;
	s5 =	simm.s32 $0x1760;
	s14 =	simm.s32 $0x3EE0;
	v5 =	vmov v13;
	v6 =	vmov v8;
	s13 =	simm.s32 $0x40E0  }
.LBB2_48:
.Ltmp38:
0x581: {  	(pc) =	sbr.rel .LBB2_51-.Ltmp38, $2  }
0x582: {  	_ =	sdelay $0x2  }
0x583: {  	v25 =	vmovc v5;
	v9 =	vmov v11;
	s5 =	simm.s32 $0x2B60;
	s14 =	simm.s32 $0x3EE0;
	v5 =	vmov v13;
	v6 =	vmov v8;
	s13 =	simm.s32 $0x40E0  }
.LBB2_53:
0x584: {  	_ =	swait.ge [sflag:s0], $0x2800  }
0x585: {  	[sflag:s0] =	ssyncset.done $0x0  }
0x586: {  	[sflag:s0] =	ssyncadd.s32 $0xFFFFD800  }
0x587: {  	_ =	swait.ge [sflag:s0], $0x500  }
0x588: {  	[sflag:s0] =	ssyncset.done $0x0  }
0x589: {  	[sflag:s0] =	ssyncadd.s32 $0xFFFFFB00  }
0x58a: {  	[bflag:$0x0] =	sbarrier.arrive $0xFFFF  }
0x58b: {  	s13 =	rddreg [dreg:$0x17]  }
0x58c: {  	[tilespmem:s11], [sflag:$0x6] =	stream.linear.gather [spmem:s13], $0x2800, $0x38;
	[tilespmem:$0x1D2E0] =	vst v63  }
0x58d: {  	_ =	swait.ge [sflag:s15], $0x2800  }
0x58e: {  	s2 =	sld [smem:$0x7FD]  }
0x58f: {  	[sflag:s15] =	ssyncset.done $0x0  }
0x590: {  	[sflag:s15] =	ssyncadd.s32 $0xFFFFD800  }
0x591: {  	[hbm4b:s2+s3] =	stream.linear.scatter [tilespmem:s11], [sflag:$0x6], $0x2800, $0x38;
	[tilespmem:$0x1D2E0] =	vst v63  }
0x592: {  	_ =	swait.ge [sflag:s15], $0x2800  }
0x593: {  	[sflag:s15] =	ssyncset.done $0x0  }
0x594: {  	s14 =	rddreg [dreg:$0x18];
	[sflag:s15] =	ssyncadd.s32 $0xFFFFD800  }
0x595: {  	[tilespmem:s16], [sflag:$0x6] =	stream.linear.gather [spmem:s14], $0x500, $0x38;
	[tilespmem:$0x1D2E0] =	vst v63  }
0x596: {  	_ =	swait.ge [sflag:s15], $0x500  }
0x597: {  	s1 =	sadd.s32 $0x0, s30;
	[sflag:s15] =	ssyncset.done $0x0  }
0x598: {  	s18 =	smov.u32 s17;
	s19 =	smov.u32 s21;
	[sflag:s15] =	ssyncadd.s32 $0xFFFFFB00  }
0x599: {  	[hbm4b:s1+s3] =	stream.linear.scatter [tilespmem:s16], [sflag:$0x6], $0x500, $0x38;
	[tilespmem:$0x1D2E0] =	vst v63  }
0x59a: {  	s6 =	smov.u32 s13;
	s4 =	sadd.s32 $0x500, s2;
	_ =	swait.ge [sflag:s15], $0x500  }
0x59b: {  	s5 =	smov.u32 s14;
	s1 =	simm.s32 $0xA0;
	[sflag:s15] =	ssyncset.done $0x0  }
.LBB2_54:
0x59c: {  	[sflag:s15] =	ssyncadd.s32 $0xFFFFFB00  }
0x59d: {  	s5 =	sadd.s32 $0x500, s5;
	s6 =	sadd.s32 $0x2800, s6;
	s2 =	smov.u32 s1  }
0x59e: {  	[tilespmem:s11], [sflag:$0x6] =	stream.linear.gather [spmem:s6], $0x2800, $0x38;
	[tilespmem:$0x1D2E0] =	vst v63  }
0x59f: {  	p0 =	sne.s32 s1, $0x460;
	s1 =	sadd.s32 $0xA0, s1;
	_ =	swait.ge [sflag:s15], $0x2800  }
0x5a0: {  	[sflag:s15] =	ssyncset.done $0x0  }
0x5a1: {  	[sflag:s15] =	ssyncadd.s32 $0xFFFFD800  }
0x5a2: {  	[hbm4b:s4+s3] =	stream.linear.scatter [tilespmem:s11], [sflag:$0x6], $0x2800, $0x38;
	[tilespmem:$0x1D2E0] =	vst v63  }
0x5a3: {  	_ =	swait.ge [sflag:s15], $0x2800  }
0x5a4: {  	[sflag:s15] =	ssyncset.done $0x0  }
0x5a5: {  	[sflag:s15] =	ssyncadd.s32 $0xFFFFD800  }
0x5a6: {  	[tilespmem:s16], [sflag:$0x6] =	stream.linear.gather [spmem:s5], $0x500, $0x38;
	[tilespmem:$0x1D2E0] =	vst v63  }
0x5a7: {  	_ =	swait.ge [sflag:s15], $0x500  }
.Ltmp39:
0x5a8: {  	[sflag:s15] =	ssyncset.done $0x0;
	(pc) =	sbr.rel @p0 .LBB2_54-.Ltmp39, $4  }
0x5a9: {  	s2 =	sadd.s32 s2, s30;
	[sflag:s15] =	ssyncadd.s32 $0xFFFFFB00  }
0x5aa: {  	[hbm4b:s2+s3] =	stream.linear.scatter [tilespmem:s16], [sflag:$0x6], $0x500, $0x38;
	[tilespmem:$0x1D2E0] =	vst v63  }
0x5ab: {  	_ =	swait.ge [sflag:s15], $0x500  }
0x5ac: {  	s4 =	sadd.s32 $0x500, s4;
	[sflag:s15] =	ssyncset.done $0x0  }
0x5ad: {  	s2 =	sld [smem:$0x7F4];
	_ =	sdelay $0x2  }
0x5ae: {  	s1 =	rddreg [dreg:$0x16];
	s2 =	sadd.s32 $0x1, s2  }
0x5af: {  	p0 =	sne.s32 s2, s1  }
.Ltmp40:
0x5b0: {  	_ = 	snop;
	(pc) =	sbr.rel @p0 .LBB2_1-.Ltmp40, $3  }
0x5b1: {  	_ = 	snop  }
0x5b2: {  	[sflag:s15] =	ssyncadd.s32 $0xFFFFFB00  }
0x5b3: {  	[bflag:$0x0] =	sbarrier.arrive $0xFFFF;
	_ =	sdelay $0x1  }
0x5b4: {  	_ =	sfence.sel $0x180000  }
0x5b5: {  	[bflag:$0x0] =	sbarrier.arrive $0xFFFF  }
0x5b6: {  	_ =	strace $0x90000047  }
0x5b7: {  	s0 =	stileid.u32;
	[bflag:$0x2] =	sbarrier.arrive $0xFFFF  }
0x5b8: {  	p0 =	sne.s32 s0, $0x0;
	s0 =	rddreg [dreg:$0x3]  }
0x5b9: {  	s0 =	sadd.s32 @!p0 $0x100000, s0  }
0x5ba: {  	[sflag:s0] =	ssyncadd.tile.s32 @!p0 $0x1;
	_ =	shalt  }
.Lfunc_end2:
_tile_overlayer_lowered:
.L_overlay_start_2:
0x5bb: {  	(tag) =	ssettag $0x2  }
0x5bc: {  	s0 =	rddreg [dreg:$0x0];
	s2 =	stileid.u32  }
0x5bd: {  	s1 =	rddreg [dreg:$0x1];
	p0 =	sne.s32 s2, $0x0  }
0x5be: {  	s3 =	rddreg [dreg:$0x2];
	[bflag:$0x3] =	sbarrier.arrive $0xFFFF;
	s2 =	simm.s32 @!p0 $0x1C06  }
0x5bf: {  	[timem:s3], [sflag:s2] =	dma.local @!p0 [hbm:s0], s1  }
0x5c0: {  	s0 =	simm.s32 @!p0 $0x6  }
0x5c1: {  	_ =	swait.ge @!p0 [sflag:s0], s1  }
0x5c2: {  	s1 =	ssub.s32 @!p0 $0x0, s1;
	[sflag:s0] =	ssyncset.done @!p0 $0x0  }
0x5c3: {  	[sflag:s0] =	ssyncadd.s32 @!p0 s1  }
0x5c4: {  	[bflag:$0x3] =	sbarrier.arrive $0xFFFF  }
0x5c5: {  	_ =	shalt  }

</sc_bundles>
